<compile_context>
chip_gen: v7x
topology: tpu7x:2x2x1
jax: 0.10.2.dev20260603
libtpu: 0.0.44.dev20260713+nightly
codegen_flags: <defaults>
</compile_context>

<pallas_src>
import functools

import jax
import jax.numpy as jnp
from jax import lax
from jax.experimental import pallas as pl
from jax.experimental.pallas import tpu as pltpu
from jax.experimental.pallas import tpu_sc as plsc

N = 10000
E = 320000
D = 128
R = D // 2

NC = 2
NS = 16
NW = NC * NS

NP = 10240
RPT = NP // NS
NCH = 80
EPT = NCH * 128

BN = 512
NB = NP // BN


@functools.cache
def _sc_deg():
    mesh = plsc.VectorSubcoreMesh(
        core_axis_name="c", subcore_axis_name="s",
        num_cores=NC, num_subcores=NS)

    @functools.partial(
        pl.kernel,
        out_type=jax.ShapeDtypeStruct((NC, NP, D), jnp.float32),
        mesh=mesh,
        scratch_types=[
            [pltpu.VMEM((128,), jnp.int32) for _ in range(4)],
            [pltpu.VMEM((128,), jnp.int32) for _ in range(4)],
            pltpu.VMEM((128, D), jnp.float32),
            pltpu.VMEM((128, D), jnp.float32),
            pltpu.VMEM_SHARED((NP, D), jnp.float32),
            pltpu.SemaphoreType.DMA,
            pltpu.SemaphoreType.DMA,
            pltpu.SemaphoreType.DMA,
        ],
    )
    def _deg(srcp, dstp, eo, ei, zrow, dg_out,
             idx_s, idx_d, eo_v, ei_v, deg_sh, sem_s, sem_i0, sem_i1):
        c = lax.axis_index("c")
        s = lax.axis_index("s")
        w = c * NS + s
        r0 = s * RPT
        e0 = w * EPT
        isems = (sem_i0, sem_i1)
        pltpu.sync_copy(zrow, eo_v)
        for k in range(RPT // 128):
            pltpu.sync_copy(eo_v, deg_sh.at[pl.ds(r0 + k * 128, 128)])
        pltpu.sync_copy(eo, eo_v)
        pltpu.sync_copy(ei, ei_v)
        plsc.subcore_barrier()

        def idx_start(j, slot, par):
            pltpu.async_copy(srcp.at[pl.ds(e0 + j * 128, 128)], idx_s[slot],
                             isems[par])
            pltpu.async_copy(dstp.at[pl.ds(e0 + j * 128, 128)], idx_d[slot],
                             isems[par])

        def idx_wait(slot, par):
            pltpu.make_async_copy(srcp.at[pl.ds(0, 128)], idx_s[slot],
                                  isems[par]).wait()
            pltpu.make_async_copy(dstp.at[pl.ds(0, 128)], idx_d[slot],
                                  isems[par]).wait()

        def s_start(slot):
            pltpu.async_copy(eo_v, deg_sh.at[idx_s[slot]], sem_s, add=True)
            pltpu.async_copy(ei_v, deg_sh.at[idx_d[slot]], sem_s, add=True)

        def s_wait(slot):
            pltpu.make_async_copy(eo_v, deg_sh.at[idx_s[slot]], sem_s).wait()
            pltpu.make_async_copy(ei_v, deg_sh.at[idx_d[slot]], sem_s).wait()

        idx_start(0, 0, 0)
        idx_start(1, 1, 1)

        def body(jj, carry):
            for b in (0, 1, 2, 3):
                j = 4 * jj + b
                par = b % 2
                pf = (b + 2) % 4

                if b < 2:
                    @pl.when(j > 1)
                    def _():
                        s_wait(pf)
                else:
                    s_wait(pf)

                @pl.when(j + 2 < NCH)
                def _():
                    idx_start(j + 2, pf, par)

                idx_wait(b, par)
                s_start(b)
            return carry

        lax.fori_loop(0, NCH // 4, body, 0)
        s_wait((NCH - 2) % 4)
        s_wait((NCH - 1) % 4)
        plsc.subcore_barrier()
        for k in range(RPT // 128):
            rr = r0 + k * 128
            pltpu.sync_copy(deg_sh.at[pl.ds(rr, 128)],
                            dg_out.at[c, pl.ds(rr, 128)])

    return _deg


@functools.cache
def _sc_agg():
    mesh = plsc.VectorSubcoreMesh(
        core_axis_name="c", subcore_axis_name="s",
        num_cores=NC, num_subcores=NS)

    @functools.partial(
        pl.kernel,
        out_type=jax.ShapeDtypeStruct((NC, NP, D), jnp.float32),
        mesh=mesh,
        scratch_types=[
            [pltpu.VMEM((128,), jnp.int32) for _ in range(4)],
            [pltpu.VMEM((128,), jnp.int32) for _ in range(4)],
            [pltpu.VMEM((128, D), jnp.float32) for _ in range(2)],
            pltpu.VMEM_SHARED((NP, D), jnp.float32),
            pltpu.SemaphoreType.DMA,
            pltpu.SemaphoreType.DMA,
            pltpu.SemaphoreType.DMA,
            pltpu.SemaphoreType.DMA,
        ],
    )
    def _agg(hs, srcp, dstp, zrow, p_out, idx_s, idx_d, buf, agg_sh,
             sem_g, sem_s, sem_i0, sem_i1):
        c = lax.axis_index("c")
        s = lax.axis_index("s")
        w = c * NS + s
        r0 = s * RPT
        e0 = w * EPT
        isems = (sem_i0, sem_i1)

        pltpu.sync_copy(zrow, buf[0])
        for k in range(RPT // 128):
            pltpu.sync_copy(buf[0], agg_sh.at[pl.ds(r0 + k * 128, 128)])
        plsc.subcore_barrier()

        def idx_start(j, slot, par):
            pltpu.async_copy(srcp.at[pl.ds(e0 + j * 128, 128)], idx_s[slot],
                             isems[par])
            pltpu.async_copy(dstp.at[pl.ds(e0 + j * 128, 128)], idx_d[slot],
                             isems[par])

        def idx_wait(slot, par):
            pltpu.make_async_copy(srcp.at[pl.ds(0, 128)], idx_s[slot],
                                  isems[par]).wait()
            pltpu.make_async_copy(dstp.at[pl.ds(0, 128)], idx_d[slot],
                                  isems[par]).wait()

        def g_start(slot, bslot):
            pltpu.async_copy(hs.at[idx_s[slot]], buf[bslot], sem_g)

        def g_wait(slot, bslot):
            pltpu.make_async_copy(hs.at[idx_s[slot]], buf[bslot], sem_g).wait()

        def s_start(slot, bslot):
            pltpu.async_copy(buf[bslot], agg_sh.at[idx_d[slot]], sem_s,
                             add=True)

        def s_wait(slot, bslot):
            pltpu.make_async_copy(buf[bslot], agg_sh.at[idx_d[slot]],
                                  sem_s).wait()

        idx_start(0, 0, 0)
        idx_start(1, 1, 1)
        idx_wait(0, 0)
        g_start(0, 0)

        def body(jj, carry):
            for b in (0, 1, 2, 3):
                j = 4 * jj + b
                cur = b
                nxt = (b + 1) % 4
                pf = (b + 2) % 4
                par = b % 2
                bcur = b % 2
                bnxt = (b + 1) % 2

                if b == 0:
                    @pl.when(j > 0)
                    def _():
                        s_wait(3, bnxt)
                else:
                    s_wait(b - 1, bnxt)

                @pl.when(j + 2 < NCH)
                def _():
                    idx_start(j + 2, pf, par)

                @pl.when(j + 1 < NCH)
                def _():
                    idx_wait(nxt, 1 - par)
                    g_start(nxt, bnxt)

                g_wait(cur, bcur)
                s_start(cur, bcur)
            return carry

        lax.fori_loop(0, NCH // 4, body, 0)
        s_wait((NCH - 1) % 4, (NCH - 1) % 2)
        plsc.subcore_barrier()
        for k in range(RPT // 128):
            rr = r0 + k * 128
            pltpu.sync_copy(agg_sh.at[pl.ds(rr, 128)],
                            p_out.at[c, pl.ds(rr, 128)])

    return _agg



def _lrelu(v):
    return jnp.where(v >= 0, v, 0.01 * v)


def _norm_col(dg, col):
    d = dg[0, :, col:col + 1] + dg[1, :, col:col + 1]
    return jnp.where(d > 0, lax.rsqrt(jnp.maximum(d, 1.0)), 0.0)


def _prep_body(xp_ref, dg_ref, hs_ref):
    hs_ref[...] = xp_ref[...] * _norm_col(dg_ref[...], 0)


_prep = pl.pallas_call(
    _prep_body,
    grid=(NB,),
    in_specs=[
        pl.BlockSpec((BN, D), lambda i: (i, 0)),
        pl.BlockSpec((NC, BN, D), lambda i: (0, i, 0)),
    ],
    out_specs=pl.BlockSpec((BN, D), lambda i: (i, 0)),
    out_shape=jax.ShapeDtypeStruct((NP, D), jnp.float32),
)


def _layer_body(with_next, p_ref, dg_ref, w_ref, gw_ref, gb_ref, ga_ref,
                pw_ref, pb_ref, *refs):
    if with_next:
        hs_ref, z_ref, s_scr = refs
    else:
        z_ref, s_scr = refs
    ph = pl.program_id(0)
    i = pl.program_id(1)
    agg = (p_ref[0] + p_ref[1]) * _norm_col(dg_ref[...], 1)
    y = jnp.dot(agg, w_ref[...], preferred_element_type=jnp.float32,
                precision=lax.Precision.HIGHEST)

    @pl.when(ph == 0)
    def _():
        s1 = jnp.sum(y, axis=0, keepdims=True)
        s2 = jnp.sum(y * y, axis=0, keepdims=True)
        st = jnp.concatenate([s1, s2], axis=0)

        @pl.when(i == 0)
        def _():
            s_scr[...] = st

        @pl.when(i > 0)
        def _():
            s_scr[...] += st

    @pl.when(ph == 1)
    def _():
        inv_n = 1.0 / N
        mean = s_scr[0:1] * inv_n
        ey2 = s_scr[1:2] * inv_n
        a = ga_ref[...]
        var = ey2 - (2.0 * a - a * a) * mean * mean
        inv = lax.rsqrt(var + 1e-5)
        h = gw_ref[...] * (y - a * mean) * inv + gb_ref[...]
        h = _lrelu(h)
        rid = lax.broadcasted_iota(jnp.int32, (BN, 1), 0) + i * BN
        mask = rid < N
        h = jnp.where(mask, h, 0.0)
        z = jnp.dot(h, pw_ref[...], preferred_element_type=jnp.float32,
                    precision=lax.Precision.HIGHEST) + pb_ref[...]
        z = jnp.where(mask, _lrelu(z), 0.0)
        zs = jnp.sum(z, axis=0, keepdims=True)

        @pl.when(i == 0)
        def _():
            z_ref[...] = zs

        @pl.when(i > 0)
        def _():
            z_ref[...] += zs

        if with_next:
            hs_ref[...] = h * _norm_col(dg_ref[...], 0)


def _make_layer(with_next):
    out_specs = [pl.BlockSpec((1, D), lambda p, i: (0, 0))]
    out_shape = [jax.ShapeDtypeStruct((1, D), jnp.float32)]
    if with_next:
        out_specs = [pl.BlockSpec((BN, D), lambda p, i: (i, 0))] + out_specs
        out_shape = [jax.ShapeDtypeStruct((NP, D), jnp.float32)] + out_shape
    return pl.pallas_call(
        functools.partial(_layer_body, with_next),
        grid=(2, NB),
        in_specs=[
            pl.BlockSpec((NC, BN, D), lambda p, i: (0, i, 0)),
            pl.BlockSpec((NC, BN, D), lambda p, i: (0, i, 0)),
            pl.BlockSpec((D, D), lambda p, i: (0, 0)),
            pl.BlockSpec((1, D), lambda p, i: (0, 0)),
            pl.BlockSpec((1, D), lambda p, i: (0, 0)),
            pl.BlockSpec((1, D), lambda p, i: (0, 0)),
            pl.BlockSpec((D, D), lambda p, i: (0, 0)),
            pl.BlockSpec((1, D), lambda p, i: (0, 0)),
        ],
        out_specs=out_specs,
        out_shape=out_shape,
        scratch_shapes=[pltpu.VMEM((2, D), jnp.float32)],
    )


_layer_mid = _make_layer(True)
_layer_last = _make_layer(False)


def _final_body(z1, z2, z3, rw1, rb1, rw2, rb2, rw3, rb3, out_ref):
    def ro(z, rw, rb):
        v = jnp.dot(z[...], rw[...], preferred_element_type=jnp.float32,
                    precision=lax.Precision.HIGHEST) + rb[...]
        return _lrelu(v)

    r = jnp.concatenate([ro(z1, rw1, rb1), ro(z2, rw2, rb2), ro(z3, rw3, rb3)],
                        axis=1)
    out_ref[...] = _lrelu(r)


_final = pl.pallas_call(
    _final_body,
    out_shape=jax.ShapeDtypeStruct((1, 3 * R), jnp.float32),
)



def kernel(x, edge_index, W1, W2, W3, gn1_w, gn1_b, gn1_a, gn2_w, gn2_b,
           gn2_a, gn3_w, gn3_b, gn3_a, r1_phi_w, r1_phi_b, r1_rho_w, r1_rho_b,
           r2_phi_w, r2_phi_b, r2_rho_w, r2_rho_b, r3_phi_w, r3_phi_b,
           r3_rho_w, r3_rho_b):
    src = edge_index[0].astype(jnp.int32)
    dst = edge_index[1].astype(jnp.int32)
    pad_n = NW * EPT - E
    pad_idx = N + (jnp.arange(pad_n, dtype=jnp.int32) % (NP - N))
    srcp = jnp.concatenate([src, pad_idx])
    dstp = jnp.concatenate([dst, pad_idx])

    xp = jnp.zeros((NP, D), jnp.float32).at[:N].set(x)
    zrow = jnp.zeros((128, D), jnp.float32)
    eo = jnp.zeros((128, D), jnp.float32).at[:, 0].set(1.0)
    ei = jnp.zeros((128, D), jnp.float32).at[:, 1].set(1.0)

    row = lambda v: v.reshape(1, -1)

    dg = _sc_deg()(srcp, dstp, eo, ei, zrow)
    hs = _prep(xp, dg)

    p1 = _sc_agg()(hs, srcp, dstp, zrow)
    hs2, z1 = _layer_mid(p1, dg, W1, row(gn1_w), row(gn1_b), row(gn1_a),
                         r1_phi_w, row(r1_phi_b))

    p2 = _sc_agg()(hs2, srcp, dstp, zrow)
    hs3, z2 = _layer_mid(p2, dg, W2, row(gn2_w), row(gn2_b), row(gn2_a),
                         r2_phi_w, row(r2_phi_b))

    p3 = _sc_agg()(hs3, srcp, dstp, zrow)
    (z3,) = _layer_last(p3, dg, W3, row(gn3_w), row(gn3_b), row(gn3_a),
                        r3_phi_w, row(r3_phi_b))

    return _final(z1, z2, z3, r1_rho_w, row(r1_rho_b), r2_rho_w, row(r2_rho_b),
                  r3_rho_w, row(r3_rho_b))

# --- scband reference (transcript-rebuilt; emitter-appended) ---
"""Pipeline reference for scband-spembedder3-conv-universal-21062519620289 (READ-ONLY COPY).

The authoritative reference and input builder live on the scoring server;
editing this copy changes nothing except your own understanding.
"""

import jax, jax.numpy as jnp
import numpy as np

N = 10000
E = 320000
D = 128
R = D // 2  # readout_dim per UniversalReadout


def _lrelu(x):
    return jnp.where(x >= 0, x, 0.01 * x)


def _graph_conv(x, src, dst, W, n):
    # DGL GraphConv, norm='both', bias=False: D_out^{-1/2} A D_in^{-1/2} X W
    ones = jnp.ones(src.shape[0], dtype=x.dtype)
    deg_out = jax.ops.segment_sum(ones, src, num_segments=n)
    deg_in = jax.ops.segment_sum(ones, dst, num_segments=n)
    norm_src = jnp.where(deg_out > 0, jax.lax.rsqrt(jnp.maximum(deg_out, 1.0)), 0.0)
    norm_dst = jnp.where(deg_in > 0, jax.lax.rsqrt(jnp.maximum(deg_in, 1.0)), 0.0)
    h = x * norm_src[:, None]
    msg = jnp.take(h, src, axis=0)
    agg = jax.ops.segment_sum(msg, dst, num_segments=n)
    agg = agg * norm_dst[:, None]
    return agg @ W


def _graph_norm(x, w, b, a, eps=1e-5):
    # GraphNorm over all nodes of the (single) graph, per feature
    mean = jnp.mean(x, axis=0, keepdims=True)
    sub = x - a * mean
    var = jnp.mean(sub * sub, axis=0, keepdims=True)
    return w * sub * jax.lax.rsqrt(var + eps) + b


def _readout(h, pw, pb, rw, rb):
    # UniversalReadout (Deep Sets style): rho(sum_nodes(phi(h))); dropout is identity in eval
    z = _lrelu(h @ pw + pb)
    s = jnp.sum(z, axis=0, keepdims=True)
    return _lrelu(s @ rw + rb)


def setup_inputs(seed: int = 0):
    key = jax.random.key(seed)
    ks = jax.random.split(key, 16)

    def p(i, shape, s=0.05):
        return jax.random.normal(ks[i], shape, dtype=jnp.float32) * s

    inp = {
        "x": jax.random.normal(ks[0], (N, D), dtype=jnp.float32),
        "edge_index": jax.random.randint(ks[1], (2, E), 0, N),
        "W1": p(2, (D, D)),
        "W2": p(3, (D, D)),
        "W3": p(4, (D, D)),
        "gn1_w": jnp.ones((D,), jnp.float32), "gn1_b": jnp.zeros((D,), jnp.float32), "gn1_a": jnp.ones((D,), jnp.float32),
        "gn2_w": jnp.ones((D,), jnp.float32), "gn2_b": jnp.zeros((D,), jnp.float32), "gn2_a": jnp.ones((D,), jnp.float32),
        "gn3_w": jnp.ones((D,), jnp.float32), "gn3_b": jnp.zeros((D,), jnp.float32), "gn3_a": jnp.ones((D,), jnp.float32),
        "r1_phi_w": p(5, (D, D)), "r1_phi_b": jnp.zeros((D,), jnp.float32),
        "r1_rho_w": p(6, (D, R)), "r1_rho_b": jnp.zeros((R,), jnp.float32),
        "r2_phi_w": p(7, (D, D)), "r2_phi_b": jnp.zeros((D,), jnp.float32),
        "r2_rho_w": p(8, (D, R)), "r2_rho_b": jnp.zeros((R,), jnp.float32),
        "r3_phi_w": p(9, (D, D)), "r3_phi_b": jnp.zeros((D,), jnp.float32),
        "r3_rho_w": p(10, (D, R)), "r3_rho_b": jnp.zeros((R,), jnp.float32),
    }
    return inp


def reference(x, edge_index, W1, W2, W3, gn1_w, gn1_b, gn1_a, gn2_w, gn2_b, gn2_a, gn3_w, gn3_b, gn3_a, r1_phi_w, r1_phi_b, r1_rho_w, r1_rho_b, r2_phi_w, r2_phi_b, r2_rho_w, r2_rho_b, r3_phi_w, r3_phi_b, r3_rho_w, r3_rho_b):
    src = edge_index[0]
    dst = edge_index[1]
    h = _lrelu(_graph_norm(_graph_conv(x, src, dst, W1, N), gn1_w, gn1_b, gn1_a))
    r = _readout(h, r1_phi_w, r1_phi_b, r1_rho_w, r1_rho_b)
    h = _lrelu(_graph_norm(_graph_conv(h, src, dst, W2, N), gn2_w, gn2_b, gn2_a))
    r = jnp.hstack((r, _readout(h, r2_phi_w, r2_phi_b, r2_rho_w, r2_rho_b)))
    h = _lrelu(_graph_norm(_graph_conv(h, src, dst, W3, N), gn3_w, gn3_b, gn3_a))
    r = jnp.hstack((r, _readout(h, r3_phi_w, r3_phi_b, r3_rho_w, r3_rho_b)))
    return _lrelu(r)

if __name__ == "__main__":
    import jax
    _d = setup_inputs()
    print(jax.jit(kernel)(*tuple(_d.values())))

</pallas_src>

<mosaic_0001>
#map = affine_map<(d0, d1) -> (0, 0)>
#map1 = affine_map<(d0, d1) -> (0)>
#map2 = affine_map<(d0, d1) -> (0, 0, 0)>
module attributes {stable_mosaic.version = 14 : i64} {
  func.func @_agg(%arg0: i32, %arg1: i32, %arg2: memref<10240x128xf32, #tpu.memory_space<hbm>>, %arg3: memref<327680xi32, #tpu.memory_space<hbm>>, %arg4: memref<327680xi32, #tpu.memory_space<hbm>>, %arg5: memref<128x128xf32, #tpu.memory_space<hbm>>, %arg6: memref<2x10240x128xf32, #tpu.memory_space<hbm>>, %arg7: memref<128xi32, #tpu.memory_space<vmem>>, %arg8: memref<128xi32, #tpu.memory_space<vmem>>, %arg9: memref<128xi32, #tpu.memory_space<vmem>>, %arg10: memref<128xi32, #tpu.memory_space<vmem>>, %arg11: memref<128xi32, #tpu.memory_space<vmem>>, %arg12: memref<128xi32, #tpu.memory_space<vmem>>, %arg13: memref<128xi32, #tpu.memory_space<vmem>>, %arg14: memref<128xi32, #tpu.memory_space<vmem>>, %arg15: memref<128x128xf32, #tpu.memory_space<vmem>>, %arg16: memref<128x128xf32, #tpu.memory_space<vmem>>, %arg17: memref<10240x128xf32, #tpu.memory_space<vmem_shared>>, %arg18: memref<!tpu.dma_semaphore, #tpu.memory_space<semaphore_mem>>, %arg19: memref<!tpu.dma_semaphore, #tpu.memory_space<semaphore_mem>>, %arg20: memref<!tpu.dma_semaphore, #tpu.memory_space<semaphore_mem>>, %arg21: memref<!tpu.dma_semaphore, #tpu.memory_space<semaphore_mem>>) attributes {dimension_semantics = [#tpu.dimension_semantics<core_parallel>, #tpu.dimension_semantics<subcore_parallel>], iteration_bounds = array<i64: 2, 16>, scalar_prefetch = 0 : i64, scratch_operands = 15 : i64, tpu.core_type = #tpu.core_type<sc_vector_subcore>, window_params = [{transform_indices = #map}, {transform_indices = #map1}, {transform_indices = #map1}, {transform_indices = #map}, {transform_indices = #map2}]} {
    %mul3A = arith.constant 16 : i32
    %mul3A_0 = arith.muli %arg0, %mul3A : i32
    %add3A = arith.addi %mul3A_0, %arg1 : i32
    %mul3A_1 = arith.constant 640 : i32
    %mul3A_2 = arith.muli %arg1, %mul3A_1 : i32
    %mul3A_3 = arith.constant 10240 : i32
    %mul3A_4 = arith.muli %add3A, %mul3A_3 : i32
    "tpu.region"() ({
      %run_scoped3A = tpu.sem_alloc : memref<!tpu.dma_semaphore, #tpu.memory_space<semaphore_mem>>
      tpu.enqueue_dma source(%arg5 : memref<128x128xf32, #tpu.memory_space<hbm>>) target(%arg15 : memref<128x128xf32, #tpu.memory_space<vmem>>) target_semaphore(%run_scoped3A : memref<!tpu.dma_semaphore, #tpu.memory_space<semaphore_mem>>)
      tpu.wait_dma2 semaphore(%run_scoped3A : memref<!tpu.dma_semaphore, #tpu.memory_space<semaphore_mem>>) src(%arg5 : memref<128x128xf32, #tpu.memory_space<hbm>>) dst(%arg15 : memref<128x128xf32, #tpu.memory_space<vmem>>)
      tpu.yield
    }) : () -> ()
    %add3A_5 = arith.constant 0 : i32
    %add3A_6 = arith.addi %mul3A_2, %add3A_5 : i32
    "tpu.region"() ({
      %run_scoped3A = tpu.sem_alloc : memref<!tpu.dma_semaphore, #tpu.memory_space<semaphore_mem>>
      %dma_start3A_59 = arith.constant 0 : i32
      %dma_start3A_60 = tpu.memref_slice %arg17[%add3A_6, %dma_start3A_59] : memref<10240x128xf32, #tpu.memory_space<vmem_shared>> -> memref<128x128xf32, #tpu.memory_space<vmem_shared>>
      %dma_start3A_61 = arith.constant 0 : i32
      %dma_start3A_62 = tpu.memref_slice %arg17[%add3A_6, %dma_start3A_61] : memref<10240x128xf32, #tpu.memory_space<vmem_shared>> -> memref<128x128xf32, #tpu.memory_space<vmem_shared>>
      tpu.enqueue_dma source(%arg15 : memref<128x128xf32, #tpu.memory_space<vmem>>) target(%dma_start3A_62 : memref<128x128xf32, #tpu.memory_space<vmem_shared>>) target_semaphore(%run_scoped3A : memref<!tpu.dma_semaphore, #tpu.memory_space<semaphore_mem>>)
      %dma_wait3A_63 = arith.constant 0 : i32
      %dma_wait3A_64 = tpu.memref_slice %arg17[%add3A_6, %dma_wait3A_63] : memref<10240x128xf32, #tpu.memory_space<vmem_shared>> -> memref<128x128xf32, #tpu.memory_space<vmem_shared>>
      %dma_wait3A_65 = arith.constant 0 : i32
      %dma_wait3A_66 = tpu.memref_slice %arg17[%add3A_6, %dma_wait3A_65] : memref<10240x128xf32, #tpu.memory_space<vmem_shared>> -> memref<128x128xf32, #tpu.memory_space<vmem_shared>>
      tpu.wait_dma2 semaphore(%run_scoped3A : memref<!tpu.dma_semaphore, #tpu.memory_space<semaphore_mem>>) src(%arg15 : memref<128x128xf32, #tpu.memory_space<vmem>>) dst(%dma_wait3A_66 : memref<128x128xf32, #tpu.memory_space<vmem_shared>>)
      tpu.yield
    }) : () -> ()
    %add3A_7 = arith.constant 128 : i32
    %add3A_8 = arith.addi %mul3A_2, %add3A_7 : i32
    "tpu.region"() ({
      %run_scoped3A = tpu.sem_alloc : memref<!tpu.dma_semaphore, #tpu.memory_space<semaphore_mem>>
      %dma_start3A_59 = arith.constant 0 : i32
      %dma_start3A_60 = tpu.memref_slice %arg17[%add3A_8, %dma_start3A_59] : memref<10240x128xf32, #tpu.memory_space<vmem_shared>> -> memref<128x128xf32, #tpu.memory_space<vmem_shared>>
      %dma_start3A_61 = arith.constant 0 : i32
      %dma_start3A_62 = tpu.memref_slice %arg17[%add3A_8, %dma_start3A_61] : memref<10240x128xf32, #tpu.memory_space<vmem_shared>> -> memref<128x128xf32, #tpu.memory_space<vmem_shared>>
      tpu.enqueue_dma source(%arg15 : memref<128x128xf32, #tpu.memory_space<vmem>>) target(%dma_start3A_62 : memref<128x128xf32, #tpu.memory_space<vmem_shared>>) target_semaphore(%run_scoped3A : memref<!tpu.dma_semaphore, #tpu.memory_space<semaphore_mem>>)
      %dma_wait3A_63 = arith.constant 0 : i32
      %dma_wait3A_64 = tpu.memref_slice %arg17[%add3A_8, %dma_wait3A_63] : memref<10240x128xf32, #tpu.memory_space<vmem_shared>> -> memref<128x128xf32, #tpu.memory_space<vmem_shared>>
      %dma_wait3A_65 = arith.constant 0 : i32
      %dma_wait3A_66 = tpu.memref_slice %arg17[%add3A_8, %dma_wait3A_65] : memref<10240x128xf32, #tpu.memory_space<vmem_shared>> -> memref<128x128xf32, #tpu.memory_space<vmem_shared>>
      tpu.wait_dma2 semaphore(%run_scoped3A : memref<!tpu.dma_semaphore, #tpu.memory_space<semaphore_mem>>) src(%arg15 : memref<128x128xf32, #tpu.memory_space<vmem>>) dst(%dma_wait3A_66 : memref<128x128xf32, #tpu.memory_space<vmem_shared>>)
      tpu.yield
    }) : () -> ()
    %add3A_9 = arith.constant 256 : i32
    %add3A_10 = arith.addi %mul3A_2, %add3A_9 : i32
    "tpu.region"() ({
      %run_scoped3A = tpu.sem_alloc : memref<!tpu.dma_semaphore, #tpu.memory_space<semaphore_mem>>
      %dma_start3A_59 = arith.constant 0 : i32
      %dma_start3A_60 = tpu.memref_slice %arg17[%add3A_10, %dma_start3A_59] : memref<10240x128xf32, #tpu.memory_space<vmem_shared>> -> memref<128x128xf32, #tpu.memory_space<vmem_shared>>
      %dma_start3A_61 = arith.constant 0 : i32
      %dma_start3A_62 = tpu.memref_slice %arg17[%add3A_10, %dma_start3A_61] : memref<10240x128xf32, #tpu.memory_space<vmem_shared>> -> memref<128x128xf32, #tpu.memory_space<vmem_shared>>
      tpu.enqueue_dma source(%arg15 : memref<128x128xf32, #tpu.memory_space<vmem>>) target(%dma_start3A_62 : memref<128x128xf32, #tpu.memory_space<vmem_shared>>) target_semaphore(%run_scoped3A : memref<!tpu.dma_semaphore, #tpu.memory_space<semaphore_mem>>)
      %dma_wait3A_63 = arith.constant 0 : i32
      %dma_wait3A_64 = tpu.memref_slice %arg17[%add3A_10, %dma_wait3A_63] : memref<10240x128xf32, #tpu.memory_space<vmem_shared>> -> memref<128x128xf32, #tpu.memory_space<vmem_shared>>
      %dma_wait3A_65 = arith.constant 0 : i32
      %dma_wait3A_66 = tpu.memref_slice %arg17[%add3A_10, %dma_wait3A_65] : memref<10240x128xf32, #tpu.memory_space<vmem_shared>> -> memref<128x128xf32, #tpu.memory_space<vmem_shared>>
      tpu.wait_dma2 semaphore(%run_scoped3A : memref<!tpu.dma_semaphore, #tpu.memory_space<semaphore_mem>>) src(%arg15 : memref<128x128xf32, #tpu.memory_space<vmem>>) dst(%dma_wait3A_66 : memref<128x128xf32, #tpu.memory_space<vmem_shared>>)
      tpu.yield
    }) : () -> ()
    %add3A_11 = arith.constant 384 : i32
    %add3A_12 = arith.addi %mul3A_2, %add3A_11 : i32
    "tpu.region"() ({
      %run_scoped3A = tpu.sem_alloc : memref<!tpu.dma_semaphore, #tpu.memory_space<semaphore_mem>>
      %dma_start3A_59 = arith.constant 0 : i32
      %dma_start3A_60 = tpu.memref_slice %arg17[%add3A_12, %dma_start3A_59] : memref<10240x128xf32, #tpu.memory_space<vmem_shared>> -> memref<128x128xf32, #tpu.memory_space<vmem_shared>>
      %dma_start3A_61 = arith.constant 0 : i32
      %dma_start3A_62 = tpu.memref_slice %arg17[%add3A_12, %dma_start3A_61] : memref<10240x128xf32, #tpu.memory_space<vmem_shared>> -> memref<128x128xf32, #tpu.memory_space<vmem_shared>>
      tpu.enqueue_dma source(%arg15 : memref<128x128xf32, #tpu.memory_space<vmem>>) target(%dma_start3A_62 : memref<128x128xf32, #tpu.memory_space<vmem_shared>>) target_semaphore(%run_scoped3A : memref<!tpu.dma_semaphore, #tpu.memory_space<semaphore_mem>>)
      %dma_wait3A_63 = arith.constant 0 : i32
      %dma_wait3A_64 = tpu.memref_slice %arg17[%add3A_12, %dma_wait3A_63] : memref<10240x128xf32, #tpu.memory_space<vmem_shared>> -> memref<128x128xf32, #tpu.memory_space<vmem_shared>>
      %dma_wait3A_65 = arith.constant 0 : i32
      %dma_wait3A_66 = tpu.memref_slice %arg17[%add3A_12, %dma_wait3A_65] : memref<10240x128xf32, #tpu.memory_space<vmem_shared>> -> memref<128x128xf32, #tpu.memory_space<vmem_shared>>
      tpu.wait_dma2 semaphore(%run_scoped3A : memref<!tpu.dma_semaphore, #tpu.memory_space<semaphore_mem>>) src(%arg15 : memref<128x128xf32, #tpu.memory_space<vmem>>) dst(%dma_wait3A_66 : memref<128x128xf32, #tpu.memory_space<vmem_shared>>)
      tpu.yield
    }) : () -> ()
    %add3A_13 = arith.constant 512 : i32
    %add3A_14 = arith.addi %mul3A_2, %add3A_13 : i32
    "tpu.region"() ({
      %run_scoped3A = tpu.sem_alloc : memref<!tpu.dma_semaphore, #tpu.memory_space<semaphore_mem>>
      %dma_start3A_59 = arith.constant 0 : i32
      %dma_start3A_60 = tpu.memref_slice %arg17[%add3A_14, %dma_start3A_59] : memref<10240x128xf32, #tpu.memory_space<vmem_shared>> -> memref<128x128xf32, #tpu.memory_space<vmem_shared>>
      %dma_start3A_61 = arith.constant 0 : i32
      %dma_start3A_62 = tpu.memref_slice %arg17[%add3A_14, %dma_start3A_61] : memref<10240x128xf32, #tpu.memory_space<vmem_shared>> -> memref<128x128xf32, #tpu.memory_space<vmem_shared>>
      tpu.enqueue_dma source(%arg15 : memref<128x128xf32, #tpu.memory_space<vmem>>) target(%dma_start3A_62 : memref<128x128xf32, #tpu.memory_space<vmem_shared>>) target_semaphore(%run_scoped3A : memref<!tpu.dma_semaphore, #tpu.memory_space<semaphore_mem>>)
      %dma_wait3A_63 = arith.constant 0 : i32
      %dma_wait3A_64 = tpu.memref_slice %arg17[%add3A_14, %dma_wait3A_63] : memref<10240x128xf32, #tpu.memory_space<vmem_shared>> -> memref<128x128xf32, #tpu.memory_space<vmem_shared>>
      %dma_wait3A_65 = arith.constant 0 : i32
      %dma_wait3A_66 = tpu.memref_slice %arg17[%add3A_14, %dma_wait3A_65] : memref<10240x128xf32, #tpu.memory_space<vmem_shared>> -> memref<128x128xf32, #tpu.memory_space<vmem_shared>>
      tpu.wait_dma2 semaphore(%run_scoped3A : memref<!tpu.dma_semaphore, #tpu.memory_space<semaphore_mem>>) src(%arg15 : memref<128x128xf32, #tpu.memory_space<vmem>>) dst(%dma_wait3A_66 : memref<128x128xf32, #tpu.memory_space<vmem_shared>>)
      tpu.yield
    }) : () -> ()
    %barrier3A = arith.constant 0 : index
    tpu.barrier barrier_id(%barrier3A)
    %add3A_15 = arith.constant 0 : i32
    %add3A_16 = arith.addi %mul3A_4, %add3A_15 : i32
    %dma_start3A = tpu.memref_slice %arg3[%add3A_16] : memref<327680xi32, #tpu.memory_space<hbm>> -> memref<128xi32, #tpu.memory_space<hbm>>
    %dma_start3A_17 = tpu.memref_slice %arg3[%add3A_16] : memref<327680xi32, #tpu.memory_space<hbm>> -> memref<128xi32, #tpu.memory_space<hbm>>
    tpu.enqueue_dma source(%dma_start3A_17 : memref<128xi32, #tpu.memory_space<hbm>>) target(%arg7 : memref<128xi32, #tpu.memory_space<vmem>>) target_semaphore(%arg20 : memref<!tpu.dma_semaphore, #tpu.memory_space<semaphore_mem>>)
    %add3A_18 = arith.constant 0 : i32
    %add3A_19 = arith.addi %mul3A_4, %add3A_18 : i32
    %dma_start3A_20 = tpu.memref_slice %arg4[%add3A_19] : memref<327680xi32, #tpu.memory_space<hbm>> -> memref<128xi32, #tpu.memory_space<hbm>>
    %dma_start3A_21 = tpu.memref_slice %arg4[%add3A_19] : memref<327680xi32, #tpu.memory_space<hbm>> -> memref<128xi32, #tpu.memory_space<hbm>>
    tpu.enqueue_dma source(%dma_start3A_21 : memref<128xi32, #tpu.memory_space<hbm>>) target(%arg11 : memref<128xi32, #tpu.memory_space<vmem>>) target_semaphore(%arg20 : memref<!tpu.dma_semaphore, #tpu.memory_space<semaphore_mem>>)
    %add3A_22 = arith.constant 128 : i32
    %add3A_23 = arith.addi %mul3A_4, %add3A_22 : i32
    %dma_start3A_24 = tpu.memref_slice %arg3[%add3A_23] : memref<327680xi32, #tpu.memory_space<hbm>> -> memref<128xi32, #tpu.memory_space<hbm>>
    %dma_start3A_25 = tpu.memref_slice %arg3[%add3A_23] : memref<327680xi32, #tpu.memory_space<hbm>> -> memref<128xi32, #tpu.memory_space<hbm>>
    tpu.enqueue_dma source(%dma_start3A_25 : memref<128xi32, #tpu.memory_space<hbm>>) target(%arg8 : memref<128xi32, #tpu.memory_space<vmem>>) target_semaphore(%arg21 : memref<!tpu.dma_semaphore, #tpu.memory_space<semaphore_mem>>)
    %add3A_26 = arith.constant 128 : i32
    %add3A_27 = arith.addi %mul3A_4, %add3A_26 : i32
    %dma_start3A_28 = tpu.memref_slice %arg4[%add3A_27] : memref<327680xi32, #tpu.memory_space<hbm>> -> memref<128xi32, #tpu.memory_space<hbm>>
    %dma_start3A_29 = tpu.memref_slice %arg4[%add3A_27] : memref<327680xi32, #tpu.memory_space<hbm>> -> memref<128xi32, #tpu.memory_space<hbm>>
    tpu.enqueue_dma source(%dma_start3A_29 : memref<128xi32, #tpu.memory_space<hbm>>) target(%arg12 : memref<128xi32, #tpu.memory_space<vmem>>) target_semaphore(%arg21 : memref<!tpu.dma_semaphore, #tpu.memory_space<semaphore_mem>>)
    %dma_wait3A = arith.constant 0 : i32
    %dma_wait3A_30 = tpu.memref_slice %arg3[%dma_wait3A] : memref<327680xi32, #tpu.memory_space<hbm>> -> memref<128xi32, #tpu.memory_space<hbm>>
    %dma_wait3A_31 = arith.constant 0 : i32
    %dma_wait3A_32 = tpu.memref_slice %arg3[%dma_wait3A_31] : memref<327680xi32, #tpu.memory_space<hbm>> -> memref<128xi32, #tpu.memory_space<hbm>>
    tpu.wait_dma2 semaphore(%arg20 : memref<!tpu.dma_semaphore, #tpu.memory_space<semaphore_mem>>) src(%dma_wait3A_32 : memref<128xi32, #tpu.memory_space<hbm>>) dst(%arg7 : memref<128xi32, #tpu.memory_space<vmem>>)
    %dma_wait3A_33 = arith.constant 0 : i32
    %dma_wait3A_34 = tpu.memref_slice %arg4[%dma_wait3A_33] : memref<327680xi32, #tpu.memory_space<hbm>> -> memref<128xi32, #tpu.memory_space<hbm>>
    %dma_wait3A_35 = arith.constant 0 : i32
    %dma_wait3A_36 = tpu.memref_slice %arg4[%dma_wait3A_35] : memref<327680xi32, #tpu.memory_space<hbm>> -> memref<128xi32, #tpu.memory_space<hbm>>
    tpu.wait_dma2 semaphore(%arg20 : memref<!tpu.dma_semaphore, #tpu.memory_space<semaphore_mem>>) src(%dma_wait3A_36 : memref<128xi32, #tpu.memory_space<hbm>>) dst(%arg11 : memref<128xi32, #tpu.memory_space<vmem>>)
    %dma_start3A_37 = arith.constant 0 : i32
    %dma_start3A_38 = arith.constant 0 : i32
    %dma_start3A_39 = tpu.memref_slice %arg2[%dma_start3A_37, %dma_start3A_38] : memref<10240x128xf32, #tpu.memory_space<hbm>> -> memref<10240x128xf32, #tpu.memory_space<hbm>>
    tpu.enqueue_indirect_dma source(%dma_start3A_39 : memref<10240x128xf32, #tpu.memory_space<hbm>>) target(%arg15 : memref<128x128xf32, #tpu.memory_space<vmem>>) offsets(%arg7 : memref<128xi32, #tpu.memory_space<vmem>>) semaphore(%arg18 : memref<!tpu.dma_semaphore, #tpu.memory_space<semaphore_mem>>)
    %scan3A = arith.constant 0 : i32
    %scan3A_40 = arith.constant 0 : i32
    %scan3A_41 = arith.constant 20 : i32
    %scan3A_42 = arith.addi %scan3A_40, %scan3A_41 : i32
    %scan3A_43 = arith.constant 1 : i32
    scf.for %scan3A_59 = %scan3A_40 to %scan3A_42 step %scan3A_43  : i32 {
      %mul3A_60 = arith.constant 4 : i32
      %mul3A_61 = arith.muli %mul3A_60, %scan3A_59 : i32
      %add3A_62 = arith.constant 0 : i32
      %add3A_63 = arith.addi %mul3A_61, %add3A_62 : i32
      %gt3A = arith.constant 0 : i32
      %gt3A_64 = arith.cmpi sgt, %add3A_63, %gt3A : i32
      %convert_element_type3A = arith.extui %gt3A_64 : i1 to i32
      %cond3A = arith.constant 0 : i32
      %cond3A_65 = arith.cmpi ne, %convert_element_type3A, %cond3A : i32
      scf.if %cond3A_65 {
        %dma_wait3A_166 = arith.constant 0 : i32
        %dma_wait3A_167 = arith.constant 0 : i32
        %dma_wait3A_168 = tpu.memref_slice %arg17[%dma_wait3A_166, %dma_wait3A_167] : memref<10240x128xf32, #tpu.memory_space<vmem_shared>> -> memref<10240x128xf32, #tpu.memory_space<vmem_shared>>
        tpu.wait_indirect_dma semaphore(%arg19 : memref<!tpu.dma_semaphore, #tpu.memory_space<semaphore_mem>>) src(%arg16 : memref<128x128xf32, #tpu.memory_space<vmem>>) dst(%dma_wait3A_168 : memref<10240x128xf32, #tpu.memory_space<vmem_shared>>)
      } else {
      }
      %add3A_66 = arith.constant 2 : i32
      %add3A_67 = arith.addi %add3A_63, %add3A_66 : i32
      %lt3A = arith.constant 80 : i32
      %lt3A_68 = arith.cmpi slt, %add3A_67, %lt3A : i32
      %convert_element_type3A_69 = arith.extui %lt3A_68 : i1 to i32
      %cond3A_70 = arith.constant 0 : i32
      %cond3A_71 = arith.cmpi ne, %convert_element_type3A_69, %cond3A_70 : i32
      scf.if %cond3A_71 {
        %add3A_166 = arith.constant 2 : i32
        %add3A_167 = arith.addi %add3A_63, %add3A_166 : i32
        %mul3A_168 = arith.constant 128 : i32
        %mul3A_169 = arith.muli %add3A_167, %mul3A_168 : i32
        %add3A_170 = arith.addi %mul3A_4, %mul3A_169 : i32
        %dma_start3A_171 = tpu.memref_slice %arg3[%add3A_170] : memref<327680xi32, #tpu.memory_space<hbm>> -> memref<128xi32, #tpu.memory_space<hbm>>
        %dma_start3A_172 = tpu.memref_slice %arg3[%add3A_170] : memref<327680xi32, #tpu.memory_space<hbm>> -> memref<128xi32, #tpu.memory_space<hbm>>
        tpu.enqueue_dma source(%dma_start3A_172 : memref<128xi32, #tpu.memory_space<hbm>>) target(%arg9 : memref<128xi32, #tpu.memory_space<vmem>>) target_semaphore(%arg20 : memref<!tpu.dma_semaphore, #tpu.memory_space<semaphore_mem>>)
        %mul3A_173 = arith.constant 128 : i32
        %mul3A_174 = arith.muli %add3A_167, %mul3A_173 : i32
        %add3A_175 = arith.addi %mul3A_4, %mul3A_174 : i32
        %dma_start3A_176 = tpu.memref_slice %arg4[%add3A_175] : memref<327680xi32, #tpu.memory_space<hbm>> -> memref<128xi32, #tpu.memory_space<hbm>>
        %dma_start3A_177 = tpu.memref_slice %arg4[%add3A_175] : memref<327680xi32, #tpu.memory_space<hbm>> -> memref<128xi32, #tpu.memory_space<hbm>>
        tpu.enqueue_dma source(%dma_start3A_177 : memref<128xi32, #tpu.memory_space<hbm>>) target(%arg13 : memref<128xi32, #tpu.memory_space<vmem>>) target_semaphore(%arg20 : memref<!tpu.dma_semaphore, #tpu.memory_space<semaphore_mem>>)
      } else {
      }
      %add3A_72 = arith.constant 1 : i32
      %add3A_73 = arith.addi %add3A_63, %add3A_72 : i32
      %lt3A_74 = arith.constant 80 : i32
      %lt3A_75 = arith.cmpi slt, %add3A_73, %lt3A_74 : i32
      %convert_element_type3A_76 = arith.extui %lt3A_75 : i1 to i32
      %cond3A_77 = arith.constant 0 : i32
      %cond3A_78 = arith.cmpi ne, %convert_element_type3A_76, %cond3A_77 : i32
      scf.if %cond3A_78 {
        %dma_wait3A_166 = arith.constant 0 : i32
        %dma_wait3A_167 = tpu.memref_slice %arg3[%dma_wait3A_166] : memref<327680xi32, #tpu.memory_space<hbm>> -> memref<128xi32, #tpu.memory_space<hbm>>
        %dma_wait3A_168 = arith.constant 0 : i32
        %dma_wait3A_169 = tpu.memref_slice %arg3[%dma_wait3A_168] : memref<327680xi32, #tpu.memory_space<hbm>> -> memref<128xi32, #tpu.memory_space<hbm>>
        tpu.wait_dma2 semaphore(%arg21 : memref<!tpu.dma_semaphore, #tpu.memory_space<semaphore_mem>>) src(%dma_wait3A_169 : memref<128xi32, #tpu.memory_space<hbm>>) dst(%arg8 : memref<128xi32, #tpu.memory_space<vmem>>)
        %dma_wait3A_170 = arith.constant 0 : i32
        %dma_wait3A_171 = tpu.memref_slice %arg4[%dma_wait3A_170] : memref<327680xi32, #tpu.memory_space<hbm>> -> memref<128xi32, #tpu.memory_space<hbm>>
        %dma_wait3A_172 = arith.constant 0 : i32
        %dma_wait3A_173 = tpu.memref_slice %arg4[%dma_wait3A_172] : memref<327680xi32, #tpu.memory_space<hbm>> -> memref<128xi32, #tpu.memory_space<hbm>>
        tpu.wait_dma2 semaphore(%arg21 : memref<!tpu.dma_semaphore, #tpu.memory_space<semaphore_mem>>) src(%dma_wait3A_173 : memref<128xi32, #tpu.memory_space<hbm>>) dst(%arg12 : memref<128xi32, #tpu.memory_space<vmem>>)
        %dma_start3A_174 = arith.constant 0 : i32
        %dma_start3A_175 = arith.constant 0 : i32
        %dma_start3A_176 = tpu.memref_slice %arg2[%dma_start3A_174, %dma_start3A_175] : memref<10240x128xf32, #tpu.memory_space<hbm>> -> memref<10240x128xf32, #tpu.memory_space<hbm>>
        tpu.enqueue_indirect_dma source(%dma_start3A_176 : memref<10240x128xf32, #tpu.memory_space<hbm>>) target(%arg16 : memref<128x128xf32, #tpu.memory_space<vmem>>) offsets(%arg8 : memref<128xi32, #tpu.memory_space<vmem>>) semaphore(%arg18 : memref<!tpu.dma_semaphore, #tpu.memory_space<semaphore_mem>>)
      } else {
      }
      %dma_wait3A_79 = arith.constant 0 : i32
      %dma_wait3A_80 = arith.constant 0 : i32
      %dma_wait3A_81 = tpu.memref_slice %arg2[%dma_wait3A_79, %dma_wait3A_80] : memref<10240x128xf32, #tpu.memory_space<hbm>> -> memref<10240x128xf32, #tpu.memory_space<hbm>>
      tpu.wait_indirect_dma semaphore(%arg18 : memref<!tpu.dma_semaphore, #tpu.memory_space<semaphore_mem>>) src(%dma_wait3A_81 : memref<10240x128xf32, #tpu.memory_space<hbm>>) dst(%arg15 : memref<128x128xf32, #tpu.memory_space<vmem>>)
      %dma_start3A_82 = arith.constant 0 : i32
      %dma_start3A_83 = arith.constant 0 : i32
      %dma_start3A_84 = tpu.memref_slice %arg17[%dma_start3A_82, %dma_start3A_83] : memref<10240x128xf32, #tpu.memory_space<vmem_shared>> -> memref<10240x128xf32, #tpu.memory_space<vmem_shared>>
      tpu.enqueue_indirect_dma source(%arg15 : memref<128x128xf32, #tpu.memory_space<vmem>>) target(%dma_start3A_84 : memref<10240x128xf32, #tpu.memory_space<vmem_shared>>) offsets(%arg11 : memref<128xi32, #tpu.memory_space<vmem>>) semaphore(%arg19 : memref<!tpu.dma_semaphore, #tpu.memory_space<semaphore_mem>>) {add = true}
      %mul3A_85 = arith.constant 4 : i32
      %mul3A_86 = arith.muli %mul3A_85, %scan3A_59 : i32
      %add3A_87 = arith.constant 1 : i32
      %add3A_88 = arith.addi %mul3A_86, %add3A_87 : i32
      %dma_wait3A_89 = arith.constant 0 : i32
      %dma_wait3A_90 = arith.constant 0 : i32
      %dma_wait3A_91 = tpu.memref_slice %arg17[%dma_wait3A_89, %dma_wait3A_90] : memref<10240x128xf32, #tpu.memory_space<vmem_shared>> -> memref<10240x128xf32, #tpu.memory_space<vmem_shared>>
      tpu.wait_indirect_dma semaphore(%arg19 : memref<!tpu.dma_semaphore, #tpu.memory_space<semaphore_mem>>) src(%arg15 : memref<128x128xf32, #tpu.memory_space<vmem>>) dst(%dma_wait3A_91 : memref<10240x128xf32, #tpu.memory_space<vmem_shared>>)
      %add3A_92 = arith.constant 2 : i32
      %add3A_93 = arith.addi %add3A_88, %add3A_92 : i32
      %lt3A_94 = arith.constant 80 : i32
      %lt3A_95 = arith.cmpi slt, %add3A_93, %lt3A_94 : i32
      %convert_element_type3A_96 = arith.extui %lt3A_95 : i1 to i32
      %cond3A_97 = arith.constant 0 : i32
      %cond3A_98 = arith.cmpi ne, %convert_element_type3A_96, %cond3A_97 : i32
      scf.if %cond3A_98 {
        %add3A_166 = arith.constant 2 : i32
        %add3A_167 = arith.addi %add3A_88, %add3A_166 : i32
        %mul3A_168 = arith.constant 128 : i32
        %mul3A_169 = arith.muli %add3A_167, %mul3A_168 : i32
        %add3A_170 = arith.addi %mul3A_4, %mul3A_169 : i32
        %dma_start3A_171 = tpu.memref_slice %arg3[%add3A_170] : memref<327680xi32, #tpu.memory_space<hbm>> -> memref<128xi32, #tpu.memory_space<hbm>>
        %dma_start3A_172 = tpu.memref_slice %arg3[%add3A_170] : memref<327680xi32, #tpu.memory_space<hbm>> -> memref<128xi32, #tpu.memory_space<hbm>>
        tpu.enqueue_dma source(%dma_start3A_172 : memref<128xi32, #tpu.memory_space<hbm>>) target(%arg10 : memref<128xi32, #tpu.memory_space<vmem>>) target_semaphore(%arg21 : memref<!tpu.dma_semaphore, #tpu.memory_space<semaphore_mem>>)
        %mul3A_173 = arith.constant 128 : i32
        %mul3A_174 = arith.muli %add3A_167, %mul3A_173 : i32
        %add3A_175 = arith.addi %mul3A_4, %mul3A_174 : i32
        %dma_start3A_176 = tpu.memref_slice %arg4[%add3A_175] : memref<327680xi32, #tpu.memory_space<hbm>> -> memref<128xi32, #tpu.memory_space<hbm>>
        %dma_start3A_177 = tpu.memref_slice %arg4[%add3A_175] : memref<327680xi32, #tpu.memory_space<hbm>> -> memref<128xi32, #tpu.memory_space<hbm>>
        tpu.enqueue_dma source(%dma_start3A_177 : memref<128xi32, #tpu.memory_space<hbm>>) target(%arg14 : memref<128xi32, #tpu.memory_space<vmem>>) target_semaphore(%arg21 : memref<!tpu.dma_semaphore, #tpu.memory_space<semaphore_mem>>)
      } else {
      }
      %add3A_99 = arith.constant 1 : i32
      %add3A_100 = arith.addi %add3A_88, %add3A_99 : i32
      %lt3A_101 = arith.constant 80 : i32
      %lt3A_102 = arith.cmpi slt, %add3A_100, %lt3A_101 : i32
      %convert_element_type3A_103 = arith.extui %lt3A_102 : i1 to i32
      %cond3A_104 = arith.constant 0 : i32
      %cond3A_105 = arith.cmpi ne, %convert_element_type3A_103, %cond3A_104 : i32
      scf.if %cond3A_105 {
        %dma_wait3A_166 = arith.constant 0 : i32
        %dma_wait3A_167 = tpu.memref_slice %arg3[%dma_wait3A_166] : memref<327680xi32, #tpu.memory_space<hbm>> -> memref<128xi32, #tpu.memory_space<hbm>>
        %dma_wait3A_168 = arith.constant 0 : i32
        %dma_wait3A_169 = tpu.memref_slice %arg3[%dma_wait3A_168] : memref<327680xi32, #tpu.memory_space<hbm>> -> memref<128xi32, #tpu.memory_space<hbm>>
        tpu.wait_dma2 semaphore(%arg20 : memref<!tpu.dma_semaphore, #tpu.memory_space<semaphore_mem>>) src(%dma_wait3A_169 : memref<128xi32, #tpu.memory_space<hbm>>) dst(%arg9 : memref<128xi32, #tpu.memory_space<vmem>>)
        %dma_wait3A_170 = arith.constant 0 : i32
        %dma_wait3A_171 = tpu.memref_slice %arg4[%dma_wait3A_170] : memref<327680xi32, #tpu.memory_space<hbm>> -> memref<128xi32, #tpu.memory_space<hbm>>
        %dma_wait3A_172 = arith.constant 0 : i32
        %dma_wait3A_173 = tpu.memref_slice %arg4[%dma_wait3A_172] : memref<327680xi32, #tpu.memory_space<hbm>> -> memref<128xi32, #tpu.memory_space<hbm>>
        tpu.wait_dma2 semaphore(%arg20 : memref<!tpu.dma_semaphore, #tpu.memory_space<semaphore_mem>>) src(%dma_wait3A_173 : memref<128xi32, #tpu.memory_space<hbm>>) dst(%arg13 : memref<128xi32, #tpu.memory_space<vmem>>)
        %dma_start3A_174 = arith.constant 0 : i32
        %dma_start3A_175 = arith.constant 0 : i32
        %dma_start3A_176 = tpu.memref_slice %arg2[%dma_start3A_174, %dma_start3A_175] : memref<10240x128xf32, #tpu.memory_space<hbm>> -> memref<10240x128xf32, #tpu.memory_space<hbm>>
        tpu.enqueue_indirect_dma source(%dma_start3A_176 : memref<10240x128xf32, #tpu.memory_space<hbm>>) target(%arg15 : memref<128x128xf32, #tpu.memory_space<vmem>>) offsets(%arg9 : memref<128xi32, #tpu.memory_space<vmem>>) semaphore(%arg18 : memref<!tpu.dma_semaphore, #tpu.memory_space<semaphore_mem>>)
      } else {
      }
      %dma_wait3A_106 = arith.constant 0 : i32
      %dma_wait3A_107 = arith.constant 0 : i32
      %dma_wait3A_108 = tpu.memref_slice %arg2[%dma_wait3A_106, %dma_wait3A_107] : memref<10240x128xf32, #tpu.memory_space<hbm>> -> memref<10240x128xf32, #tpu.memory_space<hbm>>
      tpu.wait_indirect_dma semaphore(%arg18 : memref<!tpu.dma_semaphore, #tpu.memory_space<semaphore_mem>>) src(%dma_wait3A_108 : memref<10240x128xf32, #tpu.memory_space<hbm>>) dst(%arg16 : memref<128x128xf32, #tpu.memory_space<vmem>>)
      %dma_start3A_109 = arith.constant 0 : i32
      %dma_start3A_110 = arith.constant 0 : i32
      %dma_start3A_111 = tpu.memref_slice %arg17[%dma_start3A_109, %dma_start3A_110] : memref<10240x128xf32, #tpu.memory_space<vmem_shared>> -> memref<10240x128xf32, #tpu.memory_space<vmem_shared>>
      tpu.enqueue_indirect_dma source(%arg16 : memref<128x128xf32, #tpu.memory_space<vmem>>) target(%dma_start3A_111 : memref<10240x128xf32, #tpu.memory_space<vmem_shared>>) offsets(%arg12 : memref<128xi32, #tpu.memory_space<vmem>>) semaphore(%arg19 : memref<!tpu.dma_semaphore, #tpu.memory_space<semaphore_mem>>) {add = true}
      %mul3A_112 = arith.constant 4 : i32
      %mul3A_113 = arith.muli %mul3A_112, %scan3A_59 : i32
      %add3A_114 = arith.constant 2 : i32
      %add3A_115 = arith.addi %mul3A_113, %add3A_114 : i32
      %dma_wait3A_116 = arith.constant 0 : i32
      %dma_wait3A_117 = arith.constant 0 : i32
      %dma_wait3A_118 = tpu.memref_slice %arg17[%dma_wait3A_116, %dma_wait3A_117] : memref<10240x128xf32, #tpu.memory_space<vmem_shared>> -> memref<10240x128xf32, #tpu.memory_space<vmem_shared>>
      tpu.wait_indirect_dma semaphore(%arg19 : memref<!tpu.dma_semaphore, #tpu.memory_space<semaphore_mem>>) src(%arg16 : memref<128x128xf32, #tpu.memory_space<vmem>>) dst(%dma_wait3A_118 : memref<10240x128xf32, #tpu.memory_space<vmem_shared>>)
      %add3A_119 = arith.constant 2 : i32
      %add3A_120 = arith.addi %add3A_115, %add3A_119 : i32
      %lt3A_121 = arith.constant 80 : i32
      %lt3A_122 = arith.cmpi slt, %add3A_120, %lt3A_121 : i32
      %convert_element_type3A_123 = arith.extui %lt3A_122 : i1 to i32
      %cond3A_124 = arith.constant 0 : i32
      %cond3A_125 = arith.cmpi ne, %convert_element_type3A_123, %cond3A_124 : i32
      scf.if %cond3A_125 {
        %add3A_166 = arith.constant 2 : i32
        %add3A_167 = arith.addi %add3A_115, %add3A_166 : i32
        %mul3A_168 = arith.constant 128 : i32
        %mul3A_169 = arith.muli %add3A_167, %mul3A_168 : i32
        %add3A_170 = arith.addi %mul3A_4, %mul3A_169 : i32
        %dma_start3A_171 = tpu.memref_slice %arg3[%add3A_170] : memref<327680xi32, #tpu.memory_space<hbm>> -> memref<128xi32, #tpu.memory_space<hbm>>
        %dma_start3A_172 = tpu.memref_slice %arg3[%add3A_170] : memref<327680xi32, #tpu.memory_space<hbm>> -> memref<128xi32, #tpu.memory_space<hbm>>
        tpu.enqueue_dma source(%dma_start3A_172 : memref<128xi32, #tpu.memory_space<hbm>>) target(%arg7 : memref<128xi32, #tpu.memory_space<vmem>>) target_semaphore(%arg20 : memref<!tpu.dma_semaphore, #tpu.memory_space<semaphore_mem>>)
        %mul3A_173 = arith.constant 128 : i32
        %mul3A_174 = arith.muli %add3A_167, %mul3A_173 : i32
        %add3A_175 = arith.addi %mul3A_4, %mul3A_174 : i32
        %dma_start3A_176 = tpu.memref_slice %arg4[%add3A_175] : memref<327680xi32, #tpu.memory_space<hbm>> -> memref<128xi32, #tpu.memory_space<hbm>>
        %dma_start3A_177 = tpu.memref_slice %arg4[%add3A_175] : memref<327680xi32, #tpu.memory_space<hbm>> -> memref<128xi32, #tpu.memory_space<hbm>>
        tpu.enqueue_dma source(%dma_start3A_177 : memref<128xi32, #tpu.memory_space<hbm>>) target(%arg11 : memref<128xi32, #tpu.memory_space<vmem>>) target_semaphore(%arg20 : memref<!tpu.dma_semaphore, #tpu.memory_space<semaphore_mem>>)
      } else {
      }
      %add3A_126 = arith.constant 1 : i32
      %add3A_127 = arith.addi %add3A_115, %add3A_126 : i32
      %lt3A_128 = arith.constant 80 : i32
      %lt3A_129 = arith.cmpi slt, %add3A_127, %lt3A_128 : i32
      %convert_element_type3A_130 = arith.extui %lt3A_129 : i1 to i32
      %cond3A_131 = arith.constant 0 : i32
      %cond3A_132 = arith.cmpi ne, %convert_element_type3A_130, %cond3A_131 : i32
      scf.if %cond3A_132 {
        %dma_wait3A_166 = arith.constant 0 : i32
        %dma_wait3A_167 = tpu.memref_slice %arg3[%dma_wait3A_166] : memref<327680xi32, #tpu.memory_space<hbm>> -> memref<128xi32, #tpu.memory_space<hbm>>
        %dma_wait3A_168 = arith.constant 0 : i32
        %dma_wait3A_169 = tpu.memref_slice %arg3[%dma_wait3A_168] : memref<327680xi32, #tpu.memory_space<hbm>> -> memref<128xi32, #tpu.memory_space<hbm>>
        tpu.wait_dma2 semaphore(%arg21 : memref<!tpu.dma_semaphore, #tpu.memory_space<semaphore_mem>>) src(%dma_wait3A_169 : memref<128xi32, #tpu.memory_space<hbm>>) dst(%arg10 : memref<128xi32, #tpu.memory_space<vmem>>)
        %dma_wait3A_170 = arith.constant 0 : i32
        %dma_wait3A_171 = tpu.memref_slice %arg4[%dma_wait3A_170] : memref<327680xi32, #tpu.memory_space<hbm>> -> memref<128xi32, #tpu.memory_space<hbm>>
        %dma_wait3A_172 = arith.constant 0 : i32
        %dma_wait3A_173 = tpu.memref_slice %arg4[%dma_wait3A_172] : memref<327680xi32, #tpu.memory_space<hbm>> -> memref<128xi32, #tpu.memory_space<hbm>>
        tpu.wait_dma2 semaphore(%arg21 : memref<!tpu.dma_semaphore, #tpu.memory_space<semaphore_mem>>) src(%dma_wait3A_173 : memref<128xi32, #tpu.memory_space<hbm>>) dst(%arg14 : memref<128xi32, #tpu.memory_space<vmem>>)
        %dma_start3A_174 = arith.constant 0 : i32
        %dma_start3A_175 = arith.constant 0 : i32
        %dma_start3A_176 = tpu.memref_slice %arg2[%dma_start3A_174, %dma_start3A_175] : memref<10240x128xf32, #tpu.memory_space<hbm>> -> memref<10240x128xf32, #tpu.memory_space<hbm>>
        tpu.enqueue_indirect_dma source(%dma_start3A_176 : memref<10240x128xf32, #tpu.memory_space<hbm>>) target(%arg16 : memref<128x128xf32, #tpu.memory_space<vmem>>) offsets(%arg10 : memref<128xi32, #tpu.memory_space<vmem>>) semaphore(%arg18 : memref<!tpu.dma_semaphore, #tpu.memory_space<semaphore_mem>>)
      } else {
      }
      %dma_wait3A_133 = arith.constant 0 : i32
      %dma_wait3A_134 = arith.constant 0 : i32
      %dma_wait3A_135 = tpu.memref_slice %arg2[%dma_wait3A_133, %dma_wait3A_134] : memref<10240x128xf32, #tpu.memory_space<hbm>> -> memref<10240x128xf32, #tpu.memory_space<hbm>>
      tpu.wait_indirect_dma semaphore(%arg18 : memref<!tpu.dma_semaphore, #tpu.memory_space<semaphore_mem>>) src(%dma_wait3A_135 : memref<10240x128xf32, #tpu.memory_space<hbm>>) dst(%arg15 : memref<128x128xf32, #tpu.memory_space<vmem>>)
      %dma_start3A_136 = arith.constant 0 : i32
      %dma_start3A_137 = arith.constant 0 : i32
      %dma_start3A_138 = tpu.memref_slice %arg17[%dma_start3A_136, %dma_start3A_137] : memref<10240x128xf32, #tpu.memory_space<vmem_shared>> -> memref<10240x128xf32, #tpu.memory_space<vmem_shared>>
      tpu.enqueue_indirect_dma source(%arg15 : memref<128x128xf32, #tpu.memory_space<vmem>>) target(%dma_start3A_138 : memref<10240x128xf32, #tpu.memory_space<vmem_shared>>) offsets(%arg13 : memref<128xi32, #tpu.memory_space<vmem>>) semaphore(%arg19 : memref<!tpu.dma_semaphore, #tpu.memory_space<semaphore_mem>>) {add = true}
      %mul3A_139 = arith.constant 4 : i32
      %mul3A_140 = arith.muli %mul3A_139, %scan3A_59 : i32
      %add3A_141 = arith.constant 3 : i32
      %add3A_142 = arith.addi %mul3A_140, %add3A_141 : i32
      %dma_wait3A_143 = arith.constant 0 : i32
      %dma_wait3A_144 = arith.constant 0 : i32
      %dma_wait3A_145 = tpu.memref_slice %arg17[%dma_wait3A_143, %dma_wait3A_144] : memref<10240x128xf32, #tpu.memory_space<vmem_shared>> -> memref<10240x128xf32, #tpu.memory_space<vmem_shared>>
      tpu.wait_indirect_dma semaphore(%arg19 : memref<!tpu.dma_semaphore, #tpu.memory_space<semaphore_mem>>) src(%arg15 : memref<128x128xf32, #tpu.memory_space<vmem>>) dst(%dma_wait3A_145 : memref<10240x128xf32, #tpu.memory_space<vmem_shared>>)
      %add3A_146 = arith.constant 2 : i32
      %add3A_147 = arith.addi %add3A_142, %add3A_146 : i32
      %lt3A_148 = arith.constant 80 : i32
      %lt3A_149 = arith.cmpi slt, %add3A_147, %lt3A_148 : i32
      %convert_element_type3A_150 = arith.extui %lt3A_149 : i1 to i32
      %cond3A_151 = arith.constant 0 : i32
      %cond3A_152 = arith.cmpi ne, %convert_element_type3A_150, %cond3A_151 : i32
      scf.if %cond3A_152 {
        %add3A_166 = arith.constant 2 : i32
        %add3A_167 = arith.addi %add3A_142, %add3A_166 : i32
        %mul3A_168 = arith.constant 128 : i32
        %mul3A_169 = arith.muli %add3A_167, %mul3A_168 : i32
        %add3A_170 = arith.addi %mul3A_4, %mul3A_169 : i32
        %dma_start3A_171 = tpu.memref_slice %arg3[%add3A_170] : memref<327680xi32, #tpu.memory_space<hbm>> -> memref<128xi32, #tpu.memory_space<hbm>>
        %dma_start3A_172 = tpu.memref_slice %arg3[%add3A_170] : memref<327680xi32, #tpu.memory_space<hbm>> -> memref<128xi32, #tpu.memory_space<hbm>>
        tpu.enqueue_dma source(%dma_start3A_172 : memref<128xi32, #tpu.memory_space<hbm>>) target(%arg8 : memref<128xi32, #tpu.memory_space<vmem>>) target_semaphore(%arg21 : memref<!tpu.dma_semaphore, #tpu.memory_space<semaphore_mem>>)
        %mul3A_173 = arith.constant 128 : i32
        %mul3A_174 = arith.muli %add3A_167, %mul3A_173 : i32
        %add3A_175 = arith.addi %mul3A_4, %mul3A_174 : i32
        %dma_start3A_176 = tpu.memref_slice %arg4[%add3A_175] : memref<327680xi32, #tpu.memory_space<hbm>> -> memref<128xi32, #tpu.memory_space<hbm>>
        %dma_start3A_177 = tpu.memref_slice %arg4[%add3A_175] : memref<327680xi32, #tpu.memory_space<hbm>> -> memref<128xi32, #tpu.memory_space<hbm>>
        tpu.enqueue_dma source(%dma_start3A_177 : memref<128xi32, #tpu.memory_space<hbm>>) target(%arg12 : memref<128xi32, #tpu.memory_space<vmem>>) target_semaphore(%arg21 : memref<!tpu.dma_semaphore, #tpu.memory_space<semaphore_mem>>)
      } else {
      }
      %add3A_153 = arith.constant 1 : i32
      %add3A_154 = arith.addi %add3A_142, %add3A_153 : i32
      %lt3A_155 = arith.constant 80 : i32
      %lt3A_156 = arith.cmpi slt, %add3A_154, %lt3A_155 : i32
      %convert_element_type3A_157 = arith.extui %lt3A_156 : i1 to i32
      %cond3A_158 = arith.constant 0 : i32
      %cond3A_159 = arith.cmpi ne, %convert_element_type3A_157, %cond3A_158 : i32
      scf.if %cond3A_159 {
        %dma_wait3A_166 = arith.constant 0 : i32
        %dma_wait3A_167 = tpu.memref_slice %arg3[%dma_wait3A_166] : memref<327680xi32, #tpu.memory_space<hbm>> -> memref<128xi32, #tpu.memory_space<hbm>>
        %dma_wait3A_168 = arith.constant 0 : i32
        %dma_wait3A_169 = tpu.memref_slice %arg3[%dma_wait3A_168] : memref<327680xi32, #tpu.memory_space<hbm>> -> memref<128xi32, #tpu.memory_space<hbm>>
        tpu.wait_dma2 semaphore(%arg20 : memref<!tpu.dma_semaphore, #tpu.memory_space<semaphore_mem>>) src(%dma_wait3A_169 : memref<128xi32, #tpu.memory_space<hbm>>) dst(%arg7 : memref<128xi32, #tpu.memory_space<vmem>>)
        %dma_wait3A_170 = arith.constant 0 : i32
        %dma_wait3A_171 = tpu.memref_slice %arg4[%dma_wait3A_170] : memref<327680xi32, #tpu.memory_space<hbm>> -> memref<128xi32, #tpu.memory_space<hbm>>
        %dma_wait3A_172 = arith.constant 0 : i32
        %dma_wait3A_173 = tpu.memref_slice %arg4[%dma_wait3A_172] : memref<327680xi32, #tpu.memory_space<hbm>> -> memref<128xi32, #tpu.memory_space<hbm>>
        tpu.wait_dma2 semaphore(%arg20 : memref<!tpu.dma_semaphore, #tpu.memory_space<semaphore_mem>>) src(%dma_wait3A_173 : memref<128xi32, #tpu.memory_space<hbm>>) dst(%arg11 : memref<128xi32, #tpu.memory_space<vmem>>)
        %dma_start3A_174 = arith.constant 0 : i32
        %dma_start3A_175 = arith.constant 0 : i32
        %dma_start3A_176 = tpu.memref_slice %arg2[%dma_start3A_174, %dma_start3A_175] : memref<10240x128xf32, #tpu.memory_space<hbm>> -> memref<10240x128xf32, #tpu.memory_space<hbm>>
        tpu.enqueue_indirect_dma source(%dma_start3A_176 : memref<10240x128xf32, #tpu.memory_space<hbm>>) target(%arg15 : memref<128x128xf32, #tpu.memory_space<vmem>>) offsets(%arg7 : memref<128xi32, #tpu.memory_space<vmem>>) semaphore(%arg18 : memref<!tpu.dma_semaphore, #tpu.memory_space<semaphore_mem>>)
      } else {
      }
      %dma_wait3A_160 = arith.constant 0 : i32
      %dma_wait3A_161 = arith.constant 0 : i32
      %dma_wait3A_162 = tpu.memref_slice %arg2[%dma_wait3A_160, %dma_wait3A_161] : memref<10240x128xf32, #tpu.memory_space<hbm>> -> memref<10240x128xf32, #tpu.memory_space<hbm>>
      tpu.wait_indirect_dma semaphore(%arg18 : memref<!tpu.dma_semaphore, #tpu.memory_space<semaphore_mem>>) src(%dma_wait3A_162 : memref<10240x128xf32, #tpu.memory_space<hbm>>) dst(%arg16 : memref<128x128xf32, #tpu.memory_space<vmem>>)
      %dma_start3A_163 = arith.constant 0 : i32
      %dma_start3A_164 = arith.constant 0 : i32
      %dma_start3A_165 = tpu.memref_slice %arg17[%dma_start3A_163, %dma_start3A_164] : memref<10240x128xf32, #tpu.memory_space<vmem_shared>> -> memref<10240x128xf32, #tpu.memory_space<vmem_shared>>
      tpu.enqueue_indirect_dma source(%arg16 : memref<128x128xf32, #tpu.memory_space<vmem>>) target(%dma_start3A_165 : memref<10240x128xf32, #tpu.memory_space<vmem_shared>>) offsets(%arg14 : memref<128xi32, #tpu.memory_space<vmem>>) semaphore(%arg19 : memref<!tpu.dma_semaphore, #tpu.memory_space<semaphore_mem>>) {add = true}
    }
    %scan3A_44 = arith.constant 20 : i32
    %dma_wait3A_45 = arith.constant 0 : i32
    %dma_wait3A_46 = arith.constant 0 : i32
    %dma_wait3A_47 = tpu.memref_slice %arg17[%dma_wait3A_45, %dma_wait3A_46] : memref<10240x128xf32, #tpu.memory_space<vmem_shared>> -> memref<10240x128xf32, #tpu.memory_space<vmem_shared>>
    tpu.wait_indirect_dma semaphore(%arg19 : memref<!tpu.dma_semaphore, #tpu.memory_space<semaphore_mem>>) src(%arg16 : memref<128x128xf32, #tpu.memory_space<vmem>>) dst(%dma_wait3A_47 : memref<10240x128xf32, #tpu.memory_space<vmem_shared>>)
    %barrier3A_48 = arith.constant 0 : index
    tpu.barrier barrier_id(%barrier3A_48)
    %add3A_49 = arith.constant 0 : i32
    %add3A_50 = arith.addi %mul3A_2, %add3A_49 : i32
    "tpu.region"() ({
      %run_scoped3A = tpu.sem_alloc : memref<!tpu.dma_semaphore, #tpu.memory_space<semaphore_mem>>
      %dma_start3A_59 = arith.constant 0 : i32
      %dma_start3A_60 = tpu.memref_slice %arg6[%arg0, %add3A_50, %dma_start3A_59] : memref<2x10240x128xf32, #tpu.memory_space<hbm>> -> memref<1x128x128xf32, #tpu.memory_space<hbm>>
      %dma_start3A_61 = tpu.memref_squeeze %dma_start3A_60 : memref<1x128x128xf32, #tpu.memory_space<hbm>> -> memref<128x128xf32, #tpu.memory_space<hbm>>
      %dma_start3A_62 = arith.constant 0 : i32
      %dma_start3A_63 = tpu.memref_slice %arg17[%add3A_50, %dma_start3A_62] : memref<10240x128xf32, #tpu.memory_space<vmem_shared>> -> memref<128x128xf32, #tpu.memory_space<vmem_shared>>
      tpu.enqueue_dma source(%dma_start3A_63 : memref<128x128xf32, #tpu.memory_space<vmem_shared>>) target(%dma_start3A_61 : memref<128x128xf32, #tpu.memory_space<hbm>>) target_semaphore(%run_scoped3A : memref<!tpu.dma_semaphore, #tpu.memory_space<semaphore_mem>>)
      %dma_wait3A_64 = arith.constant 0 : i32
      %dma_wait3A_65 = tpu.memref_slice %arg6[%arg0, %add3A_50, %dma_wait3A_64] : memref<2x10240x128xf32, #tpu.memory_space<hbm>> -> memref<1x128x128xf32, #tpu.memory_space<hbm>>
      %dma_wait3A_66 = tpu.memref_squeeze %dma_wait3A_65 : memref<1x128x128xf32, #tpu.memory_space<hbm>> -> memref<128x128xf32, #tpu.memory_space<hbm>>
      %dma_wait3A_67 = arith.constant 0 : i32
      %dma_wait3A_68 = tpu.memref_slice %arg17[%add3A_50, %dma_wait3A_67] : memref<10240x128xf32, #tpu.memory_space<vmem_shared>> -> memref<128x128xf32, #tpu.memory_space<vmem_shared>>
      tpu.wait_dma2 semaphore(%run_scoped3A : memref<!tpu.dma_semaphore, #tpu.memory_space<semaphore_mem>>) src(%dma_wait3A_68 : memref<128x128xf32, #tpu.memory_space<vmem_shared>>) dst(%dma_wait3A_66 : memref<128x128xf32, #tpu.memory_space<hbm>>)
      tpu.yield
    }) : () -> ()
    %add3A_51 = arith.constant 128 : i32
    %add3A_52 = arith.addi %mul3A_2, %add3A_51 : i32
    "tpu.region"() ({
      %run_scoped3A = tpu.sem_alloc : memref<!tpu.dma_semaphore, #tpu.memory_space<semaphore_mem>>
      %dma_start3A_59 = arith.constant 0 : i32
      %dma_start3A_60 = tpu.memref_slice %arg6[%arg0, %add3A_52, %dma_start3A_59] : memref<2x10240x128xf32, #tpu.memory_space<hbm>> -> memref<1x128x128xf32, #tpu.memory_space<hbm>>
      %dma_start3A_61 = tpu.memref_squeeze %dma_start3A_60 : memref<1x128x128xf32, #tpu.memory_space<hbm>> -> memref<128x128xf32, #tpu.memory_space<hbm>>
      %dma_start3A_62 = arith.constant 0 : i32
      %dma_start3A_63 = tpu.memref_slice %arg17[%add3A_52, %dma_start3A_62] : memref<10240x128xf32, #tpu.memory_space<vmem_shared>> -> memref<128x128xf32, #tpu.memory_space<vmem_shared>>
      tpu.enqueue_dma source(%dma_start3A_63 : memref<128x128xf32, #tpu.memory_space<vmem_shared>>) target(%dma_start3A_61 : memref<128x128xf32, #tpu.memory_space<hbm>>) target_semaphore(%run_scoped3A : memref<!tpu.dma_semaphore, #tpu.memory_space<semaphore_mem>>)
      %dma_wait3A_64 = arith.constant 0 : i32
      %dma_wait3A_65 = tpu.memref_slice %arg6[%arg0, %add3A_52, %dma_wait3A_64] : memref<2x10240x128xf32, #tpu.memory_space<hbm>> -> memref<1x128x128xf32, #tpu.memory_space<hbm>>
      %dma_wait3A_66 = tpu.memref_squeeze %dma_wait3A_65 : memref<1x128x128xf32, #tpu.memory_space<hbm>> -> memref<128x128xf32, #tpu.memory_space<hbm>>
      %dma_wait3A_67 = arith.constant 0 : i32
      %dma_wait3A_68 = tpu.memref_slice %arg17[%add3A_52, %dma_wait3A_67] : memref<10240x128xf32, #tpu.memory_space<vmem_shared>> -> memref<128x128xf32, #tpu.memory_space<vmem_shared>>
      tpu.wait_dma2 semaphore(%run_scoped3A : memref<!tpu.dma_semaphore, #tpu.memory_space<semaphore_mem>>) src(%dma_wait3A_68 : memref<128x128xf32, #tpu.memory_space<vmem_shared>>) dst(%dma_wait3A_66 : memref<128x128xf32, #tpu.memory_space<hbm>>)
      tpu.yield
    }) : () -> ()
    %add3A_53 = arith.constant 256 : i32
    %add3A_54 = arith.addi %mul3A_2, %add3A_53 : i32
    "tpu.region"() ({
      %run_scoped3A = tpu.sem_alloc : memref<!tpu.dma_semaphore, #tpu.memory_space<semaphore_mem>>
      %dma_start3A_59 = arith.constant 0 : i32
      %dma_start3A_60 = tpu.memref_slice %arg6[%arg0, %add3A_54, %dma_start3A_59] : memref<2x10240x128xf32, #tpu.memory_space<hbm>> -> memref<1x128x128xf32, #tpu.memory_space<hbm>>
      %dma_start3A_61 = tpu.memref_squeeze %dma_start3A_60 : memref<1x128x128xf32, #tpu.memory_space<hbm>> -> memref<128x128xf32, #tpu.memory_space<hbm>>
      %dma_start3A_62 = arith.constant 0 : i32
      %dma_start3A_63 = tpu.memref_slice %arg17[%add3A_54, %dma_start3A_62] : memref<10240x128xf32, #tpu.memory_space<vmem_shared>> -> memref<128x128xf32, #tpu.memory_space<vmem_shared>>
      tpu.enqueue_dma source(%dma_start3A_63 : memref<128x128xf32, #tpu.memory_space<vmem_shared>>) target(%dma_start3A_61 : memref<128x128xf32, #tpu.memory_space<hbm>>) target_semaphore(%run_scoped3A : memref<!tpu.dma_semaphore, #tpu.memory_space<semaphore_mem>>)
      %dma_wait3A_64 = arith.constant 0 : i32
      %dma_wait3A_65 = tpu.memref_slice %arg6[%arg0, %add3A_54, %dma_wait3A_64] : memref<2x10240x128xf32, #tpu.memory_space<hbm>> -> memref<1x128x128xf32, #tpu.memory_space<hbm>>
      %dma_wait3A_66 = tpu.memref_squeeze %dma_wait3A_65 : memref<1x128x128xf32, #tpu.memory_space<hbm>> -> memref<128x128xf32, #tpu.memory_space<hbm>>
      %dma_wait3A_67 = arith.constant 0 : i32
      %dma_wait3A_68 = tpu.memref_slice %arg17[%add3A_54, %dma_wait3A_67] : memref<10240x128xf32, #tpu.memory_space<vmem_shared>> -> memref<128x128xf32, #tpu.memory_space<vmem_shared>>
      tpu.wait_dma2 semaphore(%run_scoped3A : memref<!tpu.dma_semaphore, #tpu.memory_space<semaphore_mem>>) src(%dma_wait3A_68 : memref<128x128xf32, #tpu.memory_space<vmem_shared>>) dst(%dma_wait3A_66 : memref<128x128xf32, #tpu.memory_space<hbm>>)
      tpu.yield
    }) : () -> ()
    %add3A_55 = arith.constant 384 : i32
    %add3A_56 = arith.addi %mul3A_2, %add3A_55 : i32
    "tpu.region"() ({
      %run_scoped3A = tpu.sem_alloc : memref<!tpu.dma_semaphore, #tpu.memory_space<semaphore_mem>>
      %dma_start3A_59 = arith.constant 0 : i32
      %dma_start3A_60 = tpu.memref_slice %arg6[%arg0, %add3A_56, %dma_start3A_59] : memref<2x10240x128xf32, #tpu.memory_space<hbm>> -> memref<1x128x128xf32, #tpu.memory_space<hbm>>
      %dma_start3A_61 = tpu.memref_squeeze %dma_start3A_60 : memref<1x128x128xf32, #tpu.memory_space<hbm>> -> memref<128x128xf32, #tpu.memory_space<hbm>>
      %dma_start3A_62 = arith.constant 0 : i32
      %dma_start3A_63 = tpu.memref_slice %arg17[%add3A_56, %dma_start3A_62] : memref<10240x128xf32, #tpu.memory_space<vmem_shared>> -> memref<128x128xf32, #tpu.memory_space<vmem_shared>>
      tpu.enqueue_dma source(%dma_start3A_63 : memref<128x128xf32, #tpu.memory_space<vmem_shared>>) target(%dma_start3A_61 : memref<128x128xf32, #tpu.memory_space<hbm>>) target_semaphore(%run_scoped3A : memref<!tpu.dma_semaphore, #tpu.memory_space<semaphore_mem>>)
      %dma_wait3A_64 = arith.constant 0 : i32
      %dma_wait3A_65 = tpu.memref_slice %arg6[%arg0, %add3A_56, %dma_wait3A_64] : memref<2x10240x128xf32, #tpu.memory_space<hbm>> -> memref<1x128x128xf32, #tpu.memory_space<hbm>>
      %dma_wait3A_66 = tpu.memref_squeeze %dma_wait3A_65 : memref<1x128x128xf32, #tpu.memory_space<hbm>> -> memref<128x128xf32, #tpu.memory_space<hbm>>
      %dma_wait3A_67 = arith.constant 0 : i32
      %dma_wait3A_68 = tpu.memref_slice %arg17[%add3A_56, %dma_wait3A_67] : memref<10240x128xf32, #tpu.memory_space<vmem_shared>> -> memref<128x128xf32, #tpu.memory_space<vmem_shared>>
      tpu.wait_dma2 semaphore(%run_scoped3A : memref<!tpu.dma_semaphore, #tpu.memory_space<semaphore_mem>>) src(%dma_wait3A_68 : memref<128x128xf32, #tpu.memory_space<vmem_shared>>) dst(%dma_wait3A_66 : memref<128x128xf32, #tpu.memory_space<hbm>>)
      tpu.yield
    }) : () -> ()
    %add3A_57 = arith.constant 512 : i32
    %add3A_58 = arith.addi %mul3A_2, %add3A_57 : i32
    "tpu.region"() ({
      %run_scoped3A = tpu.sem_alloc : memref<!tpu.dma_semaphore, #tpu.memory_space<semaphore_mem>>
      %dma_start3A_59 = arith.constant 0 : i32
      %dma_start3A_60 = tpu.memref_slice %arg6[%arg0, %add3A_58, %dma_start3A_59] : memref<2x10240x128xf32, #tpu.memory_space<hbm>> -> memref<1x128x128xf32, #tpu.memory_space<hbm>>
      %dma_start3A_61 = tpu.memref_squeeze %dma_start3A_60 : memref<1x128x128xf32, #tpu.memory_space<hbm>> -> memref<128x128xf32, #tpu.memory_space<hbm>>
      %dma_start3A_62 = arith.constant 0 : i32
      %dma_start3A_63 = tpu.memref_slice %arg17[%add3A_58, %dma_start3A_62] : memref<10240x128xf32, #tpu.memory_space<vmem_shared>> -> memref<128x128xf32, #tpu.memory_space<vmem_shared>>
      tpu.enqueue_dma source(%dma_start3A_63 : memref<128x128xf32, #tpu.memory_space<vmem_shared>>) target(%dma_start3A_61 : memref<128x128xf32, #tpu.memory_space<hbm>>) target_semaphore(%run_scoped3A : memref<!tpu.dma_semaphore, #tpu.memory_space<semaphore_mem>>)
      %dma_wait3A_64 = arith.constant 0 : i32
      %dma_wait3A_65 = tpu.memref_slice %arg6[%arg0, %add3A_58, %dma_wait3A_64] : memref<2x10240x128xf32, #tpu.memory_space<hbm>> -> memref<1x128x128xf32, #tpu.memory_space<hbm>>
      %dma_wait3A_66 = tpu.memref_squeeze %dma_wait3A_65 : memref<1x128x128xf32, #tpu.memory_space<hbm>> -> memref<128x128xf32, #tpu.memory_space<hbm>>
      %dma_wait3A_67 = arith.constant 0 : i32
      %dma_wait3A_68 = tpu.memref_slice %arg17[%add3A_58, %dma_wait3A_67] : memref<10240x128xf32, #tpu.memory_space<vmem_shared>> -> memref<128x128xf32, #tpu.memory_space<vmem_shared>>
      tpu.wait_dma2 semaphore(%run_scoped3A : memref<!tpu.dma_semaphore, #tpu.memory_space<semaphore_mem>>) src(%dma_wait3A_68 : memref<128x128xf32, #tpu.memory_space<vmem_shared>>) dst(%dma_wait3A_66 : memref<128x128xf32, #tpu.memory_space<hbm>>)
      tpu.yield
    }) : () -> ()
    return
  }
}

#map = affine_map<(d0, d1) -> (0, 0)>
#map1 = affine_map<(d0, d1) -> (0)>
#map2 = affine_map<(d0, d1) -> (0, 0, 0)>
module attributes {stable_mosaic.version = 14 : i64} {
  func.func @_agg(%arg0: i32, %arg1: i32, %arg2: memref<10240x128xf32, #tpu.memory_space<hbm>>, %arg3: memref<327680xi32, #tpu.memory_space<hbm>>, %arg4: memref<327680xi32, #tpu.memory_space<hbm>>, %arg5: memref<128x128xf32, #tpu.memory_space<hbm>>, %arg6: memref<2x10240x128xf32, #tpu.memory_space<hbm>>, %arg7: memref<128xi32, #tpu.memory_space<vmem>>, %arg8: memref<128xi32, #tpu.memory_space<vmem>>, %arg9: memref<128xi32, #tpu.memory_space<vmem>>, %arg10: memref<128xi32, #tpu.memory_space<vmem>>, %arg11: memref<128xi32, #tpu.memory_space<vmem>>, %arg12: memref<128xi32, #tpu.memory_space<vmem>>, %arg13: memref<128xi32, #tpu.memory_space<vmem>>, %arg14: memref<128xi32, #tpu.memory_space<vmem>>, %arg15: memref<128x128xf32, #tpu.memory_space<vmem>>, %arg16: memref<128x128xf32, #tpu.memory_space<vmem>>, %arg17: memref<10240x128xf32, #tpu.memory_space<vmem_shared>>, %arg18: memref<!tpu.dma_semaphore, #tpu.memory_space<semaphore_mem>>, %arg19: memref<!tpu.dma_semaphore, #tpu.memory_space<semaphore_mem>>, %arg20: memref<!tpu.dma_semaphore, #tpu.memory_space<semaphore_mem>>, %arg21: memref<!tpu.dma_semaphore, #tpu.memory_space<semaphore_mem>>) attributes {dimension_semantics = [#tpu.dimension_semantics<core_parallel>, #tpu.dimension_semantics<subcore_parallel>], iteration_bounds = array<i64: 2, 16>, scalar_prefetch = 0 : i64, scratch_operands = 15 : i64, tpu.core_type = #tpu.core_type<sc_vector_subcore>, window_params = [{transform_indices = #map}, {transform_indices = #map1}, {transform_indices = #map1}, {transform_indices = #map}, {transform_indices = #map2}]} {
    %mul3A = arith.constant 16 : i32
    %mul3A_0 = arith.muli %arg0, %mul3A : i32
    %add3A = arith.addi %mul3A_0, %arg1 : i32
    %mul3A_1 = arith.constant 640 : i32
    %mul3A_2 = arith.muli %arg1, %mul3A_1 : i32
    %mul3A_3 = arith.constant 10240 : i32
    %mul3A_4 = arith.muli %add3A, %mul3A_3 : i32
    "tpu.region"() ({
      %run_scoped3A = tpu.sem_alloc : memref<!tpu.dma_semaphore, #tpu.memory_space<semaphore_mem>>
      tpu.enqueue_dma source(%arg5 : memref<128x128xf32, #tpu.memory_space<hbm>>) target(%arg15 : memref<128x128xf32, #tpu.memory_space<vmem>>) target_semaphore(%run_scoped3A : memref<!tpu.dma_semaphore, #tpu.memory_space<semaphore_mem>>)
      tpu.wait_dma2 semaphore(%run_scoped3A : memref<!tpu.dma_semaphore, #tpu.memory_space<semaphore_mem>>) src(%arg5 : memref<128x128xf32, #tpu.memory_space<hbm>>) dst(%arg15 : memref<128x128xf32, #tpu.memory_space<vmem>>)
      tpu.yield
    }) : () -> ()
    %add3A_5 = arith.constant 0 : i32
    %add3A_6 = arith.addi %mul3A_2, %add3A_5 : i32
    "tpu.region"() ({
      %run_scoped3A = tpu.sem_alloc : memref<!tpu.dma_semaphore, #tpu.memory_space<semaphore_mem>>
      %dma_start3A_59 = arith.constant 0 : i32
      %dma_start3A_60 = tpu.memref_slice %arg17[%add3A_6, %dma_start3A_59] : memref<10240x128xf32, #tpu.memory_space<vmem_shared>> -> memref<128x128xf32, #tpu.memory_space<vmem_shared>>
      %dma_start3A_61 = arith.constant 0 : i32
      %dma_start3A_62 = tpu.memref_slice %arg17[%add3A_6, %dma_start3A_61] : memref<10240x128xf32, #tpu.memory_space<vmem_shared>> -> memref<128x128xf32, #tpu.memory_space<vmem_shared>>
      tpu.enqueue_dma source(%arg15 : memref<128x128xf32, #tpu.memory_space<vmem>>) target(%dma_start3A_62 : memref<128x128xf32, #tpu.memory_space<vmem_shared>>) target_semaphore(%run_scoped3A : memref<!tpu.dma_semaphore, #tpu.memory_space<semaphore_mem>>)
      %dma_wait3A_63 = arith.constant 0 : i32
      %dma_wait3A_64 = tpu.memref_slice %arg17[%add3A_6, %dma_wait3A_63] : memref<10240x128xf32, #tpu.memory_space<vmem_shared>> -> memref<128x128xf32, #tpu.memory_space<vmem_shared>>
      %dma_wait3A_65 = arith.constant 0 : i32
      %dma_wait3A_66 = tpu.memref_slice %arg17[%add3A_6, %dma_wait3A_65] : memref<10240x128xf32, #tpu.memory_space<vmem_shared>> -> memref<128x128xf32, #tpu.memory_space<vmem_shared>>
      tpu.wait_dma2 semaphore(%run_scoped3A : memref<!tpu.dma_semaphore, #tpu.memory_space<semaphore_mem>>) src(%arg15 : memref<128x128xf32, #tpu.memory_space<vmem>>) dst(%dma_wait3A_66 : memref<128x128xf32, #tpu.memory_space<vmem_shared>>)
      tpu.yield
    }) : () -> ()
    %add3A_7 = arith.constant 128 : i32
    %add3A_8 = arith.addi %mul3A_2, %add3A_7 : i32
    "tpu.region"() ({
      %run_scoped3A = tpu.sem_alloc : memref<!tpu.dma_semaphore, #tpu.memory_space<semaphore_mem>>
      %dma_start3A_59 = arith.constant 0 : i32
      %dma_start3A_60 = tpu.memref_slice %arg17[%add3A_8, %dma_start3A_59] : memref<10240x128xf32, #tpu.memory_space<vmem_shared>> -> memref<128x128xf32, #tpu.memory_space<vmem_shared>>
      %dma_start3A_61 = arith.constant 0 : i32
      %dma_start3A_62 = tpu.memref_slice %arg17[%add3A_8, %dma_start3A_61] : memref<10240x128xf32, #tpu.memory_space<vmem_shared>> -> memref<128x128xf32, #tpu.memory_space<vmem_shared>>
      tpu.enqueue_dma source(%arg15 : memref<128x128xf32, #tpu.memory_space<vmem>>) target(%dma_start3A_62 : memref<128x128xf32, #tpu.memory_space<vmem_shared>>) target_semaphore(%run_scoped3A : memref<!tpu.dma_semaphore, #tpu.memory_space<semaphore_mem>>)
      %dma_wait3A_63 = arith.constant 0 : i32
      %dma_wait3A_64 = tpu.memref_slice %arg17[%add3A_8, %dma_wait3A_63] : memref<10240x128xf32, #tpu.memory_space<vmem_shared>> -> memref<128x128xf32, #tpu.memory_space<vmem_shared>>
      %dma_wait3A_65 = arith.constant 0 : i32
      %dma_wait3A_66 = tpu.memref_slice %arg17[%add3A_8, %dma_wait3A_65] : memref<10240x128xf32, #tpu.memory_space<vmem_shared>> -> memref<128x128xf32, #tpu.memory_space<vmem_shared>>
      tpu.wait_dma2 semaphore(%run_scoped3A : memref<!tpu.dma_semaphore, #tpu.memory_space<semaphore_mem>>) src(%arg15 : memref<128x128xf32, #tpu.memory_space<vmem>>) dst(%dma_wait3A_66 : memref<128x128xf32, #tpu.memory_space<vmem_shared>>)
      tpu.yield
    }) : () -> ()
    %add3A_9 = arith.constant 256 : i32
    %add3A_10 = arith.addi %mul3A_2, %add3A_9 : i32
    "tpu.region"() ({
      %run_scoped3A = tpu.sem_alloc : memref<!tpu.dma_semaphore, #tpu.memory_space<semaphore_mem>>
      %dma_start3A_59 = arith.constant 0 : i32
      %dma_start3A_60 = tpu.memref_slice %arg17[%add3A_10, %dma_start3A_59] : memref<10240x128xf32, #tpu.memory_space<vmem_shared>> -> memref<128x128xf32, #tpu.memory_space<vmem_shared>>
      %dma_start3A_61 = arith.constant 0 : i32
      %dma_start3A_62 = tpu.memref_slice %arg17[%add3A_10, %dma_start3A_61] : memref<10240x128xf32, #tpu.memory_space<vmem_shared>> -> memref<128x128xf32, #tpu.memory_space<vmem_shared>>
      tpu.enqueue_dma source(%arg15 : memref<128x128xf32, #tpu.memory_space<vmem>>) target(%dma_start3A_62 : memref<128x128xf32, #tpu.memory_space<vmem_shared>>) target_semaphore(%run_scoped3A : memref<!tpu.dma_semaphore, #tpu.memory_space<semaphore_mem>>)
      %dma_wait3A_63 = arith.constant 0 : i32
      %dma_wait3A_64 = tpu.memref_slice %arg17[%add3A_10, %dma_wait3A_63] : memref<10240x128xf32, #tpu.memory_space<vmem_shared>> -> memref<128x128xf32, #tpu.memory_space<vmem_shared>>
      %dma_wait3A_65 = arith.constant 0 : i32
      %dma_wait3A_66 = tpu.memref_slice %arg17[%add3A_10, %dma_wait3A_65] : memref<10240x128xf32, #tpu.memory_space<vmem_shared>> -> memref<128x128xf32, #tpu.memory_space<vmem_shared>>
      tpu.wait_dma2 semaphore(%run_scoped3A : memref<!tpu.dma_semaphore, #tpu.memory_space<semaphore_mem>>) src(%arg15 : memref<128x128xf32, #tpu.memory_space<vmem>>) dst(%dma_wait3A_66 : memref<128x128xf32, #tpu.memory_space<vmem_shared>>)
      tpu.yield
    }) : () -> ()
    %add3A_11 = arith.constant 384 : i32
    %add3A_12 = arith.addi %mul3A_2, %add3A_11 : i32
    "tpu.region"() ({
      %run_scoped3A = tpu.sem_alloc : memref<!tpu.dma_semaphore, #tpu.memory_space<semaphore_mem>>
      %dma_start3A_59 = arith.constant 0 : i32
      %dma_start3A_60 = tpu.memref_slice %arg17[%add3A_12, %dma_start3A_59] : memref<10240x128xf32, #tpu.memory_space<vmem_shared>> -> memref<128x128xf32, #tpu.memory_space<vmem_shared>>
      %dma_start3A_61 = arith.constant 0 : i32
      %dma_start3A_62 = tpu.memref_slice %arg17[%add3A_12, %dma_start3A_61] : memref<10240x128xf32, #tpu.memory_space<vmem_shared>> -> memref<128x128xf32, #tpu.memory_space<vmem_shared>>
      tpu.enqueue_dma source(%arg15 : memref<128x128xf32, #tpu.memory_space<vmem>>) target(%dma_start3A_62 : memref<128x128xf32, #tpu.memory_space<vmem_shared>>) target_semaphore(%run_scoped3A : memref<!tpu.dma_semaphore, #tpu.memory_space<semaphore_mem>>)
      %dma_wait3A_63 = arith.constant 0 : i32
      %dma_wait3A_64 = tpu.memref_slice %arg17[%add3A_12, %dma_wait3A_63] : memref<10240x128xf32, #tpu.memory_space<vmem_shared>> -> memref<128x128xf32, #tpu.memory_space<vmem_shared>>
      %dma_wait3A_65 = arith.constant 0 : i32
      %dma_wait3A_66 = tpu.memref_slice %arg17[%add3A_12, %dma_wait3A_65] : memref<10240x128xf32, #tpu.memory_space<vmem_shared>> -> memref<128x128xf32, #tpu.memory_space<vmem_shared>>
      tpu.wait_dma2 semaphore(%run_scoped3A : memref<!tpu.dma_semaphore, #tpu.memory_space<semaphore_mem>>) src(%arg15 : memref<128x128xf32, #tpu.memory_space<vmem>>) dst(%dma_wait3A_66 : memref<128x128xf32, #tpu.memory_space<vmem_shared>>)
      tpu.yield
    }) : () -> ()
    %add3A_13 = arith.constant 512 : i32
    %add3A_14 = arith.addi %mul3A_2, %add3A_13 : i32
    "tpu.region"() ({
      %run_scoped3A = tpu.sem_alloc : memref<!tpu.dma_semaphore, #tpu.memory_space<semaphore_mem>>
      %dma_start3A_59 = arith.constant 0 : i32
      %dma_start3A_60 = tpu.memref_slice %arg17[%add3A_14, %dma_start3A_59] : memref<10240x128xf32, #tpu.memory_space<vmem_shared>> -> memref<128x128xf32, #tpu.memory_space<vmem_shared>>
      %dma_start3A_61 = arith.constant 0 : i32
      %dma_start3A_62 = tpu.memref_slice %arg17[%add3A_14, %dma_start3A_61] : memref<10240x128xf32, #tpu.memory_space<vmem_shared>> -> memref<128x128xf32, #tpu.memory_space<vmem_shared>>
      tpu.enqueue_dma source(%arg15 : memref<128x128xf32, #tpu.memory_space<vmem>>) target(%dma_start3A_62 : memref<128x128xf32, #tpu.memory_space<vmem_shared>>) target_semaphore(%run_scoped3A : memref<!tpu.dma_semaphore, #tpu.memory_space<semaphore_mem>>)
      %dma_wait3A_63 = arith.constant 0 : i32
      %dma_wait3A_64 = tpu.memref_slice %arg17[%add3A_14, %dma_wait3A_63] : memref<10240x128xf32, #tpu.memory_space<vmem_shared>> -> memref<128x128xf32, #tpu.memory_space<vmem_shared>>
      %dma_wait3A_65 = arith.constant 0 : i32
      %dma_wait3A_66 = tpu.memref_slice %arg17[%add3A_14, %dma_wait3A_65] : memref<10240x128xf32, #tpu.memory_space<vmem_shared>> -> memref<128x128xf32, #tpu.memory_space<vmem_shared>>
      tpu.wait_dma2 semaphore(%run_scoped3A : memref<!tpu.dma_semaphore, #tpu.memory_space<semaphore_mem>>) src(%arg15 : memref<128x128xf32, #tpu.memory_space<vmem>>) dst(%dma_wait3A_66 : memref<128x128xf32, #tpu.memory_space<vmem_shared>>)
      tpu.yield
    }) : () -> ()
    %barrier3A = arith.constant 0 : index
    tpu.barrier barrier_id(%barrier3A)
    %add3A_15 = arith.constant 0 : i32
    %add3A_16 = arith.addi %mul3A_4, %add3A_15 : i32
    %dma_start3A = tpu.memref_slice %arg3[%add3A_16] : memref<327680xi32, #tpu.memory_space<hbm>> -> memref<128xi32, #tpu.memory_space<hbm>>
    %dma_start3A_17 = tpu.memref_slice %arg3[%add3A_16] : memref<327680xi32, #tpu.memory_space<hbm>> -> memref<128xi32, #tpu.memory_space<hbm>>
    tpu.enqueue_dma source(%dma_start3A_17 : memref<128xi32, #tpu.memory_space<hbm>>) target(%arg7 : memref<128xi32, #tpu.memory_space<vmem>>) target_semaphore(%arg20 : memref<!tpu.dma_semaphore, #tpu.memory_space<semaphore_mem>>)
    %add3A_18 = arith.constant 0 : i32
    %add3A_19 = arith.addi %mul3A_4, %add3A_18 : i32
    %dma_start3A_20 = tpu.memref_slice %arg4[%add3A_19] : memref<327680xi32, #tpu.memory_space<hbm>> -> memref<128xi32, #tpu.memory_space<hbm>>
    %dma_start3A_21 = tpu.memref_slice %arg4[%add3A_19] : memref<327680xi32, #tpu.memory_space<hbm>> -> memref<128xi32, #tpu.memory_space<hbm>>
    tpu.enqueue_dma source(%dma_start3A_21 : memref<128xi32, #tpu.memory_space<hbm>>) target(%arg11 : memref<128xi32, #tpu.memory_space<vmem>>) target_semaphore(%arg20 : memref<!tpu.dma_semaphore, #tpu.memory_space<semaphore_mem>>)
    %add3A_22 = arith.constant 128 : i32
    %add3A_23 = arith.addi %mul3A_4, %add3A_22 : i32
    %dma_start3A_24 = tpu.memref_slice %arg3[%add3A_23] : memref<327680xi32, #tpu.memory_space<hbm>> -> memref<128xi32, #tpu.memory_space<hbm>>
    %dma_start3A_25 = tpu.memref_slice %arg3[%add3A_23] : memref<327680xi32, #tpu.memory_space<hbm>> -> memref<128xi32, #tpu.memory_space<hbm>>
    tpu.enqueue_dma source(%dma_start3A_25 : memref<128xi32, #tpu.memory_space<hbm>>) target(%arg8 : memref<128xi32, #tpu.memory_space<vmem>>) target_semaphore(%arg21 : memref<!tpu.dma_semaphore, #tpu.memory_space<semaphore_mem>>)
    %add3A_26 = arith.constant 128 : i32
    %add3A_27 = arith.addi %mul3A_4, %add3A_26 : i32
    %dma_start3A_28 = tpu.memref_slice %arg4[%add3A_27] : memref<327680xi32, #tpu.memory_space<hbm>> -> memref<128xi32, #tpu.memory_space<hbm>>
    %dma_start3A_29 = tpu.memref_slice %arg4[%add3A_27] : memref<327680xi32, #tpu.memory_space<hbm>> -> memref<128xi32, #tpu.memory_space<hbm>>
    tpu.enqueue_dma source(%dma_start3A_29 : memref<128xi32, #tpu.memory_space<hbm>>) target(%arg12 : memref<128xi32, #tpu.memory_space<vmem>>) target_semaphore(%arg21 : memref<!tpu.dma_semaphore, #tpu.memory_space<semaphore_mem>>)
    %dma_wait3A = arith.constant 0 : i32
    %dma_wait3A_30 = tpu.memref_slice %arg3[%dma_wait3A] : memref<327680xi32, #tpu.memory_space<hbm>> -> memref<128xi32, #tpu.memory_space<hbm>>
    %dma_wait3A_31 = arith.constant 0 : i32
    %dma_wait3A_32 = tpu.memref_slice %arg3[%dma_wait3A_31] : memref<327680xi32, #tpu.memory_space<hbm>> -> memref<128xi32, #tpu.memory_space<hbm>>
    tpu.wait_dma2 semaphore(%arg20 : memref<!tpu.dma_semaphore, #tpu.memory_space<semaphore_mem>>) src(%dma_wait3A_32 : memref<128xi32, #tpu.memory_space<hbm>>) dst(%arg7 : memref<128xi32, #tpu.memory_space<vmem>>)
    %dma_wait3A_33 = arith.constant 0 : i32
    %dma_wait3A_34 = tpu.memref_slice %arg4[%dma_wait3A_33] : memref<327680xi32, #tpu.memory_space<hbm>> -> memref<128xi32, #tpu.memory_space<hbm>>
    %dma_wait3A_35 = arith.constant 0 : i32
    %dma_wait3A_36 = tpu.memref_slice %arg4[%dma_wait3A_35] : memref<327680xi32, #tpu.memory_space<hbm>> -> memref<128xi32, #tpu.memory_space<hbm>>
    tpu.wait_dma2 semaphore(%arg20 : memref<!tpu.dma_semaphore, #tpu.memory_space<semaphore_mem>>) src(%dma_wait3A_36 : memref<128xi32, #tpu.memory_space<hbm>>) dst(%arg11 : memref<128xi32, #tpu.memory_space<vmem>>)
    %dma_start3A_37 = arith.constant 0 : i32
    %dma_start3A_38 = arith.constant 0 : i32
    %dma_start3A_39 = tpu.memref_slice %arg2[%dma_start3A_37, %dma_start3A_38] : memref<10240x128xf32, #tpu.memory_space<hbm>> -> memref<10240x128xf32, #tpu.memory_space<hbm>>
    tpu.enqueue_indirect_dma source(%dma_start3A_39 : memref<10240x128xf32, #tpu.memory_space<hbm>>) target(%arg15 : memref<128x128xf32, #tpu.memory_space<vmem>>) offsets(%arg7 : memref<128xi32, #tpu.memory_space<vmem>>) semaphore(%arg18 : memref<!tpu.dma_semaphore, #tpu.memory_space<semaphore_mem>>)
    %scan3A = arith.constant 0 : i32
    %scan3A_40 = arith.constant 0 : i32
    %scan3A_41 = arith.constant 20 : i32
    %scan3A_42 = arith.addi %scan3A_40, %scan3A_41 : i32
    %scan3A_43 = arith.constant 1 : i32
    scf.for %scan3A_59 = %scan3A_40 to %scan3A_42 step %scan3A_43  : i32 {
      %mul3A_60 = arith.constant 4 : i32
      %mul3A_61 = arith.muli %mul3A_60, %scan3A_59 : i32
      %add3A_62 = arith.constant 0 : i32
      %add3A_63 = arith.addi %mul3A_61, %add3A_62 : i32
      %gt3A = arith.constant 0 : i32
      %gt3A_64 = arith.cmpi sgt, %add3A_63, %gt3A : i32
      %convert_element_type3A = arith.extui %gt3A_64 : i1 to i32
      %cond3A = arith.constant 0 : i32
      %cond3A_65 = arith.cmpi ne, %convert_element_type3A, %cond3A : i32
      scf.if %cond3A_65 {
        %dma_wait3A_166 = arith.constant 0 : i32
        %dma_wait3A_167 = arith.constant 0 : i32
        %dma_wait3A_168 = tpu.memref_slice %arg17[%dma_wait3A_166, %dma_wait3A_167] : memref<10240x128xf32, #tpu.memory_space<vmem_shared>> -> memref<10240x128xf32, #tpu.memory_space<vmem_shared>>
        tpu.wait_indirect_dma semaphore(%arg19 : memref<!tpu.dma_semaphore, #tpu.memory_space<semaphore_mem>>) src(%arg16 : memref<128x128xf32, #tpu.memory_space<vmem>>) dst(%dma_wait3A_168 : memref<10240x128xf32, #tpu.memory_space<vmem_shared>>)
      } else {
      }
      %add3A_66 = arith.constant 2 : i32
      %add3A_67 = arith.addi %add3A_63, %add3A_66 : i32
      %lt3A = arith.constant 80 : i32
      %lt3A_68 = arith.cmpi slt, %add3A_67, %lt3A : i32
      %convert_element_type3A_69 = arith.extui %lt3A_68 : i1 to i32
      %cond3A_70 = arith.constant 0 : i32
      %cond3A_71 = arith.cmpi ne, %convert_element_type3A_69, %cond3A_70 : i32
      scf.if %cond3A_71 {
        %add3A_166 = arith.constant 2 : i32
        %add3A_167 = arith.addi %add3A_63, %add3A_166 : i32
        %mul3A_168 = arith.constant 128 : i32
        %mul3A_169 = arith.muli %add3A_167, %mul3A_168 : i32
        %add3A_170 = arith.addi %mul3A_4, %mul3A_169 : i32
        %dma_start3A_171 = tpu.memref_slice %arg3[%add3A_170] : memref<327680xi32, #tpu.memory_space<hbm>> -> memref<128xi32, #tpu.memory_space<hbm>>
        %dma_start3A_172 = tpu.memref_slice %arg3[%add3A_170] : memref<327680xi32, #tpu.memory_space<hbm>> -> memref<128xi32, #tpu.memory_space<hbm>>
        tpu.enqueue_dma source(%dma_start3A_172 : memref<128xi32, #tpu.memory_space<hbm>>) target(%arg9 : memref<128xi32, #tpu.memory_space<vmem>>) target_semaphore(%arg20 : memref<!tpu.dma_semaphore, #tpu.memory_space<semaphore_mem>>)
        %mul3A_173 = arith.constant 128 : i32
        %mul3A_174 = arith.muli %add3A_167, %mul3A_173 : i32
        %add3A_175 = arith.addi %mul3A_4, %mul3A_174 : i32
        %dma_start3A_176 = tpu.memref_slice %arg4[%add3A_175] : memref<327680xi32, #tpu.memory_space<hbm>> -> memref<128xi32, #tpu.memory_space<hbm>>
        %dma_start3A_177 = tpu.memref_slice %arg4[%add3A_175] : memref<327680xi32, #tpu.memory_space<hbm>> -> memref<128xi32, #tpu.memory_space<hbm>>
        tpu.enqueue_dma source(%dma_start3A_177 : memref<128xi32, #tpu.memory_space<hbm>>) target(%arg13 : memref<128xi32, #tpu.memory_space<vmem>>) target_semaphore(%arg20 : memref<!tpu.dma_semaphore, #tpu.memory_space<semaphore_mem>>)
      } else {
      }
      %add3A_72 = arith.constant 1 : i32
      %add3A_73 = arith.addi %add3A_63, %add3A_72 : i32
      %lt3A_74 = arith.constant 80 : i32
      %lt3A_75 = arith.cmpi slt, %add3A_73, %lt3A_74 : i32
      %convert_element_type3A_76 = arith.extui %lt3A_75 : i1 to i32
      %cond3A_77 = arith.constant 0 : i32
      %cond3A_78 = arith.cmpi ne, %convert_element_type3A_76, %cond3A_77 : i32
      scf.if %cond3A_78 {
        %dma_wait3A_166 = arith.constant 0 : i32
        %dma_wait3A_167 = tpu.memref_slice %arg3[%dma_wait3A_166] : memref<327680xi32, #tpu.memory_space<hbm>> -> memref<128xi32, #tpu.memory_space<hbm>>
        %dma_wait3A_168 = arith.constant 0 : i32
        %dma_wait3A_169 = tpu.memref_slice %arg3[%dma_wait3A_168] : memref<327680xi32, #tpu.memory_space<hbm>> -> memref<128xi32, #tpu.memory_space<hbm>>
        tpu.wait_dma2 semaphore(%arg21 : memref<!tpu.dma_semaphore, #tpu.memory_space<semaphore_mem>>) src(%dma_wait3A_169 : memref<128xi32, #tpu.memory_space<hbm>>) dst(%arg8 : memref<128xi32, #tpu.memory_space<vmem>>)
        %dma_wait3A_170 = arith.constant 0 : i32
        %dma_wait3A_171 = tpu.memref_slice %arg4[%dma_wait3A_170] : memref<327680xi32, #tpu.memory_space<hbm>> -> memref<128xi32, #tpu.memory_space<hbm>>
        %dma_wait3A_172 = arith.constant 0 : i32
        %dma_wait3A_173 = tpu.memref_slice %arg4[%dma_wait3A_172] : memref<327680xi32, #tpu.memory_space<hbm>> -> memref<128xi32, #tpu.memory_space<hbm>>
        tpu.wait_dma2 semaphore(%arg21 : memref<!tpu.dma_semaphore, #tpu.memory_space<semaphore_mem>>) src(%dma_wait3A_173 : memref<128xi32, #tpu.memory_space<hbm>>) dst(%arg12 : memref<128xi32, #tpu.memory_space<vmem>>)
        %dma_start3A_174 = arith.constant 0 : i32
        %dma_start3A_175 = arith.constant 0 : i32
        %dma_start3A_176 = tpu.memref_slice %arg2[%dma_start3A_174, %dma_start3A_175] : memref<10240x128xf32, #tpu.memory_space<hbm>> -> memref<10240x128xf32, #tpu.memory_space<hbm>>
        tpu.enqueue_indirect_dma source(%dma_start3A_176 : memref<10240x128xf32, #tpu.memory_space<hbm>>) target(%arg16 : memref<128x128xf32, #tpu.memory_space<vmem>>) offsets(%arg8 : memref<128xi32, #tpu.memory_space<vmem>>) semaphore(%arg18 : memref<!tpu.dma_semaphore, #tpu.memory_space<semaphore_mem>>)
      } else {
      }
      %dma_wait3A_79 = arith.constant 0 : i32
      %dma_wait3A_80 = arith.constant 0 : i32
      %dma_wait3A_81 = tpu.memref_slice %arg2[%dma_wait3A_79, %dma_wait3A_80] : memref<10240x128xf32, #tpu.memory_space<hbm>> -> memref<10240x128xf32, #tpu.memory_space<hbm>>
      tpu.wait_indirect_dma semaphore(%arg18 : memref<!tpu.dma_semaphore, #tpu.memory_space<semaphore_mem>>) src(%dma_wait3A_81 : memref<10240x128xf32, #tpu.memory_space<hbm>>) dst(%arg15 : memref<128x128xf32, #tpu.memory_space<vmem>>)
      %dma_start3A_82 = arith.constant 0 : i32
      %dma_start3A_83 = arith.constant 0 : i32
      %dma_start3A_84 = tpu.memref_slice %arg17[%dma_start3A_82, %dma_start3A_83] : memref<10240x128xf32, #tpu.memory_space<vmem_shared>> -> memref<10240x128xf32, #tpu.memory_space<vmem_shared>>
      tpu.enqueue_indirect_dma source(%arg15 : memref<128x128xf32, #tpu.memory_space<vmem>>) target(%dma_start3A_84 : memref<10240x128xf32, #tpu.memory_space<vmem_shared>>) offsets(%arg11 : memref<128xi32, #tpu.memory_space<vmem>>) semaphore(%arg19 : memref<!tpu.dma_semaphore, #tpu.memory_space<semaphore_mem>>) {add = true}
      %mul3A_85 = arith.constant 4 : i32
      %mul3A_86 = arith.muli %mul3A_85, %scan3A_59 : i32
      %add3A_87 = arith.constant 1 : i32
      %add3A_88 = arith.addi %mul3A_86, %add3A_87 : i32
      %dma_wait3A_89 = arith.constant 0 : i32
      %dma_wait3A_90 = arith.constant 0 : i32
      %dma_wait3A_91 = tpu.memref_slice %arg17[%dma_wait3A_89, %dma_wait3A_90] : memref<10240x128xf32, #tpu.memory_space<vmem_shared>> -> memref<10240x128xf32, #tpu.memory_space<vmem_shared>>
      tpu.wait_indirect_dma semaphore(%arg19 : memref<!tpu.dma_semaphore, #tpu.memory_space<semaphore_mem>>) src(%arg15 : memref<128x128xf32, #tpu.memory_space<vmem>>) dst(%dma_wait3A_91 : memref<10240x128xf32, #tpu.memory_space<vmem_shared>>)
      %add3A_92 = arith.constant 2 : i32
      %add3A_93 = arith.addi %add3A_88, %add3A_92 : i32
      %lt3A_94 = arith.constant 80 : i32
      %lt3A_95 = arith.cmpi slt, %add3A_93, %lt3A_94 : i32
      %convert_element_type3A_96 = arith.extui %lt3A_95 : i1 to i32
      %cond3A_97 = arith.constant 0 : i32
      %cond3A_98 = arith.cmpi ne, %convert_element_type3A_96, %cond3A_97 : i32
      scf.if %cond3A_98 {
        %add3A_166 = arith.constant 2 : i32
        %add3A_167 = arith.addi %add3A_88, %add3A_166 : i32
        %mul3A_168 = arith.constant 128 : i32
        %mul3A_169 = arith.muli %add3A_167, %mul3A_168 : i32
        %add3A_170 = arith.addi %mul3A_4, %mul3A_169 : i32
        %dma_start3A_171 = tpu.memref_slice %arg3[%add3A_170] : memref<327680xi32, #tpu.memory_space<hbm>> -> memref<128xi32, #tpu.memory_space<hbm>>
        %dma_start3A_172 = tpu.memref_slice %arg3[%add3A_170] : memref<327680xi32, #tpu.memory_space<hbm>> -> memref<128xi32, #tpu.memory_space<hbm>>
        tpu.enqueue_dma source(%dma_start3A_172 : memref<128xi32, #tpu.memory_space<hbm>>) target(%arg10 : memref<128xi32, #tpu.memory_space<vmem>>) target_semaphore(%arg21 : memref<!tpu.dma_semaphore, #tpu.memory_space<semaphore_mem>>)
        %mul3A_173 = arith.constant 128 : i32
        %mul3A_174 = arith.muli %add3A_167, %mul3A_173 : i32
        %add3A_175 = arith.addi %mul3A_4, %mul3A_174 : i32
        %dma_start3A_176 = tpu.memref_slice %arg4[%add3A_175] : memref<327680xi32, #tpu.memory_space<hbm>> -> memref<128xi32, #tpu.memory_space<hbm>>
        %dma_start3A_177 = tpu.memref_slice %arg4[%add3A_175] : memref<327680xi32, #tpu.memory_space<hbm>> -> memref<128xi32, #tpu.memory_space<hbm>>
        tpu.enqueue_dma source(%dma_start3A_177 : memref<128xi32, #tpu.memory_space<hbm>>) target(%arg14 : memref<128xi32, #tpu.memory_space<vmem>>) target_semaphore(%arg21 : memref<!tpu.dma_semaphore, #tpu.memory_space<semaphore_mem>>)
      } else {
      }
      %add3A_99 = arith.constant 1 : i32
      %add3A_100 = arith.addi %add3A_88, %add3A_99 : i32
      %lt3A_101 = arith.constant 80 : i32
      %lt3A_102 = arith.cmpi slt, %add3A_100, %lt3A_101 : i32
      %convert_element_type3A_103 = arith.extui %lt3A_102 : i1 to i32
      %cond3A_104 = arith.constant 0 : i32
      %cond3A_105 = arith.cmpi ne, %convert_element_type3A_103, %cond3A_104 : i32
      scf.if %cond3A_105 {
        %dma_wait3A_166 = arith.constant 0 : i32
        %dma_wait3A_167 = tpu.memref_slice %arg3[%dma_wait3A_166] : memref<327680xi32, #tpu.memory_space<hbm>> -> memref<128xi32, #tpu.memory_space<hbm>>
        %dma_wait3A_168 = arith.constant 0 : i32
        %dma_wait3A_169 = tpu.memref_slice %arg3[%dma_wait3A_168] : memref<327680xi32, #tpu.memory_space<hbm>> -> memref<128xi32, #tpu.memory_space<hbm>>
        tpu.wait_dma2 semaphore(%arg20 : memref<!tpu.dma_semaphore, #tpu.memory_space<semaphore_mem>>) src(%dma_wait3A_169 : memref<128xi32, #tpu.memory_space<hbm>>) dst(%arg9 : memref<128xi32, #tpu.memory_space<vmem>>)
        %dma_wait3A_170 = arith.constant 0 : i32
        %dma_wait3A_171 = tpu.memref_slice %arg4[%dma_wait3A_170] : memref<327680xi32, #tpu.memory_space<hbm>> -> memref<128xi32, #tpu.memory_space<hbm>>
        %dma_wait3A_172 = arith.constant 0 : i32
        %dma_wait3A_173 = tpu.memref_slice %arg4[%dma_wait3A_172] : memref<327680xi32, #tpu.memory_space<hbm>> -> memref<128xi32, #tpu.memory_space<hbm>>
        tpu.wait_dma2 semaphore(%arg20 : memref<!tpu.dma_semaphore, #tpu.memory_space<semaphore_mem>>) src(%dma_wait3A_173 : memref<128xi32, #tpu.memory_space<hbm>>) dst(%arg13 : memref<128xi32, #tpu.memory_space<vmem>>)
        %dma_start3A_174 = arith.constant 0 : i32
        %dma_start3A_175 = arith.constant 0 : i32
        %dma_start3A_176 = tpu.memref_slice %arg2[%dma_start3A_174, %dma_start3A_175] : memref<10240x128xf32, #tpu.memory_space<hbm>> -> memref<10240x128xf32, #tpu.memory_space<hbm>>
        tpu.enqueue_indirect_dma source(%dma_start3A_176 : memref<10240x128xf32, #tpu.memory_space<hbm>>) target(%arg15 : memref<128x128xf32, #tpu.memory_space<vmem>>) offsets(%arg9 : memref<128xi32, #tpu.memory_space<vmem>>) semaphore(%arg18 : memref<!tpu.dma_semaphore, #tpu.memory_space<semaphore_mem>>)
      } else {
      }
      %dma_wait3A_106 = arith.constant 0 : i32
      %dma_wait3A_107 = arith.constant 0 : i32
      %dma_wait3A_108 = tpu.memref_slice %arg2[%dma_wait3A_106, %dma_wait3A_107] : memref<10240x128xf32, #tpu.memory_space<hbm>> -> memref<10240x128xf32, #tpu.memory_space<hbm>>
      tpu.wait_indirect_dma semaphore(%arg18 : memref<!tpu.dma_semaphore, #tpu.memory_space<semaphore_mem>>) src(%dma_wait3A_108 : memref<10240x128xf32, #tpu.memory_space<hbm>>) dst(%arg16 : memref<128x128xf32, #tpu.memory_space<vmem>>)
      %dma_start3A_109 = arith.constant 0 : i32
      %dma_start3A_110 = arith.constant 0 : i32
      %dma_start3A_111 = tpu.memref_slice %arg17[%dma_start3A_109, %dma_start3A_110] : memref<10240x128xf32, #tpu.memory_space<vmem_shared>> -> memref<10240x128xf32, #tpu.memory_space<vmem_shared>>
      tpu.enqueue_indirect_dma source(%arg16 : memref<128x128xf32, #tpu.memory_space<vmem>>) target(%dma_start3A_111 : memref<10240x128xf32, #tpu.memory_space<vmem_shared>>) offsets(%arg12 : memref<128xi32, #tpu.memory_space<vmem>>) semaphore(%arg19 : memref<!tpu.dma_semaphore, #tpu.memory_space<semaphore_mem>>) {add = true}
      %mul3A_112 = arith.constant 4 : i32
      %mul3A_113 = arith.muli %mul3A_112, %scan3A_59 : i32
      %add3A_114 = arith.constant 2 : i32
      %add3A_115 = arith.addi %mul3A_113, %add3A_114 : i32
      %dma_wait3A_116 = arith.constant 0 : i32
      %dma_wait3A_117 = arith.constant 0 : i32
      %dma_wait3A_118 = tpu.memref_slice %arg17[%dma_wait3A_116, %dma_wait3A_117] : memref<10240x128xf32, #tpu.memory_space<vmem_shared>> -> memref<10240x128xf32, #tpu.memory_space<vmem_shared>>
      tpu.wait_indirect_dma semaphore(%arg19 : memref<!tpu.dma_semaphore, #tpu.memory_space<semaphore_mem>>) src(%arg16 : memref<128x128xf32, #tpu.memory_space<vmem>>) dst(%dma_wait3A_118 : memref<10240x128xf32, #tpu.memory_space<vmem_shared>>)
      %add3A_119 = arith.constant 2 : i32
      %add3A_120 = arith.addi %add3A_115, %add3A_119 : i32
      %lt3A_121 = arith.constant 80 : i32
      %lt3A_122 = arith.cmpi slt, %add3A_120, %lt3A_121 : i32
      %convert_element_type3A_123 = arith.extui %lt3A_122 : i1 to i32
      %cond3A_124 = arith.constant 0 : i32
      %cond3A_125 = arith.cmpi ne, %convert_element_type3A_123, %cond3A_124 : i32
      scf.if %cond3A_125 {
        %add3A_166 = arith.constant 2 : i32
        %add3A_167 = arith.addi %add3A_115, %add3A_166 : i32
        %mul3A_168 = arith.constant 128 : i32
        %mul3A_169 = arith.muli %add3A_167, %mul3A_168 : i32
        %add3A_170 = arith.addi %mul3A_4, %mul3A_169 : i32
        %dma_start3A_171 = tpu.memref_slice %arg3[%add3A_170] : memref<327680xi32, #tpu.memory_space<hbm>> -> memref<128xi32, #tpu.memory_space<hbm>>
        %dma_start3A_172 = tpu.memref_slice %arg3[%add3A_170] : memref<327680xi32, #tpu.memory_space<hbm>> -> memref<128xi32, #tpu.memory_space<hbm>>
        tpu.enqueue_dma source(%dma_start3A_172 : memref<128xi32, #tpu.memory_space<hbm>>) target(%arg7 : memref<128xi32, #tpu.memory_space<vmem>>) target_semaphore(%arg20 : memref<!tpu.dma_semaphore, #tpu.memory_space<semaphore_mem>>)
        %mul3A_173 = arith.constant 128 : i32
        %mul3A_174 = arith.muli %add3A_167, %mul3A_173 : i32
        %add3A_175 = arith.addi %mul3A_4, %mul3A_174 : i32
        %dma_start3A_176 = tpu.memref_slice %arg4[%add3A_175] : memref<327680xi32, #tpu.memory_space<hbm>> -> memref<128xi32, #tpu.memory_space<hbm>>
        %dma_start3A_177 = tpu.memref_slice %arg4[%add3A_175] : memref<327680xi32, #tpu.memory_space<hbm>> -> memref<128xi32, #tpu.memory_space<hbm>>
        tpu.enqueue_dma source(%dma_start3A_177 : memref<128xi32, #tpu.memory_space<hbm>>) target(%arg11 : memref<128xi32, #tpu.memory_space<vmem>>) target_semaphore(%arg20 : memref<!tpu.dma_semaphore, #tpu.memory_space<semaphore_mem>>)
      } else {
      }
      %add3A_126 = arith.constant 1 : i32
      %add3A_127 = arith.addi %add3A_115, %add3A_126 : i32
      %lt3A_128 = arith.constant 80 : i32
      %lt3A_129 = arith.cmpi slt, %add3A_127, %lt3A_128 : i32
      %convert_element_type3A_130 = arith.extui %lt3A_129 : i1 to i32
      %cond3A_131 = arith.constant 0 : i32
      %cond3A_132 = arith.cmpi ne, %convert_element_type3A_130, %cond3A_131 : i32
      scf.if %cond3A_132 {
        %dma_wait3A_166 = arith.constant 0 : i32
        %dma_wait3A_167 = tpu.memref_slice %arg3[%dma_wait3A_166] : memref<327680xi32, #tpu.memory_space<hbm>> -> memref<128xi32, #tpu.memory_space<hbm>>
        %dma_wait3A_168 = arith.constant 0 : i32
        %dma_wait3A_169 = tpu.memref_slice %arg3[%dma_wait3A_168] : memref<327680xi32, #tpu.memory_space<hbm>> -> memref<128xi32, #tpu.memory_space<hbm>>
        tpu.wait_dma2 semaphore(%arg21 : memref<!tpu.dma_semaphore, #tpu.memory_space<semaphore_mem>>) src(%dma_wait3A_169 : memref<128xi32, #tpu.memory_space<hbm>>) dst(%arg10 : memref<128xi32, #tpu.memory_space<vmem>>)
        %dma_wait3A_170 = arith.constant 0 : i32
        %dma_wait3A_171 = tpu.memref_slice %arg4[%dma_wait3A_170] : memref<327680xi32, #tpu.memory_space<hbm>> -> memref<128xi32, #tpu.memory_space<hbm>>
        %dma_wait3A_172 = arith.constant 0 : i32
        %dma_wait3A_173 = tpu.memref_slice %arg4[%dma_wait3A_172] : memref<327680xi32, #tpu.memory_space<hbm>> -> memref<128xi32, #tpu.memory_space<hbm>>
        tpu.wait_dma2 semaphore(%arg21 : memref<!tpu.dma_semaphore, #tpu.memory_space<semaphore_mem>>) src(%dma_wait3A_173 : memref<128xi32, #tpu.memory_space<hbm>>) dst(%arg14 : memref<128xi32, #tpu.memory_space<vmem>>)
        %dma_start3A_174 = arith.constant 0 : i32
        %dma_start3A_175 = arith.constant 0 : i32
        %dma_start3A_176 = tpu.memref_slice %arg2[%dma_start3A_174, %dma_start3A_175] : memref<10240x128xf32, #tpu.memory_space<hbm>> -> memref<10240x128xf32, #tpu.memory_space<hbm>>
        tpu.enqueue_indirect_dma source(%dma_start3A_176 : memref<10240x128xf32, #tpu.memory_space<hbm>>) target(%arg16 : memref<128x128xf32, #tpu.memory_space<vmem>>) offsets(%arg10 : memref<128xi32, #tpu.memory_space<vmem>>) semaphore(%arg18 : memref<!tpu.dma_semaphore, #tpu.memory_space<semaphore_mem>>)
      } else {
      }
      %dma_wait3A_133 = arith.constant 0 : i32
      %dma_wait3A_134 = arith.constant 0 : i32
      %dma_wait3A_135 = tpu.memref_slice %arg2[%dma_wait3A_133, %dma_wait3A_134] : memref<10240x128xf32, #tpu.memory_space<hbm>> -> memref<10240x128xf32, #tpu.memory_space<hbm>>
      tpu.wait_indirect_dma semaphore(%arg18 : memref<!tpu.dma_semaphore, #tpu.memory_space<semaphore_mem>>) src(%dma_wait3A_135 : memref<10240x128xf32, #tpu.memory_space<hbm>>) dst(%arg15 : memref<128x128xf32, #tpu.memory_space<vmem>>)
      %dma_start3A_136 = arith.constant 0 : i32
      %dma_start3A_137 = arith.constant 0 : i32
      %dma_start3A_138 = tpu.memref_slice %arg17[%dma_start3A_136, %dma_start3A_137] : memref<10240x128xf32, #tpu.memory_space<vmem_shared>> -> memref<10240x128xf32, #tpu.memory_space<vmem_shared>>
      tpu.enqueue_indirect_dma source(%arg15 : memref<128x128xf32, #tpu.memory_space<vmem>>) target(%dma_start3A_138 : memref<10240x128xf32, #tpu.memory_space<vmem_shared>>) offsets(%arg13 : memref<128xi32, #tpu.memory_space<vmem>>) semaphore(%arg19 : memref<!tpu.dma_semaphore, #tpu.memory_space<semaphore_mem>>) {add = true}
      %mul3A_139 = arith.constant 4 : i32
      %mul3A_140 = arith.muli %mul3A_139, %scan3A_59 : i32
      %add3A_141 = arith.constant 3 : i32
      %add3A_142 = arith.addi %mul3A_140, %add3A_141 : i32
      %dma_wait3A_143 = arith.constant 0 : i32
      %dma_wait3A_144 = arith.constant 0 : i32
      %dma_wait3A_145 = tpu.memref_slice %arg17[%dma_wait3A_143, %dma_wait3A_144] : memref<10240x128xf32, #tpu.memory_space<vmem_shared>> -> memref<10240x128xf32, #tpu.memory_space<vmem_shared>>
      tpu.wait_indirect_dma semaphore(%arg19 : memref<!tpu.dma_semaphore, #tpu.memory_space<semaphore_mem>>) src(%arg15 : memref<128x128xf32, #tpu.memory_space<vmem>>) dst(%dma_wait3A_145 : memref<10240x128xf32, #tpu.memory_space<vmem_shared>>)
      %add3A_146 = arith.constant 2 : i32
      %add3A_147 = arith.addi %add3A_142, %add3A_146 : i32
      %lt3A_148 = arith.constant 80 : i32
      %lt3A_149 = arith.cmpi slt, %add3A_147, %lt3A_148 : i32
      %convert_element_type3A_150 = arith.extui %lt3A_149 : i1 to i32
      %cond3A_151 = arith.constant 0 : i32
      %cond3A_152 = arith.cmpi ne, %convert_element_type3A_150, %cond3A_151 : i32
      scf.if %cond3A_152 {
        %add3A_166 = arith.constant 2 : i32
        %add3A_167 = arith.addi %add3A_142, %add3A_166 : i32
        %mul3A_168 = arith.constant 128 : i32
        %mul3A_169 = arith.muli %add3A_167, %mul3A_168 : i32
        %add3A_170 = arith.addi %mul3A_4, %mul3A_169 : i32
        %dma_start3A_171 = tpu.memref_slice %arg3[%add3A_170] : memref<327680xi32, #tpu.memory_space<hbm>> -> memref<128xi32, #tpu.memory_space<hbm>>
        %dma_start3A_172 = tpu.memref_slice %arg3[%add3A_170] : memref<327680xi32, #tpu.memory_space<hbm>> -> memref<128xi32, #tpu.memory_space<hbm>>
        tpu.enqueue_dma source(%dma_start3A_172 : memref<128xi32, #tpu.memory_space<hbm>>) target(%arg8 : memref<128xi32, #tpu.memory_space<vmem>>) target_semaphore(%arg21 : memref<!tpu.dma_semaphore, #tpu.memory_space<semaphore_mem>>)
        %mul3A_173 = arith.constant 128 : i32
        %mul3A_174 = arith.muli %add3A_167, %mul3A_173 : i32
        %add3A_175 = arith.addi %mul3A_4, %mul3A_174 : i32
        %dma_start3A_176 = tpu.memref_slice %arg4[%add3A_175] : memref<327680xi32, #tpu.memory_space<hbm>> -> memref<128xi32, #tpu.memory_space<hbm>>
        %dma_start3A_177 = tpu.memref_slice %arg4[%add3A_175] : memref<327680xi32, #tpu.memory_space<hbm>> -> memref<128xi32, #tpu.memory_space<hbm>>
        tpu.enqueue_dma source(%dma_start3A_177 : memref<128xi32, #tpu.memory_space<hbm>>) target(%arg12 : memref<128xi32, #tpu.memory_space<vmem>>) target_semaphore(%arg21 : memref<!tpu.dma_semaphore, #tpu.memory_space<semaphore_mem>>)
      } else {
      }
      %add3A_153 = arith.constant 1 : i32
      %add3A_154 = arith.addi %add3A_142, %add3A_153 : i32
      %lt3A_155 = arith.constant 80 : i32
      %lt3A_156 = arith.cmpi slt, %add3A_154, %lt3A_155 : i32
      %convert_element_type3A_157 = arith.extui %lt3A_156 : i1 to i32
      %cond3A_158 = arith.constant 0 : i32
      %cond3A_159 = arith.cmpi ne, %convert_element_type3A_157, %cond3A_158 : i32
      scf.if %cond3A_159 {
        %dma_wait3A_166 = arith.constant 0 : i32
        %dma_wait3A_167 = tpu.memref_slice %arg3[%dma_wait3A_166] : memref<327680xi32, #tpu.memory_space<hbm>> -> memref<128xi32, #tpu.memory_space<hbm>>
        %dma_wait3A_168 = arith.constant 0 : i32
        %dma_wait3A_169 = tpu.memref_slice %arg3[%dma_wait3A_168] : memref<327680xi32, #tpu.memory_space<hbm>> -> memref<128xi32, #tpu.memory_space<hbm>>
        tpu.wait_dma2 semaphore(%arg20 : memref<!tpu.dma_semaphore, #tpu.memory_space<semaphore_mem>>) src(%dma_wait3A_169 : memref<128xi32, #tpu.memory_space<hbm>>) dst(%arg7 : memref<128xi32, #tpu.memory_space<vmem>>)
        %dma_wait3A_170 = arith.constant 0 : i32
        %dma_wait3A_171 = tpu.memref_slice %arg4[%dma_wait3A_170] : memref<327680xi32, #tpu.memory_space<hbm>> -> memref<128xi32, #tpu.memory_space<hbm>>
        %dma_wait3A_172 = arith.constant 0 : i32
        %dma_wait3A_173 = tpu.memref_slice %arg4[%dma_wait3A_172] : memref<327680xi32, #tpu.memory_space<hbm>> -> memref<128xi32, #tpu.memory_space<hbm>>
        tpu.wait_dma2 semaphore(%arg20 : memref<!tpu.dma_semaphore, #tpu.memory_space<semaphore_mem>>) src(%dma_wait3A_173 : memref<128xi32, #tpu.memory_space<hbm>>) dst(%arg11 : memref<128xi32, #tpu.memory_space<vmem>>)
        %dma_start3A_174 = arith.constant 0 : i32
        %dma_start3A_175 = arith.constant 0 : i32
        %dma_start3A_176 = tpu.memref_slice %arg2[%dma_start3A_174, %dma_start3A_175] : memref<10240x128xf32, #tpu.memory_space<hbm>> -> memref<10240x128xf32, #tpu.memory_space<hbm>>
        tpu.enqueue_indirect_dma source(%dma_start3A_176 : memref<10240x128xf32, #tpu.memory_space<hbm>>) target(%arg15 : memref<128x128xf32, #tpu.memory_space<vmem>>) offsets(%arg7 : memref<128xi32, #tpu.memory_space<vmem>>) semaphore(%arg18 : memref<!tpu.dma_semaphore, #tpu.memory_space<semaphore_mem>>)
      } else {
      }
      %dma_wait3A_160 = arith.constant 0 : i32
      %dma_wait3A_161 = arith.constant 0 : i32
      %dma_wait3A_162 = tpu.memref_slice %arg2[%dma_wait3A_160, %dma_wait3A_161] : memref<10240x128xf32, #tpu.memory_space<hbm>> -> memref<10240x128xf32, #tpu.memory_space<hbm>>
      tpu.wait_indirect_dma semaphore(%arg18 : memref<!tpu.dma_semaphore, #tpu.memory_space<semaphore_mem>>) src(%dma_wait3A_162 : memref<10240x128xf32, #tpu.memory_space<hbm>>) dst(%arg16 : memref<128x128xf32, #tpu.memory_space<vmem>>)
      %dma_start3A_163 = arith.constant 0 : i32
      %dma_start3A_164 = arith.constant 0 : i32
      %dma_start3A_165 = tpu.memref_slice %arg17[%dma_start3A_163, %dma_start3A_164] : memref<10240x128xf32, #tpu.memory_space<vmem_shared>> -> memref<10240x128xf32, #tpu.memory_space<vmem_shared>>
      tpu.enqueue_indirect_dma source(%arg16 : memref<128x128xf32, #tpu.memory_space<vmem>>) target(%dma_start3A_165 : memref<10240x128xf32, #tpu.memory_space<vmem_shared>>) offsets(%arg14 : memref<128xi32, #tpu.memory_space<vmem>>) semaphore(%arg19 : memref<!tpu.dma_semaphore, #tpu.memory_space<semaphore_mem>>) {add = true}
    }
    %scan3A_44 = arith.constant 20 : i32
    %dma_wait3A_45 = arith.constant 0 : i32
    %dma_wait3A_46 = arith.constant 0 : i32
    %dma_wait3A_47 = tpu.memref_slice %arg17[%dma_wait3A_45, %dma_wait3A_46] : memref<10240x128xf32, #tpu.memory_space<vmem_shared>> -> memref<10240x128xf32, #tpu.memory_space<vmem_shared>>
    tpu.wait_indirect_dma semaphore(%arg19 : memref<!tpu.dma_semaphore, #tpu.memory_space<semaphore_mem>>) src(%arg16 : memref<128x128xf32, #tpu.memory_space<vmem>>) dst(%dma_wait3A_47 : memref<10240x128xf32, #tpu.memory_space<vmem_shared>>)
    %barrier3A_48 = arith.constant 0 : index
    tpu.barrier barrier_id(%barrier3A_48)
    %add3A_49 = arith.constant 0 : i32
    %add3A_50 = arith.addi %mul3A_2, %add3A_49 : i32
    "tpu.region"() ({
      %run_scoped3A = tpu.sem_alloc : memref<!tpu.dma_semaphore, #tpu.memory_space<semaphore_mem>>
      %dma_start3A_59 = arith.constant 0 : i32
      %dma_start3A_60 = tpu.memref_slice %arg6[%arg0, %add3A_50, %dma_start3A_59] : memref<2x10240x128xf32, #tpu.memory_space<hbm>> -> memref<1x128x128xf32, #tpu.memory_space<hbm>>
      %dma_start3A_61 = tpu.memref_squeeze %dma_start3A_60 : memref<1x128x128xf32, #tpu.memory_space<hbm>> -> memref<128x128xf32, #tpu.memory_space<hbm>>
      %dma_start3A_62 = arith.constant 0 : i32
      %dma_start3A_63 = tpu.memref_slice %arg17[%add3A_50, %dma_start3A_62] : memref<10240x128xf32, #tpu.memory_space<vmem_shared>> -> memref<128x128xf32, #tpu.memory_space<vmem_shared>>
      tpu.enqueue_dma source(%dma_start3A_63 : memref<128x128xf32, #tpu.memory_space<vmem_shared>>) target(%dma_start3A_61 : memref<128x128xf32, #tpu.memory_space<hbm>>) target_semaphore(%run_scoped3A : memref<!tpu.dma_semaphore, #tpu.memory_space<semaphore_mem>>)
      %dma_wait3A_64 = arith.constant 0 : i32
      %dma_wait3A_65 = tpu.memref_slice %arg6[%arg0, %add3A_50, %dma_wait3A_64] : memref<2x10240x128xf32, #tpu.memory_space<hbm>> -> memref<1x128x128xf32, #tpu.memory_space<hbm>>
      %dma_wait3A_66 = tpu.memref_squeeze %dma_wait3A_65 : memref<1x128x128xf32, #tpu.memory_space<hbm>> -> memref<128x128xf32, #tpu.memory_space<hbm>>
      %dma_wait3A_67 = arith.constant 0 : i32
      %dma_wait3A_68 = tpu.memref_slice %arg17[%add3A_50, %dma_wait3A_67] : memref<10240x128xf32, #tpu.memory_space<vmem_shared>> -> memref<128x128xf32, #tpu.memory_space<vmem_shared>>
      tpu.wait_dma2 semaphore(%run_scoped3A : memref<!tpu.dma_semaphore, #tpu.memory_space<semaphore_mem>>) src(%dma_wait3A_68 : memref<128x128xf32, #tpu.memory_space<vmem_shared>>) dst(%dma_wait3A_66 : memref<128x128xf32, #tpu.memory_space<hbm>>)
      tpu.yield
    }) : () -> ()
    %add3A_51 = arith.constant 128 : i32
    %add3A_52 = arith.addi %mul3A_2, %add3A_51 : i32
    "tpu.region"() ({
      %run_scoped3A = tpu.sem_alloc : memref<!tpu.dma_semaphore, #tpu.memory_space<semaphore_mem>>
      %dma_start3A_59 = arith.constant 0 : i32
      %dma_start3A_60 = tpu.memref_slice %arg6[%arg0, %add3A_52, %dma_start3A_59] : memref<2x10240x128xf32, #tpu.memory_space<hbm>> -> memref<1x128x128xf32, #tpu.memory_space<hbm>>
      %dma_start3A_61 = tpu.memref_squeeze %dma_start3A_60 : memref<1x128x128xf32, #tpu.memory_space<hbm>> -> memref<128x128xf32, #tpu.memory_space<hbm>>
      %dma_start3A_62 = arith.constant 0 : i32
      %dma_start3A_63 = tpu.memref_slice %arg17[%add3A_52, %dma_start3A_62] : memref<10240x128xf32, #tpu.memory_space<vmem_shared>> -> memref<128x128xf32, #tpu.memory_space<vmem_shared>>
      tpu.enqueue_dma source(%dma_start3A_63 : memref<128x128xf32, #tpu.memory_space<vmem_shared>>) target(%dma_start3A_61 : memref<128x128xf32, #tpu.memory_space<hbm>>) target_semaphore(%run_scoped3A : memref<!tpu.dma_semaphore, #tpu.memory_space<semaphore_mem>>)
      %dma_wait3A_64 = arith.constant 0 : i32
      %dma_wait3A_65 = tpu.memref_slice %arg6[%arg0, %add3A_52, %dma_wait3A_64] : memref<2x10240x128xf32, #tpu.memory_space<hbm>> -> memref<1x128x128xf32, #tpu.memory_space<hbm>>
      %dma_wait3A_66 = tpu.memref_squeeze %dma_wait3A_65 : memref<1x128x128xf32, #tpu.memory_space<hbm>> -> memref<128x128xf32, #tpu.memory_space<hbm>>
      %dma_wait3A_67 = arith.constant 0 : i32
      %dma_wait3A_68 = tpu.memref_slice %arg17[%add3A_52, %dma_wait3A_67] : memref<10240x128xf32, #tpu.memory_space<vmem_shared>> -> memref<128x128xf32, #tpu.memory_space<vmem_shared>>
      tpu.wait_dma2 semaphore(%run_scoped3A : memref<!tpu.dma_semaphore, #tpu.memory_space<semaphore_mem>>) src(%dma_wait3A_68 : memref<128x128xf32, #tpu.memory_space<vmem_shared>>) dst(%dma_wait3A_66 : memref<128x128xf32, #tpu.memory_space<hbm>>)
      tpu.yield
    }) : () -> ()
    %add3A_53 = arith.constant 256 : i32
    %add3A_54 = arith.addi %mul3A_2, %add3A_53 : i32
    "tpu.region"() ({
      %run_scoped3A = tpu.sem_alloc : memref<!tpu.dma_semaphore, #tpu.memory_space<semaphore_mem>>
      %dma_start3A_59 = arith.constant 0 : i32
      %dma_start3A_60 = tpu.memref_slice %arg6[%arg0, %add3A_54, %dma_start3A_59] : memref<2x10240x128xf32, #tpu.memory_space<hbm>> -> memref<1x128x128xf32, #tpu.memory_space<hbm>>
      %dma_start3A_61 = tpu.memref_squeeze %dma_start3A_60 : memref<1x128x128xf32, #tpu.memory_space<hbm>> -> memref<128x128xf32, #tpu.memory_space<hbm>>
      %dma_start3A_62 = arith.constant 0 : i32
      %dma_start3A_63 = tpu.memref_slice %arg17[%add3A_54, %dma_start3A_62] : memref<10240x128xf32, #tpu.memory_space<vmem_shared>> -> memref<128x128xf32, #tpu.memory_space<vmem_shared>>
      tpu.enqueue_dma source(%dma_start3A_63 : memref<128x128xf32, #tpu.memory_space<vmem_shared>>) target(%dma_start3A_61 : memref<128x128xf32, #tpu.memory_space<hbm>>) target_semaphore(%run_scoped3A : memref<!tpu.dma_semaphore, #tpu.memory_space<semaphore_mem>>)
      %dma_wait3A_64 = arith.constant 0 : i32
      %dma_wait3A_65 = tpu.memref_slice %arg6[%arg0, %add3A_54, %dma_wait3A_64] : memref<2x10240x128xf32, #tpu.memory_space<hbm>> -> memref<1x128x128xf32, #tpu.memory_space<hbm>>
      %dma_wait3A_66 = tpu.memref_squeeze %dma_wait3A_65 : memref<1x128x128xf32, #tpu.memory_space<hbm>> -> memref<128x128xf32, #tpu.memory_space<hbm>>
      %dma_wait3A_67 = arith.constant 0 : i32
      %dma_wait3A_68 = tpu.memref_slice %arg17[%add3A_54, %dma_wait3A_67] : memref<10240x128xf32, #tpu.memory_space<vmem_shared>> -> memref<128x128xf32, #tpu.memory_space<vmem_shared>>
      tpu.wait_dma2 semaphore(%run_scoped3A : memref<!tpu.dma_semaphore, #tpu.memory_space<semaphore_mem>>) src(%dma_wait3A_68 : memref<128x128xf32, #tpu.memory_space<vmem_shared>>) dst(%dma_wait3A_66 : memref<128x128xf32, #tpu.memory_space<hbm>>)
      tpu.yield
    }) : () -> ()
    %add3A_55 = arith.constant 384 : i32
    %add3A_56 = arith.addi %mul3A_2, %add3A_55 : i32
    "tpu.region"() ({
      %run_scoped3A = tpu.sem_alloc : memref<!tpu.dma_semaphore, #tpu.memory_space<semaphore_mem>>
      %dma_start3A_59 = arith.constant 0 : i32
      %dma_start3A_60 = tpu.memref_slice %arg6[%arg0, %add3A_56, %dma_start3A_59] : memref<2x10240x128xf32, #tpu.memory_space<hbm>> -> memref<1x128x128xf32, #tpu.memory_space<hbm>>
      %dma_start3A_61 = tpu.memref_squeeze %dma_start3A_60 : memref<1x128x128xf32, #tpu.memory_space<hbm>> -> memref<128x128xf32, #tpu.memory_space<hbm>>
      %dma_start3A_62 = arith.constant 0 : i32
      %dma_start3A_63 = tpu.memref_slice %arg17[%add3A_56, %dma_start3A_62] : memref<10240x128xf32, #tpu.memory_space<vmem_shared>> -> memref<128x128xf32, #tpu.memory_space<vmem_shared>>
      tpu.enqueue_dma source(%dma_start3A_63 : memref<128x128xf32, #tpu.memory_space<vmem_shared>>) target(%dma_start3A_61 : memref<128x128xf32, #tpu.memory_space<hbm>>) target_semaphore(%run_scoped3A : memref<!tpu.dma_semaphore, #tpu.memory_space<semaphore_mem>>)
      %dma_wait3A_64 = arith.constant 0 : i32
      %dma_wait3A_65 = tpu.memref_slice %arg6[%arg0, %add3A_56, %dma_wait3A_64] : memref<2x10240x128xf32, #tpu.memory_space<hbm>> -> memref<1x128x128xf32, #tpu.memory_space<hbm>>
      %dma_wait3A_66 = tpu.memref_squeeze %dma_wait3A_65 : memref<1x128x128xf32, #tpu.memory_space<hbm>> -> memref<128x128xf32, #tpu.memory_space<hbm>>
      %dma_wait3A_67 = arith.constant 0 : i32
      %dma_wait3A_68 = tpu.memref_slice %arg17[%add3A_56, %dma_wait3A_67] : memref<10240x128xf32, #tpu.memory_space<vmem_shared>> -> memref<128x128xf32, #tpu.memory_space<vmem_shared>>
      tpu.wait_dma2 semaphore(%run_scoped3A : memref<!tpu.dma_semaphore, #tpu.memory_space<semaphore_mem>>) src(%dma_wait3A_68 : memref<128x128xf32, #tpu.memory_space<vmem_shared>>) dst(%dma_wait3A_66 : memref<128x128xf32, #tpu.memory_space<hbm>>)
      tpu.yield
    }) : () -> ()
    %add3A_57 = arith.constant 512 : i32
    %add3A_58 = arith.addi %mul3A_2, %add3A_57 : i32
    "tpu.region"() ({
      %run_scoped3A = tpu.sem_alloc : memref<!tpu.dma_semaphore, #tpu.memory_space<semaphore_mem>>
      %dma_start3A_59 = arith.constant 0 : i32
      %dma_start3A_60 = tpu.memref_slice %arg6[%arg0, %add3A_58, %dma_start3A_59] : memref<2x10240x128xf32, #tpu.memory_space<hbm>> -> memref<1x128x128xf32, #tpu.memory_space<hbm>>
      %dma_start3A_61 = tpu.memref_squeeze %dma_start3A_60 : memref<1x128x128xf32, #tpu.memory_space<hbm>> -> memref<128x128xf32, #tpu.memory_space<hbm>>
      %dma_start3A_62 = arith.constant 0 : i32
      %dma_start3A_63 = tpu.memref_slice %arg17[%add3A_58, %dma_start3A_62] : memref<10240x128xf32, #tpu.memory_space<vmem_shared>> -> memref<128x128xf32, #tpu.memory_space<vmem_shared>>
      tpu.enqueue_dma source(%dma_start3A_63 : memref<128x128xf32, #tpu.memory_space<vmem_shared>>) target(%dma_start3A_61 : memref<128x128xf32, #tpu.memory_space<hbm>>) target_semaphore(%run_scoped3A : memref<!tpu.dma_semaphore, #tpu.memory_space<semaphore_mem>>)
      %dma_wait3A_64 = arith.constant 0 : i32
      %dma_wait3A_65 = tpu.memref_slice %arg6[%arg0, %add3A_58, %dma_wait3A_64] : memref<2x10240x128xf32, #tpu.memory_space<hbm>> -> memref<1x128x128xf32, #tpu.memory_space<hbm>>
      %dma_wait3A_66 = tpu.memref_squeeze %dma_wait3A_65 : memref<1x128x128xf32, #tpu.memory_space<hbm>> -> memref<128x128xf32, #tpu.memory_space<hbm>>
      %dma_wait3A_67 = arith.constant 0 : i32
      %dma_wait3A_68 = tpu.memref_slice %arg17[%add3A_58, %dma_wait3A_67] : memref<10240x128xf32, #tpu.memory_space<vmem_shared>> -> memref<128x128xf32, #tpu.memory_space<vmem_shared>>
      tpu.wait_dma2 semaphore(%run_scoped3A : memref<!tpu.dma_semaphore, #tpu.memory_space<semaphore_mem>>) src(%dma_wait3A_68 : memref<128x128xf32, #tpu.memory_space<vmem_shared>>) dst(%dma_wait3A_66 : memref<128x128xf32, #tpu.memory_space<hbm>>)
      tpu.yield
    }) : () -> ()
    return
  }
}

#map = affine_map<(d0, d1) -> (0)>
#map1 = affine_map<(d0, d1) -> (0, 0)>
#map2 = affine_map<(d0, d1) -> (0, 0, 0)>
module attributes {stable_mosaic.version = 14 : i64} {
  func.func @_deg(%arg0: i32, %arg1: i32, %arg2: memref<327680xi32, #tpu.memory_space<hbm>>, %arg3: memref<327680xi32, #tpu.memory_space<hbm>>, %arg4: memref<128x128xf32, #tpu.memory_space<hbm>>, %arg5: memref<128x128xf32, #tpu.memory_space<hbm>>, %arg6: memref<128x128xf32, #tpu.memory_space<hbm>>, %arg7: memref<2x10240x128xf32, #tpu.memory_space<hbm>>, %arg8: memref<128xi32, #tpu.memory_space<vmem>>, %arg9: memref<128xi32, #tpu.memory_space<vmem>>, %arg10: memref<128xi32, #tpu.memory_space<vmem>>, %arg11: memref<128xi32, #tpu.memory_space<vmem>>, %arg12: memref<128xi32, #tpu.memory_space<vmem>>, %arg13: memref<128xi32, #tpu.memory_space<vmem>>, %arg14: memref<128xi32, #tpu.memory_space<vmem>>, %arg15: memref<128xi32, #tpu.memory_space<vmem>>, %arg16: memref<128x128xf32, #tpu.memory_space<vmem>>, %arg17: memref<128x128xf32, #tpu.memory_space<vmem>>, %arg18: memref<10240x128xf32, #tpu.memory_space<vmem_shared>>, %arg19: memref<!tpu.dma_semaphore, #tpu.memory_space<semaphore_mem>>, %arg20: memref<!tpu.dma_semaphore, #tpu.memory_space<semaphore_mem>>, %arg21: memref<!tpu.dma_semaphore, #tpu.memory_space<semaphore_mem>>) attributes {dimension_semantics = [#tpu.dimension_semantics<core_parallel>, #tpu.dimension_semantics<subcore_parallel>], iteration_bounds = array<i64: 2, 16>, scalar_prefetch = 0 : i64, scratch_operands = 14 : i64, tpu.core_type = #tpu.core_type<sc_vector_subcore>, window_params = [{transform_indices = #map}, {transform_indices = #map}, {transform_indices = #map1}, {transform_indices = #map1}, {transform_indices = #map1}, {transform_indices = #map2}]} {
    %mul3A = arith.constant 16 : i32
    %mul3A_0 = arith.muli %arg0, %mul3A : i32
    %add3A = arith.addi %mul3A_0, %arg1 : i32
    %mul3A_1 = arith.constant 640 : i32
    %mul3A_2 = arith.muli %arg1, %mul3A_1 : i32
    %mul3A_3 = arith.constant 10240 : i32
    %mul3A_4 = arith.muli %add3A, %mul3A_3 : i32
    "tpu.region"() ({
      %run_scoped3A = tpu.sem_alloc : memref<!tpu.dma_semaphore, #tpu.memory_space<semaphore_mem>>
      tpu.enqueue_dma source(%arg6 : memref<128x128xf32, #tpu.memory_space<hbm>>) target(%arg16 : memref<128x128xf32, #tpu.memory_space<vmem>>) target_semaphore(%run_scoped3A : memref<!tpu.dma_semaphore, #tpu.memory_space<semaphore_mem>>)
      tpu.wait_dma2 semaphore(%run_scoped3A : memref<!tpu.dma_semaphore, #tpu.memory_space<semaphore_mem>>) src(%arg6 : memref<128x128xf32, #tpu.memory_space<hbm>>) dst(%arg16 : memref<128x128xf32, #tpu.memory_space<vmem>>)
      tpu.yield
    }) : () -> ()
    %add3A_5 = arith.constant 0 : i32
    %add3A_6 = arith.addi %mul3A_2, %add3A_5 : i32
    "tpu.region"() ({
      %run_scoped3A = tpu.sem_alloc : memref<!tpu.dma_semaphore, #tpu.memory_space<semaphore_mem>>
      %dma_start3A_57 = arith.constant 0 : i32
      %dma_start3A_58 = tpu.memref_slice %arg18[%add3A_6, %dma_start3A_57] : memref<10240x128xf32, #tpu.memory_space<vmem_shared>> -> memref<128x128xf32, #tpu.memory_space<vmem_shared>>
      %dma_start3A_59 = arith.constant 0 : i32
      %dma_start3A_60 = tpu.memref_slice %arg18[%add3A_6, %dma_start3A_59] : memref<10240x128xf32, #tpu.memory_space<vmem_shared>> -> memref<128x128xf32, #tpu.memory_space<vmem_shared>>
      tpu.enqueue_dma source(%arg16 : memref<128x128xf32, #tpu.memory_space<vmem>>) target(%dma_start3A_60 : memref<128x128xf32, #tpu.memory_space<vmem_shared>>) target_semaphore(%run_scoped3A : memref<!tpu.dma_semaphore, #tpu.memory_space<semaphore_mem>>)
      %dma_wait3A_61 = arith.constant 0 : i32
      %dma_wait3A_62 = tpu.memref_slice %arg18[%add3A_6, %dma_wait3A_61] : memref<10240x128xf32, #tpu.memory_space<vmem_shared>> -> memref<128x128xf32, #tpu.memory_space<vmem_shared>>
      %dma_wait3A_63 = arith.constant 0 : i32
      %dma_wait3A_64 = tpu.memref_slice %arg18[%add3A_6, %dma_wait3A_63] : memref<10240x128xf32, #tpu.memory_space<vmem_shared>> -> memref<128x128xf32, #tpu.memory_space<vmem_shared>>
      tpu.wait_dma2 semaphore(%run_scoped3A : memref<!tpu.dma_semaphore, #tpu.memory_space<semaphore_mem>>) src(%arg16 : memref<128x128xf32, #tpu.memory_space<vmem>>) dst(%dma_wait3A_64 : memref<128x128xf32, #tpu.memory_space<vmem_shared>>)
      tpu.yield
    }) : () -> ()
    %add3A_7 = arith.constant 128 : i32
    %add3A_8 = arith.addi %mul3A_2, %add3A_7 : i32
    "tpu.region"() ({
      %run_scoped3A = tpu.sem_alloc : memref<!tpu.dma_semaphore, #tpu.memory_space<semaphore_mem>>
      %dma_start3A_57 = arith.constant 0 : i32
      %dma_start3A_58 = tpu.memref_slice %arg18[%add3A_8, %dma_start3A_57] : memref<10240x128xf32, #tpu.memory_space<vmem_shared>> -> memref<128x128xf32, #tpu.memory_space<vmem_shared>>
      %dma_start3A_59 = arith.constant 0 : i32
      %dma_start3A_60 = tpu.memref_slice %arg18[%add3A_8, %dma_start3A_59] : memref<10240x128xf32, #tpu.memory_space<vmem_shared>> -> memref<128x128xf32, #tpu.memory_space<vmem_shared>>
      tpu.enqueue_dma source(%arg16 : memref<128x128xf32, #tpu.memory_space<vmem>>) target(%dma_start3A_60 : memref<128x128xf32, #tpu.memory_space<vmem_shared>>) target_semaphore(%run_scoped3A : memref<!tpu.dma_semaphore, #tpu.memory_space<semaphore_mem>>)
      %dma_wait3A_61 = arith.constant 0 : i32
      %dma_wait3A_62 = tpu.memref_slice %arg18[%add3A_8, %dma_wait3A_61] : memref<10240x128xf32, #tpu.memory_space<vmem_shared>> -> memref<128x128xf32, #tpu.memory_space<vmem_shared>>
      %dma_wait3A_63 = arith.constant 0 : i32
      %dma_wait3A_64 = tpu.memref_slice %arg18[%add3A_8, %dma_wait3A_63] : memref<10240x128xf32, #tpu.memory_space<vmem_shared>> -> memref<128x128xf32, #tpu.memory_space<vmem_shared>>
      tpu.wait_dma2 semaphore(%run_scoped3A : memref<!tpu.dma_semaphore, #tpu.memory_space<semaphore_mem>>) src(%arg16 : memref<128x128xf32, #tpu.memory_space<vmem>>) dst(%dma_wait3A_64 : memref<128x128xf32, #tpu.memory_space<vmem_shared>>)
      tpu.yield
    }) : () -> ()
    %add3A_9 = arith.constant 256 : i32
    %add3A_10 = arith.addi %mul3A_2, %add3A_9 : i32
    "tpu.region"() ({
      %run_scoped3A = tpu.sem_alloc : memref<!tpu.dma_semaphore, #tpu.memory_space<semaphore_mem>>
      %dma_start3A_57 = arith.constant 0 : i32
      %dma_start3A_58 = tpu.memref_slice %arg18[%add3A_10, %dma_start3A_57] : memref<10240x128xf32, #tpu.memory_space<vmem_shared>> -> memref<128x128xf32, #tpu.memory_space<vmem_shared>>
      %dma_start3A_59 = arith.constant 0 : i32
      %dma_start3A_60 = tpu.memref_slice %arg18[%add3A_10, %dma_start3A_59] : memref<10240x128xf32, #tpu.memory_space<vmem_shared>> -> memref<128x128xf32, #tpu.memory_space<vmem_shared>>
      tpu.enqueue_dma source(%arg16 : memref<128x128xf32, #tpu.memory_space<vmem>>) target(%dma_start3A_60 : memref<128x128xf32, #tpu.memory_space<vmem_shared>>) target_semaphore(%run_scoped3A : memref<!tpu.dma_semaphore, #tpu.memory_space<semaphore_mem>>)
      %dma_wait3A_61 = arith.constant 0 : i32
      %dma_wait3A_62 = tpu.memref_slice %arg18[%add3A_10, %dma_wait3A_61] : memref<10240x128xf32, #tpu.memory_space<vmem_shared>> -> memref<128x128xf32, #tpu.memory_space<vmem_shared>>
      %dma_wait3A_63 = arith.constant 0 : i32
      %dma_wait3A_64 = tpu.memref_slice %arg18[%add3A_10, %dma_wait3A_63] : memref<10240x128xf32, #tpu.memory_space<vmem_shared>> -> memref<128x128xf32, #tpu.memory_space<vmem_shared>>
      tpu.wait_dma2 semaphore(%run_scoped3A : memref<!tpu.dma_semaphore, #tpu.memory_space<semaphore_mem>>) src(%arg16 : memref<128x128xf32, #tpu.memory_space<vmem>>) dst(%dma_wait3A_64 : memref<128x128xf32, #tpu.memory_space<vmem_shared>>)
      tpu.yield
    }) : () -> ()
    %add3A_11 = arith.constant 384 : i32
    %add3A_12 = arith.addi %mul3A_2, %add3A_11 : i32
    "tpu.region"() ({
      %run_scoped3A = tpu.sem_alloc : memref<!tpu.dma_semaphore, #tpu.memory_space<semaphore_mem>>
      %dma_start3A_57 = arith.constant 0 : i32
      %dma_start3A_58 = tpu.memref_slice %arg18[%add3A_12, %dma_start3A_57] : memref<10240x128xf32, #tpu.memory_space<vmem_shared>> -> memref<128x128xf32, #tpu.memory_space<vmem_shared>>
      %dma_start3A_59 = arith.constant 0 : i32
      %dma_start3A_60 = tpu.memref_slice %arg18[%add3A_12, %dma_start3A_59] : memref<10240x128xf32, #tpu.memory_space<vmem_shared>> -> memref<128x128xf32, #tpu.memory_space<vmem_shared>>
      tpu.enqueue_dma source(%arg16 : memref<128x128xf32, #tpu.memory_space<vmem>>) target(%dma_start3A_60 : memref<128x128xf32, #tpu.memory_space<vmem_shared>>) target_semaphore(%run_scoped3A : memref<!tpu.dma_semaphore, #tpu.memory_space<semaphore_mem>>)
      %dma_wait3A_61 = arith.constant 0 : i32
      %dma_wait3A_62 = tpu.memref_slice %arg18[%add3A_12, %dma_wait3A_61] : memref<10240x128xf32, #tpu.memory_space<vmem_shared>> -> memref<128x128xf32, #tpu.memory_space<vmem_shared>>
      %dma_wait3A_63 = arith.constant 0 : i32
      %dma_wait3A_64 = tpu.memref_slice %arg18[%add3A_12, %dma_wait3A_63] : memref<10240x128xf32, #tpu.memory_space<vmem_shared>> -> memref<128x128xf32, #tpu.memory_space<vmem_shared>>
      tpu.wait_dma2 semaphore(%run_scoped3A : memref<!tpu.dma_semaphore, #tpu.memory_space<semaphore_mem>>) src(%arg16 : memref<128x128xf32, #tpu.memory_space<vmem>>) dst(%dma_wait3A_64 : memref<128x128xf32, #tpu.memory_space<vmem_shared>>)
      tpu.yield
    }) : () -> ()
    %add3A_13 = arith.constant 512 : i32
    %add3A_14 = arith.addi %mul3A_2, %add3A_13 : i32
    "tpu.region"() ({
      %run_scoped3A = tpu.sem_alloc : memref<!tpu.dma_semaphore, #tpu.memory_space<semaphore_mem>>
      %dma_start3A_57 = arith.constant 0 : i32
      %dma_start3A_58 = tpu.memref_slice %arg18[%add3A_14, %dma_start3A_57] : memref<10240x128xf32, #tpu.memory_space<vmem_shared>> -> memref<128x128xf32, #tpu.memory_space<vmem_shared>>
      %dma_start3A_59 = arith.constant 0 : i32
      %dma_start3A_60 = tpu.memref_slice %arg18[%add3A_14, %dma_start3A_59] : memref<10240x128xf32, #tpu.memory_space<vmem_shared>> -> memref<128x128xf32, #tpu.memory_space<vmem_shared>>
      tpu.enqueue_dma source(%arg16 : memref<128x128xf32, #tpu.memory_space<vmem>>) target(%dma_start3A_60 : memref<128x128xf32, #tpu.memory_space<vmem_shared>>) target_semaphore(%run_scoped3A : memref<!tpu.dma_semaphore, #tpu.memory_space<semaphore_mem>>)
      %dma_wait3A_61 = arith.constant 0 : i32
      %dma_wait3A_62 = tpu.memref_slice %arg18[%add3A_14, %dma_wait3A_61] : memref<10240x128xf32, #tpu.memory_space<vmem_shared>> -> memref<128x128xf32, #tpu.memory_space<vmem_shared>>
      %dma_wait3A_63 = arith.constant 0 : i32
      %dma_wait3A_64 = tpu.memref_slice %arg18[%add3A_14, %dma_wait3A_63] : memref<10240x128xf32, #tpu.memory_space<vmem_shared>> -> memref<128x128xf32, #tpu.memory_space<vmem_shared>>
      tpu.wait_dma2 semaphore(%run_scoped3A : memref<!tpu.dma_semaphore, #tpu.memory_space<semaphore_mem>>) src(%arg16 : memref<128x128xf32, #tpu.memory_space<vmem>>) dst(%dma_wait3A_64 : memref<128x128xf32, #tpu.memory_space<vmem_shared>>)
      tpu.yield
    }) : () -> ()
    "tpu.region"() ({
      %run_scoped3A = tpu.sem_alloc : memref<!tpu.dma_semaphore, #tpu.memory_space<semaphore_mem>>
      tpu.enqueue_dma source(%arg4 : memref<128x128xf32, #tpu.memory_space<hbm>>) target(%arg16 : memref<128x128xf32, #tpu.memory_space<vmem>>) target_semaphore(%run_scoped3A : memref<!tpu.dma_semaphore, #tpu.memory_space<semaphore_mem>>)
      tpu.wait_dma2 semaphore(%run_scoped3A : memref<!tpu.dma_semaphore, #tpu.memory_space<semaphore_mem>>) src(%arg4 : memref<128x128xf32, #tpu.memory_space<hbm>>) dst(%arg16 : memref<128x128xf32, #tpu.memory_space<vmem>>)
      tpu.yield
    }) : () -> ()
    "tpu.region"() ({
      %run_scoped3A = tpu.sem_alloc : memref<!tpu.dma_semaphore, #tpu.memory_space<semaphore_mem>>
      tpu.enqueue_dma source(%arg5 : memref<128x128xf32, #tpu.memory_space<hbm>>) target(%arg17 : memref<128x128xf32, #tpu.memory_space<vmem>>) target_semaphore(%run_scoped3A : memref<!tpu.dma_semaphore, #tpu.memory_space<semaphore_mem>>)
      tpu.wait_dma2 semaphore(%run_scoped3A : memref<!tpu.dma_semaphore, #tpu.memory_space<semaphore_mem>>) src(%arg5 : memref<128x128xf32, #tpu.memory_space<hbm>>) dst(%arg17 : memref<128x128xf32, #tpu.memory_space<vmem>>)
      tpu.yield
    }) : () -> ()
    %barrier3A = arith.constant 0 : index
    tpu.barrier barrier_id(%barrier3A)
    %add3A_15 = arith.constant 0 : i32
    %add3A_16 = arith.addi %mul3A_4, %add3A_15 : i32
    %dma_start3A = tpu.memref_slice %arg2[%add3A_16] : memref<327680xi32, #tpu.memory_space<hbm>> -> memref<128xi32, #tpu.memory_space<hbm>>
    %dma_start3A_17 = tpu.memref_slice %arg2[%add3A_16] : memref<327680xi32, #tpu.memory_space<hbm>> -> memref<128xi32, #tpu.memory_space<hbm>>
    tpu.enqueue_dma source(%dma_start3A_17 : memref<128xi32, #tpu.memory_space<hbm>>) target(%arg8 : memref<128xi32, #tpu.memory_space<vmem>>) target_semaphore(%arg20 : memref<!tpu.dma_semaphore, #tpu.memory_space<semaphore_mem>>)
    %add3A_18 = arith.constant 0 : i32
    %add3A_19 = arith.addi %mul3A_4, %add3A_18 : i32
    %dma_start3A_20 = tpu.memref_slice %arg3[%add3A_19] : memref<327680xi32, #tpu.memory_space<hbm>> -> memref<128xi32, #tpu.memory_space<hbm>>
    %dma_start3A_21 = tpu.memref_slice %arg3[%add3A_19] : memref<327680xi32, #tpu.memory_space<hbm>> -> memref<128xi32, #tpu.memory_space<hbm>>
    tpu.enqueue_dma source(%dma_start3A_21 : memref<128xi32, #tpu.memory_space<hbm>>) target(%arg12 : memref<128xi32, #tpu.memory_space<vmem>>) target_semaphore(%arg20 : memref<!tpu.dma_semaphore, #tpu.memory_space<semaphore_mem>>)
    %add3A_22 = arith.constant 128 : i32
    %add3A_23 = arith.addi %mul3A_4, %add3A_22 : i32
    %dma_start3A_24 = tpu.memref_slice %arg2[%add3A_23] : memref<327680xi32, #tpu.memory_space<hbm>> -> memref<128xi32, #tpu.memory_space<hbm>>
    %dma_start3A_25 = tpu.memref_slice %arg2[%add3A_23] : memref<327680xi32, #tpu.memory_space<hbm>> -> memref<128xi32, #tpu.memory_space<hbm>>
    tpu.enqueue_dma source(%dma_start3A_25 : memref<128xi32, #tpu.memory_space<hbm>>) target(%arg9 : memref<128xi32, #tpu.memory_space<vmem>>) target_semaphore(%arg21 : memref<!tpu.dma_semaphore, #tpu.memory_space<semaphore_mem>>)
    %add3A_26 = arith.constant 128 : i32
    %add3A_27 = arith.addi %mul3A_4, %add3A_26 : i32
    %dma_start3A_28 = tpu.memref_slice %arg3[%add3A_27] : memref<327680xi32, #tpu.memory_space<hbm>> -> memref<128xi32, #tpu.memory_space<hbm>>
    %dma_start3A_29 = tpu.memref_slice %arg3[%add3A_27] : memref<327680xi32, #tpu.memory_space<hbm>> -> memref<128xi32, #tpu.memory_space<hbm>>
    tpu.enqueue_dma source(%dma_start3A_29 : memref<128xi32, #tpu.memory_space<hbm>>) target(%arg13 : memref<128xi32, #tpu.memory_space<vmem>>) target_semaphore(%arg21 : memref<!tpu.dma_semaphore, #tpu.memory_space<semaphore_mem>>)
    %scan3A = arith.constant 0 : i32
    %scan3A_30 = arith.constant 0 : i32
    %scan3A_31 = arith.constant 20 : i32
    %scan3A_32 = arith.addi %scan3A_30, %scan3A_31 : i32
    %scan3A_33 = arith.constant 1 : i32
    scf.for %scan3A_57 = %scan3A_30 to %scan3A_32 step %scan3A_33  : i32 {
      %mul3A_58 = arith.constant 4 : i32
      %mul3A_59 = arith.muli %mul3A_58, %scan3A_57 : i32
      %add3A_60 = arith.constant 0 : i32
      %add3A_61 = arith.addi %mul3A_59, %add3A_60 : i32
      %gt3A = arith.constant 1 : i32
      %gt3A_62 = arith.cmpi sgt, %add3A_61, %gt3A : i32
      %convert_element_type3A = arith.extui %gt3A_62 : i1 to i32
      %cond3A = arith.constant 0 : i32
      %cond3A_63 = arith.cmpi ne, %convert_element_type3A, %cond3A : i32
      scf.if %cond3A_63 {
        %dma_wait3A_176 = arith.constant 0 : i32
        %dma_wait3A_177 = arith.constant 0 : i32
        %dma_wait3A_178 = tpu.memref_slice %arg18[%dma_wait3A_176, %dma_wait3A_177] : memref<10240x128xf32, #tpu.memory_space<vmem_shared>> -> memref<10240x128xf32, #tpu.memory_space<vmem_shared>>
        tpu.wait_indirect_dma semaphore(%arg19 : memref<!tpu.dma_semaphore, #tpu.memory_space<semaphore_mem>>) src(%arg16 : memref<128x128xf32, #tpu.memory_space<vmem>>) dst(%dma_wait3A_178 : memref<10240x128xf32, #tpu.memory_space<vmem_shared>>)
        %dma_wait3A_179 = arith.constant 0 : i32
        %dma_wait3A_180 = arith.constant 0 : i32
        %dma_wait3A_181 = tpu.memref_slice %arg18[%dma_wait3A_179, %dma_wait3A_180] : memref<10240x128xf32, #tpu.memory_space<vmem_shared>> -> memref<10240x128xf32, #tpu.memory_space<vmem_shared>>
        tpu.wait_indirect_dma semaphore(%arg19 : memref<!tpu.dma_semaphore, #tpu.memory_space<semaphore_mem>>) src(%arg17 : memref<128x128xf32, #tpu.memory_space<vmem>>) dst(%dma_wait3A_181 : memref<10240x128xf32, #tpu.memory_space<vmem_shared>>)
      } else {
      }
      %add3A_64 = arith.constant 2 : i32
      %add3A_65 = arith.addi %add3A_61, %add3A_64 : i32
      %lt3A = arith.constant 80 : i32
      %lt3A_66 = arith.cmpi slt, %add3A_65, %lt3A : i32
      %convert_element_type3A_67 = arith.extui %lt3A_66 : i1 to i32
      %cond3A_68 = arith.constant 0 : i32
      %cond3A_69 = arith.cmpi ne, %convert_element_type3A_67, %cond3A_68 : i32
      scf.if %cond3A_69 {
        %add3A_176 = arith.constant 2 : i32
        %add3A_177 = arith.addi %add3A_61, %add3A_176 : i32
        %mul3A_178 = arith.constant 128 : i32
        %mul3A_179 = arith.muli %add3A_177, %mul3A_178 : i32
        %add3A_180 = arith.addi %mul3A_4, %mul3A_179 : i32
        %dma_start3A_181 = tpu.memref_slice %arg2[%add3A_180] : memref<327680xi32, #tpu.memory_space<hbm>> -> memref<128xi32, #tpu.memory_space<hbm>>
        %dma_start3A_182 = tpu.memref_slice %arg2[%add3A_180] : memref<327680xi32, #tpu.memory_space<hbm>> -> memref<128xi32, #tpu.memory_space<hbm>>
        tpu.enqueue_dma source(%dma_start3A_182 : memref<128xi32, #tpu.memory_space<hbm>>) target(%arg10 : memref<128xi32, #tpu.memory_space<vmem>>) target_semaphore(%arg20 : memref<!tpu.dma_semaphore, #tpu.memory_space<semaphore_mem>>)
        %mul3A_183 = arith.constant 128 : i32
        %mul3A_184 = arith.muli %add3A_177, %mul3A_183 : i32
        %add3A_185 = arith.addi %mul3A_4, %mul3A_184 : i32
        %dma_start3A_186 = tpu.memref_slice %arg3[%add3A_185] : memref<327680xi32, #tpu.memory_space<hbm>> -> memref<128xi32, #tpu.memory_space<hbm>>
        %dma_start3A_187 = tpu.memref_slice %arg3[%add3A_185] : memref<327680xi32, #tpu.memory_space<hbm>> -> memref<128xi32, #tpu.memory_space<hbm>>
        tpu.enqueue_dma source(%dma_start3A_187 : memref<128xi32, #tpu.memory_space<hbm>>) target(%arg14 : memref<128xi32, #tpu.memory_space<vmem>>) target_semaphore(%arg20 : memref<!tpu.dma_semaphore, #tpu.memory_space<semaphore_mem>>)
      } else {
      }
      %dma_wait3A_70 = arith.constant 0 : i32
      %dma_wait3A_71 = tpu.memref_slice %arg2[%dma_wait3A_70] : memref<327680xi32, #tpu.memory_space<hbm>> -> memref<128xi32, #tpu.memory_space<hbm>>
      %dma_wait3A_72 = arith.constant 0 : i32
      %dma_wait3A_73 = tpu.memref_slice %arg2[%dma_wait3A_72] : memref<327680xi32, #tpu.memory_space<hbm>> -> memref<128xi32, #tpu.memory_space<hbm>>
      tpu.wait_dma2 semaphore(%arg20 : memref<!tpu.dma_semaphore, #tpu.memory_space<semaphore_mem>>) src(%dma_wait3A_73 : memref<128xi32, #tpu.memory_space<hbm>>) dst(%arg8 : memref<128xi32, #tpu.memory_space<vmem>>)
      %dma_wait3A_74 = arith.constant 0 : i32
      %dma_wait3A_75 = tpu.memref_slice %arg3[%dma_wait3A_74] : memref<327680xi32, #tpu.memory_space<hbm>> -> memref<128xi32, #tpu.memory_space<hbm>>
      %dma_wait3A_76 = arith.constant 0 : i32
      %dma_wait3A_77 = tpu.memref_slice %arg3[%dma_wait3A_76] : memref<327680xi32, #tpu.memory_space<hbm>> -> memref<128xi32, #tpu.memory_space<hbm>>
      tpu.wait_dma2 semaphore(%arg20 : memref<!tpu.dma_semaphore, #tpu.memory_space<semaphore_mem>>) src(%dma_wait3A_77 : memref<128xi32, #tpu.memory_space<hbm>>) dst(%arg12 : memref<128xi32, #tpu.memory_space<vmem>>)
      %dma_start3A_78 = arith.constant 0 : i32
      %dma_start3A_79 = arith.constant 0 : i32
      %dma_start3A_80 = tpu.memref_slice %arg18[%dma_start3A_78, %dma_start3A_79] : memref<10240x128xf32, #tpu.memory_space<vmem_shared>> -> memref<10240x128xf32, #tpu.memory_space<vmem_shared>>
      tpu.enqueue_indirect_dma source(%arg16 : memref<128x128xf32, #tpu.memory_space<vmem>>) target(%dma_start3A_80 : memref<10240x128xf32, #tpu.memory_space<vmem_shared>>) offsets(%arg8 : memref<128xi32, #tpu.memory_space<vmem>>) semaphore(%arg19 : memref<!tpu.dma_semaphore, #tpu.memory_space<semaphore_mem>>) {add = true}
      %dma_start3A_81 = arith.constant 0 : i32
      %dma_start3A_82 = arith.constant 0 : i32
      %dma_start3A_83 = tpu.memref_slice %arg18[%dma_start3A_81, %dma_start3A_82] : memref<10240x128xf32, #tpu.memory_space<vmem_shared>> -> memref<10240x128xf32, #tpu.memory_space<vmem_shared>>
      tpu.enqueue_indirect_dma source(%arg17 : memref<128x128xf32, #tpu.memory_space<vmem>>) target(%dma_start3A_83 : memref<10240x128xf32, #tpu.memory_space<vmem_shared>>) offsets(%arg12 : memref<128xi32, #tpu.memory_space<vmem>>) semaphore(%arg19 : memref<!tpu.dma_semaphore, #tpu.memory_space<semaphore_mem>>) {add = true}
      %mul3A_84 = arith.constant 4 : i32
      %mul3A_85 = arith.muli %mul3A_84, %scan3A_57 : i32
      %add3A_86 = arith.constant 1 : i32
      %add3A_87 = arith.addi %mul3A_85, %add3A_86 : i32
      %gt3A_88 = arith.constant 1 : i32
      %gt3A_89 = arith.cmpi sgt, %add3A_87, %gt3A_88 : i32
      %convert_element_type3A_90 = arith.extui %gt3A_89 : i1 to i32
      %cond3A_91 = arith.constant 0 : i32
      %cond3A_92 = arith.cmpi ne, %convert_element_type3A_90, %cond3A_91 : i32
      scf.if %cond3A_92 {
        %dma_wait3A_176 = arith.constant 0 : i32
        %dma_wait3A_177 = arith.constant 0 : i32
        %dma_wait3A_178 = tpu.memref_slice %arg18[%dma_wait3A_176, %dma_wait3A_177] : memref<10240x128xf32, #tpu.memory_space<vmem_shared>> -> memref<10240x128xf32, #tpu.memory_space<vmem_shared>>
        tpu.wait_indirect_dma semaphore(%arg19 : memref<!tpu.dma_semaphore, #tpu.memory_space<semaphore_mem>>) src(%arg16 : memref<128x128xf32, #tpu.memory_space<vmem>>) dst(%dma_wait3A_178 : memref<10240x128xf32, #tpu.memory_space<vmem_shared>>)
        %dma_wait3A_179 = arith.constant 0 : i32
        %dma_wait3A_180 = arith.constant 0 : i32
        %dma_wait3A_181 = tpu.memref_slice %arg18[%dma_wait3A_179, %dma_wait3A_180] : memref<10240x128xf32, #tpu.memory_space<vmem_shared>> -> memref<10240x128xf32, #tpu.memory_space<vmem_shared>>
        tpu.wait_indirect_dma semaphore(%arg19 : memref<!tpu.dma_semaphore, #tpu.memory_space<semaphore_mem>>) src(%arg17 : memref<128x128xf32, #tpu.memory_space<vmem>>) dst(%dma_wait3A_181 : memref<10240x128xf32, #tpu.memory_space<vmem_shared>>)
      } else {
      }
      %add3A_93 = arith.constant 2 : i32
      %add3A_94 = arith.addi %add3A_87, %add3A_93 : i32
      %lt3A_95 = arith.constant 80 : i32
      %lt3A_96 = arith.cmpi slt, %add3A_94, %lt3A_95 : i32
      %convert_element_type3A_97 = arith.extui %lt3A_96 : i1 to i32
      %cond3A_98 = arith.constant 0 : i32
      %cond3A_99 = arith.cmpi ne, %convert_element_type3A_97, %cond3A_98 : i32
      scf.if %cond3A_99 {
        %add3A_176 = arith.constant 2 : i32
        %add3A_177 = arith.addi %add3A_87, %add3A_176 : i32
        %mul3A_178 = arith.constant 128 : i32
        %mul3A_179 = arith.muli %add3A_177, %mul3A_178 : i32
        %add3A_180 = arith.addi %mul3A_4, %mul3A_179 : i32
        %dma_start3A_181 = tpu.memref_slice %arg2[%add3A_180] : memref<327680xi32, #tpu.memory_space<hbm>> -> memref<128xi32, #tpu.memory_space<hbm>>
        %dma_start3A_182 = tpu.memref_slice %arg2[%add3A_180] : memref<327680xi32, #tpu.memory_space<hbm>> -> memref<128xi32, #tpu.memory_space<hbm>>
        tpu.enqueue_dma source(%dma_start3A_182 : memref<128xi32, #tpu.memory_space<hbm>>) target(%arg11 : memref<128xi32, #tpu.memory_space<vmem>>) target_semaphore(%arg21 : memref<!tpu.dma_semaphore, #tpu.memory_space<semaphore_mem>>)
        %mul3A_183 = arith.constant 128 : i32
        %mul3A_184 = arith.muli %add3A_177, %mul3A_183 : i32
        %add3A_185 = arith.addi %mul3A_4, %mul3A_184 : i32
        %dma_start3A_186 = tpu.memref_slice %arg3[%add3A_185] : memref<327680xi32, #tpu.memory_space<hbm>> -> memref<128xi32, #tpu.memory_space<hbm>>
        %dma_start3A_187 = tpu.memref_slice %arg3[%add3A_185] : memref<327680xi32, #tpu.memory_space<hbm>> -> memref<128xi32, #tpu.memory_space<hbm>>
        tpu.enqueue_dma source(%dma_start3A_187 : memref<128xi32, #tpu.memory_space<hbm>>) target(%arg15 : memref<128xi32, #tpu.memory_space<vmem>>) target_semaphore(%arg21 : memref<!tpu.dma_semaphore, #tpu.memory_space<semaphore_mem>>)
      } else {
      }
      %dma_wait3A_100 = arith.constant 0 : i32
      %dma_wait3A_101 = tpu.memref_slice %arg2[%dma_wait3A_100] : memref<327680xi32, #tpu.memory_space<hbm>> -> memref<128xi32, #tpu.memory_space<hbm>>
      %dma_wait3A_102 = arith.constant 0 : i32
      %dma_wait3A_103 = tpu.memref_slice %arg2[%dma_wait3A_102] : memref<327680xi32, #tpu.memory_space<hbm>> -> memref<128xi32, #tpu.memory_space<hbm>>
      tpu.wait_dma2 semaphore(%arg21 : memref<!tpu.dma_semaphore, #tpu.memory_space<semaphore_mem>>) src(%dma_wait3A_103 : memref<128xi32, #tpu.memory_space<hbm>>) dst(%arg9 : memref<128xi32, #tpu.memory_space<vmem>>)
      %dma_wait3A_104 = arith.constant 0 : i32
      %dma_wait3A_105 = tpu.memref_slice %arg3[%dma_wait3A_104] : memref<327680xi32, #tpu.memory_space<hbm>> -> memref<128xi32, #tpu.memory_space<hbm>>
      %dma_wait3A_106 = arith.constant 0 : i32
      %dma_wait3A_107 = tpu.memref_slice %arg3[%dma_wait3A_106] : memref<327680xi32, #tpu.memory_space<hbm>> -> memref<128xi32, #tpu.memory_space<hbm>>
      tpu.wait_dma2 semaphore(%arg21 : memref<!tpu.dma_semaphore, #tpu.memory_space<semaphore_mem>>) src(%dma_wait3A_107 : memref<128xi32, #tpu.memory_space<hbm>>) dst(%arg13 : memref<128xi32, #tpu.memory_space<vmem>>)
      %dma_start3A_108 = arith.constant 0 : i32
      %dma_start3A_109 = arith.constant 0 : i32
      %dma_start3A_110 = tpu.memref_slice %arg18[%dma_start3A_108, %dma_start3A_109] : memref<10240x128xf32, #tpu.memory_space<vmem_shared>> -> memref<10240x128xf32, #tpu.memory_space<vmem_shared>>
      tpu.enqueue_indirect_dma source(%arg16 : memref<128x128xf32, #tpu.memory_space<vmem>>) target(%dma_start3A_110 : memref<10240x128xf32, #tpu.memory_space<vmem_shared>>) offsets(%arg9 : memref<128xi32, #tpu.memory_space<vmem>>) semaphore(%arg19 : memref<!tpu.dma_semaphore, #tpu.memory_space<semaphore_mem>>) {add = true}
      %dma_start3A_111 = arith.constant 0 : i32
      %dma_start3A_112 = arith.constant 0 : i32
      %dma_start3A_113 = tpu.memref_slice %arg18[%dma_start3A_111, %dma_start3A_112] : memref<10240x128xf32, #tpu.memory_space<vmem_shared>> -> memref<10240x128xf32, #tpu.memory_space<vmem_shared>>
      tpu.enqueue_indirect_dma source(%arg17 : memref<128x128xf32, #tpu.memory_space<vmem>>) target(%dma_start3A_113 : memref<10240x128xf32, #tpu.memory_space<vmem_shared>>) offsets(%arg13 : memref<128xi32, #tpu.memory_space<vmem>>) semaphore(%arg19 : memref<!tpu.dma_semaphore, #tpu.memory_space<semaphore_mem>>) {add = true}
      %mul3A_114 = arith.constant 4 : i32
      %mul3A_115 = arith.muli %mul3A_114, %scan3A_57 : i32
      %add3A_116 = arith.constant 2 : i32
      %add3A_117 = arith.addi %mul3A_115, %add3A_116 : i32
      %dma_wait3A_118 = arith.constant 0 : i32
      %dma_wait3A_119 = arith.constant 0 : i32
      %dma_wait3A_120 = tpu.memref_slice %arg18[%dma_wait3A_118, %dma_wait3A_119] : memref<10240x128xf32, #tpu.memory_space<vmem_shared>> -> memref<10240x128xf32, #tpu.memory_space<vmem_shared>>
      tpu.wait_indirect_dma semaphore(%arg19 : memref<!tpu.dma_semaphore, #tpu.memory_space<semaphore_mem>>) src(%arg16 : memref<128x128xf32, #tpu.memory_space<vmem>>) dst(%dma_wait3A_120 : memref<10240x128xf32, #tpu.memory_space<vmem_shared>>)
      %dma_wait3A_121 = arith.constant 0 : i32
      %dma_wait3A_122 = arith.constant 0 : i32
      %dma_wait3A_123 = tpu.memref_slice %arg18[%dma_wait3A_121, %dma_wait3A_122] : memref<10240x128xf32, #tpu.memory_space<vmem_shared>> -> memref<10240x128xf32, #tpu.memory_space<vmem_shared>>
      tpu.wait_indirect_dma semaphore(%arg19 : memref<!tpu.dma_semaphore, #tpu.memory_space<semaphore_mem>>) src(%arg17 : memref<128x128xf32, #tpu.memory_space<vmem>>) dst(%dma_wait3A_123 : memref<10240x128xf32, #tpu.memory_space<vmem_shared>>)
      %add3A_124 = arith.constant 2 : i32
      %add3A_125 = arith.addi %add3A_117, %add3A_124 : i32
      %lt3A_126 = arith.constant 80 : i32
      %lt3A_127 = arith.cmpi slt, %add3A_125, %lt3A_126 : i32
      %convert_element_type3A_128 = arith.extui %lt3A_127 : i1 to i32
      %cond3A_129 = arith.constant 0 : i32
      %cond3A_130 = arith.cmpi ne, %convert_element_type3A_128, %cond3A_129 : i32
      scf.if %cond3A_130 {
        %add3A_176 = arith.constant 2 : i32
        %add3A_177 = arith.addi %add3A_117, %add3A_176 : i32
        %mul3A_178 = arith.constant 128 : i32
        %mul3A_179 = arith.muli %add3A_177, %mul3A_178 : i32
        %add3A_180 = arith.addi %mul3A_4, %mul3A_179 : i32
        %dma_start3A_181 = tpu.memref_slice %arg2[%add3A_180] : memref<327680xi32, #tpu.memory_space<hbm>> -> memref<128xi32, #tpu.memory_space<hbm>>
        %dma_start3A_182 = tpu.memref_slice %arg2[%add3A_180] : memref<327680xi32, #tpu.memory_space<hbm>> -> memref<128xi32, #tpu.memory_space<hbm>>
        tpu.enqueue_dma source(%dma_start3A_182 : memref<128xi32, #tpu.memory_space<hbm>>) target(%arg8 : memref<128xi32, #tpu.memory_space<vmem>>) target_semaphore(%arg20 : memref<!tpu.dma_semaphore, #tpu.memory_space<semaphore_mem>>)
        %mul3A_183 = arith.constant 128 : i32
        %mul3A_184 = arith.muli %add3A_177, %mul3A_183 : i32
        %add3A_185 = arith.addi %mul3A_4, %mul3A_184 : i32
        %dma_start3A_186 = tpu.memref_slice %arg3[%add3A_185] : memref<327680xi32, #tpu.memory_space<hbm>> -> memref<128xi32, #tpu.memory_space<hbm>>
        %dma_start3A_187 = tpu.memref_slice %arg3[%add3A_185] : memref<327680xi32, #tpu.memory_space<hbm>> -> memref<128xi32, #tpu.memory_space<hbm>>
        tpu.enqueue_dma source(%dma_start3A_187 : memref<128xi32, #tpu.memory_space<hbm>>) target(%arg12 : memref<128xi32, #tpu.memory_space<vmem>>) target_semaphore(%arg20 : memref<!tpu.dma_semaphore, #tpu.memory_space<semaphore_mem>>)
      } else {
      }
      %dma_wait3A_131 = arith.constant 0 : i32
      %dma_wait3A_132 = tpu.memref_slice %arg2[%dma_wait3A_131] : memref<327680xi32, #tpu.memory_space<hbm>> -> memref<128xi32, #tpu.memory_space<hbm>>
      %dma_wait3A_133 = arith.constant 0 : i32
      %dma_wait3A_134 = tpu.memref_slice %arg2[%dma_wait3A_133] : memref<327680xi32, #tpu.memory_space<hbm>> -> memref<128xi32, #tpu.memory_space<hbm>>
      tpu.wait_dma2 semaphore(%arg20 : memref<!tpu.dma_semaphore, #tpu.memory_space<semaphore_mem>>) src(%dma_wait3A_134 : memref<128xi32, #tpu.memory_space<hbm>>) dst(%arg10 : memref<128xi32, #tpu.memory_space<vmem>>)
      %dma_wait3A_135 = arith.constant 0 : i32
      %dma_wait3A_136 = tpu.memref_slice %arg3[%dma_wait3A_135] : memref<327680xi32, #tpu.memory_space<hbm>> -> memref<128xi32, #tpu.memory_space<hbm>>
      %dma_wait3A_137 = arith.constant 0 : i32
      %dma_wait3A_138 = tpu.memref_slice %arg3[%dma_wait3A_137] : memref<327680xi32, #tpu.memory_space<hbm>> -> memref<128xi32, #tpu.memory_space<hbm>>
      tpu.wait_dma2 semaphore(%arg20 : memref<!tpu.dma_semaphore, #tpu.memory_space<semaphore_mem>>) src(%dma_wait3A_138 : memref<128xi32, #tpu.memory_space<hbm>>) dst(%arg14 : memref<128xi32, #tpu.memory_space<vmem>>)
      %dma_start3A_139 = arith.constant 0 : i32
      %dma_start3A_140 = arith.constant 0 : i32
      %dma_start3A_141 = tpu.memref_slice %arg18[%dma_start3A_139, %dma_start3A_140] : memref<10240x128xf32, #tpu.memory_space<vmem_shared>> -> memref<10240x128xf32, #tpu.memory_space<vmem_shared>>
      tpu.enqueue_indirect_dma source(%arg16 : memref<128x128xf32, #tpu.memory_space<vmem>>) target(%dma_start3A_141 : memref<10240x128xf32, #tpu.memory_space<vmem_shared>>) offsets(%arg10 : memref<128xi32, #tpu.memory_space<vmem>>) semaphore(%arg19 : memref<!tpu.dma_semaphore, #tpu.memory_space<semaphore_mem>>) {add = true}
      %dma_start3A_142 = arith.constant 0 : i32
      %dma_start3A_143 = arith.constant 0 : i32
      %dma_start3A_144 = tpu.memref_slice %arg18[%dma_start3A_142, %dma_start3A_143] : memref<10240x128xf32, #tpu.memory_space<vmem_shared>> -> memref<10240x128xf32, #tpu.memory_space<vmem_shared>>
      tpu.enqueue_indirect_dma source(%arg17 : memref<128x128xf32, #tpu.memory_space<vmem>>) target(%dma_start3A_144 : memref<10240x128xf32, #tpu.memory_space<vmem_shared>>) offsets(%arg14 : memref<128xi32, #tpu.memory_space<vmem>>) semaphore(%arg19 : memref<!tpu.dma_semaphore, #tpu.memory_space<semaphore_mem>>) {add = true}
      %mul3A_145 = arith.constant 4 : i32
      %mul3A_146 = arith.muli %mul3A_145, %scan3A_57 : i32
      %add3A_147 = arith.constant 3 : i32
      %add3A_148 = arith.addi %mul3A_146, %add3A_147 : i32
      %dma_wait3A_149 = arith.constant 0 : i32
      %dma_wait3A_150 = arith.constant 0 : i32
      %dma_wait3A_151 = tpu.memref_slice %arg18[%dma_wait3A_149, %dma_wait3A_150] : memref<10240x128xf32, #tpu.memory_space<vmem_shared>> -> memref<10240x128xf32, #tpu.memory_space<vmem_shared>>
      tpu.wait_indirect_dma semaphore(%arg19 : memref<!tpu.dma_semaphore, #tpu.memory_space<semaphore_mem>>) src(%arg16 : memref<128x128xf32, #tpu.memory_space<vmem>>) dst(%dma_wait3A_151 : memref<10240x128xf32, #tpu.memory_space<vmem_shared>>)
      %dma_wait3A_152 = arith.constant 0 : i32
      %dma_wait3A_153 = arith.constant 0 : i32
      %dma_wait3A_154 = tpu.memref_slice %arg18[%dma_wait3A_152, %dma_wait3A_153] : memref<10240x128xf32, #tpu.memory_space<vmem_shared>> -> memref<10240x128xf32, #tpu.memory_space<vmem_shared>>
      tpu.wait_indirect_dma semaphore(%arg19 : memref<!tpu.dma_semaphore, #tpu.memory_space<semaphore_mem>>) src(%arg17 : memref<128x128xf32, #tpu.memory_space<vmem>>) dst(%dma_wait3A_154 : memref<10240x128xf32, #tpu.memory_space<vmem_shared>>)
      %add3A_155 = arith.constant 2 : i32
      %add3A_156 = arith.addi %add3A_148, %add3A_155 : i32
      %lt3A_157 = arith.constant 80 : i32
      %lt3A_158 = arith.cmpi slt, %add3A_156, %lt3A_157 : i32
      %convert_element_type3A_159 = arith.extui %lt3A_158 : i1 to i32
      %cond3A_160 = arith.constant 0 : i32
      %cond3A_161 = arith.cmpi ne, %convert_element_type3A_159, %cond3A_160 : i32
      scf.if %cond3A_161 {
        %add3A_176 = arith.constant 2 : i32
        %add3A_177 = arith.addi %add3A_148, %add3A_176 : i32
        %mul3A_178 = arith.constant 128 : i32
        %mul3A_179 = arith.muli %add3A_177, %mul3A_178 : i32
        %add3A_180 = arith.addi %mul3A_4, %mul3A_179 : i32
        %dma_start3A_181 = tpu.memref_slice %arg2[%add3A_180] : memref<327680xi32, #tpu.memory_space<hbm>> -> memref<128xi32, #tpu.memory_space<hbm>>
        %dma_start3A_182 = tpu.memref_slice %arg2[%add3A_180] : memref<327680xi32, #tpu.memory_space<hbm>> -> memref<128xi32, #tpu.memory_space<hbm>>
        tpu.enqueue_dma source(%dma_start3A_182 : memref<128xi32, #tpu.memory_space<hbm>>) target(%arg9 : memref<128xi32, #tpu.memory_space<vmem>>) target_semaphore(%arg21 : memref<!tpu.dma_semaphore, #tpu.memory_space<semaphore_mem>>)
        %mul3A_183 = arith.constant 128 : i32
        %mul3A_184 = arith.muli %add3A_177, %mul3A_183 : i32
        %add3A_185 = arith.addi %mul3A_4, %mul3A_184 : i32
        %dma_start3A_186 = tpu.memref_slice %arg3[%add3A_185] : memref<327680xi32, #tpu.memory_space<hbm>> -> memref<128xi32, #tpu.memory_space<hbm>>
        %dma_start3A_187 = tpu.memref_slice %arg3[%add3A_185] : memref<327680xi32, #tpu.memory_space<hbm>> -> memref<128xi32, #tpu.memory_space<hbm>>
        tpu.enqueue_dma source(%dma_start3A_187 : memref<128xi32, #tpu.memory_space<hbm>>) target(%arg13 : memref<128xi32, #tpu.memory_space<vmem>>) target_semaphore(%arg21 : memref<!tpu.dma_semaphore, #tpu.memory_space<semaphore_mem>>)
      } else {
      }
      %dma_wait3A_162 = arith.constant 0 : i32
      %dma_wait3A_163 = tpu.memref_slice %arg2[%dma_wait3A_162] : memref<327680xi32, #tpu.memory_space<hbm>> -> memref<128xi32, #tpu.memory_space<hbm>>
      %dma_wait3A_164 = arith.constant 0 : i32
      %dma_wait3A_165 = tpu.memref_slice %arg2[%dma_wait3A_164] : memref<327680xi32, #tpu.memory_space<hbm>> -> memref<128xi32, #tpu.memory_space<hbm>>
      tpu.wait_dma2 semaphore(%arg21 : memref<!tpu.dma_semaphore, #tpu.memory_space<semaphore_mem>>) src(%dma_wait3A_165 : memref<128xi32, #tpu.memory_space<hbm>>) dst(%arg11 : memref<128xi32, #tpu.memory_space<vmem>>)
      %dma_wait3A_166 = arith.constant 0 : i32
      %dma_wait3A_167 = tpu.memref_slice %arg3[%dma_wait3A_166] : memref<327680xi32, #tpu.memory_space<hbm>> -> memref<128xi32, #tpu.memory_space<hbm>>
      %dma_wait3A_168 = arith.constant 0 : i32
      %dma_wait3A_169 = tpu.memref_slice %arg3[%dma_wait3A_168] : memref<327680xi32, #tpu.memory_space<hbm>> -> memref<128xi32, #tpu.memory_space<hbm>>
      tpu.wait_dma2 semaphore(%arg21 : memref<!tpu.dma_semaphore, #tpu.memory_space<semaphore_mem>>) src(%dma_wait3A_169 : memref<128xi32, #tpu.memory_space<hbm>>) dst(%arg15 : memref<128xi32, #tpu.memory_space<vmem>>)
      %dma_start3A_170 = arith.constant 0 : i32
      %dma_start3A_171 = arith.constant 0 : i32
      %dma_start3A_172 = tpu.memref_slice %arg18[%dma_start3A_170, %dma_start3A_171] : memref<10240x128xf32, #tpu.memory_space<vmem_shared>> -> memref<10240x128xf32, #tpu.memory_space<vmem_shared>>
      tpu.enqueue_indirect_dma source(%arg16 : memref<128x128xf32, #tpu.memory_space<vmem>>) target(%dma_start3A_172 : memref<10240x128xf32, #tpu.memory_space<vmem_shared>>) offsets(%arg11 : memref<128xi32, #tpu.memory_space<vmem>>) semaphore(%arg19 : memref<!tpu.dma_semaphore, #tpu.memory_space<semaphore_mem>>) {add = true}
      %dma_start3A_173 = arith.constant 0 : i32
      %dma_start3A_174 = arith.constant 0 : i32
      %dma_start3A_175 = tpu.memref_slice %arg18[%dma_start3A_173, %dma_start3A_174] : memref<10240x128xf32, #tpu.memory_space<vmem_shared>> -> memref<10240x128xf32, #tpu.memory_space<vmem_shared>>
      tpu.enqueue_indirect_dma source(%arg17 : memref<128x128xf32, #tpu.memory_space<vmem>>) target(%dma_start3A_175 : memref<10240x128xf32, #tpu.memory_space<vmem_shared>>) offsets(%arg15 : memref<128xi32, #tpu.memory_space<vmem>>) semaphore(%arg19 : memref<!tpu.dma_semaphore, #tpu.memory_space<semaphore_mem>>) {add = true}
    }
    %scan3A_34 = arith.constant 20 : i32
    %dma_wait3A = arith.constant 0 : i32
    %dma_wait3A_35 = arith.constant 0 : i32
    %dma_wait3A_36 = tpu.memref_slice %arg18[%dma_wait3A, %dma_wait3A_35] : memref<10240x128xf32, #tpu.memory_space<vmem_shared>> -> memref<10240x128xf32, #tpu.memory_space<vmem_shared>>
    tpu.wait_indirect_dma semaphore(%arg19 : memref<!tpu.dma_semaphore, #tpu.memory_space<semaphore_mem>>) src(%arg16 : memref<128x128xf32, #tpu.memory_space<vmem>>) dst(%dma_wait3A_36 : memref<10240x128xf32, #tpu.memory_space<vmem_shared>>)
    %dma_wait3A_37 = arith.constant 0 : i32
    %dma_wait3A_38 = arith.constant 0 : i32
    %dma_wait3A_39 = tpu.memref_slice %arg18[%dma_wait3A_37, %dma_wait3A_38] : memref<10240x128xf32, #tpu.memory_space<vmem_shared>> -> memref<10240x128xf32, #tpu.memory_space<vmem_shared>>
    tpu.wait_indirect_dma semaphore(%arg19 : memref<!tpu.dma_semaphore, #tpu.memory_space<semaphore_mem>>) src(%arg17 : memref<128x128xf32, #tpu.memory_space<vmem>>) dst(%dma_wait3A_39 : memref<10240x128xf32, #tpu.memory_space<vmem_shared>>)
    %dma_wait3A_40 = arith.constant 0 : i32
    %dma_wait3A_41 = arith.constant 0 : i32
    %dma_wait3A_42 = tpu.memref_slice %arg18[%dma_wait3A_40, %dma_wait3A_41] : memref<10240x128xf32, #tpu.memory_space<vmem_shared>> -> memref<10240x128xf32, #tpu.memory_space<vmem_shared>>
    tpu.wait_indirect_dma semaphore(%arg19 : memref<!tpu.dma_semaphore, #tpu.memory_space<semaphore_mem>>) src(%arg16 : memref<128x128xf32, #tpu.memory_space<vmem>>) dst(%dma_wait3A_42 : memref<10240x128xf32, #tpu.memory_space<vmem_shared>>)
    %dma_wait3A_43 = arith.constant 0 : i32
    %dma_wait3A_44 = arith.constant 0 : i32
    %dma_wait3A_45 = tpu.memref_slice %arg18[%dma_wait3A_43, %dma_wait3A_44] : memref<10240x128xf32, #tpu.memory_space<vmem_shared>> -> memref<10240x128xf32, #tpu.memory_space<vmem_shared>>
    tpu.wait_indirect_dma semaphore(%arg19 : memref<!tpu.dma_semaphore, #tpu.memory_space<semaphore_mem>>) src(%arg17 : memref<128x128xf32, #tpu.memory_space<vmem>>) dst(%dma_wait3A_45 : memref<10240x128xf32, #tpu.memory_space<vmem_shared>>)
    %barrier3A_46 = arith.constant 0 : index
    tpu.barrier barrier_id(%barrier3A_46)
    %add3A_47 = arith.constant 0 : i32
    %add3A_48 = arith.addi %mul3A_2, %add3A_47 : i32
    "tpu.region"() ({
      %run_scoped3A = tpu.sem_alloc : memref<!tpu.dma_semaphore, #tpu.memory_space<semaphore_mem>>
      %dma_start3A_57 = arith.constant 0 : i32
      %dma_start3A_58 = tpu.memref_slice %arg7[%arg0, %add3A_48, %dma_start3A_57] : memref<2x10240x128xf32, #tpu.memory_space<hbm>> -> memref<1x128x128xf32, #tpu.memory_space<hbm>>
      %dma_start3A_59 = tpu.memref_squeeze %dma_start3A_58 : memref<1x128x128xf32, #tpu.memory_space<hbm>> -> memref<128x128xf32, #tpu.memory_space<hbm>>
      %dma_start3A_60 = arith.constant 0 : i32
      %dma_start3A_61 = tpu.memref_slice %arg18[%add3A_48, %dma_start3A_60] : memref<10240x128xf32, #tpu.memory_space<vmem_shared>> -> memref<128x128xf32, #tpu.memory_space<vmem_shared>>
      tpu.enqueue_dma source(%dma_start3A_61 : memref<128x128xf32, #tpu.memory_space<vmem_shared>>) target(%dma_start3A_59 : memref<128x128xf32, #tpu.memory_space<hbm>>) target_semaphore(%run_scoped3A : memref<!tpu.dma_semaphore, #tpu.memory_space<semaphore_mem>>)
      %dma_wait3A_62 = arith.constant 0 : i32
      %dma_wait3A_63 = tpu.memref_slice %arg7[%arg0, %add3A_48, %dma_wait3A_62] : memref<2x10240x128xf32, #tpu.memory_space<hbm>> -> memref<1x128x128xf32, #tpu.memory_space<hbm>>
      %dma_wait3A_64 = tpu.memref_squeeze %dma_wait3A_63 : memref<1x128x128xf32, #tpu.memory_space<hbm>> -> memref<128x128xf32, #tpu.memory_space<hbm>>
      %dma_wait3A_65 = arith.constant 0 : i32
      %dma_wait3A_66 = tpu.memref_slice %arg18[%add3A_48, %dma_wait3A_65] : memref<10240x128xf32, #tpu.memory_space<vmem_shared>> -> memref<128x128xf32, #tpu.memory_space<vmem_shared>>
      tpu.wait_dma2 semaphore(%run_scoped3A : memref<!tpu.dma_semaphore, #tpu.memory_space<semaphore_mem>>) src(%dma_wait3A_66 : memref<128x128xf32, #tpu.memory_space<vmem_shared>>) dst(%dma_wait3A_64 : memref<128x128xf32, #tpu.memory_space<hbm>>)
      tpu.yield
    }) : () -> ()
    %add3A_49 = arith.constant 128 : i32
    %add3A_50 = arith.addi %mul3A_2, %add3A_49 : i32
    "tpu.region"() ({
      %run_scoped3A = tpu.sem_alloc : memref<!tpu.dma_semaphore, #tpu.memory_space<semaphore_mem>>
      %dma_start3A_57 = arith.constant 0 : i32
      %dma_start3A_58 = tpu.memref_slice %arg7[%arg0, %add3A_50, %dma_start3A_57] : memref<2x10240x128xf32, #tpu.memory_space<hbm>> -> memref<1x128x128xf32, #tpu.memory_space<hbm>>
      %dma_start3A_59 = tpu.memref_squeeze %dma_start3A_58 : memref<1x128x128xf32, #tpu.memory_space<hbm>> -> memref<128x128xf32, #tpu.memory_space<hbm>>
      %dma_start3A_60 = arith.constant 0 : i32
      %dma_start3A_61 = tpu.memref_slice %arg18[%add3A_50, %dma_start3A_60] : memref<10240x128xf32, #tpu.memory_space<vmem_shared>> -> memref<128x128xf32, #tpu.memory_space<vmem_shared>>
      tpu.enqueue_dma source(%dma_start3A_61 : memref<128x128xf32, #tpu.memory_space<vmem_shared>>) target(%dma_start3A_59 : memref<128x128xf32, #tpu.memory_space<hbm>>) target_semaphore(%run_scoped3A : memref<!tpu.dma_semaphore, #tpu.memory_space<semaphore_mem>>)
      %dma_wait3A_62 = arith.constant 0 : i32
      %dma_wait3A_63 = tpu.memref_slice %arg7[%arg0, %add3A_50, %dma_wait3A_62] : memref<2x10240x128xf32, #tpu.memory_space<hbm>> -> memref<1x128x128xf32, #tpu.memory_space<hbm>>
      %dma_wait3A_64 = tpu.memref_squeeze %dma_wait3A_63 : memref<1x128x128xf32, #tpu.memory_space<hbm>> -> memref<128x128xf32, #tpu.memory_space<hbm>>
      %dma_wait3A_65 = arith.constant 0 : i32
      %dma_wait3A_66 = tpu.memref_slice %arg18[%add3A_50, %dma_wait3A_65] : memref<10240x128xf32, #tpu.memory_space<vmem_shared>> -> memref<128x128xf32, #tpu.memory_space<vmem_shared>>
      tpu.wait_dma2 semaphore(%run_scoped3A : memref<!tpu.dma_semaphore, #tpu.memory_space<semaphore_mem>>) src(%dma_wait3A_66 : memref<128x128xf32, #tpu.memory_space<vmem_shared>>) dst(%dma_wait3A_64 : memref<128x128xf32, #tpu.memory_space<hbm>>)
      tpu.yield
    }) : () -> ()
    %add3A_51 = arith.constant 256 : i32
    %add3A_52 = arith.addi %mul3A_2, %add3A_51 : i32
    "tpu.region"() ({
      %run_scoped3A = tpu.sem_alloc : memref<!tpu.dma_semaphore, #tpu.memory_space<semaphore_mem>>
      %dma_start3A_57 = arith.constant 0 : i32
      %dma_start3A_58 = tpu.memref_slice %arg7[%arg0, %add3A_52, %dma_start3A_57] : memref<2x10240x128xf32, #tpu.memory_space<hbm>> -> memref<1x128x128xf32, #tpu.memory_space<hbm>>
      %dma_start3A_59 = tpu.memref_squeeze %dma_start3A_58 : memref<1x128x128xf32, #tpu.memory_space<hbm>> -> memref<128x128xf32, #tpu.memory_space<hbm>>
      %dma_start3A_60 = arith.constant 0 : i32
      %dma_start3A_61 = tpu.memref_slice %arg18[%add3A_52, %dma_start3A_60] : memref<10240x128xf32, #tpu.memory_space<vmem_shared>> -> memref<128x128xf32, #tpu.memory_space<vmem_shared>>
      tpu.enqueue_dma source(%dma_start3A_61 : memref<128x128xf32, #tpu.memory_space<vmem_shared>>) target(%dma_start3A_59 : memref<128x128xf32, #tpu.memory_space<hbm>>) target_semaphore(%run_scoped3A : memref<!tpu.dma_semaphore, #tpu.memory_space<semaphore_mem>>)
      %dma_wait3A_62 = arith.constant 0 : i32
      %dma_wait3A_63 = tpu.memref_slice %arg7[%arg0, %add3A_52, %dma_wait3A_62] : memref<2x10240x128xf32, #tpu.memory_space<hbm>> -> memref<1x128x128xf32, #tpu.memory_space<hbm>>
      %dma_wait3A_64 = tpu.memref_squeeze %dma_wait3A_63 : memref<1x128x128xf32, #tpu.memory_space<hbm>> -> memref<128x128xf32, #tpu.memory_space<hbm>>
      %dma_wait3A_65 = arith.constant 0 : i32
      %dma_wait3A_66 = tpu.memref_slice %arg18[%add3A_52, %dma_wait3A_65] : memref<10240x128xf32, #tpu.memory_space<vmem_shared>> -> memref<128x128xf32, #tpu.memory_space<vmem_shared>>
      tpu.wait_dma2 semaphore(%run_scoped3A : memref<!tpu.dma_semaphore, #tpu.memory_space<semaphore_mem>>) src(%dma_wait3A_66 : memref<128x128xf32, #tpu.memory_space<vmem_shared>>) dst(%dma_wait3A_64 : memref<128x128xf32, #tpu.memory_space<hbm>>)
      tpu.yield
    }) : () -> ()
    %add3A_53 = arith.constant 384 : i32
    %add3A_54 = arith.addi %mul3A_2, %add3A_53 : i32
    "tpu.region"() ({
      %run_scoped3A = tpu.sem_alloc : memref<!tpu.dma_semaphore, #tpu.memory_space<semaphore_mem>>
      %dma_start3A_57 = arith.constant 0 : i32
      %dma_start3A_58 = tpu.memref_slice %arg7[%arg0, %add3A_54, %dma_start3A_57] : memref<2x10240x128xf32, #tpu.memory_space<hbm>> -> memref<1x128x128xf32, #tpu.memory_space<hbm>>
      %dma_start3A_59 = tpu.memref_squeeze %dma_start3A_58 : memref<1x128x128xf32, #tpu.memory_space<hbm>> -> memref<128x128xf32, #tpu.memory_space<hbm>>
      %dma_start3A_60 = arith.constant 0 : i32
      %dma_start3A_61 = tpu.memref_slice %arg18[%add3A_54, %dma_start3A_60] : memref<10240x128xf32, #tpu.memory_space<vmem_shared>> -> memref<128x128xf32, #tpu.memory_space<vmem_shared>>
      tpu.enqueue_dma source(%dma_start3A_61 : memref<128x128xf32, #tpu.memory_space<vmem_shared>>) target(%dma_start3A_59 : memref<128x128xf32, #tpu.memory_space<hbm>>) target_semaphore(%run_scoped3A : memref<!tpu.dma_semaphore, #tpu.memory_space<semaphore_mem>>)
      %dma_wait3A_62 = arith.constant 0 : i32
      %dma_wait3A_63 = tpu.memref_slice %arg7[%arg0, %add3A_54, %dma_wait3A_62] : memref<2x10240x128xf32, #tpu.memory_space<hbm>> -> memref<1x128x128xf32, #tpu.memory_space<hbm>>
      %dma_wait3A_64 = tpu.memref_squeeze %dma_wait3A_63 : memref<1x128x128xf32, #tpu.memory_space<hbm>> -> memref<128x128xf32, #tpu.memory_space<hbm>>
      %dma_wait3A_65 = arith.constant 0 : i32
      %dma_wait3A_66 = tpu.memref_slice %arg18[%add3A_54, %dma_wait3A_65] : memref<10240x128xf32, #tpu.memory_space<vmem_shared>> -> memref<128x128xf32, #tpu.memory_space<vmem_shared>>
      tpu.wait_dma2 semaphore(%run_scoped3A : memref<!tpu.dma_semaphore, #tpu.memory_space<semaphore_mem>>) src(%dma_wait3A_66 : memref<128x128xf32, #tpu.memory_space<vmem_shared>>) dst(%dma_wait3A_64 : memref<128x128xf32, #tpu.memory_space<hbm>>)
      tpu.yield
    }) : () -> ()
    %add3A_55 = arith.constant 512 : i32
    %add3A_56 = arith.addi %mul3A_2, %add3A_55 : i32
    "tpu.region"() ({
      %run_scoped3A = tpu.sem_alloc : memref<!tpu.dma_semaphore, #tpu.memory_space<semaphore_mem>>
      %dma_start3A_57 = arith.constant 0 : i32
      %dma_start3A_58 = tpu.memref_slice %arg7[%arg0, %add3A_56, %dma_start3A_57] : memref<2x10240x128xf32, #tpu.memory_space<hbm>> -> memref<1x128x128xf32, #tpu.memory_space<hbm>>
      %dma_start3A_59 = tpu.memref_squeeze %dma_start3A_58 : memref<1x128x128xf32, #tpu.memory_space<hbm>> -> memref<128x128xf32, #tpu.memory_space<hbm>>
      %dma_start3A_60 = arith.constant 0 : i32
      %dma_start3A_61 = tpu.memref_slice %arg18[%add3A_56, %dma_start3A_60] : memref<10240x128xf32, #tpu.memory_space<vmem_shared>> -> memref<128x128xf32, #tpu.memory_space<vmem_shared>>
      tpu.enqueue_dma source(%dma_start3A_61 : memref<128x128xf32, #tpu.memory_space<vmem_shared>>) target(%dma_start3A_59 : memref<128x128xf32, #tpu.memory_space<hbm>>) target_semaphore(%run_scoped3A : memref<!tpu.dma_semaphore, #tpu.memory_space<semaphore_mem>>)
      %dma_wait3A_62 = arith.constant 0 : i32
      %dma_wait3A_63 = tpu.memref_slice %arg7[%arg0, %add3A_56, %dma_wait3A_62] : memref<2x10240x128xf32, #tpu.memory_space<hbm>> -> memref<1x128x128xf32, #tpu.memory_space<hbm>>
      %dma_wait3A_64 = tpu.memref_squeeze %dma_wait3A_63 : memref<1x128x128xf32, #tpu.memory_space<hbm>> -> memref<128x128xf32, #tpu.memory_space<hbm>>
      %dma_wait3A_65 = arith.constant 0 : i32
      %dma_wait3A_66 = tpu.memref_slice %arg18[%add3A_56, %dma_wait3A_65] : memref<10240x128xf32, #tpu.memory_space<vmem_shared>> -> memref<128x128xf32, #tpu.memory_space<vmem_shared>>
      tpu.wait_dma2 semaphore(%run_scoped3A : memref<!tpu.dma_semaphore, #tpu.memory_space<semaphore_mem>>) src(%dma_wait3A_66 : memref<128x128xf32, #tpu.memory_space<vmem_shared>>) dst(%dma_wait3A_64 : memref<128x128xf32, #tpu.memory_space<hbm>>)
      tpu.yield
    }) : () -> ()
    return
  }
}

#map = affine_map<(d0, d1) -> (0, 0)>
#map1 = affine_map<(d0, d1) -> (0)>
#map2 = affine_map<(d0, d1) -> (0, 0, 0)>
module attributes {stable_mosaic.version = 14 : i64} {
  func.func @_agg(%arg0: i32, %arg1: i32, %arg2: memref<10240x128xf32, #tpu.memory_space<hbm>>, %arg3: memref<327680xi32, #tpu.memory_space<hbm>>, %arg4: memref<327680xi32, #tpu.memory_space<hbm>>, %arg5: memref<128x128xf32, #tpu.memory_space<hbm>>, %arg6: memref<2x10240x128xf32, #tpu.memory_space<hbm>>, %arg7: memref<128xi32, #tpu.memory_space<vmem>>, %arg8: memref<128xi32, #tpu.memory_space<vmem>>, %arg9: memref<128xi32, #tpu.memory_space<vmem>>, %arg10: memref<128xi32, #tpu.memory_space<vmem>>, %arg11: memref<128xi32, #tpu.memory_space<vmem>>, %arg12: memref<128xi32, #tpu.memory_space<vmem>>, %arg13: memref<128xi32, #tpu.memory_space<vmem>>, %arg14: memref<128xi32, #tpu.memory_space<vmem>>, %arg15: memref<128x128xf32, #tpu.memory_space<vmem>>, %arg16: memref<128x128xf32, #tpu.memory_space<vmem>>, %arg17: memref<10240x128xf32, #tpu.memory_space<vmem_shared>>, %arg18: memref<!tpu.dma_semaphore, #tpu.memory_space<semaphore_mem>>, %arg19: memref<!tpu.dma_semaphore, #tpu.memory_space<semaphore_mem>>, %arg20: memref<!tpu.dma_semaphore, #tpu.memory_space<semaphore_mem>>, %arg21: memref<!tpu.dma_semaphore, #tpu.memory_space<semaphore_mem>>) attributes {dimension_semantics = [#tpu.dimension_semantics<core_parallel>, #tpu.dimension_semantics<subcore_parallel>], iteration_bounds = array<i64: 2, 16>, scalar_prefetch = 0 : i64, scratch_operands = 15 : i64, tpu.core_type = #tpu.core_type<sc_vector_subcore>, window_params = [{transform_indices = #map}, {transform_indices = #map1}, {transform_indices = #map1}, {transform_indices = #map}, {transform_indices = #map2}]} {
    %mul3A = arith.constant 16 : i32
    %mul3A_0 = arith.muli %arg0, %mul3A : i32
    %add3A = arith.addi %mul3A_0, %arg1 : i32
    %mul3A_1 = arith.constant 640 : i32
    %mul3A_2 = arith.muli %arg1, %mul3A_1 : i32
    %mul3A_3 = arith.constant 10240 : i32
    %mul3A_4 = arith.muli %add3A, %mul3A_3 : i32
    "tpu.region"() ({
      %run_scoped3A = tpu.sem_alloc : memref<!tpu.dma_semaphore, #tpu.memory_space<semaphore_mem>>
      tpu.enqueue_dma source(%arg5 : memref<128x128xf32, #tpu.memory_space<hbm>>) target(%arg15 : memref<128x128xf32, #tpu.memory_space<vmem>>) target_semaphore(%run_scoped3A : memref<!tpu.dma_semaphore, #tpu.memory_space<semaphore_mem>>)
      tpu.wait_dma2 semaphore(%run_scoped3A : memref<!tpu.dma_semaphore, #tpu.memory_space<semaphore_mem>>) src(%arg5 : memref<128x128xf32, #tpu.memory_space<hbm>>) dst(%arg15 : memref<128x128xf32, #tpu.memory_space<vmem>>)
      tpu.yield
    }) : () -> ()
    %add3A_5 = arith.constant 0 : i32
    %add3A_6 = arith.addi %mul3A_2, %add3A_5 : i32
    "tpu.region"() ({
      %run_scoped3A = tpu.sem_alloc : memref<!tpu.dma_semaphore, #tpu.memory_space<semaphore_mem>>
      %dma_start3A_59 = arith.constant 0 : i32
      %dma_start3A_60 = tpu.memref_slice %arg17[%add3A_6, %dma_start3A_59] : memref<10240x128xf32, #tpu.memory_space<vmem_shared>> -> memref<128x128xf32, #tpu.memory_space<vmem_shared>>
      %dma_start3A_61 = arith.constant 0 : i32
      %dma_start3A_62 = tpu.memref_slice %arg17[%add3A_6, %dma_start3A_61] : memref<10240x128xf32, #tpu.memory_space<vmem_shared>> -> memref<128x128xf32, #tpu.memory_space<vmem_shared>>
      tpu.enqueue_dma source(%arg15 : memref<128x128xf32, #tpu.memory_space<vmem>>) target(%dma_start3A_62 : memref<128x128xf32, #tpu.memory_space<vmem_shared>>) target_semaphore(%run_scoped3A : memref<!tpu.dma_semaphore, #tpu.memory_space<semaphore_mem>>)
      %dma_wait3A_63 = arith.constant 0 : i32
      %dma_wait3A_64 = tpu.memref_slice %arg17[%add3A_6, %dma_wait3A_63] : memref<10240x128xf32, #tpu.memory_space<vmem_shared>> -> memref<128x128xf32, #tpu.memory_space<vmem_shared>>
      %dma_wait3A_65 = arith.constant 0 : i32
      %dma_wait3A_66 = tpu.memref_slice %arg17[%add3A_6, %dma_wait3A_65] : memref<10240x128xf32, #tpu.memory_space<vmem_shared>> -> memref<128x128xf32, #tpu.memory_space<vmem_shared>>
      tpu.wait_dma2 semaphore(%run_scoped3A : memref<!tpu.dma_semaphore, #tpu.memory_space<semaphore_mem>>) src(%arg15 : memref<128x128xf32, #tpu.memory_space<vmem>>) dst(%dma_wait3A_66 : memref<128x128xf32, #tpu.memory_space<vmem_shared>>)
      tpu.yield
    }) : () -> ()
    %add3A_7 = arith.constant 128 : i32
    %add3A_8 = arith.addi %mul3A_2, %add3A_7 : i32
    "tpu.region"() ({
      %run_scoped3A = tpu.sem_alloc : memref<!tpu.dma_semaphore, #tpu.memory_space<semaphore_mem>>
      %dma_start3A_59 = arith.constant 0 : i32
      %dma_start3A_60 = tpu.memref_slice %arg17[%add3A_8, %dma_start3A_59] : memref<10240x128xf32, #tpu.memory_space<vmem_shared>> -> memref<128x128xf32, #tpu.memory_space<vmem_shared>>
      %dma_start3A_61 = arith.constant 0 : i32
      %dma_start3A_62 = tpu.memref_slice %arg17[%add3A_8, %dma_start3A_61] : memref<10240x128xf32, #tpu.memory_space<vmem_shared>> -> memref<128x128xf32, #tpu.memory_space<vmem_shared>>
      tpu.enqueue_dma source(%arg15 : memref<128x128xf32, #tpu.memory_space<vmem>>) target(%dma_start3A_62 : memref<128x128xf32, #tpu.memory_space<vmem_shared>>) target_semaphore(%run_scoped3A : memref<!tpu.dma_semaphore, #tpu.memory_space<semaphore_mem>>)
      %dma_wait3A_63 = arith.constant 0 : i32
      %dma_wait3A_64 = tpu.memref_slice %arg17[%add3A_8, %dma_wait3A_63] : memref<10240x128xf32, #tpu.memory_space<vmem_shared>> -> memref<128x128xf32, #tpu.memory_space<vmem_shared>>
      %dma_wait3A_65 = arith.constant 0 : i32
      %dma_wait3A_66 = tpu.memref_slice %arg17[%add3A_8, %dma_wait3A_65] : memref<10240x128xf32, #tpu.memory_space<vmem_shared>> -> memref<128x128xf32, #tpu.memory_space<vmem_shared>>
      tpu.wait_dma2 semaphore(%run_scoped3A : memref<!tpu.dma_semaphore, #tpu.memory_space<semaphore_mem>>) src(%arg15 : memref<128x128xf32, #tpu.memory_space<vmem>>) dst(%dma_wait3A_66 : memref<128x128xf32, #tpu.memory_space<vmem_shared>>)
      tpu.yield
    }) : () -> ()
    %add3A_9 = arith.constant 256 : i32
    %add3A_10 = arith.addi %mul3A_2, %add3A_9 : i32
    "tpu.region"() ({
      %run_scoped3A = tpu.sem_alloc : memref<!tpu.dma_semaphore, #tpu.memory_space<semaphore_mem>>
      %dma_start3A_59 = arith.constant 0 : i32
      %dma_start3A_60 = tpu.memref_slice %arg17[%add3A_10, %dma_start3A_59] : memref<10240x128xf32, #tpu.memory_space<vmem_shared>> -> memref<128x128xf32, #tpu.memory_space<vmem_shared>>
      %dma_start3A_61 = arith.constant 0 : i32
      %dma_start3A_62 = tpu.memref_slice %arg17[%add3A_10, %dma_start3A_61] : memref<10240x128xf32, #tpu.memory_space<vmem_shared>> -> memref<128x128xf32, #tpu.memory_space<vmem_shared>>
      tpu.enqueue_dma source(%arg15 : memref<128x128xf32, #tpu.memory_space<vmem>>) target(%dma_start3A_62 : memref<128x128xf32, #tpu.memory_space<vmem_shared>>) target_semaphore(%run_scoped3A : memref<!tpu.dma_semaphore, #tpu.memory_space<semaphore_mem>>)
      %dma_wait3A_63 = arith.constant 0 : i32
      %dma_wait3A_64 = tpu.memref_slice %arg17[%add3A_10, %dma_wait3A_63] : memref<10240x128xf32, #tpu.memory_space<vmem_shared>> -> memref<128x128xf32, #tpu.memory_space<vmem_shared>>
      %dma_wait3A_65 = arith.constant 0 : i32
      %dma_wait3A_66 = tpu.memref_slice %arg17[%add3A_10, %dma_wait3A_65] : memref<10240x128xf32, #tpu.memory_space<vmem_shared>> -> memref<128x128xf32, #tpu.memory_space<vmem_shared>>
      tpu.wait_dma2 semaphore(%run_scoped3A : memref<!tpu.dma_semaphore, #tpu.memory_space<semaphore_mem>>) src(%arg15 : memref<128x128xf32, #tpu.memory_space<vmem>>) dst(%dma_wait3A_66 : memref<128x128xf32, #tpu.memory_space<vmem_shared>>)
      tpu.yield
    }) : () -> ()
    %add3A_11 = arith.constant 384 : i32
    %add3A_12 = arith.addi %mul3A_2, %add3A_11 : i32
    "tpu.region"() ({
      %run_scoped3A = tpu.sem_alloc : memref<!tpu.dma_semaphore, #tpu.memory_space<semaphore_mem>>
      %dma_start3A_59 = arith.constant 0 : i32
      %dma_start3A_60 = tpu.memref_slice %arg17[%add3A_12, %dma_start3A_59] : memref<10240x128xf32, #tpu.memory_space<vmem_shared>> -> memref<128x128xf32, #tpu.memory_space<vmem_shared>>
      %dma_start3A_61 = arith.constant 0 : i32
      %dma_start3A_62 = tpu.memref_slice %arg17[%add3A_12, %dma_start3A_61] : memref<10240x128xf32, #tpu.memory_space<vmem_shared>> -> memref<128x128xf32, #tpu.memory_space<vmem_shared>>
      tpu.enqueue_dma source(%arg15 : memref<128x128xf32, #tpu.memory_space<vmem>>) target(%dma_start3A_62 : memref<128x128xf32, #tpu.memory_space<vmem_shared>>) target_semaphore(%run_scoped3A : memref<!tpu.dma_semaphore, #tpu.memory_space<semaphore_mem>>)
      %dma_wait3A_63 = arith.constant 0 : i32
      %dma_wait3A_64 = tpu.memref_slice %arg17[%add3A_12, %dma_wait3A_63] : memref<10240x128xf32, #tpu.memory_space<vmem_shared>> -> memref<128x128xf32, #tpu.memory_space<vmem_shared>>
      %dma_wait3A_65 = arith.constant 0 : i32
      %dma_wait3A_66 = tpu.memref_slice %arg17[%add3A_12, %dma_wait3A_65] : memref<10240x128xf32, #tpu.memory_space<vmem_shared>> -> memref<128x128xf32, #tpu.memory_space<vmem_shared>>
      tpu.wait_dma2 semaphore(%run_scoped3A : memref<!tpu.dma_semaphore, #tpu.memory_space<semaphore_mem>>) src(%arg15 : memref<128x128xf32, #tpu.memory_space<vmem>>) dst(%dma_wait3A_66 : memref<128x128xf32, #tpu.memory_space<vmem_shared>>)
      tpu.yield
    }) : () -> ()
    %add3A_13 = arith.constant 512 : i32
    %add3A_14 = arith.addi %mul3A_2, %add3A_13 : i32
    "tpu.region"() ({
      %run_scoped3A = tpu.sem_alloc : memref<!tpu.dma_semaphore, #tpu.memory_space<semaphore_mem>>
      %dma_start3A_59 = arith.constant 0 : i32
      %dma_start3A_60 = tpu.memref_slice %arg17[%add3A_14, %dma_start3A_59] : memref<10240x128xf32, #tpu.memory_space<vmem_shared>> -> memref<128x128xf32, #tpu.memory_space<vmem_shared>>
      %dma_start3A_61 = arith.constant 0 : i32
      %dma_start3A_62 = tpu.memref_slice %arg17[%add3A_14, %dma_start3A_61] : memref<10240x128xf32, #tpu.memory_space<vmem_shared>> -> memref<128x128xf32, #tpu.memory_space<vmem_shared>>
      tpu.enqueue_dma source(%arg15 : memref<128x128xf32, #tpu.memory_space<vmem>>) target(%dma_start3A_62 : memref<128x128xf32, #tpu.memory_space<vmem_shared>>) target_semaphore(%run_scoped3A : memref<!tpu.dma_semaphore, #tpu.memory_space<semaphore_mem>>)
      %dma_wait3A_63 = arith.constant 0 : i32
      %dma_wait3A_64 = tpu.memref_slice %arg17[%add3A_14, %dma_wait3A_63] : memref<10240x128xf32, #tpu.memory_space<vmem_shared>> -> memref<128x128xf32, #tpu.memory_space<vmem_shared>>
      %dma_wait3A_65 = arith.constant 0 : i32
      %dma_wait3A_66 = tpu.memref_slice %arg17[%add3A_14, %dma_wait3A_65] : memref<10240x128xf32, #tpu.memory_space<vmem_shared>> -> memref<128x128xf32, #tpu.memory_space<vmem_shared>>
      tpu.wait_dma2 semaphore(%run_scoped3A : memref<!tpu.dma_semaphore, #tpu.memory_space<semaphore_mem>>) src(%arg15 : memref<128x128xf32, #tpu.memory_space<vmem>>) dst(%dma_wait3A_66 : memref<128x128xf32, #tpu.memory_space<vmem_shared>>)
      tpu.yield
    }) : () -> ()
    %barrier3A = arith.constant 0 : index
    tpu.barrier barrier_id(%barrier3A)
    %add3A_15 = arith.constant 0 : i32
    %add3A_16 = arith.addi %mul3A_4, %add3A_15 : i32
    %dma_start3A = tpu.memref_slice %arg3[%add3A_16] : memref<327680xi32, #tpu.memory_space<hbm>> -> memref<128xi32, #tpu.memory_space<hbm>>
    %dma_start3A_17 = tpu.memref_slice %arg3[%add3A_16] : memref<327680xi32, #tpu.memory_space<hbm>> -> memref<128xi32, #tpu.memory_space<hbm>>
    tpu.enqueue_dma source(%dma_start3A_17 : memref<128xi32, #tpu.memory_space<hbm>>) target(%arg7 : memref<128xi32, #tpu.memory_space<vmem>>) target_semaphore(%arg20 : memref<!tpu.dma_semaphore, #tpu.memory_space<semaphore_mem>>)
    %add3A_18 = arith.constant 0 : i32
    %add3A_19 = arith.addi %mul3A_4, %add3A_18 : i32
    %dma_start3A_20 = tpu.memref_slice %arg4[%add3A_19] : memref<327680xi32, #tpu.memory_space<hbm>> -> memref<128xi32, #tpu.memory_space<hbm>>
    %dma_start3A_21 = tpu.memref_slice %arg4[%add3A_19] : memref<327680xi32, #tpu.memory_space<hbm>> -> memref<128xi32, #tpu.memory_space<hbm>>
    tpu.enqueue_dma source(%dma_start3A_21 : memref<128xi32, #tpu.memory_space<hbm>>) target(%arg11 : memref<128xi32, #tpu.memory_space<vmem>>) target_semaphore(%arg20 : memref<!tpu.dma_semaphore, #tpu.memory_space<semaphore_mem>>)
    %add3A_22 = arith.constant 128 : i32
    %add3A_23 = arith.addi %mul3A_4, %add3A_22 : i32
    %dma_start3A_24 = tpu.memref_slice %arg3[%add3A_23] : memref<327680xi32, #tpu.memory_space<hbm>> -> memref<128xi32, #tpu.memory_space<hbm>>
    %dma_start3A_25 = tpu.memref_slice %arg3[%add3A_23] : memref<327680xi32, #tpu.memory_space<hbm>> -> memref<128xi32, #tpu.memory_space<hbm>>
    tpu.enqueue_dma source(%dma_start3A_25 : memref<128xi32, #tpu.memory_space<hbm>>) target(%arg8 : memref<128xi32, #tpu.memory_space<vmem>>) target_semaphore(%arg21 : memref<!tpu.dma_semaphore, #tpu.memory_space<semaphore_mem>>)
    %add3A_26 = arith.constant 128 : i32
    %add3A_27 = arith.addi %mul3A_4, %add3A_26 : i32
    %dma_start3A_28 = tpu.memref_slice %arg4[%add3A_27] : memref<327680xi32, #tpu.memory_space<hbm>> -> memref<128xi32, #tpu.memory_space<hbm>>
    %dma_start3A_29 = tpu.memref_slice %arg4[%add3A_27] : memref<327680xi32, #tpu.memory_space<hbm>> -> memref<128xi32, #tpu.memory_space<hbm>>
    tpu.enqueue_dma source(%dma_start3A_29 : memref<128xi32, #tpu.memory_space<hbm>>) target(%arg12 : memref<128xi32, #tpu.memory_space<vmem>>) target_semaphore(%arg21 : memref<!tpu.dma_semaphore, #tpu.memory_space<semaphore_mem>>)
    %dma_wait3A = arith.constant 0 : i32
    %dma_wait3A_30 = tpu.memref_slice %arg3[%dma_wait3A] : memref<327680xi32, #tpu.memory_space<hbm>> -> memref<128xi32, #tpu.memory_space<hbm>>
    %dma_wait3A_31 = arith.constant 0 : i32
    %dma_wait3A_32 = tpu.memref_slice %arg3[%dma_wait3A_31] : memref<327680xi32, #tpu.memory_space<hbm>> -> memref<128xi32, #tpu.memory_space<hbm>>
    tpu.wait_dma2 semaphore(%arg20 : memref<!tpu.dma_semaphore, #tpu.memory_space<semaphore_mem>>) src(%dma_wait3A_32 : memref<128xi32, #tpu.memory_space<hbm>>) dst(%arg7 : memref<128xi32, #tpu.memory_space<vmem>>)
    %dma_wait3A_33 = arith.constant 0 : i32
    %dma_wait3A_34 = tpu.memref_slice %arg4[%dma_wait3A_33] : memref<327680xi32, #tpu.memory_space<hbm>> -> memref<128xi32, #tpu.memory_space<hbm>>
    %dma_wait3A_35 = arith.constant 0 : i32
    %dma_wait3A_36 = tpu.memref_slice %arg4[%dma_wait3A_35] : memref<327680xi32, #tpu.memory_space<hbm>> -> memref<128xi32, #tpu.memory_space<hbm>>
    tpu.wait_dma2 semaphore(%arg20 : memref<!tpu.dma_semaphore, #tpu.memory_space<semaphore_mem>>) src(%dma_wait3A_36 : memref<128xi32, #tpu.memory_space<hbm>>) dst(%arg11 : memref<128xi32, #tpu.memory_space<vmem>>)
    %dma_start3A_37 = arith.constant 0 : i32
    %dma_start3A_38 = arith.constant 0 : i32
    %dma_start3A_39 = tpu.memref_slice %arg2[%dma_start3A_37, %dma_start3A_38] : memref<10240x128xf32, #tpu.memory_space<hbm>> -> memref<10240x128xf32, #tpu.memory_space<hbm>>
    tpu.enqueue_indirect_dma source(%dma_start3A_39 : memref<10240x128xf32, #tpu.memory_space<hbm>>) target(%arg15 : memref<128x128xf32, #tpu.memory_space<vmem>>) offsets(%arg7 : memref<128xi32, #tpu.memory_space<vmem>>) semaphore(%arg18 : memref<!tpu.dma_semaphore, #tpu.memory_space<semaphore_mem>>)
    %scan3A = arith.constant 0 : i32
    %scan3A_40 = arith.constant 0 : i32
    %scan3A_41 = arith.constant 20 : i32
    %scan3A_42 = arith.addi %scan3A_40, %scan3A_41 : i32
    %scan3A_43 = arith.constant 1 : i32
    scf.for %scan3A_59 = %scan3A_40 to %scan3A_42 step %scan3A_43  : i32 {
      %mul3A_60 = arith.constant 4 : i32
      %mul3A_61 = arith.muli %mul3A_60, %scan3A_59 : i32
      %add3A_62 = arith.constant 0 : i32
      %add3A_63 = arith.addi %mul3A_61, %add3A_62 : i32
      %gt3A = arith.constant 0 : i32
      %gt3A_64 = arith.cmpi sgt, %add3A_63, %gt3A : i32
      %convert_element_type3A = arith.extui %gt3A_64 : i1 to i32
      %cond3A = arith.constant 0 : i32
      %cond3A_65 = arith.cmpi ne, %convert_element_type3A, %cond3A : i32
      scf.if %cond3A_65 {
        %dma_wait3A_166 = arith.constant 0 : i32
        %dma_wait3A_167 = arith.constant 0 : i32
        %dma_wait3A_168 = tpu.memref_slice %arg17[%dma_wait3A_166, %dma_wait3A_167] : memref<10240x128xf32, #tpu.memory_space<vmem_shared>> -> memref<10240x128xf32, #tpu.memory_space<vmem_shared>>
        tpu.wait_indirect_dma semaphore(%arg19 : memref<!tpu.dma_semaphore, #tpu.memory_space<semaphore_mem>>) src(%arg16 : memref<128x128xf32, #tpu.memory_space<vmem>>) dst(%dma_wait3A_168 : memref<10240x128xf32, #tpu.memory_space<vmem_shared>>)
      } else {
      }
      %add3A_66 = arith.constant 2 : i32
      %add3A_67 = arith.addi %add3A_63, %add3A_66 : i32
      %lt3A = arith.constant 80 : i32
      %lt3A_68 = arith.cmpi slt, %add3A_67, %lt3A : i32
      %convert_element_type3A_69 = arith.extui %lt3A_68 : i1 to i32
      %cond3A_70 = arith.constant 0 : i32
      %cond3A_71 = arith.cmpi ne, %convert_element_type3A_69, %cond3A_70 : i32
      scf.if %cond3A_71 {
        %add3A_166 = arith.constant 2 : i32
        %add3A_167 = arith.addi %add3A_63, %add3A_166 : i32
        %mul3A_168 = arith.constant 128 : i32
        %mul3A_169 = arith.muli %add3A_167, %mul3A_168 : i32
        %add3A_170 = arith.addi %mul3A_4, %mul3A_169 : i32
        %dma_start3A_171 = tpu.memref_slice %arg3[%add3A_170] : memref<327680xi32, #tpu.memory_space<hbm>> -> memref<128xi32, #tpu.memory_space<hbm>>
        %dma_start3A_172 = tpu.memref_slice %arg3[%add3A_170] : memref<327680xi32, #tpu.memory_space<hbm>> -> memref<128xi32, #tpu.memory_space<hbm>>
        tpu.enqueue_dma source(%dma_start3A_172 : memref<128xi32, #tpu.memory_space<hbm>>) target(%arg9 : memref<128xi32, #tpu.memory_space<vmem>>) target_semaphore(%arg20 : memref<!tpu.dma_semaphore, #tpu.memory_space<semaphore_mem>>)
        %mul3A_173 = arith.constant 128 : i32
        %mul3A_174 = arith.muli %add3A_167, %mul3A_173 : i32
        %add3A_175 = arith.addi %mul3A_4, %mul3A_174 : i32
        %dma_start3A_176 = tpu.memref_slice %arg4[%add3A_175] : memref<327680xi32, #tpu.memory_space<hbm>> -> memref<128xi32, #tpu.memory_space<hbm>>
        %dma_start3A_177 = tpu.memref_slice %arg4[%add3A_175] : memref<327680xi32, #tpu.memory_space<hbm>> -> memref<128xi32, #tpu.memory_space<hbm>>
        tpu.enqueue_dma source(%dma_start3A_177 : memref<128xi32, #tpu.memory_space<hbm>>) target(%arg13 : memref<128xi32, #tpu.memory_space<vmem>>) target_semaphore(%arg20 : memref<!tpu.dma_semaphore, #tpu.memory_space<semaphore_mem>>)
      } else {
      }
      %add3A_72 = arith.constant 1 : i32
      %add3A_73 = arith.addi %add3A_63, %add3A_72 : i32
      %lt3A_74 = arith.constant 80 : i32
      %lt3A_75 = arith.cmpi slt, %add3A_73, %lt3A_74 : i32
      %convert_element_type3A_76 = arith.extui %lt3A_75 : i1 to i32
      %cond3A_77 = arith.constant 0 : i32
      %cond3A_78 = arith.cmpi ne, %convert_element_type3A_76, %cond3A_77 : i32
      scf.if %cond3A_78 {
        %dma_wait3A_166 = arith.constant 0 : i32
        %dma_wait3A_167 = tpu.memref_slice %arg3[%dma_wait3A_166] : memref<327680xi32, #tpu.memory_space<hbm>> -> memref<128xi32, #tpu.memory_space<hbm>>
        %dma_wait3A_168 = arith.constant 0 : i32
        %dma_wait3A_169 = tpu.memref_slice %arg3[%dma_wait3A_168] : memref<327680xi32, #tpu.memory_space<hbm>> -> memref<128xi32, #tpu.memory_space<hbm>>
        tpu.wait_dma2 semaphore(%arg21 : memref<!tpu.dma_semaphore, #tpu.memory_space<semaphore_mem>>) src(%dma_wait3A_169 : memref<128xi32, #tpu.memory_space<hbm>>) dst(%arg8 : memref<128xi32, #tpu.memory_space<vmem>>)
        %dma_wait3A_170 = arith.constant 0 : i32
        %dma_wait3A_171 = tpu.memref_slice %arg4[%dma_wait3A_170] : memref<327680xi32, #tpu.memory_space<hbm>> -> memref<128xi32, #tpu.memory_space<hbm>>
        %dma_wait3A_172 = arith.constant 0 : i32
        %dma_wait3A_173 = tpu.memref_slice %arg4[%dma_wait3A_172] : memref<327680xi32, #tpu.memory_space<hbm>> -> memref<128xi32, #tpu.memory_space<hbm>>
        tpu.wait_dma2 semaphore(%arg21 : memref<!tpu.dma_semaphore, #tpu.memory_space<semaphore_mem>>) src(%dma_wait3A_173 : memref<128xi32, #tpu.memory_space<hbm>>) dst(%arg12 : memref<128xi32, #tpu.memory_space<vmem>>)
        %dma_start3A_174 = arith.constant 0 : i32
        %dma_start3A_175 = arith.constant 0 : i32
        %dma_start3A_176 = tpu.memref_slice %arg2[%dma_start3A_174, %dma_start3A_175] : memref<10240x128xf32, #tpu.memory_space<hbm>> -> memref<10240x128xf32, #tpu.memory_space<hbm>>
        tpu.enqueue_indirect_dma source(%dma_start3A_176 : memref<10240x128xf32, #tpu.memory_space<hbm>>) target(%arg16 : memref<128x128xf32, #tpu.memory_space<vmem>>) offsets(%arg8 : memref<128xi32, #tpu.memory_space<vmem>>) semaphore(%arg18 : memref<!tpu.dma_semaphore, #tpu.memory_space<semaphore_mem>>)
      } else {
      }
      %dma_wait3A_79 = arith.constant 0 : i32
      %dma_wait3A_80 = arith.constant 0 : i32
      %dma_wait3A_81 = tpu.memref_slice %arg2[%dma_wait3A_79, %dma_wait3A_80] : memref<10240x128xf32, #tpu.memory_space<hbm>> -> memref<10240x128xf32, #tpu.memory_space<hbm>>
      tpu.wait_indirect_dma semaphore(%arg18 : memref<!tpu.dma_semaphore, #tpu.memory_space<semaphore_mem>>) src(%dma_wait3A_81 : memref<10240x128xf32, #tpu.memory_space<hbm>>) dst(%arg15 : memref<128x128xf32, #tpu.memory_space<vmem>>)
      %dma_start3A_82 = arith.constant 0 : i32
      %dma_start3A_83 = arith.constant 0 : i32
      %dma_start3A_84 = tpu.memref_slice %arg17[%dma_start3A_82, %dma_start3A_83] : memref<10240x128xf32, #tpu.memory_space<vmem_shared>> -> memref<10240x128xf32, #tpu.memory_space<vmem_shared>>
      tpu.enqueue_indirect_dma source(%arg15 : memref<128x128xf32, #tpu.memory_space<vmem>>) target(%dma_start3A_84 : memref<10240x128xf32, #tpu.memory_space<vmem_shared>>) offsets(%arg11 : memref<128xi32, #tpu.memory_space<vmem>>) semaphore(%arg19 : memref<!tpu.dma_semaphore, #tpu.memory_space<semaphore_mem>>) {add = true}
      %mul3A_85 = arith.constant 4 : i32
      %mul3A_86 = arith.muli %mul3A_85, %scan3A_59 : i32
      %add3A_87 = arith.constant 1 : i32
      %add3A_88 = arith.addi %mul3A_86, %add3A_87 : i32
      %dma_wait3A_89 = arith.constant 0 : i32
      %dma_wait3A_90 = arith.constant 0 : i32
      %dma_wait3A_91 = tpu.memref_slice %arg17[%dma_wait3A_89, %dma_wait3A_90] : memref<10240x128xf32, #tpu.memory_space<vmem_shared>> -> memref<10240x128xf32, #tpu.memory_space<vmem_shared>>
      tpu.wait_indirect_dma semaphore(%arg19 : memref<!tpu.dma_semaphore, #tpu.memory_space<semaphore_mem>>) src(%arg15 : memref<128x128xf32, #tpu.memory_space<vmem>>) dst(%dma_wait3A_91 : memref<10240x128xf32, #tpu.memory_space<vmem_shared>>)
      %add3A_92 = arith.constant 2 : i32
      %add3A_93 = arith.addi %add3A_88, %add3A_92 : i32
      %lt3A_94 = arith.constant 80 : i32
      %lt3A_95 = arith.cmpi slt, %add3A_93, %lt3A_94 : i32
      %convert_element_type3A_96 = arith.extui %lt3A_95 : i1 to i32
      %cond3A_97 = arith.constant 0 : i32
      %cond3A_98 = arith.cmpi ne, %convert_element_type3A_96, %cond3A_97 : i32
      scf.if %cond3A_98 {
        %add3A_166 = arith.constant 2 : i32
        %add3A_167 = arith.addi %add3A_88, %add3A_166 : i32
        %mul3A_168 = arith.constant 128 : i32
        %mul3A_169 = arith.muli %add3A_167, %mul3A_168 : i32
        %add3A_170 = arith.addi %mul3A_4, %mul3A_169 : i32
        %dma_start3A_171 = tpu.memref_slice %arg3[%add3A_170] : memref<327680xi32, #tpu.memory_space<hbm>> -> memref<128xi32, #tpu.memory_space<hbm>>
        %dma_start3A_172 = tpu.memref_slice %arg3[%add3A_170] : memref<327680xi32, #tpu.memory_space<hbm>> -> memref<128xi32, #tpu.memory_space<hbm>>
        tpu.enqueue_dma source(%dma_start3A_172 : memref<128xi32, #tpu.memory_space<hbm>>) target(%arg10 : memref<128xi32, #tpu.memory_space<vmem>>) target_semaphore(%arg21 : memref<!tpu.dma_semaphore, #tpu.memory_space<semaphore_mem>>)
        %mul3A_173 = arith.constant 128 : i32
        %mul3A_174 = arith.muli %add3A_167, %mul3A_173 : i32
        %add3A_175 = arith.addi %mul3A_4, %mul3A_174 : i32
        %dma_start3A_176 = tpu.memref_slice %arg4[%add3A_175] : memref<327680xi32, #tpu.memory_space<hbm>> -> memref<128xi32, #tpu.memory_space<hbm>>
        %dma_start3A_177 = tpu.memref_slice %arg4[%add3A_175] : memref<327680xi32, #tpu.memory_space<hbm>> -> memref<128xi32, #tpu.memory_space<hbm>>
        tpu.enqueue_dma source(%dma_start3A_177 : memref<128xi32, #tpu.memory_space<hbm>>) target(%arg14 : memref<128xi32, #tpu.memory_space<vmem>>) target_semaphore(%arg21 : memref<!tpu.dma_semaphore, #tpu.memory_space<semaphore_mem>>)
      } else {
      }
      %add3A_99 = arith.constant 1 : i32
      %add3A_100 = arith.addi %add3A_88, %add3A_99 : i32
      %lt3A_101 = arith.constant 80 : i32
      %lt3A_102 = arith.cmpi slt, %add3A_100, %lt3A_101 : i32
      %convert_element_type3A_103 = arith.extui %lt3A_102 : i1 to i32
      %cond3A_104 = arith.constant 0 : i32
      %cond3A_105 = arith.cmpi ne, %convert_element_type3A_103, %cond3A_104 : i32
      scf.if %cond3A_105 {
        %dma_wait3A_166 = arith.constant 0 : i32
        %dma_wait3A_167 = tpu.memref_slice %arg3[%dma_wait3A_166] : memref<327680xi32, #tpu.memory_space<hbm>> -> memref<128xi32, #tpu.memory_space<hbm>>
        %dma_wait3A_168 = arith.constant 0 : i32
        %dma_wait3A_169 = tpu.memref_slice %arg3[%dma_wait3A_168] : memref<327680xi32, #tpu.memory_space<hbm>> -> memref<128xi32, #tpu.memory_space<hbm>>
        tpu.wait_dma2 semaphore(%arg20 : memref<!tpu.dma_semaphore, #tpu.memory_space<semaphore_mem>>) src(%dma_wait3A_169 : memref<128xi32, #tpu.memory_space<hbm>>) dst(%arg9 : memref<128xi32, #tpu.memory_space<vmem>>)
        %dma_wait3A_170 = arith.constant 0 : i32
        %dma_wait3A_171 = tpu.memref_slice %arg4[%dma_wait3A_170] : memref<327680xi32, #tpu.memory_space<hbm>> -> memref<128xi32, #tpu.memory_space<hbm>>
        %dma_wait3A_172 = arith.constant 0 : i32
        %dma_wait3A_173 = tpu.memref_slice %arg4[%dma_wait3A_172] : memref<327680xi32, #tpu.memory_space<hbm>> -> memref<128xi32, #tpu.memory_space<hbm>>
        tpu.wait_dma2 semaphore(%arg20 : memref<!tpu.dma_semaphore, #tpu.memory_space<semaphore_mem>>) src(%dma_wait3A_173 : memref<128xi32, #tpu.memory_space<hbm>>) dst(%arg13 : memref<128xi32, #tpu.memory_space<vmem>>)
        %dma_start3A_174 = arith.constant 0 : i32
        %dma_start3A_175 = arith.constant 0 : i32
        %dma_start3A_176 = tpu.memref_slice %arg2[%dma_start3A_174, %dma_start3A_175] : memref<10240x128xf32, #tpu.memory_space<hbm>> -> memref<10240x128xf32, #tpu.memory_space<hbm>>
        tpu.enqueue_indirect_dma source(%dma_start3A_176 : memref<10240x128xf32, #tpu.memory_space<hbm>>) target(%arg15 : memref<128x128xf32, #tpu.memory_space<vmem>>) offsets(%arg9 : memref<128xi32, #tpu.memory_space<vmem>>) semaphore(%arg18 : memref<!tpu.dma_semaphore, #tpu.memory_space<semaphore_mem>>)
      } else {
      }
      %dma_wait3A_106 = arith.constant 0 : i32
      %dma_wait3A_107 = arith.constant 0 : i32
      %dma_wait3A_108 = tpu.memref_slice %arg2[%dma_wait3A_106, %dma_wait3A_107] : memref<10240x128xf32, #tpu.memory_space<hbm>> -> memref<10240x128xf32, #tpu.memory_space<hbm>>
      tpu.wait_indirect_dma semaphore(%arg18 : memref<!tpu.dma_semaphore, #tpu.memory_space<semaphore_mem>>) src(%dma_wait3A_108 : memref<10240x128xf32, #tpu.memory_space<hbm>>) dst(%arg16 : memref<128x128xf32, #tpu.memory_space<vmem>>)
      %dma_start3A_109 = arith.constant 0 : i32
      %dma_start3A_110 = arith.constant 0 : i32
      %dma_start3A_111 = tpu.memref_slice %arg17[%dma_start3A_109, %dma_start3A_110] : memref<10240x128xf32, #tpu.memory_space<vmem_shared>> -> memref<10240x128xf32, #tpu.memory_space<vmem_shared>>
      tpu.enqueue_indirect_dma source(%arg16 : memref<128x128xf32, #tpu.memory_space<vmem>>) target(%dma_start3A_111 : memref<10240x128xf32, #tpu.memory_space<vmem_shared>>) offsets(%arg12 : memref<128xi32, #tpu.memory_space<vmem>>) semaphore(%arg19 : memref<!tpu.dma_semaphore, #tpu.memory_space<semaphore_mem>>) {add = true}
      %mul3A_112 = arith.constant 4 : i32
      %mul3A_113 = arith.muli %mul3A_112, %scan3A_59 : i32
      %add3A_114 = arith.constant 2 : i32
      %add3A_115 = arith.addi %mul3A_113, %add3A_114 : i32
      %dma_wait3A_116 = arith.constant 0 : i32
      %dma_wait3A_117 = arith.constant 0 : i32
      %dma_wait3A_118 = tpu.memref_slice %arg17[%dma_wait3A_116, %dma_wait3A_117] : memref<10240x128xf32, #tpu.memory_space<vmem_shared>> -> memref<10240x128xf32, #tpu.memory_space<vmem_shared>>
      tpu.wait_indirect_dma semaphore(%arg19 : memref<!tpu.dma_semaphore, #tpu.memory_space<semaphore_mem>>) src(%arg16 : memref<128x128xf32, #tpu.memory_space<vmem>>) dst(%dma_wait3A_118 : memref<10240x128xf32, #tpu.memory_space<vmem_shared>>)
      %add3A_119 = arith.constant 2 : i32
      %add3A_120 = arith.addi %add3A_115, %add3A_119 : i32
      %lt3A_121 = arith.constant 80 : i32
      %lt3A_122 = arith.cmpi slt, %add3A_120, %lt3A_121 : i32
      %convert_element_type3A_123 = arith.extui %lt3A_122 : i1 to i32
      %cond3A_124 = arith.constant 0 : i32
      %cond3A_125 = arith.cmpi ne, %convert_element_type3A_123, %cond3A_124 : i32
      scf.if %cond3A_125 {
        %add3A_166 = arith.constant 2 : i32
        %add3A_167 = arith.addi %add3A_115, %add3A_166 : i32
        %mul3A_168 = arith.constant 128 : i32
        %mul3A_169 = arith.muli %add3A_167, %mul3A_168 : i32
        %add3A_170 = arith.addi %mul3A_4, %mul3A_169 : i32
        %dma_start3A_171 = tpu.memref_slice %arg3[%add3A_170] : memref<327680xi32, #tpu.memory_space<hbm>> -> memref<128xi32, #tpu.memory_space<hbm>>
        %dma_start3A_172 = tpu.memref_slice %arg3[%add3A_170] : memref<327680xi32, #tpu.memory_space<hbm>> -> memref<128xi32, #tpu.memory_space<hbm>>
        tpu.enqueue_dma source(%dma_start3A_172 : memref<128xi32, #tpu.memory_space<hbm>>) target(%arg7 : memref<128xi32, #tpu.memory_space<vmem>>) target_semaphore(%arg20 : memref<!tpu.dma_semaphore, #tpu.memory_space<semaphore_mem>>)
        %mul3A_173 = arith.constant 128 : i32
        %mul3A_174 = arith.muli %add3A_167, %mul3A_173 : i32
        %add3A_175 = arith.addi %mul3A_4, %mul3A_174 : i32
        %dma_start3A_176 = tpu.memref_slice %arg4[%add3A_175] : memref<327680xi32, #tpu.memory_space<hbm>> -> memref<128xi32, #tpu.memory_space<hbm>>
        %dma_start3A_177 = tpu.memref_slice %arg4[%add3A_175] : memref<327680xi32, #tpu.memory_space<hbm>> -> memref<128xi32, #tpu.memory_space<hbm>>
        tpu.enqueue_dma source(%dma_start3A_177 : memref<128xi32, #tpu.memory_space<hbm>>) target(%arg11 : memref<128xi32, #tpu.memory_space<vmem>>) target_semaphore(%arg20 : memref<!tpu.dma_semaphore, #tpu.memory_space<semaphore_mem>>)
      } else {
      }
      %add3A_126 = arith.constant 1 : i32
      %add3A_127 = arith.addi %add3A_115, %add3A_126 : i32
      %lt3A_128 = arith.constant 80 : i32
      %lt3A_129 = arith.cmpi slt, %add3A_127, %lt3A_128 : i32
      %convert_element_type3A_130 = arith.extui %lt3A_129 : i1 to i32
      %cond3A_131 = arith.constant 0 : i32
      %cond3A_132 = arith.cmpi ne, %convert_element_type3A_130, %cond3A_131 : i32
      scf.if %cond3A_132 {
        %dma_wait3A_166 = arith.constant 0 : i32
        %dma_wait3A_167 = tpu.memref_slice %arg3[%dma_wait3A_166] : memref<327680xi32, #tpu.memory_space<hbm>> -> memref<128xi32, #tpu.memory_space<hbm>>
        %dma_wait3A_168 = arith.constant 0 : i32
        %dma_wait3A_169 = tpu.memref_slice %arg3[%dma_wait3A_168] : memref<327680xi32, #tpu.memory_space<hbm>> -> memref<128xi32, #tpu.memory_space<hbm>>
        tpu.wait_dma2 semaphore(%arg21 : memref<!tpu.dma_semaphore, #tpu.memory_space<semaphore_mem>>) src(%dma_wait3A_169 : memref<128xi32, #tpu.memory_space<hbm>>) dst(%arg10 : memref<128xi32, #tpu.memory_space<vmem>>)
        %dma_wait3A_170 = arith.constant 0 : i32
        %dma_wait3A_171 = tpu.memref_slice %arg4[%dma_wait3A_170] : memref<327680xi32, #tpu.memory_space<hbm>> -> memref<128xi32, #tpu.memory_space<hbm>>
        %dma_wait3A_172 = arith.constant 0 : i32
        %dma_wait3A_173 = tpu.memref_slice %arg4[%dma_wait3A_172] : memref<327680xi32, #tpu.memory_space<hbm>> -> memref<128xi32, #tpu.memory_space<hbm>>
        tpu.wait_dma2 semaphore(%arg21 : memref<!tpu.dma_semaphore, #tpu.memory_space<semaphore_mem>>) src(%dma_wait3A_173 : memref<128xi32, #tpu.memory_space<hbm>>) dst(%arg14 : memref<128xi32, #tpu.memory_space<vmem>>)
        %dma_start3A_174 = arith.constant 0 : i32
        %dma_start3A_175 = arith.constant 0 : i32
        %dma_start3A_176 = tpu.memref_slice %arg2[%dma_start3A_174, %dma_start3A_175] : memref<10240x128xf32, #tpu.memory_space<hbm>> -> memref<10240x128xf32, #tpu.memory_space<hbm>>
        tpu.enqueue_indirect_dma source(%dma_start3A_176 : memref<10240x128xf32, #tpu.memory_space<hbm>>) target(%arg16 : memref<128x128xf32, #tpu.memory_space<vmem>>) offsets(%arg10 : memref<128xi32, #tpu.memory_space<vmem>>) semaphore(%arg18 : memref<!tpu.dma_semaphore, #tpu.memory_space<semaphore_mem>>)
      } else {
      }
      %dma_wait3A_133 = arith.constant 0 : i32
      %dma_wait3A_134 = arith.constant 0 : i32
      %dma_wait3A_135 = tpu.memref_slice %arg2[%dma_wait3A_133, %dma_wait3A_134] : memref<10240x128xf32, #tpu.memory_space<hbm>> -> memref<10240x128xf32, #tpu.memory_space<hbm>>
      tpu.wait_indirect_dma semaphore(%arg18 : memref<!tpu.dma_semaphore, #tpu.memory_space<semaphore_mem>>) src(%dma_wait3A_135 : memref<10240x128xf32, #tpu.memory_space<hbm>>) dst(%arg15 : memref<128x128xf32, #tpu.memory_space<vmem>>)
      %dma_start3A_136 = arith.constant 0 : i32
      %dma_start3A_137 = arith.constant 0 : i32
      %dma_start3A_138 = tpu.memref_slice %arg17[%dma_start3A_136, %dma_start3A_137] : memref<10240x128xf32, #tpu.memory_space<vmem_shared>> -> memref<10240x128xf32, #tpu.memory_space<vmem_shared>>
      tpu.enqueue_indirect_dma source(%arg15 : memref<128x128xf32, #tpu.memory_space<vmem>>) target(%dma_start3A_138 : memref<10240x128xf32, #tpu.memory_space<vmem_shared>>) offsets(%arg13 : memref<128xi32, #tpu.memory_space<vmem>>) semaphore(%arg19 : memref<!tpu.dma_semaphore, #tpu.memory_space<semaphore_mem>>) {add = true}
      %mul3A_139 = arith.constant 4 : i32
      %mul3A_140 = arith.muli %mul3A_139, %scan3A_59 : i32
      %add3A_141 = arith.constant 3 : i32
      %add3A_142 = arith.addi %mul3A_140, %add3A_141 : i32
      %dma_wait3A_143 = arith.constant 0 : i32
      %dma_wait3A_144 = arith.constant 0 : i32
      %dma_wait3A_145 = tpu.memref_slice %arg17[%dma_wait3A_143, %dma_wait3A_144] : memref<10240x128xf32, #tpu.memory_space<vmem_shared>> -> memref<10240x128xf32, #tpu.memory_space<vmem_shared>>
      tpu.wait_indirect_dma semaphore(%arg19 : memref<!tpu.dma_semaphore, #tpu.memory_space<semaphore_mem>>) src(%arg15 : memref<128x128xf32, #tpu.memory_space<vmem>>) dst(%dma_wait3A_145 : memref<10240x128xf32, #tpu.memory_space<vmem_shared>>)
      %add3A_146 = arith.constant 2 : i32
      %add3A_147 = arith.addi %add3A_142, %add3A_146 : i32
      %lt3A_148 = arith.constant 80 : i32
      %lt3A_149 = arith.cmpi slt, %add3A_147, %lt3A_148 : i32
      %convert_element_type3A_150 = arith.extui %lt3A_149 : i1 to i32
      %cond3A_151 = arith.constant 0 : i32
      %cond3A_152 = arith.cmpi ne, %convert_element_type3A_150, %cond3A_151 : i32
      scf.if %cond3A_152 {
        %add3A_166 = arith.constant 2 : i32
        %add3A_167 = arith.addi %add3A_142, %add3A_166 : i32
        %mul3A_168 = arith.constant 128 : i32
        %mul3A_169 = arith.muli %add3A_167, %mul3A_168 : i32
        %add3A_170 = arith.addi %mul3A_4, %mul3A_169 : i32
        %dma_start3A_171 = tpu.memref_slice %arg3[%add3A_170] : memref<327680xi32, #tpu.memory_space<hbm>> -> memref<128xi32, #tpu.memory_space<hbm>>
        %dma_start3A_172 = tpu.memref_slice %arg3[%add3A_170] : memref<327680xi32, #tpu.memory_space<hbm>> -> memref<128xi32, #tpu.memory_space<hbm>>
        tpu.enqueue_dma source(%dma_start3A_172 : memref<128xi32, #tpu.memory_space<hbm>>) target(%arg8 : memref<128xi32, #tpu.memory_space<vmem>>) target_semaphore(%arg21 : memref<!tpu.dma_semaphore, #tpu.memory_space<semaphore_mem>>)
        %mul3A_173 = arith.constant 128 : i32
        %mul3A_174 = arith.muli %add3A_167, %mul3A_173 : i32
        %add3A_175 = arith.addi %mul3A_4, %mul3A_174 : i32
        %dma_start3A_176 = tpu.memref_slice %arg4[%add3A_175] : memref<327680xi32, #tpu.memory_space<hbm>> -> memref<128xi32, #tpu.memory_space<hbm>>
        %dma_start3A_177 = tpu.memref_slice %arg4[%add3A_175] : memref<327680xi32, #tpu.memory_space<hbm>> -> memref<128xi32, #tpu.memory_space<hbm>>
        tpu.enqueue_dma source(%dma_start3A_177 : memref<128xi32, #tpu.memory_space<hbm>>) target(%arg12 : memref<128xi32, #tpu.memory_space<vmem>>) target_semaphore(%arg21 : memref<!tpu.dma_semaphore, #tpu.memory_space<semaphore_mem>>)
      } else {
      }
      %add3A_153 = arith.constant 1 : i32
      %add3A_154 = arith.addi %add3A_142, %add3A_153 : i32
      %lt3A_155 = arith.constant 80 : i32
      %lt3A_156 = arith.cmpi slt, %add3A_154, %lt3A_155 : i32
      %convert_element_type3A_157 = arith.extui %lt3A_156 : i1 to i32
      %cond3A_158 = arith.constant 0 : i32
      %cond3A_159 = arith.cmpi ne, %convert_element_type3A_157, %cond3A_158 : i32
      scf.if %cond3A_159 {
        %dma_wait3A_166 = arith.constant 0 : i32
        %dma_wait3A_167 = tpu.memref_slice %arg3[%dma_wait3A_166] : memref<327680xi32, #tpu.memory_space<hbm>> -> memref<128xi32, #tpu.memory_space<hbm>>
        %dma_wait3A_168 = arith.constant 0 : i32
        %dma_wait3A_169 = tpu.memref_slice %arg3[%dma_wait3A_168] : memref<327680xi32, #tpu.memory_space<hbm>> -> memref<128xi32, #tpu.memory_space<hbm>>
        tpu.wait_dma2 semaphore(%arg20 : memref<!tpu.dma_semaphore, #tpu.memory_space<semaphore_mem>>) src(%dma_wait3A_169 : memref<128xi32, #tpu.memory_space<hbm>>) dst(%arg7 : memref<128xi32, #tpu.memory_space<vmem>>)
        %dma_wait3A_170 = arith.constant 0 : i32
        %dma_wait3A_171 = tpu.memref_slice %arg4[%dma_wait3A_170] : memref<327680xi32, #tpu.memory_space<hbm>> -> memref<128xi32, #tpu.memory_space<hbm>>
        %dma_wait3A_172 = arith.constant 0 : i32
        %dma_wait3A_173 = tpu.memref_slice %arg4[%dma_wait3A_172] : memref<327680xi32, #tpu.memory_space<hbm>> -> memref<128xi32, #tpu.memory_space<hbm>>
        tpu.wait_dma2 semaphore(%arg20 : memref<!tpu.dma_semaphore, #tpu.memory_space<semaphore_mem>>) src(%dma_wait3A_173 : memref<128xi32, #tpu.memory_space<hbm>>) dst(%arg11 : memref<128xi32, #tpu.memory_space<vmem>>)
        %dma_start3A_174 = arith.constant 0 : i32
        %dma_start3A_175 = arith.constant 0 : i32
        %dma_start3A_176 = tpu.memref_slice %arg2[%dma_start3A_174, %dma_start3A_175] : memref<10240x128xf32, #tpu.memory_space<hbm>> -> memref<10240x128xf32, #tpu.memory_space<hbm>>
        tpu.enqueue_indirect_dma source(%dma_start3A_176 : memref<10240x128xf32, #tpu.memory_space<hbm>>) target(%arg15 : memref<128x128xf32, #tpu.memory_space<vmem>>) offsets(%arg7 : memref<128xi32, #tpu.memory_space<vmem>>) semaphore(%arg18 : memref<!tpu.dma_semaphore, #tpu.memory_space<semaphore_mem>>)
      } else {
      }
      %dma_wait3A_160 = arith.constant 0 : i32
      %dma_wait3A_161 = arith.constant 0 : i32
      %dma_wait3A_162 = tpu.memref_slice %arg2[%dma_wait3A_160, %dma_wait3A_161] : memref<10240x128xf32, #tpu.memory_space<hbm>> -> memref<10240x128xf32, #tpu.memory_space<hbm>>
      tpu.wait_indirect_dma semaphore(%arg18 : memref<!tpu.dma_semaphore, #tpu.memory_space<semaphore_mem>>) src(%dma_wait3A_162 : memref<10240x128xf32, #tpu.memory_space<hbm>>) dst(%arg16 : memref<128x128xf32, #tpu.memory_space<vmem>>)
      %dma_start3A_163 = arith.constant 0 : i32
      %dma_start3A_164 = arith.constant 0 : i32
      %dma_start3A_165 = tpu.memref_slice %arg17[%dma_start3A_163, %dma_start3A_164] : memref<10240x128xf32, #tpu.memory_space<vmem_shared>> -> memref<10240x128xf32, #tpu.memory_space<vmem_shared>>
      tpu.enqueue_indirect_dma source(%arg16 : memref<128x128xf32, #tpu.memory_space<vmem>>) target(%dma_start3A_165 : memref<10240x128xf32, #tpu.memory_space<vmem_shared>>) offsets(%arg14 : memref<128xi32, #tpu.memory_space<vmem>>) semaphore(%arg19 : memref<!tpu.dma_semaphore, #tpu.memory_space<semaphore_mem>>) {add = true}
    }
    %scan3A_44 = arith.constant 20 : i32
    %dma_wait3A_45 = arith.constant 0 : i32
    %dma_wait3A_46 = arith.constant 0 : i32
    %dma_wait3A_47 = tpu.memref_slice %arg17[%dma_wait3A_45, %dma_wait3A_46] : memref<10240x128xf32, #tpu.memory_space<vmem_shared>> -> memref<10240x128xf32, #tpu.memory_space<vmem_shared>>
    tpu.wait_indirect_dma semaphore(%arg19 : memref<!tpu.dma_semaphore, #tpu.memory_space<semaphore_mem>>) src(%arg16 : memref<128x128xf32, #tpu.memory_space<vmem>>) dst(%dma_wait3A_47 : memref<10240x128xf32, #tpu.memory_space<vmem_shared>>)
    %barrier3A_48 = arith.constant 0 : index
    tpu.barrier barrier_id(%barrier3A_48)
    %add3A_49 = arith.constant 0 : i32
    %add3A_50 = arith.addi %mul3A_2, %add3A_49 : i32
    "tpu.region"() ({
      %run_scoped3A = tpu.sem_alloc : memref<!tpu.dma_semaphore, #tpu.memory_space<semaphore_mem>>
      %dma_start3A_59 = arith.constant 0 : i32
      %dma_start3A_60 = tpu.memref_slice %arg6[%arg0, %add3A_50, %dma_start3A_59] : memref<2x10240x128xf32, #tpu.memory_space<hbm>> -> memref<1x128x128xf32, #tpu.memory_space<hbm>>
      %dma_start3A_61 = tpu.memref_squeeze %dma_start3A_60 : memref<1x128x128xf32, #tpu.memory_space<hbm>> -> memref<128x128xf32, #tpu.memory_space<hbm>>
      %dma_start3A_62 = arith.constant 0 : i32
      %dma_start3A_63 = tpu.memref_slice %arg17[%add3A_50, %dma_start3A_62] : memref<10240x128xf32, #tpu.memory_space<vmem_shared>> -> memref<128x128xf32, #tpu.memory_space<vmem_shared>>
      tpu.enqueue_dma source(%dma_start3A_63 : memref<128x128xf32, #tpu.memory_space<vmem_shared>>) target(%dma_start3A_61 : memref<128x128xf32, #tpu.memory_space<hbm>>) target_semaphore(%run_scoped3A : memref<!tpu.dma_semaphore, #tpu.memory_space<semaphore_mem>>)
      %dma_wait3A_64 = arith.constant 0 : i32
      %dma_wait3A_65 = tpu.memref_slice %arg6[%arg0, %add3A_50, %dma_wait3A_64] : memref<2x10240x128xf32, #tpu.memory_space<hbm>> -> memref<1x128x128xf32, #tpu.memory_space<hbm>>
      %dma_wait3A_66 = tpu.memref_squeeze %dma_wait3A_65 : memref<1x128x128xf32, #tpu.memory_space<hbm>> -> memref<128x128xf32, #tpu.memory_space<hbm>>
      %dma_wait3A_67 = arith.constant 0 : i32
      %dma_wait3A_68 = tpu.memref_slice %arg17[%add3A_50, %dma_wait3A_67] : memref<10240x128xf32, #tpu.memory_space<vmem_shared>> -> memref<128x128xf32, #tpu.memory_space<vmem_shared>>
      tpu.wait_dma2 semaphore(%run_scoped3A : memref<!tpu.dma_semaphore, #tpu.memory_space<semaphore_mem>>) src(%dma_wait3A_68 : memref<128x128xf32, #tpu.memory_space<vmem_shared>>) dst(%dma_wait3A_66 : memref<128x128xf32, #tpu.memory_space<hbm>>)
      tpu.yield
    }) : () -> ()
    %add3A_51 = arith.constant 128 : i32
    %add3A_52 = arith.addi %mul3A_2, %add3A_51 : i32
    "tpu.region"() ({
      %run_scoped3A = tpu.sem_alloc : memref<!tpu.dma_semaphore, #tpu.memory_space<semaphore_mem>>
      %dma_start3A_59 = arith.constant 0 : i32
      %dma_start3A_60 = tpu.memref_slice %arg6[%arg0, %add3A_52, %dma_start3A_59] : memref<2x10240x128xf32, #tpu.memory_space<hbm>> -> memref<1x128x128xf32, #tpu.memory_space<hbm>>
      %dma_start3A_61 = tpu.memref_squeeze %dma_start3A_60 : memref<1x128x128xf32, #tpu.memory_space<hbm>> -> memref<128x128xf32, #tpu.memory_space<hbm>>
      %dma_start3A_62 = arith.constant 0 : i32
      %dma_start3A_63 = tpu.memref_slice %arg17[%add3A_52, %dma_start3A_62] : memref<10240x128xf32, #tpu.memory_space<vmem_shared>> -> memref<128x128xf32, #tpu.memory_space<vmem_shared>>
      tpu.enqueue_dma source(%dma_start3A_63 : memref<128x128xf32, #tpu.memory_space<vmem_shared>>) target(%dma_start3A_61 : memref<128x128xf32, #tpu.memory_space<hbm>>) target_semaphore(%run_scoped3A : memref<!tpu.dma_semaphore, #tpu.memory_space<semaphore_mem>>)
      %dma_wait3A_64 = arith.constant 0 : i32
      %dma_wait3A_65 = tpu.memref_slice %arg6[%arg0, %add3A_52, %dma_wait3A_64] : memref<2x10240x128xf32, #tpu.memory_space<hbm>> -> memref<1x128x128xf32, #tpu.memory_space<hbm>>
      %dma_wait3A_66 = tpu.memref_squeeze %dma_wait3A_65 : memref<1x128x128xf32, #tpu.memory_space<hbm>> -> memref<128x128xf32, #tpu.memory_space<hbm>>
      %dma_wait3A_67 = arith.constant 0 : i32
      %dma_wait3A_68 = tpu.memref_slice %arg17[%add3A_52, %dma_wait3A_67] : memref<10240x128xf32, #tpu.memory_space<vmem_shared>> -> memref<128x128xf32, #tpu.memory_space<vmem_shared>>
      tpu.wait_dma2 semaphore(%run_scoped3A : memref<!tpu.dma_semaphore, #tpu.memory_space<semaphore_mem>>) src(%dma_wait3A_68 : memref<128x128xf32, #tpu.memory_space<vmem_shared>>) dst(%dma_wait3A_66 : memref<128x128xf32, #tpu.memory_space<hbm>>)
      tpu.yield
    }) : () -> ()
    %add3A_53 = arith.constant 256 : i32
    %add3A_54 = arith.addi %mul3A_2, %add3A_53 : i32
    "tpu.region"() ({
      %run_scoped3A = tpu.sem_alloc : memref<!tpu.dma_semaphore, #tpu.memory_space<semaphore_mem>>
      %dma_start3A_59 = arith.constant 0 : i32
      %dma_start3A_60 = tpu.memref_slice %arg6[%arg0, %add3A_54, %dma_start3A_59] : memref<2x10240x128xf32, #tpu.memory_space<hbm>> -> memref<1x128x128xf32, #tpu.memory_space<hbm>>
      %dma_start3A_61 = tpu.memref_squeeze %dma_start3A_60 : memref<1x128x128xf32, #tpu.memory_space<hbm>> -> memref<128x128xf32, #tpu.memory_space<hbm>>
      %dma_start3A_62 = arith.constant 0 : i32
      %dma_start3A_63 = tpu.memref_slice %arg17[%add3A_54, %dma_start3A_62] : memref<10240x128xf32, #tpu.memory_space<vmem_shared>> -> memref<128x128xf32, #tpu.memory_space<vmem_shared>>
      tpu.enqueue_dma source(%dma_start3A_63 : memref<128x128xf32, #tpu.memory_space<vmem_shared>>) target(%dma_start3A_61 : memref<128x128xf32, #tpu.memory_space<hbm>>) target_semaphore(%run_scoped3A : memref<!tpu.dma_semaphore, #tpu.memory_space<semaphore_mem>>)
      %dma_wait3A_64 = arith.constant 0 : i32
      %dma_wait3A_65 = tpu.memref_slice %arg6[%arg0, %add3A_54, %dma_wait3A_64] : memref<2x10240x128xf32, #tpu.memory_space<hbm>> -> memref<1x128x128xf32, #tpu.memory_space<hbm>>
      %dma_wait3A_66 = tpu.memref_squeeze %dma_wait3A_65 : memref<1x128x128xf32, #tpu.memory_space<hbm>> -> memref<128x128xf32, #tpu.memory_space<hbm>>
      %dma_wait3A_67 = arith.constant 0 : i32
      %dma_wait3A_68 = tpu.memref_slice %arg17[%add3A_54, %dma_wait3A_67] : memref<10240x128xf32, #tpu.memory_space<vmem_shared>> -> memref<128x128xf32, #tpu.memory_space<vmem_shared>>
      tpu.wait_dma2 semaphore(%run_scoped3A : memref<!tpu.dma_semaphore, #tpu.memory_space<semaphore_mem>>) src(%dma_wait3A_68 : memref<128x128xf32, #tpu.memory_space<vmem_shared>>) dst(%dma_wait3A_66 : memref<128x128xf32, #tpu.memory_space<hbm>>)
      tpu.yield
    }) : () -> ()
    %add3A_55 = arith.constant 384 : i32
    %add3A_56 = arith.addi %mul3A_2, %add3A_55 : i32
    "tpu.region"() ({
      %run_scoped3A = tpu.sem_alloc : memref<!tpu.dma_semaphore, #tpu.memory_space<semaphore_mem>>
      %dma_start3A_59 = arith.constant 0 : i32
      %dma_start3A_60 = tpu.memref_slice %arg6[%arg0, %add3A_56, %dma_start3A_59] : memref<2x10240x128xf32, #tpu.memory_space<hbm>> -> memref<1x128x128xf32, #tpu.memory_space<hbm>>
      %dma_start3A_61 = tpu.memref_squeeze %dma_start3A_60 : memref<1x128x128xf32, #tpu.memory_space<hbm>> -> memref<128x128xf32, #tpu.memory_space<hbm>>
      %dma_start3A_62 = arith.constant 0 : i32
      %dma_start3A_63 = tpu.memref_slice %arg17[%add3A_56, %dma_start3A_62] : memref<10240x128xf32, #tpu.memory_space<vmem_shared>> -> memref<128x128xf32, #tpu.memory_space<vmem_shared>>
      tpu.enqueue_dma source(%dma_start3A_63 : memref<128x128xf32, #tpu.memory_space<vmem_shared>>) target(%dma_start3A_61 : memref<128x128xf32, #tpu.memory_space<hbm>>) target_semaphore(%run_scoped3A : memref<!tpu.dma_semaphore, #tpu.memory_space<semaphore_mem>>)
      %dma_wait3A_64 = arith.constant 0 : i32
      %dma_wait3A_65 = tpu.memref_slice %arg6[%arg0, %add3A_56, %dma_wait3A_64] : memref<2x10240x128xf32, #tpu.memory_space<hbm>> -> memref<1x128x128xf32, #tpu.memory_space<hbm>>
      %dma_wait3A_66 = tpu.memref_squeeze %dma_wait3A_65 : memref<1x128x128xf32, #tpu.memory_space<hbm>> -> memref<128x128xf32, #tpu.memory_space<hbm>>
      %dma_wait3A_67 = arith.constant 0 : i32
      %dma_wait3A_68 = tpu.memref_slice %arg17[%add3A_56, %dma_wait3A_67] : memref<10240x128xf32, #tpu.memory_space<vmem_shared>> -> memref<128x128xf32, #tpu.memory_space<vmem_shared>>
      tpu.wait_dma2 semaphore(%run_scoped3A : memref<!tpu.dma_semaphore, #tpu.memory_space<semaphore_mem>>) src(%dma_wait3A_68 : memref<128x128xf32, #tpu.memory_space<vmem_shared>>) dst(%dma_wait3A_66 : memref<128x128xf32, #tpu.memory_space<hbm>>)
      tpu.yield
    }) : () -> ()
    %add3A_57 = arith.constant 512 : i32
    %add3A_58 = arith.addi %mul3A_2, %add3A_57 : i32
    "tpu.region"() ({
      %run_scoped3A = tpu.sem_alloc : memref<!tpu.dma_semaphore, #tpu.memory_space<semaphore_mem>>
      %dma_start3A_59 = arith.constant 0 : i32
      %dma_start3A_60 = tpu.memref_slice %arg6[%arg0, %add3A_58, %dma_start3A_59] : memref<2x10240x128xf32, #tpu.memory_space<hbm>> -> memref<1x128x128xf32, #tpu.memory_space<hbm>>
      %dma_start3A_61 = tpu.memref_squeeze %dma_start3A_60 : memref<1x128x128xf32, #tpu.memory_space<hbm>> -> memref<128x128xf32, #tpu.memory_space<hbm>>
      %dma_start3A_62 = arith.constant 0 : i32
      %dma_start3A_63 = tpu.memref_slice %arg17[%add3A_58, %dma_start3A_62] : memref<10240x128xf32, #tpu.memory_space<vmem_shared>> -> memref<128x128xf32, #tpu.memory_space<vmem_shared>>
      tpu.enqueue_dma source(%dma_start3A_63 : memref<128x128xf32, #tpu.memory_space<vmem_shared>>) target(%dma_start3A_61 : memref<128x128xf32, #tpu.memory_space<hbm>>) target_semaphore(%run_scoped3A : memref<!tpu.dma_semaphore, #tpu.memory_space<semaphore_mem>>)
      %dma_wait3A_64 = arith.constant 0 : i32
      %dma_wait3A_65 = tpu.memref_slice %arg6[%arg0, %add3A_58, %dma_wait3A_64] : memref<2x10240x128xf32, #tpu.memory_space<hbm>> -> memref<1x128x128xf32, #tpu.memory_space<hbm>>
      %dma_wait3A_66 = tpu.memref_squeeze %dma_wait3A_65 : memref<1x128x128xf32, #tpu.memory_space<hbm>> -> memref<128x128xf32, #tpu.memory_space<hbm>>
      %dma_wait3A_67 = arith.constant 0 : i32
      %dma_wait3A_68 = tpu.memref_slice %arg17[%add3A_58, %dma_wait3A_67] : memref<10240x128xf32, #tpu.memory_space<vmem_shared>> -> memref<128x128xf32, #tpu.memory_space<vmem_shared>>
      tpu.wait_dma2 semaphore(%run_scoped3A : memref<!tpu.dma_semaphore, #tpu.memory_space<semaphore_mem>>) src(%dma_wait3A_68 : memref<128x128xf32, #tpu.memory_space<vmem_shared>>) dst(%dma_wait3A_66 : memref<128x128xf32, #tpu.memory_space<hbm>>)
      tpu.yield
    }) : () -> ()
    return
  }
}

module attributes {stable_mosaic.version = 14 : i64} {
  func.func @_prep_body(%arg0: i32, %arg1: memref<512x128xf32, #tpu.memory_space<vmem>>, %arg2: memref<2x512x128xf32, #tpu.memory_space<vmem>>, %arg3: memref<512x128xf32, #tpu.memory_space<vmem>>) attributes {dimension_semantics = [#tpu.dimension_semantics<arbitrary>], iteration_bounds = array<i64: 20>, scalar_prefetch = 0 : i64, scratch_operands = 0 : i64, tpu.core_type = #tpu.core_type<tc>, window_params = [{transform_indices = @transform_0, window_bounds = array<i64: 512, 128>}, {transform_indices = @transform_1, window_bounds = array<i64: 2, 512, 128>}, {transform_indices = @transform_2, window_bounds = array<i64: 512, 128>}]} {
    %get3A = arith.constant 0 : index
    %get3A_0 = arith.constant 0 : index
    %get3A_1 = vector.load %arg1[%get3A, %get3A_0] : memref<512x128xf32, #tpu.memory_space<vmem>>, vector<512x128xf32>
    %get3A_2 = arith.constant 0 : index
    %get3A_3 = arith.constant 0 : index
    %get3A_4 = arith.constant 0 : index
    %get3A_5 = vector.load %arg2[%get3A_2, %get3A_3, %get3A_4] : memref<2x512x128xf32, #tpu.memory_space<vmem>>, vector<2x512x128xf32>
    %slice3A = vector.extract_strided_slice %get3A_5 {offsets = [0, 0, 0], sizes = [1, 512, 1], strides = [1, 1, 1]} : vector<2x512x128xf32> to vector<1x512x1xf32>
    %squeeze3A = vector.shape_cast %slice3A : vector<1x512x1xf32> to vector<512x1xf32>
    %slice3A_6 = vector.extract_strided_slice %get3A_5 {offsets = [1, 0, 0], sizes = [1, 512, 1], strides = [1, 1, 1]} : vector<2x512x128xf32> to vector<1x512x1xf32>
    %squeeze3A_7 = vector.shape_cast %slice3A_6 : vector<1x512x1xf32> to vector<512x1xf32>
    %add3A = arith.addf %squeeze3A, %squeeze3A_7 : vector<512x1xf32>
    %gt3A = arith.constant 0.000000e+00 : f32
    %gt3A_8 = vector.broadcast %gt3A : f32 to vector<512x1xf32>
    %gt3A_9 = arith.cmpf ogt, %add3A, %gt3A_8 : vector<512x1xf32>
    %max3A = arith.constant 1.000000e+00 : f32
    %max3A_10 = vector.broadcast %max3A : f32 to vector<512x1xf32>
    %max3A_11 = arith.maximumf %add3A, %max3A_10 : vector<512x1xf32>
    %rsqrt3A = math.rsqrt %max3A_11 : vector<512x1xf32>
    %jit3A = arith.constant 0.000000e+00 : f32
    %broadcast_in_dim3A = vector.broadcast %jit3A : f32 to vector<512x1xf32>
    %select_n3A = arith.select %gt3A_9, %rsqrt3A, %broadcast_in_dim3A : vector<512x1xi1>, vector<512x1xf32>
    %mul3A = vector.broadcast %select_n3A : vector<512x1xf32> to vector<512x128xf32>
    %mul3A_12 = arith.mulf %get3A_1, %mul3A : vector<512x128xf32>
    %swap3A = arith.constant 0 : index
    %swap3A_13 = arith.constant 0 : index
    %swap3A_14 = vector.load %arg3[%swap3A, %swap3A_13] : memref<512x128xf32, #tpu.memory_space<vmem>>, vector<512x128xf32>
    tpu.vector_store %arg3[%swap3A, %swap3A_13], %mul3A_12 {strides = array<i32>} : memref<512x128xf32, #tpu.memory_space<vmem>>, vector<512x128xf32>,
    return
  }
  func.func @transform_0(%arg0: i32) -> (i32, i32) {
    %c0_i32 = arith.constant 0 : i32
    %c0_i32_0 = arith.constant 0 : i32
    return %arg0, %c0_i32 : i32, i32
  }
  func.func @transform_1(%arg0: i32) -> (i32, i32, i32) {
    %c0_i32 = arith.constant 0 : i32
    %c0_i32_0 = arith.constant 0 : i32
    %c0_i32_1 = arith.constant 0 : i32
    return %c0_i32, %arg0, %c0_i32_0 : i32, i32, i32
  }
  func.func @transform_2(%arg0: i32) -> (i32, i32) {
    %c0_i32 = arith.constant 0 : i32
    %c0_i32_0 = arith.constant 0 : i32
    return %arg0, %c0_i32 : i32, i32
  }
}

module attributes {stable_mosaic.version = 14 : i64} {
  func.func @_layer_body(%arg0: i32, %arg1: i32, %arg2: memref<2x512x128xf32, #tpu.memory_space<vmem>>, %arg3: memref<2x512x128xf32, #tpu.memory_space<vmem>>, %arg4: memref<128x128xf32, #tpu.memory_space<vmem>>, %arg5: memref<1x128xf32, #tpu.memory_space<vmem>>, %arg6: memref<1x128xf32, #tpu.memory_space<vmem>>, %arg7: memref<1x128xf32, #tpu.memory_space<vmem>>, %arg8: memref<128x128xf32, #tpu.memory_space<vmem>>, %arg9: memref<1x128xf32, #tpu.memory_space<vmem>>, %arg10: memref<512x128xf32, #tpu.memory_space<vmem>>, %arg11: memref<1x128xf32, #tpu.memory_space<vmem>>, %arg12: memref<2x128xf32, #tpu.memory_space<vmem>>) attributes {dimension_semantics = [#tpu.dimension_semantics<arbitrary>, #tpu.dimension_semantics<arbitrary>], iteration_bounds = array<i64: 2, 20>, scalar_prefetch = 0 : i64, scratch_operands = 1 : i64, tpu.core_type = #tpu.core_type<tc>, window_params = [{transform_indices = @transform_0, window_bounds = array<i64: 2, 512, 128>}, {transform_indices = @transform_1, window_bounds = array<i64: 2, 512, 128>}, {pipeline_mode = #tpu.pipeline_mode<synchronous>, transform_indices = @transform_2, window_bounds = array<i64: 128, 128>}, {pipeline_mode = #tpu.pipeline_mode<synchronous>, transform_indices = @transform_3, window_bounds = array<i64: 1, 128>}, {pipeline_mode = #tpu.pipeline_mode<synchronous>, transform_indices = @transform_4, window_bounds = array<i64: 1, 128>}, {pipeline_mode = #tpu.pipeline_mode<synchronous>, transform_indices = @transform_5, window_bounds = array<i64: 1, 128>}, {pipeline_mode = #tpu.pipeline_mode<synchronous>, transform_indices = @transform_6, window_bounds = array<i64: 128, 128>}, {pipeline_mode = #tpu.pipeline_mode<synchronous>, transform_indices = @transform_7, window_bounds = array<i64: 1, 128>}, {transform_indices = @transform_8, window_bounds = array<i64: 512, 128>}, {pipeline_mode = #tpu.pipeline_mode<synchronous>, transform_indices = @transform_9, window_bounds = array<i64: 1, 128>}]} {
    %get3A = arith.constant 0 : index
    %get3A_0 = arith.constant 0 : index
    %get3A_1 = arith.constant 0 : index
    %get3A_2 = vector.load %arg2[%get3A, %get3A_0, %get3A_1] : memref<2x512x128xf32, #tpu.memory_space<vmem>>, vector<1x512x128xf32>
    %get3A_3 = vector.shape_cast %get3A_2 : vector<1x512x128xf32> to vector<512x128xf32>
    %get3A_4 = arith.constant 1 : index
    %get3A_5 = arith.constant 0 : index
    %get3A_6 = arith.constant 0 : index
    %get3A_7 = vector.load %arg2[%get3A_4, %get3A_5, %get3A_6] : memref<2x512x128xf32, #tpu.memory_space<vmem>>, vector<1x512x128xf32>
    %get3A_8 = vector.shape_cast %get3A_7 : vector<1x512x128xf32> to vector<512x128xf32>
    %add3A = arith.addf %get3A_3, %get3A_8 : vector<512x128xf32>
    %get3A_9 = arith.constant 0 : index
    %get3A_10 = arith.constant 0 : index
    %get3A_11 = arith.constant 0 : index
    %get3A_12 = vector.load %arg3[%get3A_9, %get3A_10, %get3A_11] : memref<2x512x128xf32, #tpu.memory_space<vmem>>, vector<2x512x128xf32>
    %slice3A = vector.extract_strided_slice %get3A_12 {offsets = [0, 0, 1], sizes = [1, 512, 1], strides = [1, 1, 1]} : vector<2x512x128xf32> to vector<1x512x1xf32>
    %squeeze3A = vector.shape_cast %slice3A : vector<1x512x1xf32> to vector<512x1xf32>
    %slice3A_13 = vector.extract_strided_slice %get3A_12 {offsets = [1, 0, 1], sizes = [1, 512, 1], strides = [1, 1, 1]} : vector<2x512x128xf32> to vector<1x512x1xf32>
    %squeeze3A_14 = vector.shape_cast %slice3A_13 : vector<1x512x1xf32> to vector<512x1xf32>
    %add3A_15 = arith.addf %squeeze3A, %squeeze3A_14 : vector<512x1xf32>
    %gt3A = arith.constant 0.000000e+00 : f32
    %gt3A_16 = vector.broadcast %gt3A : f32 to vector<512x1xf32>
    %gt3A_17 = arith.cmpf ogt, %add3A_15, %gt3A_16 : vector<512x1xf32>
    %max3A = arith.constant 1.000000e+00 : f32
    %max3A_18 = vector.broadcast %max3A : f32 to vector<512x1xf32>
    %max3A_19 = arith.maximumf %add3A_15, %max3A_18 : vector<512x1xf32>
    %rsqrt3A = math.rsqrt %max3A_19 : vector<512x1xf32>
    %jit3A = arith.constant 0.000000e+00 : f32
    %broadcast_in_dim3A = vector.broadcast %jit3A : f32 to vector<512x1xf32>
    %select_n3A = arith.select %gt3A_17, %rsqrt3A, %broadcast_in_dim3A : vector<512x1xi1>, vector<512x1xf32>
    %mul3A = vector.broadcast %select_n3A : vector<512x1xf32> to vector<512x128xf32>
    %mul3A_20 = arith.mulf %add3A, %mul3A : vector<512x128xf32>
    %get3A_21 = arith.constant 0 : index
    %get3A_22 = arith.constant 0 : index
    %get3A_23 = vector.load %arg4[%get3A_21, %get3A_22] : memref<128x128xf32, #tpu.memory_space<vmem>>, vector<128x128xf32>
    %dot_general3A = arith.constant dense<0.000000e+00> : vector<512x128xf32>
    %dot_general3A_24 = tpu.matmul %mul3A_20, %get3A_23, %dot_general3A {dimension_numbers = #tpu.dot_dimension_numbers<[1], [0], [0], [1], [0, 0, 1, 1], [], []>, precision = #tpu.contract_precision<fp32>, transpose_lhs_hint = false} : vector<512x128xf32>, vector<128x128xf32>, vector<512x128xf32> -> vector<512x128xf32>
    %eq3A = arith.constant 0 : i32
    %eq3A_25 = arith.cmpi eq, %arg0, %eq3A : i32
    %convert_element_type3A = arith.extui %eq3A_25 : i1 to i32
    %cond3A = arith.constant 0 : i32
    %cond3A_26 = arith.cmpi ne, %convert_element_type3A, %cond3A : i32
    scf.if %cond3A_26 {
      %reduce_sum3A = arith.constant dense<0.000000e+00> : vector<128xf32>
      %reduce_sum3A_32 = vector.multi_reduction <add>, %dot_general3A_24, %reduce_sum3A [0] : vector<512x128xf32> to vector<128xf32>
      %broadcast_in_dim3A_33 = vector.shape_cast %reduce_sum3A_32 : vector<128xf32> to vector<1x128xf32>
      %mul3A_34 = arith.mulf %dot_general3A_24, %dot_general3A_24 : vector<512x128xf32>
      %reduce_sum3A_35 = arith.constant dense<0.000000e+00> : vector<128xf32>
      %reduce_sum3A_36 = vector.multi_reduction <add>, %mul3A_34, %reduce_sum3A_35 [0] : vector<512x128xf32> to vector<128xf32>
      %broadcast_in_dim3A_37 = vector.shape_cast %reduce_sum3A_36 : vector<128xf32> to vector<1x128xf32>
      %concatenate3A = tpu.concatenate %broadcast_in_dim3A_33, %broadcast_in_dim3A_37 in 0 : vector<1x128xf32>, vector<1x128xf32> -> vector<2x128xf32>
      %eq3A_38 = arith.constant 0 : i32
      %eq3A_39 = arith.cmpi eq, %arg1, %eq3A_38 : i32
      %convert_element_type3A_40 = arith.extui %eq3A_39 : i1 to i32
      %cond3A_41 = arith.constant 0 : i32
      %cond3A_42 = arith.cmpi ne, %convert_element_type3A_40, %cond3A_41 : i32
      scf.if %cond3A_42 {
        %swap3A = arith.constant 0 : index
        %swap3A_48 = arith.constant 0 : index
        %swap3A_49 = vector.load %arg12[%swap3A, %swap3A_48] : memref<2x128xf32, #tpu.memory_space<vmem>>, vector<2x128xf32>
        tpu.vector_store %arg12[%swap3A, %swap3A_48], %concatenate3A {strides = array<i32>} : memref<2x128xf32, #tpu.memory_space<vmem>>, vector<2x128xf32>,
      } else {
      }
      %gt3A_43 = arith.constant 0 : i32
      %gt3A_44 = arith.cmpi sgt, %arg1, %gt3A_43 : i32
      %convert_element_type3A_45 = arith.extui %gt3A_44 : i1 to i32
      %cond3A_46 = arith.constant 0 : i32
      %cond3A_47 = arith.cmpi ne, %convert_element_type3A_45, %cond3A_46 : i32
      scf.if %cond3A_47 {
        %get3A_48 = arith.constant 0 : index
        %get3A_49 = arith.constant 0 : index
        %get3A_50 = vector.load %arg12[%get3A_48, %get3A_49] : memref<2x128xf32, #tpu.memory_space<vmem>>, vector<2x128xf32>
        %add3A_51 = arith.addf %get3A_50, %concatenate3A : vector<2x128xf32>
        %swap3A = arith.constant 0 : index
        %swap3A_52 = arith.constant 0 : index
        %swap3A_53 = vector.load %arg12[%swap3A, %swap3A_52] : memref<2x128xf32, #tpu.memory_space<vmem>>, vector<2x128xf32>
        tpu.vector_store %arg12[%swap3A, %swap3A_52], %add3A_51 {strides = array<i32>} : memref<2x128xf32, #tpu.memory_space<vmem>>, vector<2x128xf32>,
      } else {
      }
    } else {
    }
    %eq3A_27 = arith.constant 1 : i32
    %eq3A_28 = arith.cmpi eq, %arg0, %eq3A_27 : i32
    %convert_element_type3A_29 = arith.extui %eq3A_28 : i1 to i32
    %cond3A_30 = arith.constant 0 : i32
    %cond3A_31 = arith.cmpi ne, %convert_element_type3A_29, %cond3A_30 : i32
    scf.if %cond3A_31 {
      %get3A_32 = arith.constant 0 : index
      %get3A_33 = arith.constant 0 : index
      %get3A_34 = vector.load %arg12[%get3A_32, %get3A_33] : memref<2x128xf32, #tpu.memory_space<vmem>>, vector<1x128xf32>
      %mul3A_35 = arith.constant 9.99999974E-5 : f32
      %mul3A_36 = vector.broadcast %mul3A_35 : f32 to vector<1x128xf32>
      %mul3A_37 = arith.mulf %get3A_34, %mul3A_36 : vector<1x128xf32>
      %get3A_38 = arith.constant 1 : index
      %get3A_39 = arith.constant 0 : index
      %get3A_40 = vector.load %arg12[%get3A_38, %get3A_39] : memref<2x128xf32, #tpu.memory_space<vmem>>, vector<1x128xf32>
      %mul3A_41 = arith.constant 9.99999974E-5 : f32
      %mul3A_42 = vector.broadcast %mul3A_41 : f32 to vector<1x128xf32>
      %mul3A_43 = arith.mulf %get3A_40, %mul3A_42 : vector<1x128xf32>
      %get3A_44 = arith.constant 0 : index
      %get3A_45 = arith.constant 0 : index
      %get3A_46 = vector.load %arg7[%get3A_44, %get3A_45] : memref<1x128xf32, #tpu.memory_space<vmem>>, vector<1x128xf32>
      %mul3A_47 = arith.constant 2.000000e+00 : f32
      %mul3A_48 = vector.broadcast %mul3A_47 : f32 to vector<1x128xf32>
      %mul3A_49 = arith.mulf %mul3A_48, %get3A_46 : vector<1x128xf32>
      %mul3A_50 = arith.mulf %get3A_46, %get3A_46 : vector<1x128xf32>
      %sub3A = arith.subf %mul3A_49, %mul3A_50 : vector<1x128xf32>
      %mul3A_51 = arith.mulf %sub3A, %mul3A_37 : vector<1x128xf32>
      %mul3A_52 = arith.mulf %mul3A_51, %mul3A_37 : vector<1x128xf32>
      %sub3A_53 = arith.subf %mul3A_43, %mul3A_52 : vector<1x128xf32>
      %add3A_54 = arith.constant 9.99999974E-6 : f32
      %add3A_55 = vector.broadcast %add3A_54 : f32 to vector<1x128xf32>
      %add3A_56 = arith.addf %sub3A_53, %add3A_55 : vector<1x128xf32>
      %rsqrt3A_57 = math.rsqrt %add3A_56 : vector<1x128xf32>
      %get3A_58 = arith.constant 0 : index
      %get3A_59 = arith.constant 0 : index
      %get3A_60 = vector.load %arg5[%get3A_58, %get3A_59] : memref<1x128xf32, #tpu.memory_space<vmem>>, vector<1x128xf32>
      %mul3A_61 = arith.mulf %get3A_46, %mul3A_37 : vector<1x128xf32>
      %sub3A_62 = vector.broadcast %mul3A_61 : vector<1x128xf32> to vector<512x128xf32>
      %sub3A_63 = arith.subf %dot_general3A_24, %sub3A_62 : vector<512x128xf32>
      %mul3A_64 = vector.broadcast %get3A_60 : vector<1x128xf32> to vector<512x128xf32>
      %mul3A_65 = arith.mulf %mul3A_64, %sub3A_63 : vector<512x128xf32>
      %mul3A_66 = vector.broadcast %rsqrt3A_57 : vector<1x128xf32> to vector<512x128xf32>
      %mul3A_67 = arith.mulf %mul3A_65, %mul3A_66 : vector<512x128xf32>
      %get3A_68 = arith.constant 0 : index
      %get3A_69 = arith.constant 0 : index
      %get3A_70 = vector.load %arg6[%get3A_68, %get3A_69] : memref<1x128xf32, #tpu.memory_space<vmem>>, vector<1x128xf32>
      %add3A_71 = vector.broadcast %get3A_70 : vector<1x128xf32> to vector<512x128xf32>
      %add3A_72 = arith.addf %mul3A_67, %add3A_71 : vector<512x128xf32>
      %ge3A = arith.constant 0.000000e+00 : f32
      %ge3A_73 = vector.broadcast %ge3A : f32 to vector<512x128xf32>
      %ge3A_74 = arith.cmpf oge, %add3A_72, %ge3A_73 : vector<512x128xf32>
      %mul3A_75 = arith.constant 0.00999999977 : f32
      %mul3A_76 = vector.broadcast %mul3A_75 : f32 to vector<512x128xf32>
      %mul3A_77 = arith.mulf %mul3A_76, %add3A_72 : vector<512x128xf32>
      %select_n3A_78 = arith.select %ge3A_74, %add3A_72, %mul3A_77 : vector<512x128xi1>, vector<512x128xf32>
      %iota3A = tpu.iota {dimensions = array<i32: 0>} : vector<512x1xi32>
      %mul3A_79 = arith.constant 512 : i32
      %mul3A_80 = arith.muli %arg1, %mul3A_79 : i32
      %add3A_81 = vector.broadcast %mul3A_80 : i32 to vector<512x1xi32>
      %add3A_82 = arith.addi %iota3A, %add3A_81 : vector<512x1xi32>
      %lt3A = arith.constant 10000 : i32
      %lt3A_83 = vector.broadcast %lt3A : i32 to vector<512x1xi32>
      %lt3A_84 = arith.cmpi slt, %add3A_82, %lt3A_83 : vector<512x1xi32>
      %jit3A_85 = arith.constant 0.000000e+00 : f32
      %broadcast_in_dim3A_86 = vector.shape_cast %lt3A_84 : vector<512x1xi1> to vector<512x1xi1>
      %broadcast_in_dim3A_87 = vector.broadcast %broadcast_in_dim3A_86 : vector<512x1xi1> to vector<512x128xi1>
      %broadcast_in_dim3A_88 = vector.broadcast %jit3A_85 : f32 to vector<512x128xf32>
      %select_n3A_89 = arith.select %broadcast_in_dim3A_87, %select_n3A_78, %broadcast_in_dim3A_88 : vector<512x128xi1>, vector<512x128xf32>
      %get3A_90 = arith.constant 0 : index
      %get3A_91 = arith.constant 0 : index
      %get3A_92 = vector.load %arg8[%get3A_90, %get3A_91] : memref<128x128xf32, #tpu.memory_space<vmem>>, vector<128x128xf32>
      %dot_general3A_93 = arith.constant dense<0.000000e+00> : vector<512x128xf32>
      %dot_general3A_94 = tpu.matmul %select_n3A_89, %get3A_92, %dot_general3A_93 {dimension_numbers = #tpu.dot_dimension_numbers<[1], [0], [0], [1], [0, 0, 1, 1], [], []>, precision = #tpu.contract_precision<fp32>, transpose_lhs_hint = false} : vector<512x128xf32>, vector<128x128xf32>, vector<512x128xf32> -> vector<512x128xf32>
      %get3A_95 = arith.constant 0 : index
      %get3A_96 = arith.constant 0 : index
      %get3A_97 = vector.load %arg9[%get3A_95, %get3A_96] : memref<1x128xf32, #tpu.memory_space<vmem>>, vector<1x128xf32>
      %add3A_98 = vector.broadcast %get3A_97 : vector<1x128xf32> to vector<512x128xf32>
      %add3A_99 = arith.addf %dot_general3A_94, %add3A_98 : vector<512x128xf32>
      %ge3A_100 = arith.constant 0.000000e+00 : f32
      %ge3A_101 = vector.broadcast %ge3A_100 : f32 to vector<512x128xf32>
      %ge3A_102 = arith.cmpf oge, %add3A_99, %ge3A_101 : vector<512x128xf32>
      %mul3A_103 = arith.constant 0.00999999977 : f32
      %mul3A_104 = vector.broadcast %mul3A_103 : f32 to vector<512x128xf32>
      %mul3A_105 = arith.mulf %mul3A_104, %add3A_99 : vector<512x128xf32>
      %select_n3A_106 = arith.select %ge3A_102, %add3A_99, %mul3A_105 : vector<512x128xi1>, vector<512x128xf32>
      %jit3A_107 = arith.constant 0.000000e+00 : f32
      %broadcast_in_dim3A_108 = vector.shape_cast %lt3A_84 : vector<512x1xi1> to vector<512x1xi1>
      %broadcast_in_dim3A_109 = vector.broadcast %broadcast_in_dim3A_108 : vector<512x1xi1> to vector<512x128xi1>
      %broadcast_in_dim3A_110 = vector.broadcast %jit3A_107 : f32 to vector<512x128xf32>
      %select_n3A_111 = arith.select %broadcast_in_dim3A_109, %select_n3A_106, %broadcast_in_dim3A_110 : vector<512x128xi1>, vector<512x128xf32>
      %reduce_sum3A = arith.constant dense<0.000000e+00> : vector<128xf32>
      %reduce_sum3A_112 = vector.multi_reduction <add>, %select_n3A_111, %reduce_sum3A [0] : vector<512x128xf32> to vector<128xf32>
      %broadcast_in_dim3A_113 = vector.shape_cast %reduce_sum3A_112 : vector<128xf32> to vector<1x128xf32>
      %eq3A_114 = arith.constant 0 : i32
      %eq3A_115 = arith.cmpi eq, %arg1, %eq3A_114 : i32
      %convert_element_type3A_116 = arith.extui %eq3A_115 : i1 to i32
      %cond3A_117 = arith.constant 0 : i32
      %cond3A_118 = arith.cmpi ne, %convert_element_type3A_116, %cond3A_117 : i32
      scf.if %cond3A_118 {
        %swap3A_147 = arith.constant 0 : index
        %swap3A_148 = arith.constant 0 : index
        %swap3A_149 = vector.load %arg11[%swap3A_147, %swap3A_148] : memref<1x128xf32, #tpu.memory_space<vmem>>, vector<1x128xf32>
        tpu.vector_store %arg11[%swap3A_147, %swap3A_148], %broadcast_in_dim3A_113 {strides = array<i32>} : memref<1x128xf32, #tpu.memory_space<vmem>>, vector<1x128xf32>,
      } else {
      }
      %gt3A_119 = arith.constant 0 : i32
      %gt3A_120 = arith.cmpi sgt, %arg1, %gt3A_119 : i32
      %convert_element_type3A_121 = arith.extui %gt3A_120 : i1 to i32
      %cond3A_122 = arith.constant 0 : i32
      %cond3A_123 = arith.cmpi ne, %convert_element_type3A_121, %cond3A_122 : i32
      scf.if %cond3A_123 {
        %get3A_147 = arith.constant 0 : index
        %get3A_148 = arith.constant 0 : index
        %get3A_149 = vector.load %arg11[%get3A_147, %get3A_148] : memref<1x128xf32, #tpu.memory_space<vmem>>, vector<1x128xf32>
        %add3A_150 = arith.addf %get3A_149, %broadcast_in_dim3A_113 : vector<1x128xf32>
        %swap3A_151 = arith.constant 0 : index
        %swap3A_152 = arith.constant 0 : index
        %swap3A_153 = vector.load %arg11[%swap3A_151, %swap3A_152] : memref<1x128xf32, #tpu.memory_space<vmem>>, vector<1x128xf32>
        tpu.vector_store %arg11[%swap3A_151, %swap3A_152], %add3A_150 {strides = array<i32>} : memref<1x128xf32, #tpu.memory_space<vmem>>, vector<1x128xf32>,
      } else {
      }
      %get3A_124 = arith.constant 0 : index
      %get3A_125 = arith.constant 0 : index
      %get3A_126 = arith.constant 0 : index
      %get3A_127 = vector.load %arg3[%get3A_124, %get3A_125, %get3A_126] : memref<2x512x128xf32, #tpu.memory_space<vmem>>, vector<2x512x128xf32>
      %slice3A_128 = vector.extract_strided_slice %get3A_127 {offsets = [0, 0, 0], sizes = [1, 512, 1], strides = [1, 1, 1]} : vector<2x512x128xf32> to vector<1x512x1xf32>
      %squeeze3A_129 = vector.shape_cast %slice3A_128 : vector<1x512x1xf32> to vector<512x1xf32>
      %slice3A_130 = vector.extract_strided_slice %get3A_127 {offsets = [1, 0, 0], sizes = [1, 512, 1], strides = [1, 1, 1]} : vector<2x512x128xf32> to vector<1x512x1xf32>
      %squeeze3A_131 = vector.shape_cast %slice3A_130 : vector<1x512x1xf32> to vector<512x1xf32>
      %add3A_132 = arith.addf %squeeze3A_129, %squeeze3A_131 : vector<512x1xf32>
      %gt3A_133 = arith.constant 0.000000e+00 : f32
      %gt3A_134 = vector.broadcast %gt3A_133 : f32 to vector<512x1xf32>
      %gt3A_135 = arith.cmpf ogt, %add3A_132, %gt3A_134 : vector<512x1xf32>
      %max3A_136 = arith.constant 1.000000e+00 : f32
      %max3A_137 = vector.broadcast %max3A_136 : f32 to vector<512x1xf32>
      %max3A_138 = arith.maximumf %add3A_132, %max3A_137 : vector<512x1xf32>
      %rsqrt3A_139 = math.rsqrt %max3A_138 : vector<512x1xf32>
      %jit3A_140 = arith.constant 0.000000e+00 : f32
      %broadcast_in_dim3A_141 = vector.broadcast %jit3A_140 : f32 to vector<512x1xf32>
      %select_n3A_142 = arith.select %gt3A_135, %rsqrt3A_139, %broadcast_in_dim3A_141 : vector<512x1xi1>, vector<512x1xf32>
      %mul3A_143 = vector.broadcast %select_n3A_142 : vector<512x1xf32> to vector<512x128xf32>
      %mul3A_144 = arith.mulf %select_n3A_89, %mul3A_143 : vector<512x128xf32>
      %swap3A = arith.constant 0 : index
      %swap3A_145 = arith.constant 0 : index
      %swap3A_146 = vector.load %arg10[%swap3A, %swap3A_145] : memref<512x128xf32, #tpu.memory_space<vmem>>, vector<512x128xf32>
      tpu.vector_store %arg10[%swap3A, %swap3A_145], %mul3A_144 {strides = array<i32>} : memref<512x128xf32, #tpu.memory_space<vmem>>, vector<512x128xf32>,
    } else {
    }
    return
  }
  func.func @transform_0(%arg0: i32, %arg1: i32) -> (i32, i32, i32) {
    %c0_i32 = arith.constant 0 : i32
    %c0_i32_0 = arith.constant 0 : i32
    %c0_i32_1 = arith.constant 0 : i32
    return %c0_i32, %arg1, %c0_i32_0 : i32, i32, i32
  }
  func.func @transform_1(%arg0: i32, %arg1: i32) -> (i32, i32, i32) {
    %c0_i32 = arith.constant 0 : i32
    %c0_i32_0 = arith.constant 0 : i32
    %c0_i32_1 = arith.constant 0 : i32
    return %c0_i32, %arg1, %c0_i32_0 : i32, i32, i32
  }
  func.func @transform_2(%arg0: i32, %arg1: i32) -> (i32, i32) {
    %c0_i32 = arith.constant 0 : i32
    %c0_i32_0 = arith.constant 0 : i32
    %c0_i32_1 = arith.constant 0 : i32
    return %c0_i32, %c0_i32_0 : i32, i32
  }
  func.func @transform_3(%arg0: i32, %arg1: i32) -> (i32, i32) {
    %c0_i32 = arith.constant 0 : i32
    %c0_i32_0 = arith.constant 0 : i32
    %c0_i32_1 = arith.constant 0 : i32
    return %c0_i32, %c0_i32_0 : i32, i32
  }
  func.func @transform_4(%arg0: i32, %arg1: i32) -> (i32, i32) {
    %c0_i32 = arith.constant 0 : i32
    %c0_i32_0 = arith.constant 0 : i32
    %c0_i32_1 = arith.constant 0 : i32
    return %c0_i32, %c0_i32_0 : i32, i32
  }
  func.func @transform_5(%arg0: i32, %arg1: i32) -> (i32, i32) {
    %c0_i32 = arith.constant 0 : i32
    %c0_i32_0 = arith.constant 0 : i32
    %c0_i32_1 = arith.constant 0 : i32
    return %c0_i32, %c0_i32_0 : i32, i32
  }
  func.func @transform_6(%arg0: i32, %arg1: i32) -> (i32, i32) {
    %c0_i32 = arith.constant 0 : i32
    %c0_i32_0 = arith.constant 0 : i32
    %c0_i32_1 = arith.constant 0 : i32
    return %c0_i32, %c0_i32_0 : i32, i32
  }
  func.func @transform_7(%arg0: i32, %arg1: i32) -> (i32, i32) {
    %c0_i32 = arith.constant 0 : i32
    %c0_i32_0 = arith.constant 0 : i32
    %c0_i32_1 = arith.constant 0 : i32
    return %c0_i32, %c0_i32_0 : i32, i32
  }
  func.func @transform_8(%arg0: i32, %arg1: i32) -> (i32, i32) {
    %c0_i32 = arith.constant 0 : i32
    %c0_i32_0 = arith.constant 0 : i32
    return %arg1, %c0_i32 : i32, i32
  }
  func.func @transform_9(%arg0: i32, %arg1: i32) -> (i32, i32) {
    %c0_i32 = arith.constant 0 : i32
    %c0_i32_0 = arith.constant 0 : i32
    %c0_i32_1 = arith.constant 0 : i32
    return %c0_i32, %c0_i32_0 : i32, i32
  }
}

module attributes {stable_mosaic.version = 14 : i64} {
  func.func @_layer_body(%arg0: i32, %arg1: i32, %arg2: memref<2x512x128xf32, #tpu.memory_space<vmem>>, %arg3: memref<2x512x128xf32, #tpu.memory_space<vmem>>, %arg4: memref<128x128xf32, #tpu.memory_space<vmem>>, %arg5: memref<1x128xf32, #tpu.memory_space<vmem>>, %arg6: memref<1x128xf32, #tpu.memory_space<vmem>>, %arg7: memref<1x128xf32, #tpu.memory_space<vmem>>, %arg8: memref<128x128xf32, #tpu.memory_space<vmem>>, %arg9: memref<1x128xf32, #tpu.memory_space<vmem>>, %arg10: memref<1x128xf32, #tpu.memory_space<vmem>>, %arg11: memref<2x128xf32, #tpu.memory_space<vmem>>) attributes {dimension_semantics = [#tpu.dimension_semantics<arbitrary>, #tpu.dimension_semantics<arbitrary>], iteration_bounds = array<i64: 2, 20>, scalar_prefetch = 0 : i64, scratch_operands = 1 : i64, tpu.core_type = #tpu.core_type<tc>, window_params = [{transform_indices = @transform_0, window_bounds = array<i64: 2, 512, 128>}, {transform_indices = @transform_1, window_bounds = array<i64: 2, 512, 128>}, {pipeline_mode = #tpu.pipeline_mode<synchronous>, transform_indices = @transform_2, window_bounds = array<i64: 128, 128>}, {pipeline_mode = #tpu.pipeline_mode<synchronous>, transform_indices = @transform_3, window_bounds = array<i64: 1, 128>}, {pipeline_mode = #tpu.pipeline_mode<synchronous>, transform_indices = @transform_4, window_bounds = array<i64: 1, 128>}, {pipeline_mode = #tpu.pipeline_mode<synchronous>, transform_indices = @transform_5, window_bounds = array<i64: 1, 128>}, {pipeline_mode = #tpu.pipeline_mode<synchronous>, transform_indices = @transform_6, window_bounds = array<i64: 128, 128>}, {pipeline_mode = #tpu.pipeline_mode<synchronous>, transform_indices = @transform_7, window_bounds = array<i64: 1, 128>}, {pipeline_mode = #tpu.pipeline_mode<synchronous>, transform_indices = @transform_8, window_bounds = array<i64: 1, 128>}]} {
    %get3A = arith.constant 0 : index
    %get3A_0 = arith.constant 0 : index
    %get3A_1 = arith.constant 0 : index
    %get3A_2 = vector.load %arg2[%get3A, %get3A_0, %get3A_1] : memref<2x512x128xf32, #tpu.memory_space<vmem>>, vector<1x512x128xf32>
    %get3A_3 = vector.shape_cast %get3A_2 : vector<1x512x128xf32> to vector<512x128xf32>
    %get3A_4 = arith.constant 1 : index
    %get3A_5 = arith.constant 0 : index
    %get3A_6 = arith.constant 0 : index
    %get3A_7 = vector.load %arg2[%get3A_4, %get3A_5, %get3A_6] : memref<2x512x128xf32, #tpu.memory_space<vmem>>, vector<1x512x128xf32>
    %get3A_8 = vector.shape_cast %get3A_7 : vector<1x512x128xf32> to vector<512x128xf32>
    %add3A = arith.addf %get3A_3, %get3A_8 : vector<512x128xf32>
    %get3A_9 = arith.constant 0 : index
    %get3A_10 = arith.constant 0 : index
    %get3A_11 = arith.constant 0 : index
    %get3A_12 = vector.load %arg3[%get3A_9, %get3A_10, %get3A_11] : memref<2x512x128xf32, #tpu.memory_space<vmem>>, vector<2x512x128xf32>
    %slice3A = vector.extract_strided_slice %get3A_12 {offsets = [0, 0, 1], sizes = [1, 512, 1], strides = [1, 1, 1]} : vector<2x512x128xf32> to vector<1x512x1xf32>
    %squeeze3A = vector.shape_cast %slice3A : vector<1x512x1xf32> to vector<512x1xf32>
    %slice3A_13 = vector.extract_strided_slice %get3A_12 {offsets = [1, 0, 1], sizes = [1, 512, 1], strides = [1, 1, 1]} : vector<2x512x128xf32> to vector<1x512x1xf32>
    %squeeze3A_14 = vector.shape_cast %slice3A_13 : vector<1x512x1xf32> to vector<512x1xf32>
    %add3A_15 = arith.addf %squeeze3A, %squeeze3A_14 : vector<512x1xf32>
    %gt3A = arith.constant 0.000000e+00 : f32
    %gt3A_16 = vector.broadcast %gt3A : f32 to vector<512x1xf32>
    %gt3A_17 = arith.cmpf ogt, %add3A_15, %gt3A_16 : vector<512x1xf32>
    %max3A = arith.constant 1.000000e+00 : f32
    %max3A_18 = vector.broadcast %max3A : f32 to vector<512x1xf32>
    %max3A_19 = arith.maximumf %add3A_15, %max3A_18 : vector<512x1xf32>
    %rsqrt3A = math.rsqrt %max3A_19 : vector<512x1xf32>
    %jit3A = arith.constant 0.000000e+00 : f32
    %broadcast_in_dim3A = vector.broadcast %jit3A : f32 to vector<512x1xf32>
    %select_n3A = arith.select %gt3A_17, %rsqrt3A, %broadcast_in_dim3A : vector<512x1xi1>, vector<512x1xf32>
    %mul3A = vector.broadcast %select_n3A : vector<512x1xf32> to vector<512x128xf32>
    %mul3A_20 = arith.mulf %add3A, %mul3A : vector<512x128xf32>
    %get3A_21 = arith.constant 0 : index
    %get3A_22 = arith.constant 0 : index
    %get3A_23 = vector.load %arg4[%get3A_21, %get3A_22] : memref<128x128xf32, #tpu.memory_space<vmem>>, vector<128x128xf32>
    %dot_general3A = arith.constant dense<0.000000e+00> : vector<512x128xf32>
    %dot_general3A_24 = tpu.matmul %mul3A_20, %get3A_23, %dot_general3A {dimension_numbers = #tpu.dot_dimension_numbers<[1], [0], [0], [1], [0, 0, 1, 1], [], []>, precision = #tpu.contract_precision<fp32>, transpose_lhs_hint = false} : vector<512x128xf32>, vector<128x128xf32>, vector<512x128xf32> -> vector<512x128xf32>
    %eq3A = arith.constant 0 : i32
    %eq3A_25 = arith.cmpi eq, %arg0, %eq3A : i32
    %convert_element_type3A = arith.extui %eq3A_25 : i1 to i32
    %cond3A = arith.constant 0 : i32
    %cond3A_26 = arith.cmpi ne, %convert_element_type3A, %cond3A : i32
    scf.if %cond3A_26 {
      %reduce_sum3A = arith.constant dense<0.000000e+00> : vector<128xf32>
      %reduce_sum3A_32 = vector.multi_reduction <add>, %dot_general3A_24, %reduce_sum3A [0] : vector<512x128xf32> to vector<128xf32>
      %broadcast_in_dim3A_33 = vector.shape_cast %reduce_sum3A_32 : vector<128xf32> to vector<1x128xf32>
      %mul3A_34 = arith.mulf %dot_general3A_24, %dot_general3A_24 : vector<512x128xf32>
      %reduce_sum3A_35 = arith.constant dense<0.000000e+00> : vector<128xf32>
      %reduce_sum3A_36 = vector.multi_reduction <add>, %mul3A_34, %reduce_sum3A_35 [0] : vector<512x128xf32> to vector<128xf32>
      %broadcast_in_dim3A_37 = vector.shape_cast %reduce_sum3A_36 : vector<128xf32> to vector<1x128xf32>
      %concatenate3A = tpu.concatenate %broadcast_in_dim3A_33, %broadcast_in_dim3A_37 in 0 : vector<1x128xf32>, vector<1x128xf32> -> vector<2x128xf32>
      %eq3A_38 = arith.constant 0 : i32
      %eq3A_39 = arith.cmpi eq, %arg1, %eq3A_38 : i32
      %convert_element_type3A_40 = arith.extui %eq3A_39 : i1 to i32
      %cond3A_41 = arith.constant 0 : i32
      %cond3A_42 = arith.cmpi ne, %convert_element_type3A_40, %cond3A_41 : i32
      scf.if %cond3A_42 {
        %swap3A = arith.constant 0 : index
        %swap3A_48 = arith.constant 0 : index
        %swap3A_49 = vector.load %arg11[%swap3A, %swap3A_48] : memref<2x128xf32, #tpu.memory_space<vmem>>, vector<2x128xf32>
        tpu.vector_store %arg11[%swap3A, %swap3A_48], %concatenate3A {strides = array<i32>} : memref<2x128xf32, #tpu.memory_space<vmem>>, vector<2x128xf32>,
      } else {
      }
      %gt3A_43 = arith.constant 0 : i32
      %gt3A_44 = arith.cmpi sgt, %arg1, %gt3A_43 : i32
      %convert_element_type3A_45 = arith.extui %gt3A_44 : i1 to i32
      %cond3A_46 = arith.constant 0 : i32
      %cond3A_47 = arith.cmpi ne, %convert_element_type3A_45, %cond3A_46 : i32
      scf.if %cond3A_47 {
        %get3A_48 = arith.constant 0 : index
        %get3A_49 = arith.constant 0 : index
        %get3A_50 = vector.load %arg11[%get3A_48, %get3A_49] : memref<2x128xf32, #tpu.memory_space<vmem>>, vector<2x128xf32>
        %add3A_51 = arith.addf %get3A_50, %concatenate3A : vector<2x128xf32>
        %swap3A = arith.constant 0 : index
        %swap3A_52 = arith.constant 0 : index
        %swap3A_53 = vector.load %arg11[%swap3A, %swap3A_52] : memref<2x128xf32, #tpu.memory_space<vmem>>, vector<2x128xf32>
        tpu.vector_store %arg11[%swap3A, %swap3A_52], %add3A_51 {strides = array<i32>} : memref<2x128xf32, #tpu.memory_space<vmem>>, vector<2x128xf32>,
      } else {
      }
    } else {
    }
    %eq3A_27 = arith.constant 1 : i32
    %eq3A_28 = arith.cmpi eq, %arg0, %eq3A_27 : i32
    %convert_element_type3A_29 = arith.extui %eq3A_28 : i1 to i32
    %cond3A_30 = arith.constant 0 : i32
    %cond3A_31 = arith.cmpi ne, %convert_element_type3A_29, %cond3A_30 : i32
    scf.if %cond3A_31 {
      %get3A_32 = arith.constant 0 : index
      %get3A_33 = arith.constant 0 : index
      %get3A_34 = vector.load %arg11[%get3A_32, %get3A_33] : memref<2x128xf32, #tpu.memory_space<vmem>>, vector<1x128xf32>
      %mul3A_35 = arith.constant 9.99999974E-5 : f32
      %mul3A_36 = vector.broadcast %mul3A_35 : f32 to vector<1x128xf32>
      %mul3A_37 = arith.mulf %get3A_34, %mul3A_36 : vector<1x128xf32>
      %get3A_38 = arith.constant 1 : index
      %get3A_39 = arith.constant 0 : index
      %get3A_40 = vector.load %arg11[%get3A_38, %get3A_39] : memref<2x128xf32, #tpu.memory_space<vmem>>, vector<1x128xf32>
      %mul3A_41 = arith.constant 9.99999974E-5 : f32
      %mul3A_42 = vector.broadcast %mul3A_41 : f32 to vector<1x128xf32>
      %mul3A_43 = arith.mulf %get3A_40, %mul3A_42 : vector<1x128xf32>
      %get3A_44 = arith.constant 0 : index
      %get3A_45 = arith.constant 0 : index
      %get3A_46 = vector.load %arg7[%get3A_44, %get3A_45] : memref<1x128xf32, #tpu.memory_space<vmem>>, vector<1x128xf32>
      %mul3A_47 = arith.constant 2.000000e+00 : f32
      %mul3A_48 = vector.broadcast %mul3A_47 : f32 to vector<1x128xf32>
      %mul3A_49 = arith.mulf %mul3A_48, %get3A_46 : vector<1x128xf32>
      %mul3A_50 = arith.mulf %get3A_46, %get3A_46 : vector<1x128xf32>
      %sub3A = arith.subf %mul3A_49, %mul3A_50 : vector<1x128xf32>
      %mul3A_51 = arith.mulf %sub3A, %mul3A_37 : vector<1x128xf32>
      %mul3A_52 = arith.mulf %mul3A_51, %mul3A_37 : vector<1x128xf32>
      %sub3A_53 = arith.subf %mul3A_43, %mul3A_52 : vector<1x128xf32>
      %add3A_54 = arith.constant 9.99999974E-6 : f32
      %add3A_55 = vector.broadcast %add3A_54 : f32 to vector<1x128xf32>
      %add3A_56 = arith.addf %sub3A_53, %add3A_55 : vector<1x128xf32>
      %rsqrt3A_57 = math.rsqrt %add3A_56 : vector<1x128xf32>
      %get3A_58 = arith.constant 0 : index
      %get3A_59 = arith.constant 0 : index
      %get3A_60 = vector.load %arg5[%get3A_58, %get3A_59] : memref<1x128xf32, #tpu.memory_space<vmem>>, vector<1x128xf32>
      %mul3A_61 = arith.mulf %get3A_46, %mul3A_37 : vector<1x128xf32>
      %sub3A_62 = vector.broadcast %mul3A_61 : vector<1x128xf32> to vector<512x128xf32>
      %sub3A_63 = arith.subf %dot_general3A_24, %sub3A_62 : vector<512x128xf32>
      %mul3A_64 = vector.broadcast %get3A_60 : vector<1x128xf32> to vector<512x128xf32>
      %mul3A_65 = arith.mulf %mul3A_64, %sub3A_63 : vector<512x128xf32>
      %mul3A_66 = vector.broadcast %rsqrt3A_57 : vector<1x128xf32> to vector<512x128xf32>
      %mul3A_67 = arith.mulf %mul3A_65, %mul3A_66 : vector<512x128xf32>
      %get3A_68 = arith.constant 0 : index
      %get3A_69 = arith.constant 0 : index
      %get3A_70 = vector.load %arg6[%get3A_68, %get3A_69] : memref<1x128xf32, #tpu.memory_space<vmem>>, vector<1x128xf32>
      %add3A_71 = vector.broadcast %get3A_70 : vector<1x128xf32> to vector<512x128xf32>
      %add3A_72 = arith.addf %mul3A_67, %add3A_71 : vector<512x128xf32>
      %ge3A = arith.constant 0.000000e+00 : f32
      %ge3A_73 = vector.broadcast %ge3A : f32 to vector<512x128xf32>
      %ge3A_74 = arith.cmpf oge, %add3A_72, %ge3A_73 : vector<512x128xf32>
      %mul3A_75 = arith.constant 0.00999999977 : f32
      %mul3A_76 = vector.broadcast %mul3A_75 : f32 to vector<512x128xf32>
      %mul3A_77 = arith.mulf %mul3A_76, %add3A_72 : vector<512x128xf32>
      %select_n3A_78 = arith.select %ge3A_74, %add3A_72, %mul3A_77 : vector<512x128xi1>, vector<512x128xf32>
      %iota3A = tpu.iota {dimensions = array<i32: 0>} : vector<512x1xi32>
      %mul3A_79 = arith.constant 512 : i32
      %mul3A_80 = arith.muli %arg1, %mul3A_79 : i32
      %add3A_81 = vector.broadcast %mul3A_80 : i32 to vector<512x1xi32>
      %add3A_82 = arith.addi %iota3A, %add3A_81 : vector<512x1xi32>
      %lt3A = arith.constant 10000 : i32
      %lt3A_83 = vector.broadcast %lt3A : i32 to vector<512x1xi32>
      %lt3A_84 = arith.cmpi slt, %add3A_82, %lt3A_83 : vector<512x1xi32>
      %jit3A_85 = arith.constant 0.000000e+00 : f32
      %broadcast_in_dim3A_86 = vector.shape_cast %lt3A_84 : vector<512x1xi1> to vector<512x1xi1>
      %broadcast_in_dim3A_87 = vector.broadcast %broadcast_in_dim3A_86 : vector<512x1xi1> to vector<512x128xi1>
      %broadcast_in_dim3A_88 = vector.broadcast %jit3A_85 : f32 to vector<512x128xf32>
      %select_n3A_89 = arith.select %broadcast_in_dim3A_87, %select_n3A_78, %broadcast_in_dim3A_88 : vector<512x128xi1>, vector<512x128xf32>
      %get3A_90 = arith.constant 0 : index
      %get3A_91 = arith.constant 0 : index
      %get3A_92 = vector.load %arg8[%get3A_90, %get3A_91] : memref<128x128xf32, #tpu.memory_space<vmem>>, vector<128x128xf32>
      %dot_general3A_93 = arith.constant dense<0.000000e+00> : vector<512x128xf32>
      %dot_general3A_94 = tpu.matmul %select_n3A_89, %get3A_92, %dot_general3A_93 {dimension_numbers = #tpu.dot_dimension_numbers<[1], [0], [0], [1], [0, 0, 1, 1], [], []>, precision = #tpu.contract_precision<fp32>, transpose_lhs_hint = false} : vector<512x128xf32>, vector<128x128xf32>, vector<512x128xf32> -> vector<512x128xf32>
      %get3A_95 = arith.constant 0 : index
      %get3A_96 = arith.constant 0 : index
      %get3A_97 = vector.load %arg9[%get3A_95, %get3A_96] : memref<1x128xf32, #tpu.memory_space<vmem>>, vector<1x128xf32>
      %add3A_98 = vector.broadcast %get3A_97 : vector<1x128xf32> to vector<512x128xf32>
      %add3A_99 = arith.addf %dot_general3A_94, %add3A_98 : vector<512x128xf32>
      %ge3A_100 = arith.constant 0.000000e+00 : f32
      %ge3A_101 = vector.broadcast %ge3A_100 : f32 to vector<512x128xf32>
      %ge3A_102 = arith.cmpf oge, %add3A_99, %ge3A_101 : vector<512x128xf32>
      %mul3A_103 = arith.constant 0.00999999977 : f32
      %mul3A_104 = vector.broadcast %mul3A_103 : f32 to vector<512x128xf32>
      %mul3A_105 = arith.mulf %mul3A_104, %add3A_99 : vector<512x128xf32>
      %select_n3A_106 = arith.select %ge3A_102, %add3A_99, %mul3A_105 : vector<512x128xi1>, vector<512x128xf32>
      %jit3A_107 = arith.constant 0.000000e+00 : f32
      %broadcast_in_dim3A_108 = vector.shape_cast %lt3A_84 : vector<512x1xi1> to vector<512x1xi1>
      %broadcast_in_dim3A_109 = vector.broadcast %broadcast_in_dim3A_108 : vector<512x1xi1> to vector<512x128xi1>
      %broadcast_in_dim3A_110 = vector.broadcast %jit3A_107 : f32 to vector<512x128xf32>
      %select_n3A_111 = arith.select %broadcast_in_dim3A_109, %select_n3A_106, %broadcast_in_dim3A_110 : vector<512x128xi1>, vector<512x128xf32>
      %reduce_sum3A = arith.constant dense<0.000000e+00> : vector<128xf32>
      %reduce_sum3A_112 = vector.multi_reduction <add>, %select_n3A_111, %reduce_sum3A [0] : vector<512x128xf32> to vector<128xf32>
      %broadcast_in_dim3A_113 = vector.shape_cast %reduce_sum3A_112 : vector<128xf32> to vector<1x128xf32>
      %eq3A_114 = arith.constant 0 : i32
      %eq3A_115 = arith.cmpi eq, %arg1, %eq3A_114 : i32
      %convert_element_type3A_116 = arith.extui %eq3A_115 : i1 to i32
      %cond3A_117 = arith.constant 0 : i32
      %cond3A_118 = arith.cmpi ne, %convert_element_type3A_116, %cond3A_117 : i32
      scf.if %cond3A_118 {
        %swap3A = arith.constant 0 : index
        %swap3A_124 = arith.constant 0 : index
        %swap3A_125 = vector.load %arg10[%swap3A, %swap3A_124] : memref<1x128xf32, #tpu.memory_space<vmem>>, vector<1x128xf32>
        tpu.vector_store %arg10[%swap3A, %swap3A_124], %broadcast_in_dim3A_113 {strides = array<i32>} : memref<1x128xf32, #tpu.memory_space<vmem>>, vector<1x128xf32>,
      } else {
      }
      %gt3A_119 = arith.constant 0 : i32
      %gt3A_120 = arith.cmpi sgt, %arg1, %gt3A_119 : i32
      %convert_element_type3A_121 = arith.extui %gt3A_120 : i1 to i32
      %cond3A_122 = arith.constant 0 : i32
      %cond3A_123 = arith.cmpi ne, %convert_element_type3A_121, %cond3A_122 : i32
      scf.if %cond3A_123 {
        %get3A_124 = arith.constant 0 : index
        %get3A_125 = arith.constant 0 : index
        %get3A_126 = vector.load %arg10[%get3A_124, %get3A_125] : memref<1x128xf32, #tpu.memory_space<vmem>>, vector<1x128xf32>
        %add3A_127 = arith.addf %get3A_126, %broadcast_in_dim3A_113 : vector<1x128xf32>
        %swap3A = arith.constant 0 : index
        %swap3A_128 = arith.constant 0 : index
        %swap3A_129 = vector.load %arg10[%swap3A, %swap3A_128] : memref<1x128xf32, #tpu.memory_space<vmem>>, vector<1x128xf32>
        tpu.vector_store %arg10[%swap3A, %swap3A_128], %add3A_127 {strides = array<i32>} : memref<1x128xf32, #tpu.memory_space<vmem>>, vector<1x128xf32>,
      } else {
      }
    } else {
    }
    return
  }
  func.func @transform_0(%arg0: i32, %arg1: i32) -> (i32, i32, i32) {
    %c0_i32 = arith.constant 0 : i32
    %c0_i32_0 = arith.constant 0 : i32
    %c0_i32_1 = arith.constant 0 : i32
    return %c0_i32, %arg1, %c0_i32_0 : i32, i32, i32
  }
  func.func @transform_1(%arg0: i32, %arg1: i32) -> (i32, i32, i32) {
    %c0_i32 = arith.constant 0 : i32
    %c0_i32_0 = arith.constant 0 : i32
    %c0_i32_1 = arith.constant 0 : i32
    return %c0_i32, %arg1, %c0_i32_0 : i32, i32, i32
  }
  func.func @transform_2(%arg0: i32, %arg1: i32) -> (i32, i32) {
    %c0_i32 = arith.constant 0 : i32
    %c0_i32_0 = arith.constant 0 : i32
    %c0_i32_1 = arith.constant 0 : i32
    return %c0_i32, %c0_i32_0 : i32, i32
  }
  func.func @transform_3(%arg0: i32, %arg1: i32) -> (i32, i32) {
    %c0_i32 = arith.constant 0 : i32
    %c0_i32_0 = arith.constant 0 : i32
    %c0_i32_1 = arith.constant 0 : i32
    return %c0_i32, %c0_i32_0 : i32, i32
  }
  func.func @transform_4(%arg0: i32, %arg1: i32) -> (i32, i32) {
    %c0_i32 = arith.constant 0 : i32
    %c0_i32_0 = arith.constant 0 : i32
    %c0_i32_1 = arith.constant 0 : i32
    return %c0_i32, %c0_i32_0 : i32, i32
  }
  func.func @transform_5(%arg0: i32, %arg1: i32) -> (i32, i32) {
    %c0_i32 = arith.constant 0 : i32
    %c0_i32_0 = arith.constant 0 : i32
    %c0_i32_1 = arith.constant 0 : i32
    return %c0_i32, %c0_i32_0 : i32, i32
  }
  func.func @transform_6(%arg0: i32, %arg1: i32) -> (i32, i32) {
    %c0_i32 = arith.constant 0 : i32
    %c0_i32_0 = arith.constant 0 : i32
    %c0_i32_1 = arith.constant 0 : i32
    return %c0_i32, %c0_i32_0 : i32, i32
  }
  func.func @transform_7(%arg0: i32, %arg1: i32) -> (i32, i32) {
    %c0_i32 = arith.constant 0 : i32
    %c0_i32_0 = arith.constant 0 : i32
    %c0_i32_1 = arith.constant 0 : i32
    return %c0_i32, %c0_i32_0 : i32, i32
  }
  func.func @transform_8(%arg0: i32, %arg1: i32) -> (i32, i32) {
    %c0_i32 = arith.constant 0 : i32
    %c0_i32_0 = arith.constant 0 : i32
    %c0_i32_1 = arith.constant 0 : i32
    return %c0_i32, %c0_i32_0 : i32, i32
  }
}

module attributes {stable_mosaic.version = 14 : i64} {
  func.func @_final_body(%arg0: memref<1x128xf32, #tpu.memory_space<vmem>>, %arg1: memref<1x128xf32, #tpu.memory_space<vmem>>, %arg2: memref<1x128xf32, #tpu.memory_space<vmem>>, %arg3: memref<128x64xf32, #tpu.memory_space<vmem>>, %arg4: memref<1x64xf32, #tpu.memory_space<vmem>>, %arg5: memref<128x64xf32, #tpu.memory_space<vmem>>, %arg6: memref<1x64xf32, #tpu.memory_space<vmem>>, %arg7: memref<128x64xf32, #tpu.memory_space<vmem>>, %arg8: memref<1x64xf32, #tpu.memory_space<vmem>>, %arg9: memref<1x192xf32, #tpu.memory_space<vmem>>) attributes {dimension_semantics = [], scalar_prefetch = 0 : i64, scratch_operands = 0 : i64, tpu.core_type = #tpu.core_type<tc>} {
    %get3A = arith.constant 0 : index
    %get3A_0 = arith.constant 0 : index
    %get3A_1 = vector.load %arg0[%get3A, %get3A_0] : memref<1x128xf32, #tpu.memory_space<vmem>>, vector<1x128xf32>
    %get3A_2 = arith.constant 0 : index
    %get3A_3 = arith.constant 0 : index
    %get3A_4 = vector.load %arg3[%get3A_2, %get3A_3] : memref<128x64xf32, #tpu.memory_space<vmem>>, vector<128x64xf32>
    %dot_general3A = arith.constant dense<0.000000e+00> : vector<1x64xf32>
    %dot_general3A_5 = tpu.matmul %get3A_1, %get3A_4, %dot_general3A {dimension_numbers = #tpu.dot_dimension_numbers<[1], [0], [0], [1], [0, 0, 1, 1], [], []>, precision = #tpu.contract_precision<fp32>, transpose_lhs_hint = false} : vector<1x128xf32>, vector<128x64xf32>, vector<1x64xf32> -> vector<1x64xf32>
    %get3A_6 = arith.constant 0 : index
    %get3A_7 = arith.constant 0 : index
    %get3A_8 = vector.load %arg4[%get3A_6, %get3A_7] : memref<1x64xf32, #tpu.memory_space<vmem>>, vector<1x64xf32>
    %add3A = arith.addf %dot_general3A_5, %get3A_8 : vector<1x64xf32>
    %ge3A = arith.constant 0.000000e+00 : f32
    %ge3A_9 = vector.broadcast %ge3A : f32 to vector<1x64xf32>
    %ge3A_10 = arith.cmpf oge, %add3A, %ge3A_9 : vector<1x64xf32>
    %mul3A = arith.constant 0.00999999977 : f32
    %mul3A_11 = vector.broadcast %mul3A : f32 to vector<1x64xf32>
    %mul3A_12 = arith.mulf %mul3A_11, %add3A : vector<1x64xf32>
    %select_n3A = arith.select %ge3A_10, %add3A, %mul3A_12 : vector<1x64xi1>, vector<1x64xf32>
    %get3A_13 = arith.constant 0 : index
    %get3A_14 = arith.constant 0 : index
    %get3A_15 = vector.load %arg1[%get3A_13, %get3A_14] : memref<1x128xf32, #tpu.memory_space<vmem>>, vector<1x128xf32>
    %get3A_16 = arith.constant 0 : index
    %get3A_17 = arith.constant 0 : index
    %get3A_18 = vector.load %arg5[%get3A_16, %get3A_17] : memref<128x64xf32, #tpu.memory_space<vmem>>, vector<128x64xf32>
    %dot_general3A_19 = arith.constant dense<0.000000e+00> : vector<1x64xf32>
    %dot_general3A_20 = tpu.matmul %get3A_15, %get3A_18, %dot_general3A_19 {dimension_numbers = #tpu.dot_dimension_numbers<[1], [0], [0], [1], [0, 0, 1, 1], [], []>, precision = #tpu.contract_precision<fp32>, transpose_lhs_hint = false} : vector<1x128xf32>, vector<128x64xf32>, vector<1x64xf32> -> vector<1x64xf32>
    %get3A_21 = arith.constant 0 : index
    %get3A_22 = arith.constant 0 : index
    %get3A_23 = vector.load %arg6[%get3A_21, %get3A_22] : memref<1x64xf32, #tpu.memory_space<vmem>>, vector<1x64xf32>
    %add3A_24 = arith.addf %dot_general3A_20, %get3A_23 : vector<1x64xf32>
    %ge3A_25 = arith.constant 0.000000e+00 : f32
    %ge3A_26 = vector.broadcast %ge3A_25 : f32 to vector<1x64xf32>
    %ge3A_27 = arith.cmpf oge, %add3A_24, %ge3A_26 : vector<1x64xf32>
    %mul3A_28 = arith.constant 0.00999999977 : f32
    %mul3A_29 = vector.broadcast %mul3A_28 : f32 to vector<1x64xf32>
    %mul3A_30 = arith.mulf %mul3A_29, %add3A_24 : vector<1x64xf32>
    %select_n3A_31 = arith.select %ge3A_27, %add3A_24, %mul3A_30 : vector<1x64xi1>, vector<1x64xf32>
    %get3A_32 = arith.constant 0 : index
    %get3A_33 = arith.constant 0 : index
    %get3A_34 = vector.load %arg2[%get3A_32, %get3A_33] : memref<1x128xf32, #tpu.memory_space<vmem>>, vector<1x128xf32>
    %get3A_35 = arith.constant 0 : index
    %get3A_36 = arith.constant 0 : index
    %get3A_37 = vector.load %arg7[%get3A_35, %get3A_36] : memref<128x64xf32, #tpu.memory_space<vmem>>, vector<128x64xf32>
    %dot_general3A_38 = arith.constant dense<0.000000e+00> : vector<1x64xf32>
    %dot_general3A_39 = tpu.matmul %get3A_34, %get3A_37, %dot_general3A_38 {dimension_numbers = #tpu.dot_dimension_numbers<[1], [0], [0], [1], [0, 0, 1, 1], [], []>, precision = #tpu.contract_precision<fp32>, transpose_lhs_hint = false} : vector<1x128xf32>, vector<128x64xf32>, vector<1x64xf32> -> vector<1x64xf32>
    %get3A_40 = arith.constant 0 : index
    %get3A_41 = arith.constant 0 : index
    %get3A_42 = vector.load %arg8[%get3A_40, %get3A_41] : memref<1x64xf32, #tpu.memory_space<vmem>>, vector<1x64xf32>
    %add3A_43 = arith.addf %dot_general3A_39, %get3A_42 : vector<1x64xf32>
    %ge3A_44 = arith.constant 0.000000e+00 : f32
    %ge3A_45 = vector.broadcast %ge3A_44 : f32 to vector<1x64xf32>
    %ge3A_46 = arith.cmpf oge, %add3A_43, %ge3A_45 : vector<1x64xf32>
    %mul3A_47 = arith.constant 0.00999999977 : f32
    %mul3A_48 = vector.broadcast %mul3A_47 : f32 to vector<1x64xf32>
    %mul3A_49 = arith.mulf %mul3A_48, %add3A_43 : vector<1x64xf32>
    %select_n3A_50 = arith.select %ge3A_46, %add3A_43, %mul3A_49 : vector<1x64xi1>, vector<1x64xf32>
    %concatenate3A = tpu.concatenate %select_n3A, %select_n3A_31, %select_n3A_50 in 1 : vector<1x64xf32>, vector<1x64xf32>, vector<1x64xf32> -> vector<1x192xf32>
    %ge3A_51 = arith.constant 0.000000e+00 : f32
    %ge3A_52 = vector.broadcast %ge3A_51 : f32 to vector<1x192xf32>
    %ge3A_53 = arith.cmpf oge, %concatenate3A, %ge3A_52 : vector<1x192xf32>
    %mul3A_54 = arith.constant 0.00999999977 : f32
    %mul3A_55 = vector.broadcast %mul3A_54 : f32 to vector<1x192xf32>
    %mul3A_56 = arith.mulf %mul3A_55, %concatenate3A : vector<1x192xf32>
    %select_n3A_57 = arith.select %ge3A_53, %concatenate3A, %mul3A_56 : vector<1x192xi1>, vector<1x192xf32>
    %swap3A = arith.constant 0 : index
    %swap3A_58 = arith.constant 0 : index
    %swap3A_59 = vector.load %arg9[%swap3A, %swap3A_58] : memref<1x192xf32, #tpu.memory_space<vmem>>, vector<1x192xf32>
    tpu.vector_store %arg9[%swap3A, %swap3A_58], %select_n3A_57 {strides = array<i32>} : memref<1x192xf32, #tpu.memory_space<vmem>>, vector<1x192xf32>,
    return
  }
}

</mosaic_0001>

<sc_bundles>
// kernel: kernel.11.cloned.1.call-start
scs
__scs_entry_jumppad:
0x0: {  	(pc) =	sbr.rel $0x88, $3  }
0x1: {  	(tag) =	ssettag $0x0;
	lr =	simm.s32 $0x1  }
0x2: {  	[smem:$0x3F87] =	sst lr;
	_ =	strace $0xD0000000  }
0x3: {  	_ = 	snop  }
0x4: {  	_ = 	snop  }
0x5: {  	_ = 	snop  }
0x6: {  	_ = 	snop  }
0x7: {  	_ = 	snop  }
__scs_overlays_trampoline_lowered:
0x8: {  	[smem:$0x3F96] =	sst s0  }
0x9: {  	[smem:$0x3F97] =	sst s1  }
0xa: {  	[smem:$0x3F98] =	sst s2  }
0xb: {  	[smem:$0x3F99] =	sst s3  }
0xc: {  	[smem:$0x3F9A] =	sst s4  }
0xd: {  	[smem:$0x3F9B] =	sst s5  }
0xe: {  	[smem:$0x3F9C] =	sst s6  }
0xf: {  	[smem:$0x3F9D] =	sst s7  }
0x10: {  	[smem:$0x3F9E] =	sst s8  }
0x11: {  	[smem:$0x3F9F] =	sst s9;
	s0 =	simm.s32 @!p0 $0x0  }
0x12: {  	s1 =	sld [smem:$0x3F85];
	s0 =	simm.s32 @p0 $0x1  }
0x13: {  	[smem:$0x3FA0] =	sst s0;
	s0 =	simm.s32 @!p1 $0x0  }
0x14: {  	s2 =	sld [smem:$0x3F84];
	s0 =	simm.s32 @p1 $0x1  }
0x15: {  	[smem:$0x3FA1] =	sst s0;
	s0 =	simm.s32 @!p2 $0x0  }
0x16: {  	s3 =	sld [smem:$0x3FDB];
	s0 =	simm.s32 @p2 $0x1  }
0x17: {  	s4 =	simm.s32 $0x1BF5;
	[smem:$0x3FA3] =	sst s0  }
0x18: {  	s0 =	sld [smem:$0x3F86];
	_ =	swait.ge [sflag:s4], $0x0  }
0x19: {  	s7 =	sld [smem:$0x3F87]  }
0x1a: {  	s8 =	sadd.s32 $0xFFFFE003, lr  }
0x1b: {  	s9 =	sadd.s32 $0xFFFFFEF7, lr;
	s5 =	simm.s32 $0xFFFFFFFF;
	p2 =	slt.u32 s8, $0xFFFFF086  }
0x1c: {  	p1 =	slt.u32 s9, $0xF7A;
	s5 =	simm.s32 @!p2 $0x0  }
0x1d: {  	s5 =	simm.s32 @p1 $0x1;
	p0 =	seq.s32 s7, s2  }
0x1e: {  	s7 =	smul.u32 @!p0 $0xF7A, s2;
	p2 =	seq.s32 @!p0 s5, $0x0  }
0x1f: {  	s9 =	smul.u32 $0xF7A, s1;
	s8 =	simm.s32 @!p0 $0x1BF5;
	p2 =	por !p2, p0  }
0x20: {  	[sflag:s8] =	ssyncset.s32 @!p0 $0xFFFFF086;
	s6 =	sadd.s32 @!p0 s3, s7;
	s7 =	simm.s32 @!p0 $0x108  }
0x21: {  	s3 =	sadd.s32 s3, s9;
	s6 =	sadd.s32 @!p0 $0x88, s6;
	s7 =	simm.s32 @p2 $0x1082  }
0x22: {  	[simem:s7], [sflag:s8] =	dma.local @!p0 [hbm:s6], $0xF7A  }
0x23: {  	s9 =	sor.u32 $0xD0000000, s2;
	s6 =	simm.s32 $0x108;
	_ =	swait.ge @!p0 [sflag:s8], $0x0  }
0x24: {  	s3 =	sadd.s32 $0x88, s3;
	s6 =	simm.s32 @!p1 $0x1082;
	[sflag:s4] =	ssyncset.s32 $0xFFFFF086  }
0x25: {  	[simem:s6], [sflag:s4] =	dma.local [hbm:s3], $0xF7A  }
0x26: {  	[smem:$0x3F87] =	sst s1;
	(tag) =	ssettag s2;
	_ =	strace s9  }
0x27: {  	s1 =	sld [smem:$0x3F97]  }
0x28: {  	s2 =	sld [smem:$0x3F98]  }
0x29: {  	s4 =	sld [smem:$0x3F9A]  }
0x2a: {  	p0 =	seq.s32 s5, $0x0;
	s5 =	sld [smem:$0x3F9B]  }
0x2b: {  	s6 =	sld [smem:$0x3F9C]  }
0x2c: {  	s7 =	sld [smem:$0x3F9D]  }
0x2d: {  	s3 =	simm.s32 $0x108;
	s8 =	sld [smem:$0x3F9E]  }
0x2e: {  	s3 =	simm.s32 @!p0 $0x1082;
	s9 =	sld [smem:$0x3F9F]  }
0x2f: {  	lr =	sadd.s32 s0, s3;
	s0 =	sld [smem:$0x3F96]  }
0x30: {  	s3 =	sld [smem:$0x3F99]  }
0x31: {  	[smem:$0x3FA2] =	sst s10  }
0x32: {  	s10 =	sld [smem:$0x3FA0];
	_ =	sdelay $0x3  }
0x33: {  	p0 =	seq.s32 s10, $0x1;
	s10 =	sld [smem:$0x3FA2];
	_ =	sdelay $0x3  }
0x34: {  	[smem:$0x3FA2] =	sst s10  }
0x35: {  	s10 =	sld [smem:$0x3FA1];
	_ =	sdelay $0x3  }
0x36: {  	p1 =	seq.s32 s10, $0x1;
	s10 =	sld [smem:$0x3FA2];
	_ =	sdelay $0x3  }
0x37: {  	[smem:$0x3FA2] =	sst s10  }
0x38: {  	s10 =	sld [smem:$0x3FA3]  }
0x39: {  	_ = 	snop;
	(pc) =	sbr.ind lr, $3  }
0x3a: {  	_ = 	snop  }
0x3b: {  	_ = 	snop  }
0x3c: {  	p2 =	seq.s32 s10, $0x1;
	s10 =	sld [smem:$0x3FA2]  }
0x3d: {  	_ =	shalt  }
0x3e: {  	_ =	shalt  }
0x3f: {  	_ =	shalt  }
0x40: {  	_ =	shalt  }
0x41: {  	_ =	shalt  }
0x42: {  	_ =	shalt  }
0x43: {  	_ =	shalt  }
0x44: {  	_ =	shalt  }
0x45: {  	_ =	shalt  }
0x46: {  	_ =	shalt  }
0x47: {  	_ =	shalt  }
0x48: {  	_ =	shalt  }
0x49: {  	_ =	shalt  }
0x4a: {  	_ =	shalt  }
0x4b: {  	_ =	shalt  }
0x4c: {  	_ =	shalt  }
0x4d: {  	_ =	shalt  }
0x4e: {  	_ =	shalt  }
0x4f: {  	_ =	shalt  }
0x50: {  	_ =	shalt  }
0x51: {  	_ =	shalt  }
0x52: {  	_ =	shalt  }
0x53: {  	_ =	shalt  }
0x54: {  	_ =	shalt  }
0x55: {  	_ =	shalt  }
0x56: {  	_ =	shalt  }
0x57: {  	_ =	shalt  }
0x58: {  	_ =	shalt  }
0x59: {  	_ =	shalt  }
0x5a: {  	_ =	shalt  }
0x5b: {  	_ =	shalt  }
0x5c: {  	_ =	shalt  }
0x5d: {  	_ =	shalt  }
0x5e: {  	_ =	shalt  }
0x5f: {  	_ =	shalt  }
0x60: {  	_ =	shalt  }
0x61: {  	_ =	shalt  }
0x62: {  	_ =	shalt  }
0x63: {  	_ =	shalt  }
0x64: {  	_ =	shalt  }
0x65: {  	_ =	shalt  }
0x66: {  	_ =	shalt  }
0x67: {  	_ =	shalt  }
0x68: {  	_ =	shalt  }
0x69: {  	_ =	shalt  }
0x6a: {  	_ =	shalt  }
0x6b: {  	_ =	shalt  }
0x6c: {  	_ =	shalt  }
0x6d: {  	_ =	shalt  }
0x6e: {  	_ =	shalt  }
0x6f: {  	_ =	shalt  }
0x70: {  	_ =	shalt  }
0x71: {  	_ =	shalt  }
0x72: {  	_ =	shalt  }
0x73: {  	_ =	shalt  }
0x74: {  	_ =	shalt  }
0x75: {  	_ =	shalt  }
0x76: {  	_ =	shalt  }
0x77: {  	_ =	shalt  }
0x78: {  	_ =	shalt  }
0x79: {  	_ =	shalt  }
0x7a: {  	_ =	shalt  }
0x7b: {  	_ =	shalt  }
0x7c: {  	_ =	shalt  }
0x7d: {  	_ =	shalt  }
0x7e: {  	_ =	shalt  }
0x7f: {  	_ =	shalt  }
0x80: {  	_ =	shalt  }
0x81: {  	_ =	shalt  }
0x82: {  	_ =	shalt  }
0x83: {  	_ =	shalt  }
0x84: {  	_ =	shalt  }
0x85: {  	_ =	shalt  }
0x86: {  	_ =	shalt  }
0x87: {  	_ =	shalt  }
.Lfunc_end0:
.L_simem_size_0:
called_computation_lowered:
.L_overlay_start_0:
0x88: {  	s2 =	sld [smem:$0x3FD9]  }
0x89: {  	s3 =	sld [smem:$0x3FFE];
	_ =	sdelay $0x1  }
0x8a: {  	s1 =	srdreg.scid  }
0x8b: {  	s0 =	sand.u32 $0x1, s1  }
0x8c: {  	s16 =	sshll.u32 s0, $0xA;
	s2 =	sadd.s32 s3, s2  }
0x8d: {  	s2 =	sadd.s32 s2, s16  }
0x8e: {  	[smem:$0x3FAE] =	sst s2  }
0x8f: {  	_ = 	snop  }
0x90: {  	(tm) =	ssettm $0x1  }
0x91: {  	s17 =	sld [smem:$0x3FFB];
	_ =	sdelay $0x3  }
0x92: {  	_ =	strace s17  }
0x93: {  	s2 =	sld [smem:$0x3FFC];
	_ =	sdelay $0x3  }
0x94: {  	_ =	strace s2  }
0x95: {  	s2 =	sld [smem:$0x3FFD];
	_ =	sdelay $0x3  }
0x96: {  	_ =	strace s2  }
0x97: {  	_ =	strace $0x8FFFFFFF  }
0x98: {  	s18 =	sld [smem:$0x3FDB];
	_ =	sdelay $0x1  }
0x99: {  	s19 =	simm.s32 $_scs_section_size  }
0x9a: {  	s4 =	simm.s32 $_size__tile_overlayer_lowered;
	s5 =	simm.s32 $_tile_overlayer_lowered  }
0x9b: {  	s22 =	simm.s32 $0x1BFF;
	s21 =	sshll.u32 s5, $0x1;
	s2 =	sadd.s32 s19, s18  }
0x9c: {  	s6 =	simm.s32 $0x0;
	s20 =	sshll.u32 s4, $0x1;
	s4 =	sadd.s32 s21, s2  }
0x9d: {  	[timem:s6], [sflag:s22] =	dma.local [hbm:s4], s20  }
0x9e: {  	_ =	swait.ge [sflag:s22], s20  }
0x9f: {  	s3 =	ssub.s32 $0x0, s20;
	[sflag:s22] =	ssyncset.done $0x0  }
0xa0: {  	[sflag:s22] =	ssyncadd.s32 s3;
	_ =	sdelay $0x1  }
0xa1: {  	s23 =	simm.s32 $0x1B8B  }
0xa2: {  	_ =	swait.ge [sflag:s23], $0x1  }
0xa3: {  	[sflag:s23] =	ssyncset.done $0x0  }
0xa4: {  	s25 =	simm.s32 $0x1B8E;
	s24 =	sld [smem:$0x3FFE];
	[sflag:s23] =	ssyncadd.s32 $0xFFFFFFFF  }
0xa5: {  	s26 =	simm.s32 $execute0_lowered;
	[smem:$0x3FD2] =	sst s25  }
0xa6: {  	s4 =	sshll.u32 s26, $0x1;
	_ =	strace $0x80000046;
	[dreg:$0x1] =	wrdreg $0xFFFFFFFF  }
0xa7: {  	s28 =	simm.s32 $_size_execute0_lowered;
	s2 =	sadd.s32 s2, s4;
	[dreg:$0x0] =	wrdreg $0x0  }
0xa8: {  	s4 =	sshll.u32 s28, $0x1;
	[dreg:$0x2] =	wrdreg s2  }
0xa9: {  	[dreg:$0x3] =	wrdreg s4  }
0xaa: {  	[dreg:$0x4] =	wrdreg $0xC0  }
0xab: {  	_ =	task [dreg:s6], $0x5FFFF  }
0xac: {  	[dreg:$0x1] =	wrdreg $0xFFFFFFFF  }
0xad: {  	[dreg:$0x0] =	wrdreg $0x60  }
0xae: {  	[dreg:$0x2] =	wrdreg s24  }
0xaf: {  	[dreg:$0x3] =	wrdreg $0x84000  }
0xb0: {  	[dreg:$0x4] =	wrdreg $0x9  }
0xb1: {  	_ =	task.clear_ibuf [dreg:s6], $0x5FFFF;
	_ =	strace $0x90000046  }
0xb2: {  	s29 =	simm.s32 $0x9;
	_ =	strace $0x80000048  }
0xb3: {  	_ =	swait.ge [sflag:s29], $0x1  }
0xb4: {  	[sflag:s29] =	ssyncadd.s32 $0xFFFFFFFF  }
0xb5: {  	_ =	strace $0x90000048  }
0xb6: {  	_ =	sfence  }
0xb7: {  	s30 =	sld [smem:$0x0];
	_ =	sdelay $0x2  }
0xb8: {  	s31 =	sshll.u32 s1, $0xD;
	s1 =	sshrl.u32 s1, $0x2  }
0xb9: {  	s3 =	sand.u32 $0x4000, s31;
	s1 =	sadd.s32 s1, s30  }
0xba: {  	s0 =	sor.u32 s3, s0;
	s1 =	sshll.u32 s1, $0x11  }
0xbb: {  	s0 =	sor.u32 s1, s0  }
0xbc: {  	s0 =	sadd.s32 $0x8F2B, s0  }
0xbd: {  	[sflag:s0] =	ssyncadd.remote.s32 $0x1  }
0xbe: {  	_ =	sfence.sel $0xFFFF  }
0xbf: {  	[dreg:$0x0] =	wrdreg $0xFFFFFFFF;
	(pc) =	sbr.abs _section_cstart, $3  }
0xc0: {  	[dreg:$0x1] =	wrdreg $0xFFFFFFFF  }
0xc1: {  	_ =	task.clear_ibuf [dreg:s6], $0x2FFFF;
	_ =	strace $0x9FFFFFFF  }
0xc2: {  	(tm) =	ssettm $0x7FFFFFFF  }
0xc3: {  	_ =	shalt  }
tec
execute0_lowered:
.L_overlay_start_1:
0x0: {  	(tag) =	ssettag $0x1  }
0x1: {  	s0 =	rddreg [dreg:$0x0]  }
0x2: {  	s1 =	rddreg [dreg:$0x1];
	s2 =	srdreg.scid;
	s3 =	simm.s32 $0x0  }
0x3: {  	s16 =	stileid.u32;
	s28 =	simm.s32 $0x4;
	s29 =	simm.s32 $0x4400  }
0x4: {  	s30 =	simm.s32 $0x200;
	s31 =	simm.s32 $0x80;
	s2 =	sand.u32 $0x1, s2  }
0x5: {  	[smem:$0x7FF] =	sst s3;
	s5 =	sadd.s32 $0xF400, s0;
	s6 =	sadd.s32 $0x5400, s0  }
0x6: {  	s8 =	sadd.s32 $0x19400, s0;
	s9 =	smul.u32 $0x14000, s16;
	s10 =	sadd.s32 $0x1AC00, s0  }
0x7: {  	_ =	strace $0x80000047;
	[dreg:$0x7] =	wrdreg s8;
	s8 =	smul.u32 $0x50000, s16  }
0x8: {  	s4 =	sshll.u32 s2, $0x4;
	s7 =	ssub.s32 $0x2, s2;
	s14 =	smul.u32 $0x140000, s2  }
0x9: {  	s2 =	smul.u32 $0x28000, s2;
	s4 =	sor.u32 s16, s4;
	s18 =	sshrl.u32 s7, $0x1  }
0xa: {  	s11 =	sadd.s32 $0x4000, s9;
	s12 =	sadd.s32 $0x8000, s9;
	s16 =	smul.u32 $0x2800, s16  }
0xb: {  	s13 =	sadd.s32 $0xC000, s9;
	s24 =	sadd.s32 $0x10000, s9;
	s4 =	smul.u32 $0x2800, s4  }
0xc: {  	s7 =	ssub.s32 s7, s18;
	s9 =	sadd.s32 s9, s14;
	s20 =	sadd.s32 s14, s11  }
0xd: {  	s22 =	sadd.s32 s14, s12;
	s23 =	sadd.s32 s14, s13;
	s9 =	sshrl.u32 s9, $0x3  }
0xe: {  	s2 =	sadd.s32 s16, s2;
	s4 =	sshrl.u32 s4, $0x3;
	s9 =	sadd.s32 s10, s9  }
0xf: {  	s16 =	sor.u32 $0x280, s2;
	s15 =	sadd.s32 s5, s4;
	[dreg:$0xa] =	wrdreg s9  }
0x10: {  	s19 =	sadd.s32 s6, s4;
	s9 =	sshrl.u32 s22, $0x3;
	[dreg:$0x8] =	wrdreg s15  }
0x11: {  	s16 =	sshrl.u32 s16, $0x3;
	[dreg:$0x9] =	wrdreg s19;
	s9 =	sadd.s32 s10, s9  }
0x12: {  	s14 =	sadd.s32 s14, s24;
	s26 =	sadd.s32 s16, s6;
	[dreg:$0xc] =	wrdreg s9  }
0x13: {  	s4 =	sor.u32 $0x10, s4;
	s17 =	sadd.s32 s16, s5;
	[dreg:$0x3] =	wrdreg s26  }
0x14: {  	s14 =	sshrl.u32 s14, $0x3;
	s19 =	sadd.s32 s5, s4;
	[dreg:$0x4] =	wrdreg s17  }
0x15: {  	s15 =	sshrl.u32 s20, $0x3;
	s4 =	sadd.s32 s6, s4;
	[dreg:$0xf] =	wrdreg s19  }
0x16: {  	s21 =	sadd.s32 s10, s15;
	s15 =	sshrl.u32 s23, $0x3;
	[dreg:$0x10] =	wrdreg s4  }
0x17: {  	s23 =	sadd.s32 $0x19C00, s0;
	s0 =	sadd.s32 $0x1A400, s0;
	s19 =	sadd.s32 s11, s1  }
0x18: {  	s26 =	smax.u32 s7, $0x1;
	s4 =	simm.s32 $0x300;
	[dreg:$0xb] =	wrdreg s21  }
0x19: {  	s7 =	simm.s32 $0x380;
	s25 =	sadd.s32 s10, s15;
	[dreg:$0x11] =	wrdreg s23  }
0x1a: {  	s15 =	sor.u32 $0x200, s2;
	s10 =	sadd.s32 s10, s14;
	[dreg:$0x12] =	wrdreg s0  }
0x1b: {  	s21 =	sor.u32 $0x180, s2;
	s2 =	sor.u32 $0x100, s2;
	[dreg:$0x14] =	wrdreg s26  }
0x1c: {  	s26 =	simm.s32 $0x400;
	s0 =	simm.s32 $0x280;
	[dreg:$0xd] =	wrdreg s25  }
0x1d: {  	s9 =	sshrl.u32 s15, $0x3;
	[dreg:$0xe] =	wrdreg s10;
	s22 =	sshrl.u32 s21, $0x3  }
0x1e: {  	s2 =	sshrl.u32 s2, $0x3;
	s25 =	sshrl.u32 s8, $0x2;
	s8 =	simm.s32 $0x3  }
0x1f: {  	s10 =	simm.s32 $0x0;
	s18 =	sadd.s32 s9, s6;
	s20 =	sadd.s32 s9, s5  }
0x20: {  	s14 =	sadd.s32 s22, s6;
	s15 =	sadd.s32 s22, s5;
	s16 =	sadd.s32 s2, s6  }
0x21: {  	s17 =	sadd.s32 s2, s5;
	s2 =	simm.s32 $0x100;
	s5 =	simm.s32 $0x2  }
0x22: {  	s6 =	simm.s32 $0x180;
	s9 =	simm.s32 $0x1;
	[dreg:$0x5] =	wrdreg s18  }
0x23: {  	[dreg:$0x6] =	wrdreg s20;
	s20 =	sadd.s32 s12, s1;
	s12 =	sadd.s32 s24, s1  }
0x24: {  	s18 =	sadd.s32 s25, s1;
	s25 =	sadd.s32 s13, s1;
	[dreg:$0x13] =	wrdreg s12  }
.LBB2_1:
0x25: {  	s11 =	rddreg [dreg:$0x12]  }
0x26: {  	[tilespmem:s26], [sflag:$0x4] =	stream.linear.gather [hbm4b:s11+s3], $0x4000, $0x38;
	[tilespmem:$0x1C400] =	vst v63  }
0x27: {  	_ =	swait.ge [sflag:s28], $0x4000  }
0x28: {  	[sflag:s28] =	ssyncset.done $0x0  }
0x29: {  	[sflag:s28] =	ssyncadd.s32 $0xFFFFC000  }
0x2a: {  	[spmem:s18] =	stream.linear.scatter [tilespmem:s26], [sflag:$0x4], $0x4000, $0x38;
	[tilespmem:$0x1C400] =	vst v63  }
0x2b: {  	_ =	swait.ge [sflag:s28], $0x4000  }
0x2c: {  	[sflag:s28] =	ssyncset.done $0x0  }
0x2d: {  	[sflag:s28] =	ssyncadd.s32 $0xFFFFC000  }
0x2e: {  	[spmem:s19] =	stream.linear.scatter [tilespmem:s26], [sflag:$0x4], $0x4000, $0x38;
	[tilespmem:$0x1C400] =	vst v63  }
0x2f: {  	_ =	swait.ge [sflag:s28], $0x4000  }
0x30: {  	[sflag:s28] =	ssyncset.done $0x0  }
0x31: {  	[sflag:s28] =	ssyncadd.s32 $0xFFFFC000  }
0x32: {  	[spmem:s20] =	stream.linear.scatter [tilespmem:s26], [sflag:$0x4], $0x4000, $0x38;
	[tilespmem:$0x1C400] =	vst v63  }
0x33: {  	_ =	swait.ge [sflag:s28], $0x4000  }
0x34: {  	[sflag:s28] =	ssyncset.done $0x0  }
0x35: {  	[sflag:s28] =	ssyncadd.s32 $0xFFFFC000  }
0x36: {  	[spmem:s25] =	stream.linear.scatter [tilespmem:s26], [sflag:$0x4], $0x4000, $0x38;
	[tilespmem:$0x1C400] =	vst v63  }
0x37: {  	_ =	swait.ge [sflag:s28], $0x4000  }
0x38: {  	[sflag:s28] =	ssyncset.done $0x0  }
0x39: {  	[sflag:s28] =	ssyncadd.s32 $0xFFFFC000  }
0x3a: {  	[spmem:s12] =	stream.linear.scatter [tilespmem:s26], [sflag:$0x4], $0x4000, $0x38;
	[tilespmem:$0x1C400] =	vst v63  }
0x3b: {  	_ =	swait.ge [sflag:s28], $0x4000  }
0x3c: {  	[sflag:s28] =	ssyncset.done $0x0  }
0x3d: {  	s21 =	smov.u32 s18;
	s18 =	rddreg [dreg:$0x7];
	[sflag:s28] =	ssyncadd.s32 $0xFFFFC000  }
0x3e: {  	[tilespmem:s26], [sflag:$0x4] =	stream.linear.gather [hbm4b:s18+s3], $0x4000, $0x38;
	[tilespmem:$0x1C400] =	vst v63  }
0x3f: {  	_ =	swait.ge [sflag:s28], $0x4000  }
0x40: {  	[sflag:s28] =	ssyncset.done $0x0  }
0x41: {  	s22 =	smov.u32 s19;
	s19 =	rddreg [dreg:$0x11];
	[sflag:s28] =	ssyncadd.s32 $0xFFFFC000  }
0x42: {  	[tilespmem:s29], [sflag:$0x4] =	stream.linear.gather [hbm4b:s19+s3], $0x4000, $0x38;
	[tilespmem:$0x1C400] =	vst v63  }
0x43: {  	_ =	swait.ge [sflag:s28], $0x4000  }
0x44: {  	[sflag:s28] =	ssyncset.done $0x0  }
0x45: {  	[sflag:s28] =	ssyncadd.s32 $0xFFFFC000  }
0x46: {  	[bflag:$0x0] =	sbarrier.arrive $0xFFFF  }
0x47: {  	s23 =	smov.u32 s20;
	s20 =	rddreg [dreg:$0x8]  }
0x48: {  	[tilespmem:s3], [sflag:$0x2] =	stream.linear.gather [hbm4b:s20+s3], $0x80, $0x38;
	[tilespmem:$0x1C400] =	vst v63  }
0x49: {  	s24 =	smov.u32 s25;
	s25 =	rddreg [dreg:$0x9]  }
0x4a: {  	[tilespmem:s30], [sflag:$0x2] =	stream.linear.gather [hbm4b:s25+s3], $0x80, $0x38;
	[tilespmem:$0x1C400] =	vst v63  }
0x4b: {  	p0 =	por $0x1, $0x1;
	s12 =	rddreg [dreg:$0xf]  }
0x4c: {  	[tilespmem:s31], [sflag:$0x3] =	stream.linear.gather [hbm4b:s12+s3], $0x80, $0x38;
	[tilespmem:$0x1C400] =	vst v63  }
0x4d: {  	s11 =	simm.s32 @!p0 $0x1;
	s13 =	rddreg [dreg:$0x10]  }
0x4e: {  	[tilespmem:s0], [sflag:$0x3] =	stream.linear.gather [hbm4b:s13+s3], $0x80, $0x38;
	[tilespmem:$0x1C400] =	vst v63  }
0x4f: {  	_ =	swait.ge @!p0 [sflag:s11], $0x4000  }
0x50: {  	[sflag:s11] =	ssyncset.done @!p0 $0x0  }
0x51: {  	[sflag:s11] =	ssyncadd.s32 @!p0 $0xFFFFC000  }
0x52: {  	_ =	swait.ge @!p0 [sflag:s11], $0x4000  }
0x53: {  	[sflag:s11] =	ssyncset.done @!p0 $0x0  }
0x54: {  	s18 =	sadd.s32 $0x0, s17;
	[sflag:s11] =	ssyncadd.s32 @!p0 $0xFFFFC000  }
0x55: {  	[tilespmem:s2], [sflag:$0x2] =	stream.linear.gather [hbm4b:s18+s3], $0x80, $0x38;
	[tilespmem:$0x1C400] =	vst v63  }
0x56: {  	s19 =	sadd.s32 $0x0, s16  }
0x57: {  	[tilespmem:s4], [sflag:$0x2] =	stream.linear.gather [hbm4b:s19+s3], $0x80, $0x38;
	[tilespmem:$0x1C400] =	vst v63  }
0x58: {  	_ =	swait.ge [sflag:s5], $0x80  }
0x59: {  	[sflag:s5] =	ssyncset.done $0x0  }
0x5a: {  	[sflag:s5] =	ssyncadd.s32 $0xFFFFFF80  }
0x5b: {  	_ =	swait.ge [sflag:s5], $0x80  }
0x5c: {  	[sflag:s5] =	ssyncset.done $0x0  }
0x5d: {  	[sflag:s5] =	ssyncadd.s32 $0xFFFFFF80  }
0x5e: {  	[spmem:s1] =	stream.indirect.scatter.add.f32 [tilespmem:s26], [sflag:$0x1], $0x80, s3, s31, $0xb8;
	[tilespmem:$0x1C400] =	vst v63  }
0x5f: {  	_ = 	snop  }
0x60: {  	[spmem:s1] =	stream.indirect.scatter.add.f32 [tilespmem:s29], [sflag:$0x1], $0x80, s30, s31, $0xb8;
	[tilespmem:$0x1C400] =	vst v63  }
0x61: {  	_ =	swait.ge @!p0 [sflag:s11], $0x4000  }
0x62: {  	[sflag:s11] =	ssyncset.done @!p0 $0x0  }
0x63: {  	[sflag:s11] =	ssyncadd.s32 @!p0 $0xFFFFC000  }
0x64: {  	_ =	swait.ge @!p0 [sflag:s11], $0x4000  }
0x65: {  	[sflag:s11] =	ssyncset.done @!p0 $0x0  }
0x66: {  	s20 =	sadd.s32 $0x0, s15;
	[sflag:s11] =	ssyncadd.s32 @!p0 $0xFFFFC000  }
0x67: {  	[tilespmem:s6], [sflag:$0x3] =	stream.linear.gather [hbm4b:s20+s3], $0x80, $0x38;
	[tilespmem:$0x1C400] =	vst v63  }
0x68: {  	s25 =	sadd.s32 $0x0, s14  }
0x69: {  	[tilespmem:s7], [sflag:$0x3] =	stream.linear.gather [hbm4b:s25+s3], $0x80, $0x38;
	[tilespmem:$0x1C400] =	vst v63  }
0x6a: {  	_ =	swait.ge [sflag:s8], $0x80  }
0x6b: {  	[sflag:s8] =	ssyncset.done $0x0  }
0x6c: {  	[sflag:s8] =	ssyncadd.s32 $0xFFFFFF80  }
0x6d: {  	_ =	swait.ge [sflag:s8], $0x80  }
0x6e: {  	[sflag:s8] =	ssyncset.done $0x0  }
0x6f: {  	[sflag:s8] =	ssyncadd.s32 $0xFFFFFF80  }
0x70: {  	[spmem:s1] =	stream.indirect.scatter.add.f32 [tilespmem:s26], [sflag:$0x1], $0x80, s31, s31, $0xb8;
	[tilespmem:$0x1C400] =	vst v63  }
0x71: {  	_ = 	snop  }
0x72: {  	[spmem:s1] =	stream.indirect.scatter.add.f32 [tilespmem:s29], [sflag:$0x1], $0x80, s0, s31, $0xb8;
	[tilespmem:$0x1C400] =	vst v63  }
0x73: {  	_ =	swait.ge [sflag:s9], $0x4000  }
0x74: {  	[sflag:s9] =	ssyncset.done $0x0  }
0x75: {  	[sflag:s9] =	ssyncadd.s32 $0xFFFFC000  }
0x76: {  	p0 =	por $0x0, $0x0;
	_ =	swait.ge [sflag:s9], $0x4000  }
0x77: {  	s13 =	simm.s32 @!p0 $0x0;
	s11 =	rddreg [dreg:$0x6];
	[sflag:s9] =	ssyncset.done $0x0  }
0x78: {  	s12 =	rddreg [dreg:$0x5];
	[sflag:s9] =	ssyncadd.s32 $0xFFFFC000;
	s11 =	sadd.s32 @!p0 $0x0, s11  }
0x79: {  	[tilespmem:s13], [sflag:$0x2] =	stream.linear.gather @!p0 [hbm4b:s11+s13], $0x80, $0x38;
	[tilespmem:$0x1C400] =	vst v63  }
0x7a: {  	s11 =	sadd.s32 @!p0 $0x0, s12;
	s12 =	simm.s32 @!p0 $0x200  }
0x7b: {  	[tilespmem:s12], [sflag:$0x2] =	stream.linear.gather @!p0 [hbm4b:s11+s13], $0x80, $0x38;
	[tilespmem:$0x1C400] =	vst v63  }
0x7c: {  	_ =	swait.ge [sflag:s5], $0x80  }
0x7d: {  	[sflag:s5] =	ssyncset.done $0x0  }
0x7e: {  	[sflag:s5] =	ssyncadd.s32 $0xFFFFFF80  }
0x7f: {  	_ =	swait.ge [sflag:s5], $0x80  }
0x80: {  	[sflag:s5] =	ssyncset.done $0x0  }
0x81: {  	[sflag:s5] =	ssyncadd.s32 $0xFFFFFF80  }
0x82: {  	[spmem:s1] =	stream.indirect.scatter.add.f32 [tilespmem:s26], [sflag:$0x1], $0x80, s2, s31, $0xb8;
	[tilespmem:$0x1C400] =	vst v63  }
0x83: {  	_ = 	snop  }
0x84: {  	[spmem:s1] =	stream.indirect.scatter.add.f32 [tilespmem:s29], [sflag:$0x1], $0x80, s4, s31, $0xb8;
	[tilespmem:$0x1C400] =	vst v63  }
0x85: {  	_ =	swait.ge [sflag:s9], $0x4000  }
0x86: {  	[sflag:s9] =	ssyncset.done $0x0  }
0x87: {  	[sflag:s9] =	ssyncadd.s32 $0xFFFFC000  }
0x88: {  	_ =	swait.ge [sflag:s9], $0x4000  }
0x89: {  	s18 =	simm.s32 @!p0 $0x80;
	s11 =	rddreg [dreg:$0x4];
	[sflag:s9] =	ssyncset.done $0x0  }
0x8a: {  	s12 =	rddreg [dreg:$0x3];
	[sflag:s9] =	ssyncadd.s32 $0xFFFFC000;
	s11 =	sadd.s32 @!p0 $0x0, s11  }
0x8b: {  	[tilespmem:s18], [sflag:$0x3] =	stream.linear.gather @!p0 [hbm4b:s11+s13], $0x80, $0x38;
	[tilespmem:$0x1C400] =	vst v63  }
0x8c: {  	s11 =	sadd.s32 @!p0 $0x0, s12;
	s12 =	simm.s32 @!p0 $0x280  }
0x8d: {  	[tilespmem:s12], [sflag:$0x3] =	stream.linear.gather @!p0 [hbm4b:s11+s13], $0x80, $0x38;
	[tilespmem:$0x1C400] =	vst v63  }
0x8e: {  	_ =	swait.ge [sflag:s8], $0x80  }
0x8f: {  	[sflag:s8] =	ssyncset.done $0x0  }
0x90: {  	[sflag:s8] =	ssyncadd.s32 $0xFFFFFF80  }
0x91: {  	_ =	swait.ge [sflag:s8], $0x80  }
0x92: {  	p1 =	por $0x0, $0x0;
	[sflag:s8] =	ssyncset.done $0x0  }
0x93: {  	s11 =	simm.s32 $0x40;
	s12 =	simm.s32 $0x80;
	[sflag:s8] =	ssyncadd.s32 $0xFFFFFF80  }
0x94: {  	[spmem:s1] =	stream.indirect.scatter.add.f32 [tilespmem:s26], [sflag:$0x1], $0x80, s6, s31, $0xb8;
	[tilespmem:$0x1C400] =	vst v63  }
.LBB2_2:
0x95: {  	s18 =	simm.s32 @!p1 $0x1  }
0x96: {  	[spmem:s1] =	stream.indirect.scatter.add.f32 [tilespmem:s29], [sflag:$0x1], $0x80, s7, s31, $0xb8;
	[tilespmem:$0x1C400] =	vst v63  }
0x97: {  	_ =	swait.ge @!p1 [sflag:s18], $0x4000  }
0x98: {  	[sflag:s18] =	ssyncset.done @!p1 $0x0  }
0x99: {  	[sflag:s18] =	ssyncadd.s32 @!p1 $0xFFFFC000  }
0x9a: {  	_ =	swait.ge @!p1 [sflag:s18], $0x4000  }
0x9b: {  	[sflag:s18] =	ssyncset.done @!p1 $0x0  }
0x9c: {  	s19 =	sadd.s32 s11, s17;
	[sflag:s18] =	ssyncadd.s32 @!p1 $0xFFFFC000  }
0x9d: {  	[tilespmem:s2], [sflag:$0x2] =	stream.linear.gather [hbm4b:s19+s3], $0x80, $0x38;
	[tilespmem:$0x1C400] =	vst v63  }
0x9e: {  	s25 =	sadd.s32 s11, s16  }
0x9f: {  	[tilespmem:s4], [sflag:$0x2] =	stream.linear.gather [hbm4b:s25+s3], $0x80, $0x38;
	[tilespmem:$0x1C400] =	vst v63  }
0xa0: {  	_ =	swait.ge [sflag:s5], $0x80  }
0xa1: {  	[sflag:s5] =	ssyncset.done $0x0  }
0xa2: {  	[sflag:s5] =	ssyncadd.s32 $0xFFFFFF80  }
0xa3: {  	_ =	swait.ge [sflag:s5], $0x80  }
0xa4: {  	[sflag:s5] =	ssyncset.done $0x0  }
0xa5: {  	[sflag:s5] =	ssyncadd.s32 $0xFFFFFF80  }
0xa6: {  	[spmem:s1] =	stream.indirect.scatter.add.f32 [tilespmem:s26], [sflag:$0x1], $0x80, s3, s31, $0xb8;
	[tilespmem:$0x1C400] =	vst v63  }
0xa7: {  	_ = 	snop  }
0xa8: {  	[spmem:s1] =	stream.indirect.scatter.add.f32 [tilespmem:s29], [sflag:$0x1], $0x80, s30, s31, $0xb8;
	[tilespmem:$0x1C400] =	vst v63  }
0xa9: {  	_ =	swait.ge @!p1 [sflag:s18], $0x4000  }
0xaa: {  	[sflag:s18] =	ssyncset.done @!p1 $0x0  }
0xab: {  	[sflag:s18] =	ssyncadd.s32 @!p1 $0xFFFFC000  }
0xac: {  	_ =	swait.ge @!p1 [sflag:s18], $0x4000  }
0xad: {  	[sflag:s18] =	ssyncset.done @!p1 $0x0  }
0xae: {  	s20 =	sadd.s32 s11, s15;
	[sflag:s18] =	ssyncadd.s32 @!p1 $0xFFFFC000  }
0xaf: {  	[tilespmem:s6], [sflag:$0x3] =	stream.linear.gather [hbm4b:s20+s3], $0x80, $0x38;
	[tilespmem:$0x1C400] =	vst v63  }
0xb0: {  	s25 =	sadd.s32 s11, s14  }
0xb1: {  	[tilespmem:s7], [sflag:$0x3] =	stream.linear.gather [hbm4b:s25+s3], $0x80, $0x38;
	[tilespmem:$0x1C400] =	vst v63  }
0xb2: {  	_ =	swait.ge [sflag:s8], $0x80  }
0xb3: {  	[sflag:s8] =	ssyncset.done $0x0  }
0xb4: {  	[sflag:s8] =	ssyncadd.s32 $0xFFFFFF80  }
0xb5: {  	_ =	swait.ge [sflag:s8], $0x80  }
0xb6: {  	[sflag:s8] =	ssyncset.done $0x0  }
0xb7: {  	[sflag:s8] =	ssyncadd.s32 $0xFFFFFF80  }
0xb8: {  	[spmem:s1] =	stream.indirect.scatter.add.f32 [tilespmem:s26], [sflag:$0x1], $0x80, s31, s31, $0xb8;
	[tilespmem:$0x1C400] =	vst v63  }
0xb9: {  	_ = 	snop  }
0xba: {  	[spmem:s1] =	stream.indirect.scatter.add.f32 [tilespmem:s29], [sflag:$0x1], $0x80, s0, s31, $0xb8;
	[tilespmem:$0x1C400] =	vst v63  }
0xbb: {  	_ =	swait.ge [sflag:s9], $0x4000  }
0xbc: {  	[sflag:s9] =	ssyncset.done $0x0  }
0xbd: {  	[sflag:s9] =	ssyncadd.s32 $0xFFFFC000  }
0xbe: {  	p1 =	seq.s32 s11, $0x4C0;
	_ =	swait.ge [sflag:s9], $0x4000  }
0xbf: {  	s25 =	simm.s32 @!p1 $0x0;
	s18 =	rddreg [dreg:$0x6];
	[sflag:s9] =	ssyncset.done $0x0  }
0xc0: {  	s19 =	rddreg [dreg:$0x5];
	[sflag:s9] =	ssyncadd.s32 $0xFFFFC000;
	s18 =	sadd.s32 @!p1 s11, s18  }
0xc1: {  	[tilespmem:s25], [sflag:$0x2] =	stream.linear.gather @!p1 [hbm4b:s18+s25], $0x80, $0x38;
	[tilespmem:$0x1C400] =	vst v63  }
0xc2: {  	s18 =	sadd.s32 @!p1 s11, s19;
	s19 =	simm.s32 @!p1 $0x200  }
0xc3: {  	[tilespmem:s19], [sflag:$0x2] =	stream.linear.gather @!p1 [hbm4b:s18+s25], $0x80, $0x38;
	[tilespmem:$0x1C400] =	vst v63  }
0xc4: {  	_ =	swait.ge [sflag:s5], $0x80  }
0xc5: {  	[sflag:s5] =	ssyncset.done $0x0  }
0xc6: {  	[sflag:s5] =	ssyncadd.s32 $0xFFFFFF80  }
0xc7: {  	_ =	swait.ge [sflag:s5], $0x80  }
0xc8: {  	[sflag:s5] =	ssyncset.done $0x0  }
0xc9: {  	[sflag:s5] =	ssyncadd.s32 $0xFFFFFF80  }
0xca: {  	[spmem:s1] =	stream.indirect.scatter.add.f32 [tilespmem:s26], [sflag:$0x1], $0x80, s2, s31, $0xb8;
	[tilespmem:$0x1C400] =	vst v63  }
0xcb: {  	_ = 	snop  }
0xcc: {  	[spmem:s1] =	stream.indirect.scatter.add.f32 [tilespmem:s29], [sflag:$0x1], $0x80, s4, s31, $0xb8;
	[tilespmem:$0x1C400] =	vst v63  }
0xcd: {  	_ =	swait.ge [sflag:s9], $0x4000  }
0xce: {  	[sflag:s9] =	ssyncset.done $0x0  }
0xcf: {  	[sflag:s9] =	ssyncadd.s32 $0xFFFFC000  }
0xd0: {  	_ =	swait.ge [sflag:s9], $0x4000  }
0xd1: {  	s20 =	simm.s32 @!p1 $0x80;
	s18 =	rddreg [dreg:$0x4];
	[sflag:s9] =	ssyncset.done $0x0  }
0xd2: {  	s19 =	rddreg [dreg:$0x3];
	[sflag:s9] =	ssyncadd.s32 $0xFFFFC000;
	s18 =	sadd.s32 @!p1 s11, s18  }
0xd3: {  	[tilespmem:s20], [sflag:$0x3] =	stream.linear.gather @!p1 [hbm4b:s18+s25], $0x80, $0x38;
	[tilespmem:$0x1C400] =	vst v63  }
0xd4: {  	s18 =	sadd.s32 @!p1 s11, s19;
	s19 =	simm.s32 @!p1 $0x280  }
0xd5: {  	[tilespmem:s19], [sflag:$0x3] =	stream.linear.gather @!p1 [hbm4b:s18+s25], $0x80, $0x38;
	[tilespmem:$0x1C400] =	vst v63  }
0xd6: {  	s13 =	smov.u32 s12;
	s12 =	sadd.s32 $0x40, s12;
	_ =	swait.ge [sflag:s8], $0x80  }
0xd7: {  	p0 =	sne.s32 s12, $0x500;
	[sflag:s8] =	ssyncset.done $0x0  }
.Ltmp0:
0xd8: {  	[sflag:s8] =	ssyncadd.s32 $0xFFFFFF80;
	(pc) =	sbr.rel @p0 .LBB2_2-.Ltmp0, $4  }
0xd9: {  	_ =	swait.ge [sflag:s8], $0x80  }
0xda: {  	s11 =	smov.u32 s13;
	[sflag:s8] =	ssyncset.done $0x0  }
0xdb: {  	p1 =	seq.s32 s11, $0x0;
	[sflag:s8] =	ssyncadd.s32 $0xFFFFFF80  }
0xdc: {  	[spmem:s1] =	stream.indirect.scatter.add.f32 [tilespmem:s26], [sflag:$0x1], $0x80, s6, s31, $0xb8;
	[tilespmem:$0x1C400] =	vst v63  }
0xdd: {  	s12 =	simm.s32 @!p1 $0x1  }
0xde: {  	[spmem:s1] =	stream.indirect.scatter.add.f32 [tilespmem:s29], [sflag:$0x1], $0x80, s7, s31, $0xb8;
	[tilespmem:$0x1C400] =	vst v63  }
0xdf: {  	_ =	swait.ge @!p1 [sflag:s12], $0x4000  }
0xe0: {  	[sflag:s12] =	ssyncset.done @!p1 $0x0  }
0xe1: {  	[sflag:s12] =	ssyncadd.s32 @!p1 $0xFFFFC000  }
0xe2: {  	_ =	swait.ge @!p1 [sflag:s12], $0x4000  }
0xe3: {  	[sflag:s12] =	ssyncset.done @!p1 $0x0  }
0xe4: {  	s13 =	sadd.s32 s11, s17;
	[sflag:s12] =	ssyncadd.s32 @!p1 $0xFFFFC000  }
0xe5: {  	[tilespmem:s2], [sflag:$0x2] =	stream.linear.gather [hbm4b:s13+s3], $0x80, $0x38;
	[tilespmem:$0x1C400] =	vst v63  }
0xe6: {  	s25 =	sadd.s32 s11, s16  }
0xe7: {  	[tilespmem:s4], [sflag:$0x2] =	stream.linear.gather [hbm4b:s25+s3], $0x80, $0x38;
	[tilespmem:$0x1C400] =	vst v63  }
0xe8: {  	_ =	swait.ge [sflag:s5], $0x80  }
0xe9: {  	[sflag:s5] =	ssyncset.done $0x0  }
0xea: {  	[sflag:s5] =	ssyncadd.s32 $0xFFFFFF80  }
0xeb: {  	_ =	swait.ge [sflag:s5], $0x80  }
0xec: {  	[sflag:s5] =	ssyncset.done $0x0  }
0xed: {  	[sflag:s5] =	ssyncadd.s32 $0xFFFFFF80  }
0xee: {  	[spmem:s1] =	stream.indirect.scatter.add.f32 [tilespmem:s26], [sflag:$0x1], $0x80, s3, s31, $0xb8;
	[tilespmem:$0x1C400] =	vst v63  }
0xef: {  	_ = 	snop  }
0xf0: {  	[spmem:s1] =	stream.indirect.scatter.add.f32 [tilespmem:s29], [sflag:$0x1], $0x80, s30, s31, $0xb8;
	[tilespmem:$0x1C400] =	vst v63  }
0xf1: {  	_ =	swait.ge @!p1 [sflag:s12], $0x4000  }
0xf2: {  	[sflag:s12] =	ssyncset.done @!p1 $0x0  }
0xf3: {  	[sflag:s12] =	ssyncadd.s32 @!p1 $0xFFFFC000  }
0xf4: {  	_ =	swait.ge @!p1 [sflag:s12], $0x4000  }
0xf5: {  	[sflag:s12] =	ssyncset.done @!p1 $0x0  }
0xf6: {  	s13 =	sadd.s32 s11, s15;
	[sflag:s12] =	ssyncadd.s32 @!p1 $0xFFFFC000  }
0xf7: {  	[tilespmem:s6], [sflag:$0x3] =	stream.linear.gather [hbm4b:s13+s3], $0x80, $0x38;
	[tilespmem:$0x1C400] =	vst v63  }
0xf8: {  	s18 =	sadd.s32 s11, s14  }
0xf9: {  	[tilespmem:s7], [sflag:$0x3] =	stream.linear.gather [hbm4b:s18+s3], $0x80, $0x38;
	[tilespmem:$0x1C400] =	vst v63  }
0xfa: {  	_ =	swait.ge [sflag:s8], $0x80  }
0xfb: {  	[sflag:s8] =	ssyncset.done $0x0  }
0xfc: {  	[sflag:s8] =	ssyncadd.s32 $0xFFFFFF80  }
0xfd: {  	_ =	swait.ge [sflag:s8], $0x80  }
0xfe: {  	[sflag:s8] =	ssyncset.done $0x0  }
0xff: {  	[sflag:s8] =	ssyncadd.s32 $0xFFFFFF80  }
0x100: {  	[spmem:s1] =	stream.indirect.scatter.add.f32 [tilespmem:s26], [sflag:$0x1], $0x80, s31, s31, $0xb8;
	[tilespmem:$0x1C400] =	vst v63  }
0x101: {  	_ = 	snop  }
0x102: {  	[spmem:s1] =	stream.indirect.scatter.add.f32 [tilespmem:s29], [sflag:$0x1], $0x80, s0, s31, $0xb8;
	[tilespmem:$0x1C400] =	vst v63  }
0x103: {  	_ =	swait.ge [sflag:s9], $0x4000  }
0x104: {  	[sflag:s9] =	ssyncset.done $0x0  }
0x105: {  	[sflag:s9] =	ssyncadd.s32 $0xFFFFC000  }
0x106: {  	p0 =	seq.s32 s11, $0x4C0;
	_ =	swait.ge [sflag:s9], $0x4000  }
0x107: {  	s18 =	simm.s32 @!p0 $0x0;
	s12 =	rddreg [dreg:$0x6];
	[sflag:s9] =	ssyncset.done $0x0  }
0x108: {  	s13 =	rddreg [dreg:$0x5];
	[sflag:s9] =	ssyncadd.s32 $0xFFFFC000;
	s12 =	sadd.s32 @!p0 s11, s12  }
0x109: {  	[tilespmem:s18], [sflag:$0x2] =	stream.linear.gather @!p0 [hbm4b:s12+s18], $0x80, $0x38;
	[tilespmem:$0x1C400] =	vst v63  }
0x10a: {  	s12 =	sadd.s32 @!p0 s11, s13;
	s13 =	simm.s32 @!p0 $0x200  }
0x10b: {  	[tilespmem:s13], [sflag:$0x2] =	stream.linear.gather @!p0 [hbm4b:s12+s18], $0x80, $0x38;
	[tilespmem:$0x1C400] =	vst v63  }
0x10c: {  	_ =	swait.ge [sflag:s5], $0x80  }
0x10d: {  	[sflag:s5] =	ssyncset.done $0x0  }
0x10e: {  	[sflag:s5] =	ssyncadd.s32 $0xFFFFFF80  }
0x10f: {  	_ =	swait.ge [sflag:s5], $0x80  }
0x110: {  	[sflag:s5] =	ssyncset.done $0x0  }
0x111: {  	[sflag:s5] =	ssyncadd.s32 $0xFFFFFF80  }
0x112: {  	[spmem:s1] =	stream.indirect.scatter.add.f32 [tilespmem:s26], [sflag:$0x1], $0x80, s2, s31, $0xb8;
	[tilespmem:$0x1C400] =	vst v63  }
0x113: {  	_ = 	snop  }
0x114: {  	[spmem:s1] =	stream.indirect.scatter.add.f32 [tilespmem:s29], [sflag:$0x1], $0x80, s4, s31, $0xb8;
	[tilespmem:$0x1C400] =	vst v63  }
0x115: {  	_ =	swait.ge [sflag:s9], $0x4000  }
0x116: {  	[sflag:s9] =	ssyncset.done $0x0  }
0x117: {  	[sflag:s9] =	ssyncadd.s32 $0xFFFFC000  }
0x118: {  	_ =	swait.ge [sflag:s9], $0x4000  }
0x119: {  	s19 =	simm.s32 @!p0 $0x80;
	s12 =	rddreg [dreg:$0x4];
	[sflag:s9] =	ssyncset.done $0x0  }
0x11a: {  	s13 =	rddreg [dreg:$0x3];
	[sflag:s9] =	ssyncadd.s32 $0xFFFFC000;
	s12 =	sadd.s32 @!p0 s11, s12  }
0x11b: {  	[tilespmem:s19], [sflag:$0x3] =	stream.linear.gather @!p0 [hbm4b:s12+s18], $0x80, $0x38;
	[tilespmem:$0x1C400] =	vst v63  }
0x11c: {  	s11 =	sadd.s32 @!p0 s11, s13;
	s12 =	simm.s32 @!p0 $0x280  }
0x11d: {  	[tilespmem:s12], [sflag:$0x3] =	stream.linear.gather @!p0 [hbm4b:s11+s18], $0x80, $0x38;
	[tilespmem:$0x1C400] =	vst v63  }
0x11e: {  	_ =	swait.ge [sflag:s8], $0x80  }
0x11f: {  	[sflag:s8] =	ssyncset.done $0x0  }
0x120: {  	[sflag:s8] =	ssyncadd.s32 $0xFFFFFF80  }
0x121: {  	_ =	swait.ge [sflag:s8], $0x80  }
0x122: {  	[sflag:s8] =	ssyncset.done $0x0  }
0x123: {  	[sflag:s8] =	ssyncadd.s32 $0xFFFFFF80  }
0x124: {  	[spmem:s1] =	stream.indirect.scatter.add.f32 [tilespmem:s26], [sflag:$0x1], $0x80, s6, s31, $0xb8;
	[tilespmem:$0x1C400] =	vst v63  }
0x125: {  	_ = 	snop  }
0x126: {  	[spmem:s1] =	stream.indirect.scatter.add.f32 [tilespmem:s29], [sflag:$0x1], $0x80, s7, s31, $0xb8;
	[tilespmem:$0x1C400] =	vst v63  }
0x127: {  	_ =	swait.ge [sflag:s9], $0x4000  }
0x128: {  	[sflag:s9] =	ssyncset.done $0x0  }
0x129: {  	[sflag:s9] =	ssyncadd.s32 $0xFFFFC000  }
0x12a: {  	_ =	swait.ge [sflag:s9], $0x4000  }
0x12b: {  	[sflag:s9] =	ssyncset.done $0x0  }
0x12c: {  	[sflag:s9] =	ssyncadd.s32 $0xFFFFC000  }
0x12d: {  	_ =	swait.ge [sflag:s9], $0x4000  }
0x12e: {  	[sflag:s9] =	ssyncset.done $0x0  }
0x12f: {  	[sflag:s9] =	ssyncadd.s32 $0xFFFFC000  }
0x130: {  	_ =	swait.ge [sflag:s9], $0x4000  }
0x131: {  	[sflag:s9] =	ssyncset.done $0x0  }
0x132: {  	s19 =	stileid.u32;
	[sflag:s9] =	ssyncadd.s32 $0xFFFFC000  }
0x133: {  	s20 =	sshrl.u32 s21, $0x3;
	s11 =	sshll.u32 s19, $0x6;
	[bflag:$0x0] =	sbarrier.arrive $0xFFFF  }
0x134: {  	s18 =	smov.u32 s21;
	s11 =	sor.u32 $0x1C04, s11;
	s21 =	rddreg [dreg:$0xa]  }
0x135: {  	[hbm:s21], [sflag:s11] =	dma.local [spmem:s20], $0x800  }
0x136: {  	_ =	swait.ge [sflag:s28], $0x800  }
0x137: {  	s19 =	smov.u32 s22;
	[sflag:s28] =	ssyncset.done $0x0  }
0x138: {  	s22 =	sshrl.u32 s22, $0x3;
	s25 =	rddreg [dreg:$0xb];
	[sflag:s28] =	ssyncadd.s32 $0xFFFFF800  }
0x139: {  	[hbm:s25], [sflag:s11] =	dma.local [spmem:s22], $0x800  }
0x13a: {  	_ =	swait.ge [sflag:s28], $0x800  }
0x13b: {  	[sflag:s28] =	ssyncset.done $0x0  }
0x13c: {  	s13 =	sshrl.u32 s23, $0x3;
	s21 =	rddreg [dreg:$0xc];
	[sflag:s28] =	ssyncadd.s32 $0xFFFFF800  }
0x13d: {  	[hbm:s21], [sflag:s11] =	dma.local [spmem:s13], $0x800  }
0x13e: {  	_ =	swait.ge [sflag:s28], $0x800  }
0x13f: {  	s20 =	smov.u32 s23;
	[sflag:s28] =	ssyncset.done $0x0  }
0x140: {  	s22 =	sshrl.u32 s24, $0x3;
	s23 =	rddreg [dreg:$0xd];
	[sflag:s28] =	ssyncadd.s32 $0xFFFFF800  }
0x141: {  	[hbm:s23], [sflag:s11] =	dma.local [spmem:s22], $0x800  }
0x142: {  	_ =	swait.ge [sflag:s28], $0x800  }
0x143: {  	s25 =	smov.u32 s24;
	[sflag:s28] =	ssyncset.done $0x0;
	s24 =	rddreg [dreg:$0x13]  }
0x144: {  	s23 =	rddreg [dreg:$0xe];
	[sflag:s28] =	ssyncadd.s32 $0xFFFFF800;
	s22 =	sshrl.u32 s24, $0x3  }
0x145: {  	[hbm:s23], [sflag:s11] =	dma.local [spmem:s22], $0x800  }
0x146: {  	_ =	swait.ge [sflag:s28], $0x800  }
0x147: {  	s10 =	sadd.s32 $0x1, s10;
	s12 =	smov.u32 s24;
	s24 =	rddreg [dreg:$0x14]  }
0x148: {  	p0 =	sne.s32 s10, s24  }
.Ltmp1:
0x149: {  	_ = 	snop;
	(pc) =	sbr.rel @p0 .LBB2_1-.Ltmp1, $3  }
0x14a: {  	_ =	sdelay $0x1  }
0x14b: {  	[sflag:s28] =	ssyncset.done $0x0  }
0x14c: {  	[sflag:s28] =	ssyncadd.s32 $0xFFFFF800  }
0x14d: {  	_ =	sfence.sel $0x180000  }
0x14e: {  	[bflag:$0x0] =	sbarrier.arrive $0xFFFF  }
0x14f: {  	_ =	strace $0x90000047  }
0x150: {  	s0 =	stileid.u32;
	[bflag:$0x2] =	sbarrier.arrive $0xFFFF  }
0x151: {  	p0 =	sne.s32 s0, $0x0;
	s0 =	rddreg [dreg:$0x2]  }
0x152: {  	s0 =	sadd.s32 @!p0 $0x100000, s0  }
0x153: {  	[sflag:s0] =	ssyncadd.tile.s32 @!p0 $0x1;
	_ =	shalt  }
.Lfunc_end2:
_tile_overlayer_lowered:
.L_overlay_start_2:
0x154: {  	(tag) =	ssettag $0x2  }
0x155: {  	s0 =	rddreg [dreg:$0x0];
	s2 =	stileid.u32  }
0x156: {  	s1 =	rddreg [dreg:$0x1];
	p0 =	sne.s32 s2, $0x0  }
0x157: {  	s3 =	rddreg [dreg:$0x2];
	[bflag:$0x3] =	sbarrier.arrive $0xFFFF;
	s2 =	simm.s32 @!p0 $0x1C04  }
0x158: {  	[timem:s3], [sflag:s2] =	dma.local @!p0 [hbm:s0], s1  }
0x159: {  	s0 =	simm.s32 @!p0 $0x4  }
0x15a: {  	_ =	swait.ge @!p0 [sflag:s0], s1  }
0x15b: {  	s1 =	ssub.s32 @!p0 $0x0, s1;
	[sflag:s0] =	ssyncset.done @!p0 $0x0  }
0x15c: {  	[sflag:s0] =	ssyncadd.s32 @!p0 s1  }
0x15d: {  	[bflag:$0x3] =	sbarrier.arrive $0xFFFF  }
0x15e: {  	_ =	shalt  }

// kernel: kernel.14.cloned.1.call-start
scs
__scs_entry_jumppad:
0x0: {  	(pc) =	sbr.rel $0x88, $3  }
0x1: {  	(tag) =	ssettag $0x0;
	lr =	simm.s32 $0x1  }
0x2: {  	[smem:$0x3F87] =	sst lr;
	_ =	strace $0xD0000000  }
0x3: {  	_ = 	snop  }
0x4: {  	_ = 	snop  }
0x5: {  	_ = 	snop  }
0x6: {  	_ = 	snop  }
0x7: {  	_ = 	snop  }
__scs_overlays_trampoline_lowered:
0x8: {  	[smem:$0x3F96] =	sst s0  }
0x9: {  	[smem:$0x3F97] =	sst s1  }
0xa: {  	[smem:$0x3F98] =	sst s2  }
0xb: {  	[smem:$0x3F99] =	sst s3  }
0xc: {  	[smem:$0x3F9A] =	sst s4  }
0xd: {  	[smem:$0x3F9B] =	sst s5  }
0xe: {  	[smem:$0x3F9C] =	sst s6  }
0xf: {  	[smem:$0x3F9D] =	sst s7  }
0x10: {  	[smem:$0x3F9E] =	sst s8  }
0x11: {  	[smem:$0x3F9F] =	sst s9;
	s0 =	simm.s32 @!p0 $0x0  }
0x12: {  	s1 =	sld [smem:$0x3F85];
	s0 =	simm.s32 @p0 $0x1  }
0x13: {  	[smem:$0x3FA0] =	sst s0;
	s0 =	simm.s32 @!p1 $0x0  }
0x14: {  	s2 =	sld [smem:$0x3F84];
	s0 =	simm.s32 @p1 $0x1  }
0x15: {  	[smem:$0x3FA1] =	sst s0;
	s0 =	simm.s32 @!p2 $0x0  }
0x16: {  	s3 =	sld [smem:$0x3FDB];
	s0 =	simm.s32 @p2 $0x1  }
0x17: {  	s4 =	simm.s32 $0x1BF5;
	[smem:$0x3FA3] =	sst s0  }
0x18: {  	s0 =	sld [smem:$0x3F86];
	_ =	swait.ge [sflag:s4], $0x0  }
0x19: {  	s7 =	sld [smem:$0x3F87]  }
0x1a: {  	s8 =	sadd.s32 $0xFFFFE003, lr  }
0x1b: {  	s9 =	sadd.s32 $0xFFFFFEF7, lr;
	s5 =	simm.s32 $0xFFFFFFFF;
	p2 =	slt.u32 s8, $0xFFFFF086  }
0x1c: {  	p1 =	slt.u32 s9, $0xF7A;
	s5 =	simm.s32 @!p2 $0x0  }
0x1d: {  	s5 =	simm.s32 @p1 $0x1;
	p0 =	seq.s32 s7, s2  }
0x1e: {  	s7 =	smul.u32 @!p0 $0xF7A, s2;
	p2 =	seq.s32 @!p0 s5, $0x0  }
0x1f: {  	s9 =	smul.u32 $0xF7A, s1;
	s8 =	simm.s32 @!p0 $0x1BF5;
	p2 =	por !p2, p0  }
0x20: {  	[sflag:s8] =	ssyncset.s32 @!p0 $0xFFFFF086;
	s6 =	sadd.s32 @!p0 s3, s7;
	s7 =	simm.s32 @!p0 $0x108  }
0x21: {  	s3 =	sadd.s32 s3, s9;
	s6 =	sadd.s32 @!p0 $0x88, s6;
	s7 =	simm.s32 @p2 $0x1082  }
0x22: {  	[simem:s7], [sflag:s8] =	dma.local @!p0 [hbm:s6], $0xF7A  }
0x23: {  	s9 =	sor.u32 $0xD0000000, s2;
	s6 =	simm.s32 $0x108;
	_ =	swait.ge @!p0 [sflag:s8], $0x0  }
0x24: {  	s3 =	sadd.s32 $0x88, s3;
	s6 =	simm.s32 @!p1 $0x1082;
	[sflag:s4] =	ssyncset.s32 $0xFFFFF086  }
0x25: {  	[simem:s6], [sflag:s4] =	dma.local [hbm:s3], $0xF7A  }
0x26: {  	[smem:$0x3F87] =	sst s1;
	(tag) =	ssettag s2;
	_ =	strace s9  }
0x27: {  	s1 =	sld [smem:$0x3F97]  }
0x28: {  	s2 =	sld [smem:$0x3F98]  }
0x29: {  	s4 =	sld [smem:$0x3F9A]  }
0x2a: {  	p0 =	seq.s32 s5, $0x0;
	s5 =	sld [smem:$0x3F9B]  }
0x2b: {  	s6 =	sld [smem:$0x3F9C]  }
0x2c: {  	s7 =	sld [smem:$0x3F9D]  }
0x2d: {  	s3 =	simm.s32 $0x108;
	s8 =	sld [smem:$0x3F9E]  }
0x2e: {  	s3 =	simm.s32 @!p0 $0x1082;
	s9 =	sld [smem:$0x3F9F]  }
0x2f: {  	lr =	sadd.s32 s0, s3;
	s0 =	sld [smem:$0x3F96]  }
0x30: {  	s3 =	sld [smem:$0x3F99]  }
0x31: {  	[smem:$0x3FA2] =	sst s10  }
0x32: {  	s10 =	sld [smem:$0x3FA0];
	_ =	sdelay $0x3  }
0x33: {  	p0 =	seq.s32 s10, $0x1;
	s10 =	sld [smem:$0x3FA2];
	_ =	sdelay $0x3  }
0x34: {  	[smem:$0x3FA2] =	sst s10  }
0x35: {  	s10 =	sld [smem:$0x3FA1];
	_ =	sdelay $0x3  }
0x36: {  	p1 =	seq.s32 s10, $0x1;
	s10 =	sld [smem:$0x3FA2];
	_ =	sdelay $0x3  }
0x37: {  	[smem:$0x3FA2] =	sst s10  }
0x38: {  	s10 =	sld [smem:$0x3FA3]  }
0x39: {  	_ = 	snop;
	(pc) =	sbr.ind lr, $3  }
0x3a: {  	_ = 	snop  }
0x3b: {  	_ = 	snop  }
0x3c: {  	p2 =	seq.s32 s10, $0x1;
	s10 =	sld [smem:$0x3FA2]  }
0x3d: {  	_ =	shalt  }
0x3e: {  	_ =	shalt  }
0x3f: {  	_ =	shalt  }
0x40: {  	_ =	shalt  }
0x41: {  	_ =	shalt  }
0x42: {  	_ =	shalt  }
0x43: {  	_ =	shalt  }
0x44: {  	_ =	shalt  }
0x45: {  	_ =	shalt  }
0x46: {  	_ =	shalt  }
0x47: {  	_ =	shalt  }
0x48: {  	_ =	shalt  }
0x49: {  	_ =	shalt  }
0x4a: {  	_ =	shalt  }
0x4b: {  	_ =	shalt  }
0x4c: {  	_ =	shalt  }
0x4d: {  	_ =	shalt  }
0x4e: {  	_ =	shalt  }
0x4f: {  	_ =	shalt  }
0x50: {  	_ =	shalt  }
0x51: {  	_ =	shalt  }
0x52: {  	_ =	shalt  }
0x53: {  	_ =	shalt  }
0x54: {  	_ =	shalt  }
0x55: {  	_ =	shalt  }
0x56: {  	_ =	shalt  }
0x57: {  	_ =	shalt  }
0x58: {  	_ =	shalt  }
0x59: {  	_ =	shalt  }
0x5a: {  	_ =	shalt  }
0x5b: {  	_ =	shalt  }
0x5c: {  	_ =	shalt  }
0x5d: {  	_ =	shalt  }
0x5e: {  	_ =	shalt  }
0x5f: {  	_ =	shalt  }
0x60: {  	_ =	shalt  }
0x61: {  	_ =	shalt  }
0x62: {  	_ =	shalt  }
0x63: {  	_ =	shalt  }
0x64: {  	_ =	shalt  }
0x65: {  	_ =	shalt  }
0x66: {  	_ =	shalt  }
0x67: {  	_ =	shalt  }
0x68: {  	_ =	shalt  }
0x69: {  	_ =	shalt  }
0x6a: {  	_ =	shalt  }
0x6b: {  	_ =	shalt  }
0x6c: {  	_ =	shalt  }
0x6d: {  	_ =	shalt  }
0x6e: {  	_ =	shalt  }
0x6f: {  	_ =	shalt  }
0x70: {  	_ =	shalt  }
0x71: {  	_ =	shalt  }
0x72: {  	_ =	shalt  }
0x73: {  	_ =	shalt  }
0x74: {  	_ =	shalt  }
0x75: {  	_ =	shalt  }
0x76: {  	_ =	shalt  }
0x77: {  	_ =	shalt  }
0x78: {  	_ =	shalt  }
0x79: {  	_ =	shalt  }
0x7a: {  	_ =	shalt  }
0x7b: {  	_ =	shalt  }
0x7c: {  	_ =	shalt  }
0x7d: {  	_ =	shalt  }
0x7e: {  	_ =	shalt  }
0x7f: {  	_ =	shalt  }
0x80: {  	_ =	shalt  }
0x81: {  	_ =	shalt  }
0x82: {  	_ =	shalt  }
0x83: {  	_ =	shalt  }
0x84: {  	_ =	shalt  }
0x85: {  	_ =	shalt  }
0x86: {  	_ =	shalt  }
0x87: {  	_ =	shalt  }
.Lfunc_end0:
.L_simem_size_0:
called_computation.1_lowered:
.L_overlay_start_0:
0x88: {  	s2 =	sld [smem:$0x3FD9]  }
0x89: {  	s3 =	sld [smem:$0x3FFE];
	_ =	sdelay $0x1  }
0x8a: {  	s1 =	srdreg.scid  }
0x8b: {  	s0 =	sand.u32 $0x1, s1  }
0x8c: {  	s16 =	sshll.u32 s0, $0xA;
	s2 =	sadd.s32 s3, s2  }
0x8d: {  	s2 =	sadd.s32 s2, s16  }
0x8e: {  	[smem:$0x3FAE] =	sst s2  }
0x8f: {  	_ = 	snop  }
0x90: {  	(tm) =	ssettm $0x1  }
0x91: {  	s17 =	sld [smem:$0x3FFB];
	_ =	sdelay $0x3  }
0x92: {  	_ =	strace s17  }
0x93: {  	s2 =	sld [smem:$0x3FFC];
	_ =	sdelay $0x3  }
0x94: {  	_ =	strace s2  }
0x95: {  	s2 =	sld [smem:$0x3FFD];
	_ =	sdelay $0x3  }
0x96: {  	_ =	strace s2  }
0x97: {  	_ =	strace $0x8FFFFFFF  }
0x98: {  	s18 =	sld [smem:$0x3FDB];
	_ =	sdelay $0x1  }
0x99: {  	s19 =	simm.s32 $_scs_section_size  }
0x9a: {  	s4 =	simm.s32 $_size__tile_overlayer_lowered;
	s5 =	simm.s32 $_tile_overlayer_lowered  }
0x9b: {  	s22 =	simm.s32 $0x1BFF;
	s21 =	sshll.u32 s5, $0x1;
	s2 =	sadd.s32 s19, s18  }
0x9c: {  	s6 =	simm.s32 $0x0;
	s20 =	sshll.u32 s4, $0x1;
	s4 =	sadd.s32 s21, s2  }
0x9d: {  	[timem:s6], [sflag:s22] =	dma.local [hbm:s4], s20  }
0x9e: {  	_ =	swait.ge [sflag:s22], s20  }
0x9f: {  	s3 =	ssub.s32 $0x0, s20;
	[sflag:s22] =	ssyncset.done $0x0  }
0xa0: {  	[sflag:s22] =	ssyncadd.s32 s3;
	_ =	sdelay $0x1  }
0xa1: {  	s23 =	simm.s32 $0x1B8B  }
0xa2: {  	_ =	swait.ge [sflag:s23], $0x1  }
0xa3: {  	[sflag:s23] =	ssyncset.done $0x0  }
0xa4: {  	s25 =	simm.s32 $0x1B8E;
	s24 =	sld [smem:$0x3FFE];
	[sflag:s23] =	ssyncadd.s32 $0xFFFFFFFF  }
0xa5: {  	s26 =	simm.s32 $execute0_lowered;
	[smem:$0x3FD2] =	sst s25  }
0xa6: {  	s4 =	sshll.u32 s26, $0x1;
	_ =	strace $0x80000049;
	[dreg:$0x1] =	wrdreg $0xFFFFFFFF  }
0xa7: {  	s28 =	simm.s32 $_size_execute0_lowered;
	s2 =	sadd.s32 s2, s4;
	[dreg:$0x0] =	wrdreg $0x0  }
0xa8: {  	s4 =	sshll.u32 s28, $0x1;
	[dreg:$0x2] =	wrdreg s2  }
0xa9: {  	[dreg:$0x3] =	wrdreg s4  }
0xaa: {  	[dreg:$0x4] =	wrdreg $0xC0  }
0xab: {  	_ =	task [dreg:s6], $0x5FFFF  }
0xac: {  	[dreg:$0x1] =	wrdreg $0xFFFFFFFF  }
0xad: {  	[dreg:$0x0] =	wrdreg $0x60  }
0xae: {  	[dreg:$0x2] =	wrdreg s24  }
0xaf: {  	[dreg:$0x3] =	wrdreg $0x84000  }
0xb0: {  	[dreg:$0x4] =	wrdreg $0x9  }
0xb1: {  	_ =	task.clear_ibuf [dreg:s6], $0x5FFFF;
	_ =	strace $0x90000049  }
0xb2: {  	s29 =	simm.s32 $0x9;
	_ =	strace $0x8000004B  }
0xb3: {  	_ =	swait.ge [sflag:s29], $0x1  }
0xb4: {  	[sflag:s29] =	ssyncadd.s32 $0xFFFFFFFF  }
0xb5: {  	_ =	strace $0x9000004B  }
0xb6: {  	_ =	sfence  }
0xb7: {  	s30 =	sld [smem:$0x0];
	_ =	sdelay $0x2  }
0xb8: {  	s31 =	sshll.u32 s1, $0xD;
	s1 =	sshrl.u32 s1, $0x2  }
0xb9: {  	s3 =	sand.u32 $0x4000, s31;
	s1 =	sadd.s32 s1, s30  }
0xba: {  	s0 =	sor.u32 s3, s0;
	s1 =	sshll.u32 s1, $0x11  }
0xbb: {  	s0 =	sor.u32 s1, s0  }
0xbc: {  	s0 =	sadd.s32 $0x8F2B, s0  }
0xbd: {  	[sflag:s0] =	ssyncadd.remote.s32 $0x1  }
0xbe: {  	_ =	sfence.sel $0xFFFF  }
0xbf: {  	[dreg:$0x0] =	wrdreg $0xFFFFFFFF;
	(pc) =	sbr.abs _section_cstart, $3  }
0xc0: {  	[dreg:$0x1] =	wrdreg $0xFFFFFFFF  }
0xc1: {  	_ =	task.clear_ibuf [dreg:s6], $0x2FFFF;
	_ =	strace $0x9FFFFFFF  }
0xc2: {  	(tm) =	ssettm $0x7FFFFFFF  }
0xc3: {  	_ =	shalt  }
tec
execute0_lowered:
.L_overlay_start_1:
0x0: {  	(tag) =	ssettag $0x1  }
0x1: {  	s5 =	rddreg [dreg:$0x0]  }
0x2: {  	s1 =	rddreg [dreg:$0x1];
	s0 =	srdreg.scid;
	s3 =	simm.s32 $0x0  }
0x3: {  	s9 =	stileid.u32;
	s28 =	simm.s32 $0x3;
	s29 =	simm.s32 $0x100  }
0x4: {  	s30 =	simm.s32 $0x300;
	s31 =	simm.s32 $0x4;
	s10 =	sand.u32 $0x1, s0  }
0x5: {  	[smem:$0x7FF] =	sst s3;
	s4 =	sadd.s32 $0x6AC00, s5;
	s7 =	smul.u32 $0x50000, s9  }
0x6: {  	s2 =	sadd.s32 $0x5400, s5;
	s20 =	sadd.s32 $0x1A400, s5;
	s12 =	smul.u32 $0x14000, s9  }
0x7: {  	s16 =	smul.u32 $0x2800, s9;
	s0 =	sshll.u32 s10, $0x4;
	_ =	strace $0x8000004A  }
0x8: {  	[dreg:$0xa] =	wrdreg s20;
	s21 =	ssub.s32 $0x2, s10;
	s14 =	smul.u32 $0x28000, s10  }
0x9: {  	s19 =	smul.u32 $0x140000, s10;
	s6 =	sor.u32 s9, s0;
	s0 =	sadd.s32 $0xF400, s5  }
0xa: {  	s5 =	sadd.s32 $0x92C00, s5;
	s8 =	sshrl.u32 s21, $0x1;
	s22 =	sshrl.u32 s7, $0x2  }
0xb: {  	s15 =	sadd.s32 $0x4000, s12;
	s17 =	sadd.s32 $0x8000, s12;
	s18 =	sadd.s32 $0xC000, s12  }
0xc: {  	s23 =	sadd.s32 $0x10000, s12;
	s11 =	smul.u32 $0x2800, s6;
	s13 =	ssub.s32 s21, s8  }
0xd: {  	s6 =	sadd.s32 s22, s1;
	s7 =	sadd.s32 s15, s1;
	s8 =	sadd.s32 s17, s1  }
0xe: {  	s9 =	sadd.s32 s18, s1;
	s14 =	sadd.s32 s16, s14;
	s10 =	sadd.s32 s23, s1  }
0xf: {  	s12 =	sadd.s32 s12, s19;
	s15 =	sadd.s32 s19, s15;
	s17 =	sadd.s32 s19, s17  }
0x10: {  	s18 =	sadd.s32 s19, s18;
	s16 =	sadd.s32 s19, s23;
	s20 =	sor.u32 $0x280, s14  }
0x11: {  	s25 =	sor.u32 $0x200, s14;
	s22 =	sor.u32 $0x180, s14;
	s12 =	sshrl.u32 s12, $0x3  }
0x12: {  	s15 =	sshrl.u32 s15, $0x3;
	s11 =	sshrl.u32 s11, $0x3;
	s12 =	sadd.s32 s5, s12  }
0x13: {  	s20 =	sshrl.u32 s20, $0x3;
	s21 =	sadd.s32 s0, s11;
	[dreg:$0xf] =	wrdreg s12  }
0x14: {  	s19 =	sshrl.u32 s22, $0x3;
	s24 =	sadd.s32 s20, s2;
	[dreg:$0xb] =	wrdreg s21  }
0x15: {  	s20 =	sadd.s32 s20, s0;
	s23 =	sadd.s32 s2, s11;
	[dreg:$0x3] =	wrdreg s24  }
0x16: {  	s11 =	sor.u32 $0x10, s11;
	s12 =	simm.s32 $0x380;
	[dreg:$0x4] =	wrdreg s20  }
0x17: {  	s21 =	sshrl.u32 s25, $0x3;
	[dreg:$0xc] =	wrdreg s23;
	s25 =	sadd.s32 s19, s2  }
0x18: {  	s20 =	sshrl.u32 s17, $0x3;
	s26 =	sadd.s32 s21, s2;
	[dreg:$0x7] =	wrdreg s25  }
0x19: {  	s23 =	sor.u32 $0x100, s14;
	s24 =	sadd.s32 s21, s0;
	[dreg:$0x5] =	wrdreg s26  }
0x1a: {  	s21 =	sshrl.u32 s18, $0x3;
	s25 =	sadd.s32 s19, s0;
	[dreg:$0x6] =	wrdreg s24  }
0x1b: {  	s26 =	sadd.s32 s0, s11;
	s11 =	sadd.s32 s2, s11;
	[dreg:$0x8] =	wrdreg s25  }
0x1c: {  	s22 =	sadd.s32 s5, s21;
	s24 =	sshrl.u32 s16, $0x3;
	[dreg:$0xd] =	wrdreg s26  }
0x1d: {  	s25 =	simm.s32 $0x80;
	[dreg:$0xe] =	wrdreg s11;
	s11 =	sadd.s32 s5, s15  }
0x1e: {  	[dreg:$0x12] =	wrdreg s22;
	s26 =	smax.u32 s13, $0x1;
	s22 =	simm.s32 $0x400  }
0x1f: {  	s13 =	simm.s32 $0x0;
	[dreg:$0x10] =	wrdreg s11;
	s11 =	sadd.s32 s5, s20  }
0x20: {  	s5 =	sadd.s32 s5, s24;
	[dreg:$0x14] =	wrdreg s26;
	s24 =	simm.s32 $0x200  }
0x21: {  	s26 =	simm.s32 $0x280;
	[dreg:$0x11] =	wrdreg s11;
	s11 =	sshrl.u32 s23, $0x3  }
0x22: {  	[dreg:$0x13] =	wrdreg s5;
	s23 =	simm.s32 $0x5;
	s5 =	simm.s32 $0x2  }
0x23: {  	s2 =	sadd.s32 s11, s2;
	s21 =	sadd.s32 s11, s0;
	s0 =	simm.s32 $0x4400  }
0x24: {  	s11 =	simm.s32 $0x180;
	[dreg:$0x9] =	wrdreg s2;
	s2 =	simm.s32 $0x1  }
.LBB2_1:
0x25: {  	s14 =	rddreg [dreg:$0xa]  }
0x26: {  	[tilespmem:s22], [sflag:$0x5] =	stream.linear.gather [hbm4b:s14+s3], $0x4000, $0x38;
	[tilespmem:$0x1C400] =	vst v63  }
0x27: {  	_ =	swait.ge [sflag:s23], $0x4000  }
0x28: {  	[sflag:s23] =	ssyncset.done $0x0  }
0x29: {  	[sflag:s23] =	ssyncadd.s32 $0xFFFFC000  }
0x2a: {  	[spmem:s6] =	stream.linear.scatter [tilespmem:s22], [sflag:$0x5], $0x4000, $0x38;
	[tilespmem:$0x1C400] =	vst v63  }
0x2b: {  	_ =	swait.ge [sflag:s23], $0x4000  }
0x2c: {  	[sflag:s23] =	ssyncset.done $0x0  }
0x2d: {  	[sflag:s23] =	ssyncadd.s32 $0xFFFFC000  }
0x2e: {  	[spmem:s7] =	stream.linear.scatter [tilespmem:s22], [sflag:$0x5], $0x4000, $0x38;
	[tilespmem:$0x1C400] =	vst v63  }
0x2f: {  	_ =	swait.ge [sflag:s23], $0x4000  }
0x30: {  	[sflag:s23] =	ssyncset.done $0x0  }
0x31: {  	[sflag:s23] =	ssyncadd.s32 $0xFFFFC000  }
0x32: {  	[spmem:s8] =	stream.linear.scatter [tilespmem:s22], [sflag:$0x5], $0x4000, $0x38;
	[tilespmem:$0x1C400] =	vst v63  }
0x33: {  	_ =	swait.ge [sflag:s23], $0x4000  }
0x34: {  	[sflag:s23] =	ssyncset.done $0x0  }
0x35: {  	[sflag:s23] =	ssyncadd.s32 $0xFFFFC000  }
0x36: {  	[spmem:s9] =	stream.linear.scatter [tilespmem:s22], [sflag:$0x5], $0x4000, $0x38;
	[tilespmem:$0x1C400] =	vst v63  }
0x37: {  	_ =	swait.ge [sflag:s23], $0x4000  }
0x38: {  	[sflag:s23] =	ssyncset.done $0x0  }
0x39: {  	[sflag:s23] =	ssyncadd.s32 $0xFFFFC000  }
0x3a: {  	[spmem:s10] =	stream.linear.scatter [tilespmem:s22], [sflag:$0x5], $0x4000, $0x38;
	[tilespmem:$0x1C400] =	vst v63  }
0x3b: {  	_ =	swait.ge [sflag:s23], $0x4000  }
0x3c: {  	[sflag:s23] =	ssyncset.done $0x0  }
0x3d: {  	[sflag:s23] =	ssyncadd.s32 $0xFFFFC000  }
0x3e: {  	[bflag:$0x0] =	sbarrier.arrive $0xFFFF  }
0x3f: {  	s18 =	rddreg [dreg:$0xb]  }
0x40: {  	[tilespmem:s3], [sflag:$0x3] =	stream.linear.gather [hbm4b:s18+s3], $0x80, $0x38;
	[tilespmem:$0x1C400] =	vst v63  }
0x41: {  	s19 =	rddreg [dreg:$0xc]  }
0x42: {  	[tilespmem:s24], [sflag:$0x3] =	stream.linear.gather [hbm4b:s19+s3], $0x80, $0x38;
	[tilespmem:$0x1C400] =	vst v63  }
0x43: {  	s20 =	rddreg [dreg:$0xd]  }
0x44: {  	[tilespmem:s25], [sflag:$0x4] =	stream.linear.gather [hbm4b:s20+s3], $0x80, $0x38;
	[tilespmem:$0x1C400] =	vst v63  }
0x45: {  	s15 =	rddreg [dreg:$0xe]  }
0x46: {  	[tilespmem:s26], [sflag:$0x4] =	stream.linear.gather [hbm4b:s15+s3], $0x80, $0x38;
	[tilespmem:$0x1C400] =	vst v63  }
0x47: {  	_ =	swait.ge [sflag:s28], $0x80  }
0x48: {  	[sflag:s28] =	ssyncset.done $0x0  }
0x49: {  	[sflag:s28] =	ssyncadd.s32 $0xFFFFFF80  }
0x4a: {  	_ =	swait.ge [sflag:s28], $0x80  }
0x4b: {  	p0 =	por $0x1, $0x1;
	[sflag:s28] =	ssyncset.done $0x0  }
0x4c: {  	s14 =	simm.s32 @!p0 $0x2;
	[sflag:s28] =	ssyncadd.s32 $0xFFFFFF80  }
0x4d: {  	[tilespmem:s22], [sflag:$0x1] =	stream.indirect.gather [hbm4b:s4+s25], $0x80, s3, s25, $0xb8;
	[tilespmem:$0x1C400] =	vst v63  }
0x4e: {  	_ =	swait.ge @!p0 [sflag:s14], $0x4000  }
0x4f: {  	[sflag:s14] =	ssyncset.done @!p0 $0x0  }
0x50: {  	s16 =	sadd.s32 $0x0, s21;
	s15 =	rddreg [dreg:$0x9];
	[sflag:s14] =	ssyncadd.s32 @!p0 $0xFFFFC000  }
0x51: {  	[tilespmem:s29], [sflag:$0x3] =	stream.linear.gather [hbm4b:s16+s3], $0x80, $0x38;
	[tilespmem:$0x1C400] =	vst v63  }
0x52: {  	s17 =	sadd.s32 $0x0, s15  }
0x53: {  	[tilespmem:s30], [sflag:$0x3] =	stream.linear.gather [hbm4b:s17+s3], $0x80, $0x38;
	[tilespmem:$0x1C400] =	vst v63  }
0x54: {  	_ =	swait.ge [sflag:s31], $0x80  }
0x55: {  	[sflag:s31] =	ssyncset.done $0x0  }
0x56: {  	[sflag:s31] =	ssyncadd.s32 $0xFFFFFF80  }
0x57: {  	_ =	swait.ge [sflag:s31], $0x80  }
0x58: {  	[sflag:s31] =	ssyncset.done $0x0  }
0x59: {  	[sflag:s31] =	ssyncadd.s32 $0xFFFFFF80  }
0x5a: {  	[tilespmem:s0], [sflag:$0x1] =	stream.indirect.gather [hbm4b:s4+s25], $0x80, s25, s25, $0xb8;
	[tilespmem:$0x1C400] =	vst v63  }
0x5b: {  	_ =	swait.ge [sflag:s2], $0x4000  }
0x5c: {  	[sflag:s2] =	ssyncset.done $0x0  }
0x5d: {  	[sflag:s2] =	ssyncadd.s32 $0xFFFFC000  }
0x5e: {  	[spmem:s1] =	stream.indirect.scatter.add.f32 [tilespmem:s22], [sflag:$0x2], $0x80, s24, s25, $0xb8;
	[tilespmem:$0x1C400] =	vst v63  }
0x5f: {  	_ =	swait.ge [sflag:s5], $0x4000  }
0x60: {  	s18 =	rddreg [dreg:$0x8];
	[sflag:s5] =	ssyncset.done $0x0  }
0x61: {  	s19 =	rddreg [dreg:$0x7];
	[sflag:s5] =	ssyncadd.s32 $0xFFFFC000;
	s14 =	sadd.s32 $0x0, s18  }
0x62: {  	[tilespmem:s11], [sflag:$0x4] =	stream.linear.gather [hbm4b:s14+s3], $0x80, $0x38;
	[tilespmem:$0x1C400] =	vst v63  }
0x63: {  	s20 =	sadd.s32 $0x0, s19  }
0x64: {  	[tilespmem:s12], [sflag:$0x4] =	stream.linear.gather [hbm4b:s20+s3], $0x80, $0x38;
	[tilespmem:$0x1C400] =	vst v63  }
0x65: {  	_ =	swait.ge [sflag:s28], $0x80  }
0x66: {  	[sflag:s28] =	ssyncset.done $0x0  }
0x67: {  	[sflag:s28] =	ssyncadd.s32 $0xFFFFFF80  }
0x68: {  	_ =	swait.ge [sflag:s28], $0x80  }
0x69: {  	[sflag:s28] =	ssyncset.done $0x0  }
0x6a: {  	[sflag:s28] =	ssyncadd.s32 $0xFFFFFF80  }
0x6b: {  	[tilespmem:s22], [sflag:$0x1] =	stream.indirect.gather [hbm4b:s4+s25], $0x80, s29, s25, $0xb8;
	[tilespmem:$0x1C400] =	vst v63  }
0x6c: {  	_ =	swait.ge [sflag:s2], $0x4000  }
0x6d: {  	[sflag:s2] =	ssyncset.done $0x0  }
0x6e: {  	[sflag:s2] =	ssyncadd.s32 $0xFFFFC000  }
0x6f: {  	[spmem:s1] =	stream.indirect.scatter.add.f32 [tilespmem:s0], [sflag:$0x2], $0x80, s26, s25, $0xb8;
	[tilespmem:$0x1C400] =	vst v63  }
0x70: {  	p0 =	por $0x0, $0x0;
	_ =	swait.ge [sflag:s5], $0x4000  }
0x71: {  	s16 =	simm.s32 @!p0 $0x0;
	s14 =	rddreg [dreg:$0x6];
	[sflag:s5] =	ssyncset.done $0x0  }
0x72: {  	s15 =	rddreg [dreg:$0x5];
	[sflag:s5] =	ssyncadd.s32 $0xFFFFC000;
	s14 =	sadd.s32 @!p0 $0x0, s14  }
0x73: {  	[tilespmem:s16], [sflag:$0x3] =	stream.linear.gather @!p0 [hbm4b:s14+s16], $0x80, $0x38;
	[tilespmem:$0x1C400] =	vst v63  }
0x74: {  	s14 =	sadd.s32 @!p0 $0x0, s15;
	s15 =	simm.s32 @!p0 $0x200  }
0x75: {  	[tilespmem:s15], [sflag:$0x3] =	stream.linear.gather @!p0 [hbm4b:s14+s16], $0x80, $0x38;
	[tilespmem:$0x1C400] =	vst v63  }
0x76: {  	_ =	swait.ge [sflag:s31], $0x80  }
0x77: {  	[sflag:s31] =	ssyncset.done $0x0  }
0x78: {  	[sflag:s31] =	ssyncadd.s32 $0xFFFFFF80  }
0x79: {  	_ =	swait.ge [sflag:s31], $0x80  }
0x7a: {  	[sflag:s31] =	ssyncset.done $0x0  }
0x7b: {  	[sflag:s31] =	ssyncadd.s32 $0xFFFFFF80  }
0x7c: {  	[tilespmem:s0], [sflag:$0x1] =	stream.indirect.gather [hbm4b:s4+s25], $0x80, s11, s25, $0xb8;
	[tilespmem:$0x1C400] =	vst v63  }
0x7d: {  	_ =	swait.ge [sflag:s2], $0x4000  }
0x7e: {  	[sflag:s2] =	ssyncset.done $0x0  }
0x7f: {  	[sflag:s2] =	ssyncadd.s32 $0xFFFFC000  }
0x80: {  	[spmem:s1] =	stream.indirect.scatter.add.f32 [tilespmem:s22], [sflag:$0x2], $0x80, s30, s25, $0xb8;
	[tilespmem:$0x1C400] =	vst v63  }
0x81: {  	_ =	swait.ge [sflag:s5], $0x4000  }
0x82: {  	s17 =	simm.s32 @!p0 $0x80;
	s14 =	rddreg [dreg:$0x4];
	[sflag:s5] =	ssyncset.done $0x0  }
0x83: {  	s15 =	rddreg [dreg:$0x3];
	[sflag:s5] =	ssyncadd.s32 $0xFFFFC000;
	s14 =	sadd.s32 @!p0 $0x0, s14  }
0x84: {  	[tilespmem:s17], [sflag:$0x4] =	stream.linear.gather @!p0 [hbm4b:s14+s16], $0x80, $0x38;
	[tilespmem:$0x1C400] =	vst v63  }
0x85: {  	s14 =	sadd.s32 @!p0 $0x0, s15;
	s15 =	simm.s32 @!p0 $0x280  }
0x86: {  	[tilespmem:s15], [sflag:$0x4] =	stream.linear.gather @!p0 [hbm4b:s14+s16], $0x80, $0x38;
	[tilespmem:$0x1C400] =	vst v63  }
0x87: {  	s14 =	simm.s32 @!p0 $0x3  }
0x88: {  	_ =	swait.ge @!p0 [sflag:s14], $0x80  }
0x89: {  	[sflag:s14] =	ssyncset.done @!p0 $0x0  }
0x8a: {  	[sflag:s14] =	ssyncadd.s32 @!p0 $0xFFFFFF80  }
0x8b: {  	_ =	swait.ge @!p0 [sflag:s14], $0x80  }
0x8c: {  	[sflag:s14] =	ssyncset.done @!p0 $0x0  }
0x8d: {  	[sflag:s14] =	ssyncadd.s32 @!p0 $0xFFFFFF80;
	s14 =	simm.s32 @!p0 $0x400  }
0x8e: {  	[tilespmem:s14], [sflag:$0x1] =	stream.indirect.gather @!p0 [hbm4b:s4+s17], $0x80, s16, s17, $0xb8;
	[tilespmem:$0x1C400] =	vst v63  }
0x8f: {  	p1 =	por $0x0, $0x0;
	_ =	swait.ge [sflag:s2], $0x4000  }
0x90: {  	s15 =	simm.s32 $0x80;
	s14 =	simm.s32 $0x40;
	[sflag:s2] =	ssyncset.done $0x0  }
.LBB2_2:
0x91: {  	s17 =	simm.s32 @!p1 $0x2;
	[sflag:s2] =	ssyncadd.s32 $0xFFFFC000  }
0x92: {  	[spmem:s1] =	stream.indirect.scatter.add.f32 [tilespmem:s0], [sflag:$0x2], $0x80, s12, s25, $0xb8;
	[tilespmem:$0x1C400] =	vst v63  }
0x93: {  	_ =	swait.ge @!p1 [sflag:s17], $0x4000  }
0x94: {  	[sflag:s17] =	ssyncset.done @!p1 $0x0  }
0x95: {  	s19 =	sadd.s32 s14, s21;
	s18 =	rddreg [dreg:$0x9];
	[sflag:s17] =	ssyncadd.s32 @!p1 $0xFFFFC000  }
0x96: {  	[tilespmem:s29], [sflag:$0x3] =	stream.linear.gather [hbm4b:s19+s3], $0x80, $0x38;
	[tilespmem:$0x1C400] =	vst v63  }
0x97: {  	s20 =	sadd.s32 s14, s18  }
0x98: {  	[tilespmem:s30], [sflag:$0x3] =	stream.linear.gather [hbm4b:s20+s3], $0x80, $0x38;
	[tilespmem:$0x1C400] =	vst v63  }
0x99: {  	_ =	swait.ge [sflag:s31], $0x80  }
0x9a: {  	[sflag:s31] =	ssyncset.done $0x0  }
0x9b: {  	[sflag:s31] =	ssyncadd.s32 $0xFFFFFF80  }
0x9c: {  	_ =	swait.ge [sflag:s31], $0x80  }
0x9d: {  	[sflag:s31] =	ssyncset.done $0x0  }
0x9e: {  	[sflag:s31] =	ssyncadd.s32 $0xFFFFFF80  }
0x9f: {  	[tilespmem:s0], [sflag:$0x1] =	stream.indirect.gather [hbm4b:s4+s25], $0x80, s25, s25, $0xb8;
	[tilespmem:$0x1C400] =	vst v63  }
0xa0: {  	_ =	swait.ge [sflag:s2], $0x4000  }
0xa1: {  	[sflag:s2] =	ssyncset.done $0x0  }
0xa2: {  	[sflag:s2] =	ssyncadd.s32 $0xFFFFC000  }
0xa3: {  	[spmem:s1] =	stream.indirect.scatter.add.f32 [tilespmem:s22], [sflag:$0x2], $0x80, s24, s25, $0xb8;
	[tilespmem:$0x1C400] =	vst v63  }
0xa4: {  	_ =	swait.ge [sflag:s5], $0x4000  }
0xa5: {  	s18 =	rddreg [dreg:$0x8];
	[sflag:s5] =	ssyncset.done $0x0  }
0xa6: {  	s19 =	rddreg [dreg:$0x7];
	[sflag:s5] =	ssyncadd.s32 $0xFFFFC000;
	s17 =	sadd.s32 s14, s18  }
0xa7: {  	[tilespmem:s11], [sflag:$0x4] =	stream.linear.gather [hbm4b:s17+s3], $0x80, $0x38;
	[tilespmem:$0x1C400] =	vst v63  }
0xa8: {  	s20 =	sadd.s32 s14, s19  }
0xa9: {  	[tilespmem:s12], [sflag:$0x4] =	stream.linear.gather [hbm4b:s20+s3], $0x80, $0x38;
	[tilespmem:$0x1C400] =	vst v63  }
0xaa: {  	_ =	swait.ge [sflag:s28], $0x80  }
0xab: {  	[sflag:s28] =	ssyncset.done $0x0  }
0xac: {  	[sflag:s28] =	ssyncadd.s32 $0xFFFFFF80  }
0xad: {  	_ =	swait.ge [sflag:s28], $0x80  }
0xae: {  	[sflag:s28] =	ssyncset.done $0x0  }
0xaf: {  	[sflag:s28] =	ssyncadd.s32 $0xFFFFFF80  }
0xb0: {  	[tilespmem:s22], [sflag:$0x1] =	stream.indirect.gather [hbm4b:s4+s25], $0x80, s29, s25, $0xb8;
	[tilespmem:$0x1C400] =	vst v63  }
0xb1: {  	_ =	swait.ge [sflag:s2], $0x4000  }
0xb2: {  	[sflag:s2] =	ssyncset.done $0x0  }
0xb3: {  	[sflag:s2] =	ssyncadd.s32 $0xFFFFC000  }
0xb4: {  	[spmem:s1] =	stream.indirect.scatter.add.f32 [tilespmem:s0], [sflag:$0x2], $0x80, s26, s25, $0xb8;
	[tilespmem:$0x1C400] =	vst v63  }
0xb5: {  	_ =	swait.ge [sflag:s5], $0x4000  }
0xb6: {  	s17 =	rddreg [dreg:$0x6]  }
0xb7: {  	p1 =	seq.s32 s14, $0x4C0;
	[sflag:s5] =	ssyncset.done $0x0;
	s18 =	rddreg [dreg:$0x5]  }
0xb8: {  	[sflag:s5] =	ssyncadd.s32 $0xFFFFC000;
	s19 =	sadd.s32 @!p1 s14, s17;
	s17 =	simm.s32 @!p1 $0x0  }
0xb9: {  	[tilespmem:s17], [sflag:$0x3] =	stream.linear.gather @!p1 [hbm4b:s19+s17], $0x80, $0x38;
	[tilespmem:$0x1C400] =	vst v63  }
0xba: {  	s18 =	sadd.s32 @!p1 s14, s18;
	s19 =	simm.s32 @!p1 $0x200  }
0xbb: {  	[tilespmem:s19], [sflag:$0x3] =	stream.linear.gather @!p1 [hbm4b:s18+s17], $0x80, $0x38;
	[tilespmem:$0x1C400] =	vst v63  }
0xbc: {  	_ =	swait.ge [sflag:s31], $0x80  }
0xbd: {  	[sflag:s31] =	ssyncset.done $0x0  }
0xbe: {  	[sflag:s31] =	ssyncadd.s32 $0xFFFFFF80  }
0xbf: {  	_ =	swait.ge [sflag:s31], $0x80  }
0xc0: {  	[sflag:s31] =	ssyncset.done $0x0  }
0xc1: {  	[sflag:s31] =	ssyncadd.s32 $0xFFFFFF80  }
0xc2: {  	[tilespmem:s0], [sflag:$0x1] =	stream.indirect.gather [hbm4b:s4+s25], $0x80, s11, s25, $0xb8;
	[tilespmem:$0x1C400] =	vst v63  }
0xc3: {  	_ =	swait.ge [sflag:s2], $0x4000  }
0xc4: {  	[sflag:s2] =	ssyncset.done $0x0  }
0xc5: {  	[sflag:s2] =	ssyncadd.s32 $0xFFFFC000  }
0xc6: {  	[spmem:s1] =	stream.indirect.scatter.add.f32 [tilespmem:s22], [sflag:$0x2], $0x80, s30, s25, $0xb8;
	[tilespmem:$0x1C400] =	vst v63  }
0xc7: {  	_ =	swait.ge [sflag:s5], $0x4000  }
0xc8: {  	s20 =	simm.s32 @!p1 $0x80;
	s18 =	rddreg [dreg:$0x4];
	[sflag:s5] =	ssyncset.done $0x0  }
0xc9: {  	s19 =	rddreg [dreg:$0x3];
	[sflag:s5] =	ssyncadd.s32 $0xFFFFC000;
	s18 =	sadd.s32 @!p1 s14, s18  }
0xca: {  	[tilespmem:s20], [sflag:$0x4] =	stream.linear.gather @!p1 [hbm4b:s18+s17], $0x80, $0x38;
	[tilespmem:$0x1C400] =	vst v63  }
0xcb: {  	s14 =	sadd.s32 @!p1 s14, s19;
	s19 =	simm.s32 @!p1 $0x3;
	s18 =	simm.s32 @!p1 $0x280  }
0xcc: {  	[tilespmem:s18], [sflag:$0x4] =	stream.linear.gather @!p1 [hbm4b:s14+s17], $0x80, $0x38;
	[tilespmem:$0x1C400] =	vst v63  }
0xcd: {  	_ =	swait.ge @!p1 [sflag:s19], $0x80  }
0xce: {  	[sflag:s19] =	ssyncset.done @!p1 $0x0  }
0xcf: {  	s16 =	smov.u32 s15;
	s15 =	sadd.s32 $0x40, s15;
	[sflag:s19] =	ssyncadd.s32 @!p1 $0xFFFFFF80  }
0xd0: {  	p0 =	sne.s32 s15, $0x500;
	_ =	swait.ge @!p1 [sflag:s19], $0x80  }
.Ltmp0:
0xd1: {  	[sflag:s19] =	ssyncset.done @!p1 $0x0;
	(pc) =	sbr.rel @p0 .LBB2_2-.Ltmp0, $4  }
0xd2: {  	s14 =	smov.u32 s16;
	s16 =	simm.s32 @!p1 $0x400;
	[sflag:s19] =	ssyncadd.s32 @!p1 $0xFFFFFF80  }
0xd3: {  	[tilespmem:s16], [sflag:$0x1] =	stream.indirect.gather @!p1 [hbm4b:s4+s20], $0x80, s17, s20, $0xb8;
	[tilespmem:$0x1C400] =	vst v63  }
0xd4: {  	_ =	swait.ge [sflag:s2], $0x4000  }
0xd5: {  	p1 =	seq.s32 s14, $0x0;
	[sflag:s2] =	ssyncset.done $0x0  }
0xd6: {  	s15 =	simm.s32 @!p1 $0x2;
	[sflag:s2] =	ssyncadd.s32 $0xFFFFC000  }
0xd7: {  	[spmem:s1] =	stream.indirect.scatter.add.f32 [tilespmem:s0], [sflag:$0x2], $0x80, s12, s25, $0xb8;
	[tilespmem:$0x1C400] =	vst v63  }
0xd8: {  	_ =	swait.ge @!p1 [sflag:s15], $0x4000  }
0xd9: {  	[sflag:s15] =	ssyncset.done @!p1 $0x0  }
0xda: {  	s17 =	sadd.s32 s14, s21;
	s16 =	rddreg [dreg:$0x9];
	[sflag:s15] =	ssyncadd.s32 @!p1 $0xFFFFC000  }
0xdb: {  	[tilespmem:s29], [sflag:$0x3] =	stream.linear.gather [hbm4b:s17+s3], $0x80, $0x38;
	[tilespmem:$0x1C400] =	vst v63  }
0xdc: {  	s18 =	sadd.s32 s14, s16  }
0xdd: {  	[tilespmem:s30], [sflag:$0x3] =	stream.linear.gather [hbm4b:s18+s3], $0x80, $0x38;
	[tilespmem:$0x1C400] =	vst v63  }
0xde: {  	_ =	swait.ge [sflag:s31], $0x80  }
0xdf: {  	[sflag:s31] =	ssyncset.done $0x0  }
0xe0: {  	[sflag:s31] =	ssyncadd.s32 $0xFFFFFF80  }
0xe1: {  	_ =	swait.ge [sflag:s31], $0x80  }
0xe2: {  	[sflag:s31] =	ssyncset.done $0x0  }
0xe3: {  	[sflag:s31] =	ssyncadd.s32 $0xFFFFFF80  }
0xe4: {  	[tilespmem:s0], [sflag:$0x1] =	stream.indirect.gather [hbm4b:s4+s25], $0x80, s25, s25, $0xb8;
	[tilespmem:$0x1C400] =	vst v63  }
0xe5: {  	_ =	swait.ge [sflag:s2], $0x4000  }
0xe6: {  	[sflag:s2] =	ssyncset.done $0x0  }
0xe7: {  	[sflag:s2] =	ssyncadd.s32 $0xFFFFC000  }
0xe8: {  	[spmem:s1] =	stream.indirect.scatter.add.f32 [tilespmem:s22], [sflag:$0x2], $0x80, s24, s25, $0xb8;
	[tilespmem:$0x1C400] =	vst v63  }
0xe9: {  	_ =	swait.ge [sflag:s5], $0x4000  }
0xea: {  	s19 =	rddreg [dreg:$0x8];
	[sflag:s5] =	ssyncset.done $0x0  }
0xeb: {  	s20 =	rddreg [dreg:$0x7];
	[sflag:s5] =	ssyncadd.s32 $0xFFFFC000;
	s15 =	sadd.s32 s14, s19  }
0xec: {  	[tilespmem:s11], [sflag:$0x4] =	stream.linear.gather [hbm4b:s15+s3], $0x80, $0x38;
	[tilespmem:$0x1C400] =	vst v63  }
0xed: {  	s17 =	sadd.s32 s14, s20  }
0xee: {  	[tilespmem:s12], [sflag:$0x4] =	stream.linear.gather [hbm4b:s17+s3], $0x80, $0x38;
	[tilespmem:$0x1C400] =	vst v63  }
0xef: {  	_ =	swait.ge [sflag:s28], $0x80  }
0xf0: {  	[sflag:s28] =	ssyncset.done $0x0  }
0xf1: {  	[sflag:s28] =	ssyncadd.s32 $0xFFFFFF80  }
0xf2: {  	_ =	swait.ge [sflag:s28], $0x80  }
0xf3: {  	[sflag:s28] =	ssyncset.done $0x0  }
0xf4: {  	[sflag:s28] =	ssyncadd.s32 $0xFFFFFF80  }
0xf5: {  	[tilespmem:s22], [sflag:$0x1] =	stream.indirect.gather [hbm4b:s4+s25], $0x80, s29, s25, $0xb8;
	[tilespmem:$0x1C400] =	vst v63  }
0xf6: {  	_ =	swait.ge [sflag:s2], $0x4000  }
0xf7: {  	[sflag:s2] =	ssyncset.done $0x0  }
0xf8: {  	[sflag:s2] =	ssyncadd.s32 $0xFFFFC000  }
0xf9: {  	[spmem:s1] =	stream.indirect.scatter.add.f32 [tilespmem:s0], [sflag:$0x2], $0x80, s26, s25, $0xb8;
	[tilespmem:$0x1C400] =	vst v63  }
0xfa: {  	p0 =	seq.s32 s14, $0x4C0;
	_ =	swait.ge [sflag:s5], $0x4000  }
0xfb: {  	s17 =	simm.s32 @!p0 $0x0;
	s15 =	rddreg [dreg:$0x6];
	[sflag:s5] =	ssyncset.done $0x0  }
0xfc: {  	s16 =	rddreg [dreg:$0x5];
	[sflag:s5] =	ssyncadd.s32 $0xFFFFC000;
	s15 =	sadd.s32 @!p0 s14, s15  }
0xfd: {  	[tilespmem:s17], [sflag:$0x3] =	stream.linear.gather @!p0 [hbm4b:s15+s17], $0x80, $0x38;
	[tilespmem:$0x1C400] =	vst v63  }
0xfe: {  	s15 =	sadd.s32 @!p0 s14, s16;
	s16 =	simm.s32 @!p0 $0x200  }
0xff: {  	[tilespmem:s16], [sflag:$0x3] =	stream.linear.gather @!p0 [hbm4b:s15+s17], $0x80, $0x38;
	[tilespmem:$0x1C400] =	vst v63  }
0x100: {  	_ =	swait.ge [sflag:s31], $0x80  }
0x101: {  	[sflag:s31] =	ssyncset.done $0x0  }
0x102: {  	[sflag:s31] =	ssyncadd.s32 $0xFFFFFF80  }
0x103: {  	_ =	swait.ge [sflag:s31], $0x80  }
0x104: {  	[sflag:s31] =	ssyncset.done $0x0  }
0x105: {  	[sflag:s31] =	ssyncadd.s32 $0xFFFFFF80  }
0x106: {  	[tilespmem:s0], [sflag:$0x1] =	stream.indirect.gather [hbm4b:s4+s25], $0x80, s11, s25, $0xb8;
	[tilespmem:$0x1C400] =	vst v63  }
0x107: {  	_ =	swait.ge [sflag:s2], $0x4000  }
0x108: {  	[sflag:s2] =	ssyncset.done $0x0  }
0x109: {  	[sflag:s2] =	ssyncadd.s32 $0xFFFFC000  }
0x10a: {  	[spmem:s1] =	stream.indirect.scatter.add.f32 [tilespmem:s22], [sflag:$0x2], $0x80, s30, s25, $0xb8;
	[tilespmem:$0x1C400] =	vst v63  }
0x10b: {  	_ =	swait.ge [sflag:s5], $0x4000  }
0x10c: {  	s18 =	simm.s32 @!p0 $0x80;
	s15 =	rddreg [dreg:$0x4];
	[sflag:s5] =	ssyncset.done $0x0  }
0x10d: {  	s16 =	rddreg [dreg:$0x3];
	[sflag:s5] =	ssyncadd.s32 $0xFFFFC000;
	s15 =	sadd.s32 @!p0 s14, s15  }
0x10e: {  	[tilespmem:s18], [sflag:$0x4] =	stream.linear.gather @!p0 [hbm4b:s15+s17], $0x80, $0x38;
	[tilespmem:$0x1C400] =	vst v63  }
0x10f: {  	s14 =	sadd.s32 @!p0 s14, s16;
	s15 =	simm.s32 @!p0 $0x280  }
0x110: {  	[tilespmem:s15], [sflag:$0x4] =	stream.linear.gather @!p0 [hbm4b:s14+s17], $0x80, $0x38;
	[tilespmem:$0x1C400] =	vst v63  }
0x111: {  	s14 =	simm.s32 @!p0 $0x3  }
0x112: {  	_ =	swait.ge @!p0 [sflag:s14], $0x80  }
0x113: {  	[sflag:s14] =	ssyncset.done @!p0 $0x0  }
0x114: {  	[sflag:s14] =	ssyncadd.s32 @!p0 $0xFFFFFF80  }
0x115: {  	_ =	swait.ge @!p0 [sflag:s14], $0x80  }
0x116: {  	[sflag:s14] =	ssyncset.done @!p0 $0x0  }
0x117: {  	[sflag:s14] =	ssyncadd.s32 @!p0 $0xFFFFFF80;
	s14 =	simm.s32 @!p0 $0x400  }
0x118: {  	[tilespmem:s14], [sflag:$0x1] =	stream.indirect.gather @!p0 [hbm4b:s4+s18], $0x80, s17, s18, $0xb8;
	[tilespmem:$0x1C400] =	vst v63  }
0x119: {  	_ =	swait.ge [sflag:s2], $0x4000  }
0x11a: {  	[sflag:s2] =	ssyncset.done $0x0  }
0x11b: {  	[sflag:s2] =	ssyncadd.s32 $0xFFFFC000  }
0x11c: {  	[spmem:s1] =	stream.indirect.scatter.add.f32 [tilespmem:s0], [sflag:$0x2], $0x80, s12, s25, $0xb8;
	[tilespmem:$0x1C400] =	vst v63  }
0x11d: {  	_ =	swait.ge [sflag:s5], $0x4000  }
0x11e: {  	[sflag:s5] =	ssyncset.done $0x0  }
0x11f: {  	s18 =	stileid.u32;
	[sflag:s5] =	ssyncadd.s32 $0xFFFFC000  }
0x120: {  	s14 =	sshll.u32 s18, $0x6;
	[bflag:$0x0] =	sbarrier.arrive $0xFFFF  }
0x121: {  	s19 =	sshrl.u32 s6, $0x3;
	s14 =	sor.u32 $0x1C05, s14;
	s20 =	rddreg [dreg:$0xf]  }
0x122: {  	[hbm:s20], [sflag:s14] =	dma.local [spmem:s19], $0x800  }
0x123: {  	_ =	swait.ge [sflag:s23], $0x800  }
0x124: {  	[sflag:s23] =	ssyncset.done $0x0  }
0x125: {  	s17 =	sshrl.u32 s7, $0x3;
	s18 =	rddreg [dreg:$0x10];
	[sflag:s23] =	ssyncadd.s32 $0xFFFFF800  }
0x126: {  	[hbm:s18], [sflag:s14] =	dma.local [spmem:s17], $0x800  }
0x127: {  	_ =	swait.ge [sflag:s23], $0x800  }
0x128: {  	[sflag:s23] =	ssyncset.done $0x0  }
0x129: {  	s19 =	sshrl.u32 s8, $0x3;
	s20 =	rddreg [dreg:$0x11];
	[sflag:s23] =	ssyncadd.s32 $0xFFFFF800  }
0x12a: {  	[hbm:s20], [sflag:s14] =	dma.local [spmem:s19], $0x800  }
0x12b: {  	_ =	swait.ge [sflag:s23], $0x800  }
0x12c: {  	[sflag:s23] =	ssyncset.done $0x0  }
0x12d: {  	s16 =	sshrl.u32 s9, $0x3;
	s17 =	rddreg [dreg:$0x12];
	[sflag:s23] =	ssyncadd.s32 $0xFFFFF800  }
0x12e: {  	[hbm:s17], [sflag:s14] =	dma.local [spmem:s16], $0x800  }
0x12f: {  	_ =	swait.ge [sflag:s23], $0x800  }
0x130: {  	[sflag:s23] =	ssyncset.done $0x0  }
0x131: {  	s18 =	sshrl.u32 s10, $0x3;
	s19 =	rddreg [dreg:$0x13];
	[sflag:s23] =	ssyncadd.s32 $0xFFFFF800  }
0x132: {  	[hbm:s19], [sflag:s14] =	dma.local [spmem:s18], $0x800  }
0x133: {  	_ =	swait.ge [sflag:s23], $0x800  }
0x134: {  	s13 =	sadd.s32 $0x1, s13;
	s20 =	rddreg [dreg:$0x14]  }
0x135: {  	p0 =	sne.s32 s13, s20  }
.Ltmp1:
0x136: {  	_ = 	snop;
	(pc) =	sbr.rel @p0 .LBB2_1-.Ltmp1, $3  }
0x137: {  	_ =	sdelay $0x1  }
0x138: {  	[sflag:s23] =	ssyncset.done $0x0  }
0x139: {  	[sflag:s23] =	ssyncadd.s32 $0xFFFFF800  }
0x13a: {  	_ =	sfence.sel $0x180000  }
0x13b: {  	[bflag:$0x0] =	sbarrier.arrive $0xFFFF  }
0x13c: {  	_ =	strace $0x9000004A  }
0x13d: {  	s0 =	stileid.u32;
	[bflag:$0x2] =	sbarrier.arrive $0xFFFF  }
0x13e: {  	p0 =	sne.s32 s0, $0x0;
	s0 =	rddreg [dreg:$0x2]  }
0x13f: {  	s0 =	sadd.s32 @!p0 $0x100000, s0  }
0x140: {  	[sflag:s0] =	ssyncadd.tile.s32 @!p0 $0x1;
	_ =	shalt  }
.Lfunc_end2:
_tile_overlayer_lowered:
.L_overlay_start_2:
0x141: {  	(tag) =	ssettag $0x2  }
0x142: {  	s0 =	rddreg [dreg:$0x0];
	s2 =	stileid.u32  }
0x143: {  	s1 =	rddreg [dreg:$0x1];
	p0 =	sne.s32 s2, $0x0  }
0x144: {  	s3 =	rddreg [dreg:$0x2];
	[bflag:$0x3] =	sbarrier.arrive $0xFFFF;
	s2 =	simm.s32 @!p0 $0x1C05  }
0x145: {  	[timem:s3], [sflag:s2] =	dma.local @!p0 [hbm:s0], s1  }
0x146: {  	s0 =	simm.s32 @!p0 $0x5  }
0x147: {  	_ =	swait.ge @!p0 [sflag:s0], s1  }
0x148: {  	s1 =	ssub.s32 @!p0 $0x0, s1;
	[sflag:s0] =	ssyncset.done @!p0 $0x0  }
0x149: {  	[sflag:s0] =	ssyncadd.s32 @!p0 s1  }
0x14a: {  	[bflag:$0x3] =	sbarrier.arrive $0xFFFF  }
0x14b: {  	_ =	shalt  }

// kernel: kernel.17.cloned.1.call-start
scs
__scs_entry_jumppad:
0x0: {  	(pc) =	sbr.rel $0x88, $3  }
0x1: {  	(tag) =	ssettag $0x0;
	lr =	simm.s32 $0x1  }
0x2: {  	[smem:$0x3F87] =	sst lr;
	_ =	strace $0xD0000000  }
0x3: {  	_ = 	snop  }
0x4: {  	_ = 	snop  }
0x5: {  	_ = 	snop  }
0x6: {  	_ = 	snop  }
0x7: {  	_ = 	snop  }
__scs_overlays_trampoline_lowered:
0x8: {  	[smem:$0x3F96] =	sst s0  }
0x9: {  	[smem:$0x3F97] =	sst s1  }
0xa: {  	[smem:$0x3F98] =	sst s2  }
0xb: {  	[smem:$0x3F99] =	sst s3  }
0xc: {  	[smem:$0x3F9A] =	sst s4  }
0xd: {  	[smem:$0x3F9B] =	sst s5  }
0xe: {  	[smem:$0x3F9C] =	sst s6  }
0xf: {  	[smem:$0x3F9D] =	sst s7  }
0x10: {  	[smem:$0x3F9E] =	sst s8  }
0x11: {  	[smem:$0x3F9F] =	sst s9;
	s0 =	simm.s32 @!p0 $0x0  }
0x12: {  	s1 =	sld [smem:$0x3F85];
	s0 =	simm.s32 @p0 $0x1  }
0x13: {  	[smem:$0x3FA0] =	sst s0;
	s0 =	simm.s32 @!p1 $0x0  }
0x14: {  	s2 =	sld [smem:$0x3F84];
	s0 =	simm.s32 @p1 $0x1  }
0x15: {  	[smem:$0x3FA1] =	sst s0;
	s0 =	simm.s32 @!p2 $0x0  }
0x16: {  	s3 =	sld [smem:$0x3FDB];
	s0 =	simm.s32 @p2 $0x1  }
0x17: {  	s4 =	simm.s32 $0x1BF5;
	[smem:$0x3FA3] =	sst s0  }
0x18: {  	s0 =	sld [smem:$0x3F86];
	_ =	swait.ge [sflag:s4], $0x0  }
0x19: {  	s7 =	sld [smem:$0x3F87]  }
0x1a: {  	s8 =	sadd.s32 $0xFFFFE003, lr  }
0x1b: {  	s9 =	sadd.s32 $0xFFFFFEF7, lr;
	s5 =	simm.s32 $0xFFFFFFFF;
	p2 =	slt.u32 s8, $0xFFFFF086  }
0x1c: {  	p1 =	slt.u32 s9, $0xF7A;
	s5 =	simm.s32 @!p2 $0x0  }
0x1d: {  	s5 =	simm.s32 @p1 $0x1;
	p0 =	seq.s32 s7, s2  }
0x1e: {  	s7 =	smul.u32 @!p0 $0xF7A, s2;
	p2 =	seq.s32 @!p0 s5, $0x0  }
0x1f: {  	s9 =	smul.u32 $0xF7A, s1;
	s8 =	simm.s32 @!p0 $0x1BF5;
	p2 =	por !p2, p0  }
0x20: {  	[sflag:s8] =	ssyncset.s32 @!p0 $0xFFFFF086;
	s6 =	sadd.s32 @!p0 s3, s7;
	s7 =	simm.s32 @!p0 $0x108  }
0x21: {  	s3 =	sadd.s32 s3, s9;
	s6 =	sadd.s32 @!p0 $0x88, s6;
	s7 =	simm.s32 @p2 $0x1082  }
0x22: {  	[simem:s7], [sflag:s8] =	dma.local @!p0 [hbm:s6], $0xF7A  }
0x23: {  	s9 =	sor.u32 $0xD0000000, s2;
	s6 =	simm.s32 $0x108;
	_ =	swait.ge @!p0 [sflag:s8], $0x0  }
0x24: {  	s3 =	sadd.s32 $0x88, s3;
	s6 =	simm.s32 @!p1 $0x1082;
	[sflag:s4] =	ssyncset.s32 $0xFFFFF086  }
0x25: {  	[simem:s6], [sflag:s4] =	dma.local [hbm:s3], $0xF7A  }
0x26: {  	[smem:$0x3F87] =	sst s1;
	(tag) =	ssettag s2;
	_ =	strace s9  }
0x27: {  	s1 =	sld [smem:$0x3F97]  }
0x28: {  	s2 =	sld [smem:$0x3F98]  }
0x29: {  	s4 =	sld [smem:$0x3F9A]  }
0x2a: {  	p0 =	seq.s32 s5, $0x0;
	s5 =	sld [smem:$0x3F9B]  }
0x2b: {  	s6 =	sld [smem:$0x3F9C]  }
0x2c: {  	s7 =	sld [smem:$0x3F9D]  }
0x2d: {  	s3 =	simm.s32 $0x108;
	s8 =	sld [smem:$0x3F9E]  }
0x2e: {  	s3 =	simm.s32 @!p0 $0x1082;
	s9 =	sld [smem:$0x3F9F]  }
0x2f: {  	lr =	sadd.s32 s0, s3;
	s0 =	sld [smem:$0x3F96]  }
0x30: {  	s3 =	sld [smem:$0x3F99]  }
0x31: {  	[smem:$0x3FA2] =	sst s10  }
0x32: {  	s10 =	sld [smem:$0x3FA0];
	_ =	sdelay $0x3  }
0x33: {  	p0 =	seq.s32 s10, $0x1;
	s10 =	sld [smem:$0x3FA2];
	_ =	sdelay $0x3  }
0x34: {  	[smem:$0x3FA2] =	sst s10  }
0x35: {  	s10 =	sld [smem:$0x3FA1];
	_ =	sdelay $0x3  }
0x36: {  	p1 =	seq.s32 s10, $0x1;
	s10 =	sld [smem:$0x3FA2];
	_ =	sdelay $0x3  }
0x37: {  	[smem:$0x3FA2] =	sst s10  }
0x38: {  	s10 =	sld [smem:$0x3FA3]  }
0x39: {  	_ = 	snop;
	(pc) =	sbr.ind lr, $3  }
0x3a: {  	_ = 	snop  }
0x3b: {  	_ = 	snop  }
0x3c: {  	p2 =	seq.s32 s10, $0x1;
	s10 =	sld [smem:$0x3FA2]  }
0x3d: {  	_ =	shalt  }
0x3e: {  	_ =	shalt  }
0x3f: {  	_ =	shalt  }
0x40: {  	_ =	shalt  }
0x41: {  	_ =	shalt  }
0x42: {  	_ =	shalt  }
0x43: {  	_ =	shalt  }
0x44: {  	_ =	shalt  }
0x45: {  	_ =	shalt  }
0x46: {  	_ =	shalt  }
0x47: {  	_ =	shalt  }
0x48: {  	_ =	shalt  }
0x49: {  	_ =	shalt  }
0x4a: {  	_ =	shalt  }
0x4b: {  	_ =	shalt  }
0x4c: {  	_ =	shalt  }
0x4d: {  	_ =	shalt  }
0x4e: {  	_ =	shalt  }
0x4f: {  	_ =	shalt  }
0x50: {  	_ =	shalt  }
0x51: {  	_ =	shalt  }
0x52: {  	_ =	shalt  }
0x53: {  	_ =	shalt  }
0x54: {  	_ =	shalt  }
0x55: {  	_ =	shalt  }
0x56: {  	_ =	shalt  }
0x57: {  	_ =	shalt  }
0x58: {  	_ =	shalt  }
0x59: {  	_ =	shalt  }
0x5a: {  	_ =	shalt  }
0x5b: {  	_ =	shalt  }
0x5c: {  	_ =	shalt  }
0x5d: {  	_ =	shalt  }
0x5e: {  	_ =	shalt  }
0x5f: {  	_ =	shalt  }
0x60: {  	_ =	shalt  }
0x61: {  	_ =	shalt  }
0x62: {  	_ =	shalt  }
0x63: {  	_ =	shalt  }
0x64: {  	_ =	shalt  }
0x65: {  	_ =	shalt  }
0x66: {  	_ =	shalt  }
0x67: {  	_ =	shalt  }
0x68: {  	_ =	shalt  }
0x69: {  	_ =	shalt  }
0x6a: {  	_ =	shalt  }
0x6b: {  	_ =	shalt  }
0x6c: {  	_ =	shalt  }
0x6d: {  	_ =	shalt  }
0x6e: {  	_ =	shalt  }
0x6f: {  	_ =	shalt  }
0x70: {  	_ =	shalt  }
0x71: {  	_ =	shalt  }
0x72: {  	_ =	shalt  }
0x73: {  	_ =	shalt  }
0x74: {  	_ =	shalt  }
0x75: {  	_ =	shalt  }
0x76: {  	_ =	shalt  }
0x77: {  	_ =	shalt  }
0x78: {  	_ =	shalt  }
0x79: {  	_ =	shalt  }
0x7a: {  	_ =	shalt  }
0x7b: {  	_ =	shalt  }
0x7c: {  	_ =	shalt  }
0x7d: {  	_ =	shalt  }
0x7e: {  	_ =	shalt  }
0x7f: {  	_ =	shalt  }
0x80: {  	_ =	shalt  }
0x81: {  	_ =	shalt  }
0x82: {  	_ =	shalt  }
0x83: {  	_ =	shalt  }
0x84: {  	_ =	shalt  }
0x85: {  	_ =	shalt  }
0x86: {  	_ =	shalt  }
0x87: {  	_ =	shalt  }
.Lfunc_end0:
.L_simem_size_0:
called_computation.2_lowered:
.L_overlay_start_0:
0x88: {  	s2 =	sld [smem:$0x3FD9]  }
0x89: {  	s3 =	sld [smem:$0x3FFE];
	_ =	sdelay $0x1  }
0x8a: {  	s1 =	srdreg.scid  }
0x8b: {  	s0 =	sand.u32 $0x1, s1  }
0x8c: {  	s16 =	sshll.u32 s0, $0xA;
	s2 =	sadd.s32 s3, s2  }
0x8d: {  	s2 =	sadd.s32 s2, s16  }
0x8e: {  	[smem:$0x3FAE] =	sst s2  }
0x8f: {  	_ = 	snop  }
0x90: {  	(tm) =	ssettm $0x1  }
0x91: {  	s17 =	sld [smem:$0x3FFB];
	_ =	sdelay $0x3  }
0x92: {  	_ =	strace s17  }
0x93: {  	s2 =	sld [smem:$0x3FFC];
	_ =	sdelay $0x3  }
0x94: {  	_ =	strace s2  }
0x95: {  	s2 =	sld [smem:$0x3FFD];
	_ =	sdelay $0x3  }
0x96: {  	_ =	strace s2  }
0x97: {  	_ =	strace $0x8FFFFFFF  }
0x98: {  	s18 =	sld [smem:$0x3FDB];
	_ =	sdelay $0x1  }
0x99: {  	s19 =	simm.s32 $_scs_section_size  }
0x9a: {  	s4 =	simm.s32 $_size__tile_overlayer_lowered;
	s5 =	simm.s32 $_tile_overlayer_lowered  }
0x9b: {  	s22 =	simm.s32 $0x1BFF;
	s21 =	sshll.u32 s5, $0x1;
	s2 =	sadd.s32 s19, s18  }
0x9c: {  	s6 =	simm.s32 $0x0;
	s20 =	sshll.u32 s4, $0x1;
	s4 =	sadd.s32 s21, s2  }
0x9d: {  	[timem:s6], [sflag:s22] =	dma.local [hbm:s4], s20  }
0x9e: {  	_ =	swait.ge [sflag:s22], s20  }
0x9f: {  	s3 =	ssub.s32 $0x0, s20;
	[sflag:s22] =	ssyncset.done $0x0  }
0xa0: {  	[sflag:s22] =	ssyncadd.s32 s3;
	_ =	sdelay $0x1  }
0xa1: {  	s23 =	simm.s32 $0x1B8B  }
0xa2: {  	_ =	swait.ge [sflag:s23], $0x1  }
0xa3: {  	[sflag:s23] =	ssyncset.done $0x0  }
0xa4: {  	s25 =	simm.s32 $0x1B8E;
	s24 =	sld [smem:$0x3FFE];
	[sflag:s23] =	ssyncadd.s32 $0xFFFFFFFF  }
0xa5: {  	s26 =	simm.s32 $execute0_lowered;
	[smem:$0x3FD2] =	sst s25  }
0xa6: {  	s4 =	sshll.u32 s26, $0x1;
	_ =	strace $0x8000004C;
	[dreg:$0x1] =	wrdreg $0xFFFFFFFF  }
0xa7: {  	s28 =	simm.s32 $_size_execute0_lowered;
	s2 =	sadd.s32 s2, s4;
	[dreg:$0x0] =	wrdreg $0x0  }
0xa8: {  	s4 =	sshll.u32 s28, $0x1;
	[dreg:$0x2] =	wrdreg s2  }
0xa9: {  	[dreg:$0x3] =	wrdreg s4  }
0xaa: {  	[dreg:$0x4] =	wrdreg $0xC0  }
0xab: {  	_ =	task [dreg:s6], $0x5FFFF  }
0xac: {  	[dreg:$0x1] =	wrdreg $0xFFFFFFFF  }
0xad: {  	[dreg:$0x0] =	wrdreg $0x60  }
0xae: {  	[dreg:$0x2] =	wrdreg s24  }
0xaf: {  	[dreg:$0x3] =	wrdreg $0x84000  }
0xb0: {  	[dreg:$0x4] =	wrdreg $0x9  }
0xb1: {  	_ =	task.clear_ibuf [dreg:s6], $0x5FFFF;
	_ =	strace $0x9000004C  }
0xb2: {  	s29 =	simm.s32 $0x9;
	_ =	strace $0x8000004E  }
0xb3: {  	_ =	swait.ge [sflag:s29], $0x1  }
0xb4: {  	[sflag:s29] =	ssyncadd.s32 $0xFFFFFFFF  }
0xb5: {  	_ =	strace $0x9000004E  }
0xb6: {  	_ =	sfence  }
0xb7: {  	s30 =	sld [smem:$0x0];
	_ =	sdelay $0x2  }
0xb8: {  	s31 =	sshll.u32 s1, $0xD;
	s1 =	sshrl.u32 s1, $0x2  }
0xb9: {  	s3 =	sand.u32 $0x4000, s31;
	s1 =	sadd.s32 s1, s30  }
0xba: {  	s0 =	sor.u32 s3, s0;
	s1 =	sshll.u32 s1, $0x11  }
0xbb: {  	s0 =	sor.u32 s1, s0  }
0xbc: {  	s0 =	sadd.s32 $0x8F2B, s0  }
0xbd: {  	[sflag:s0] =	ssyncadd.remote.s32 $0x1  }
0xbe: {  	_ =	sfence.sel $0xFFFF  }
0xbf: {  	[dreg:$0x0] =	wrdreg $0xFFFFFFFF;
	(pc) =	sbr.abs _section_cstart, $3  }
0xc0: {  	[dreg:$0x1] =	wrdreg $0xFFFFFFFF  }
0xc1: {  	_ =	task.clear_ibuf [dreg:s6], $0x2FFFF;
	_ =	strace $0x9FFFFFFF  }
0xc2: {  	(tm) =	ssettm $0x7FFFFFFF  }
0xc3: {  	_ =	shalt  }
tec
execute0_lowered:
.L_overlay_start_1:
0x0: {  	(tag) =	ssettag $0x1  }
0x1: {  	s5 =	rddreg [dreg:$0x0]  }
0x2: {  	s1 =	rddreg [dreg:$0x1];
	s0 =	srdreg.scid;
	s3 =	simm.s32 $0x0  }
0x3: {  	s9 =	stileid.u32;
	s28 =	simm.s32 $0x3;
	s29 =	simm.s32 $0x100  }
0x4: {  	s30 =	simm.s32 $0x300;
	s31 =	simm.s32 $0x4;
	s10 =	sand.u32 $0x1, s0  }
0x5: {  	[smem:$0x7FF] =	sst s3;
	s4 =	sadd.s32 $0x6AC00, s5;
	s7 =	smul.u32 $0x50000, s9  }
0x6: {  	s2 =	sadd.s32 $0x5400, s5;
	s20 =	sadd.s32 $0x1A400, s5;
	s12 =	smul.u32 $0x14000, s9  }
0x7: {  	s16 =	smul.u32 $0x2800, s9;
	s0 =	sshll.u32 s10, $0x4;
	_ =	strace $0x8000004D  }
0x8: {  	[dreg:$0xa] =	wrdreg s20;
	s21 =	ssub.s32 $0x2, s10;
	s14 =	smul.u32 $0x28000, s10  }
0x9: {  	s19 =	smul.u32 $0x140000, s10;
	s6 =	sor.u32 s9, s0;
	s0 =	sadd.s32 $0xF400, s5  }
0xa: {  	s5 =	sadd.s32 $0x92C00, s5;
	s8 =	sshrl.u32 s21, $0x1;
	s22 =	sshrl.u32 s7, $0x2  }
0xb: {  	s15 =	sadd.s32 $0x4000, s12;
	s17 =	sadd.s32 $0x8000, s12;
	s18 =	sadd.s32 $0xC000, s12  }
0xc: {  	s23 =	sadd.s32 $0x10000, s12;
	s11 =	smul.u32 $0x2800, s6;
	s13 =	ssub.s32 s21, s8  }
0xd: {  	s6 =	sadd.s32 s22, s1;
	s7 =	sadd.s32 s15, s1;
	s8 =	sadd.s32 s17, s1  }
0xe: {  	s9 =	sadd.s32 s18, s1;
	s14 =	sadd.s32 s16, s14;
	s10 =	sadd.s32 s23, s1  }
0xf: {  	s12 =	sadd.s32 s12, s19;
	s15 =	sadd.s32 s19, s15;
	s17 =	sadd.s32 s19, s17  }
0x10: {  	s18 =	sadd.s32 s19, s18;
	s16 =	sadd.s32 s19, s23;
	s20 =	sor.u32 $0x280, s14  }
0x11: {  	s25 =	sor.u32 $0x200, s14;
	s22 =	sor.u32 $0x180, s14;
	s12 =	sshrl.u32 s12, $0x3  }
0x12: {  	s15 =	sshrl.u32 s15, $0x3;
	s11 =	sshrl.u32 s11, $0x3;
	s12 =	sadd.s32 s5, s12  }
0x13: {  	s20 =	sshrl.u32 s20, $0x3;
	s21 =	sadd.s32 s0, s11;
	[dreg:$0xf] =	wrdreg s12  }
0x14: {  	s19 =	sshrl.u32 s22, $0x3;
	s24 =	sadd.s32 s20, s2;
	[dreg:$0xb] =	wrdreg s21  }
0x15: {  	s20 =	sadd.s32 s20, s0;
	s23 =	sadd.s32 s2, s11;
	[dreg:$0x3] =	wrdreg s24  }
0x16: {  	s11 =	sor.u32 $0x10, s11;
	s12 =	simm.s32 $0x380;
	[dreg:$0x4] =	wrdreg s20  }
0x17: {  	s21 =	sshrl.u32 s25, $0x3;
	[dreg:$0xc] =	wrdreg s23;
	s25 =	sadd.s32 s19, s2  }
0x18: {  	s20 =	sshrl.u32 s17, $0x3;
	s26 =	sadd.s32 s21, s2;
	[dreg:$0x7] =	wrdreg s25  }
0x19: {  	s23 =	sor.u32 $0x100, s14;
	s24 =	sadd.s32 s21, s0;
	[dreg:$0x5] =	wrdreg s26  }
0x1a: {  	s21 =	sshrl.u32 s18, $0x3;
	s25 =	sadd.s32 s19, s0;
	[dreg:$0x6] =	wrdreg s24  }
0x1b: {  	s26 =	sadd.s32 s0, s11;
	s11 =	sadd.s32 s2, s11;
	[dreg:$0x8] =	wrdreg s25  }
0x1c: {  	s22 =	sadd.s32 s5, s21;
	s24 =	sshrl.u32 s16, $0x3;
	[dreg:$0xd] =	wrdreg s26  }
0x1d: {  	s25 =	simm.s32 $0x80;
	[dreg:$0xe] =	wrdreg s11;
	s11 =	sadd.s32 s5, s15  }
0x1e: {  	[dreg:$0x12] =	wrdreg s22;
	s26 =	smax.u32 s13, $0x1;
	s22 =	simm.s32 $0x400  }
0x1f: {  	s13 =	simm.s32 $0x0;
	[dreg:$0x10] =	wrdreg s11;
	s11 =	sadd.s32 s5, s20  }
0x20: {  	s5 =	sadd.s32 s5, s24;
	[dreg:$0x14] =	wrdreg s26;
	s24 =	simm.s32 $0x200  }
0x21: {  	s26 =	simm.s32 $0x280;
	[dreg:$0x11] =	wrdreg s11;
	s11 =	sshrl.u32 s23, $0x3  }
0x22: {  	[dreg:$0x13] =	wrdreg s5;
	s23 =	simm.s32 $0x5;
	s5 =	simm.s32 $0x2  }
0x23: {  	s2 =	sadd.s32 s11, s2;
	s21 =	sadd.s32 s11, s0;
	s0 =	simm.s32 $0x4400  }
0x24: {  	s11 =	simm.s32 $0x180;
	[dreg:$0x9] =	wrdreg s2;
	s2 =	simm.s32 $0x1  }
.LBB2_1:
0x25: {  	s14 =	rddreg [dreg:$0xa]  }
0x26: {  	[tilespmem:s22], [sflag:$0x5] =	stream.linear.gather [hbm4b:s14+s3], $0x4000, $0x38;
	[tilespmem:$0x1C400] =	vst v63  }
0x27: {  	_ =	swait.ge [sflag:s23], $0x4000  }
0x28: {  	[sflag:s23] =	ssyncset.done $0x0  }
0x29: {  	[sflag:s23] =	ssyncadd.s32 $0xFFFFC000  }
0x2a: {  	[spmem:s6] =	stream.linear.scatter [tilespmem:s22], [sflag:$0x5], $0x4000, $0x38;
	[tilespmem:$0x1C400] =	vst v63  }
0x2b: {  	_ =	swait.ge [sflag:s23], $0x4000  }
0x2c: {  	[sflag:s23] =	ssyncset.done $0x0  }
0x2d: {  	[sflag:s23] =	ssyncadd.s32 $0xFFFFC000  }
0x2e: {  	[spmem:s7] =	stream.linear.scatter [tilespmem:s22], [sflag:$0x5], $0x4000, $0x38;
	[tilespmem:$0x1C400] =	vst v63  }
0x2f: {  	_ =	swait.ge [sflag:s23], $0x4000  }
0x30: {  	[sflag:s23] =	ssyncset.done $0x0  }
0x31: {  	[sflag:s23] =	ssyncadd.s32 $0xFFFFC000  }
0x32: {  	[spmem:s8] =	stream.linear.scatter [tilespmem:s22], [sflag:$0x5], $0x4000, $0x38;
	[tilespmem:$0x1C400] =	vst v63  }
0x33: {  	_ =	swait.ge [sflag:s23], $0x4000  }
0x34: {  	[sflag:s23] =	ssyncset.done $0x0  }
0x35: {  	[sflag:s23] =	ssyncadd.s32 $0xFFFFC000  }
0x36: {  	[spmem:s9] =	stream.linear.scatter [tilespmem:s22], [sflag:$0x5], $0x4000, $0x38;
	[tilespmem:$0x1C400] =	vst v63  }
0x37: {  	_ =	swait.ge [sflag:s23], $0x4000  }
0x38: {  	[sflag:s23] =	ssyncset.done $0x0  }
0x39: {  	[sflag:s23] =	ssyncadd.s32 $0xFFFFC000  }
0x3a: {  	[spmem:s10] =	stream.linear.scatter [tilespmem:s22], [sflag:$0x5], $0x4000, $0x38;
	[tilespmem:$0x1C400] =	vst v63  }
0x3b: {  	_ =	swait.ge [sflag:s23], $0x4000  }
0x3c: {  	[sflag:s23] =	ssyncset.done $0x0  }
0x3d: {  	[sflag:s23] =	ssyncadd.s32 $0xFFFFC000  }
0x3e: {  	[bflag:$0x0] =	sbarrier.arrive $0xFFFF  }
0x3f: {  	s18 =	rddreg [dreg:$0xb]  }
0x40: {  	[tilespmem:s3], [sflag:$0x3] =	stream.linear.gather [hbm4b:s18+s3], $0x80, $0x38;
	[tilespmem:$0x1C400] =	vst v63  }
0x41: {  	s19 =	rddreg [dreg:$0xc]  }
0x42: {  	[tilespmem:s24], [sflag:$0x3] =	stream.linear.gather [hbm4b:s19+s3], $0x80, $0x38;
	[tilespmem:$0x1C400] =	vst v63  }
0x43: {  	s20 =	rddreg [dreg:$0xd]  }
0x44: {  	[tilespmem:s25], [sflag:$0x4] =	stream.linear.gather [hbm4b:s20+s3], $0x80, $0x38;
	[tilespmem:$0x1C400] =	vst v63  }
0x45: {  	s15 =	rddreg [dreg:$0xe]  }
0x46: {  	[tilespmem:s26], [sflag:$0x4] =	stream.linear.gather [hbm4b:s15+s3], $0x80, $0x38;
	[tilespmem:$0x1C400] =	vst v63  }
0x47: {  	_ =	swait.ge [sflag:s28], $0x80  }
0x48: {  	[sflag:s28] =	ssyncset.done $0x0  }
0x49: {  	[sflag:s28] =	ssyncadd.s32 $0xFFFFFF80  }
0x4a: {  	_ =	swait.ge [sflag:s28], $0x80  }
0x4b: {  	p0 =	por $0x1, $0x1;
	[sflag:s28] =	ssyncset.done $0x0  }
0x4c: {  	s14 =	simm.s32 @!p0 $0x2;
	[sflag:s28] =	ssyncadd.s32 $0xFFFFFF80  }
0x4d: {  	[tilespmem:s22], [sflag:$0x1] =	stream.indirect.gather [hbm4b:s4+s25], $0x80, s3, s25, $0xb8;
	[tilespmem:$0x1C400] =	vst v63  }
0x4e: {  	_ =	swait.ge @!p0 [sflag:s14], $0x4000  }
0x4f: {  	[sflag:s14] =	ssyncset.done @!p0 $0x0  }
0x50: {  	s16 =	sadd.s32 $0x0, s21;
	s15 =	rddreg [dreg:$0x9];
	[sflag:s14] =	ssyncadd.s32 @!p0 $0xFFFFC000  }
0x51: {  	[tilespmem:s29], [sflag:$0x3] =	stream.linear.gather [hbm4b:s16+s3], $0x80, $0x38;
	[tilespmem:$0x1C400] =	vst v63  }
0x52: {  	s17 =	sadd.s32 $0x0, s15  }
0x53: {  	[tilespmem:s30], [sflag:$0x3] =	stream.linear.gather [hbm4b:s17+s3], $0x80, $0x38;
	[tilespmem:$0x1C400] =	vst v63  }
0x54: {  	_ =	swait.ge [sflag:s31], $0x80  }
0x55: {  	[sflag:s31] =	ssyncset.done $0x0  }
0x56: {  	[sflag:s31] =	ssyncadd.s32 $0xFFFFFF80  }
0x57: {  	_ =	swait.ge [sflag:s31], $0x80  }
0x58: {  	[sflag:s31] =	ssyncset.done $0x0  }
0x59: {  	[sflag:s31] =	ssyncadd.s32 $0xFFFFFF80  }
0x5a: {  	[tilespmem:s0], [sflag:$0x1] =	stream.indirect.gather [hbm4b:s4+s25], $0x80, s25, s25, $0xb8;
	[tilespmem:$0x1C400] =	vst v63  }
0x5b: {  	_ =	swait.ge [sflag:s2], $0x4000  }
0x5c: {  	[sflag:s2] =	ssyncset.done $0x0  }
0x5d: {  	[sflag:s2] =	ssyncadd.s32 $0xFFFFC000  }
0x5e: {  	[spmem:s1] =	stream.indirect.scatter.add.f32 [tilespmem:s22], [sflag:$0x2], $0x80, s24, s25, $0xb8;
	[tilespmem:$0x1C400] =	vst v63  }
0x5f: {  	_ =	swait.ge [sflag:s5], $0x4000  }
0x60: {  	s18 =	rddreg [dreg:$0x8];
	[sflag:s5] =	ssyncset.done $0x0  }
0x61: {  	s19 =	rddreg [dreg:$0x7];
	[sflag:s5] =	ssyncadd.s32 $0xFFFFC000;
	s14 =	sadd.s32 $0x0, s18  }
0x62: {  	[tilespmem:s11], [sflag:$0x4] =	stream.linear.gather [hbm4b:s14+s3], $0x80, $0x38;
	[tilespmem:$0x1C400] =	vst v63  }
0x63: {  	s20 =	sadd.s32 $0x0, s19  }
0x64: {  	[tilespmem:s12], [sflag:$0x4] =	stream.linear.gather [hbm4b:s20+s3], $0x80, $0x38;
	[tilespmem:$0x1C400] =	vst v63  }
0x65: {  	_ =	swait.ge [sflag:s28], $0x80  }
0x66: {  	[sflag:s28] =	ssyncset.done $0x0  }
0x67: {  	[sflag:s28] =	ssyncadd.s32 $0xFFFFFF80  }
0x68: {  	_ =	swait.ge [sflag:s28], $0x80  }
0x69: {  	[sflag:s28] =	ssyncset.done $0x0  }
0x6a: {  	[sflag:s28] =	ssyncadd.s32 $0xFFFFFF80  }
0x6b: {  	[tilespmem:s22], [sflag:$0x1] =	stream.indirect.gather [hbm4b:s4+s25], $0x80, s29, s25, $0xb8;
	[tilespmem:$0x1C400] =	vst v63  }
0x6c: {  	_ =	swait.ge [sflag:s2], $0x4000  }
0x6d: {  	[sflag:s2] =	ssyncset.done $0x0  }
0x6e: {  	[sflag:s2] =	ssyncadd.s32 $0xFFFFC000  }
0x6f: {  	[spmem:s1] =	stream.indirect.scatter.add.f32 [tilespmem:s0], [sflag:$0x2], $0x80, s26, s25, $0xb8;
	[tilespmem:$0x1C400] =	vst v63  }
0x70: {  	p0 =	por $0x0, $0x0;
	_ =	swait.ge [sflag:s5], $0x4000  }
0x71: {  	s16 =	simm.s32 @!p0 $0x0;
	s14 =	rddreg [dreg:$0x6];
	[sflag:s5] =	ssyncset.done $0x0  }
0x72: {  	s15 =	rddreg [dreg:$0x5];
	[sflag:s5] =	ssyncadd.s32 $0xFFFFC000;
	s14 =	sadd.s32 @!p0 $0x0, s14  }
0x73: {  	[tilespmem:s16], [sflag:$0x3] =	stream.linear.gather @!p0 [hbm4b:s14+s16], $0x80, $0x38;
	[tilespmem:$0x1C400] =	vst v63  }
0x74: {  	s14 =	sadd.s32 @!p0 $0x0, s15;
	s15 =	simm.s32 @!p0 $0x200  }
0x75: {  	[tilespmem:s15], [sflag:$0x3] =	stream.linear.gather @!p0 [hbm4b:s14+s16], $0x80, $0x38;
	[tilespmem:$0x1C400] =	vst v63  }
0x76: {  	_ =	swait.ge [sflag:s31], $0x80  }
0x77: {  	[sflag:s31] =	ssyncset.done $0x0  }
0x78: {  	[sflag:s31] =	ssyncadd.s32 $0xFFFFFF80  }
0x79: {  	_ =	swait.ge [sflag:s31], $0x80  }
0x7a: {  	[sflag:s31] =	ssyncset.done $0x0  }
0x7b: {  	[sflag:s31] =	ssyncadd.s32 $0xFFFFFF80  }
0x7c: {  	[tilespmem:s0], [sflag:$0x1] =	stream.indirect.gather [hbm4b:s4+s25], $0x80, s11, s25, $0xb8;
	[tilespmem:$0x1C400] =	vst v63  }
0x7d: {  	_ =	swait.ge [sflag:s2], $0x4000  }
0x7e: {  	[sflag:s2] =	ssyncset.done $0x0  }
0x7f: {  	[sflag:s2] =	ssyncadd.s32 $0xFFFFC000  }
0x80: {  	[spmem:s1] =	stream.indirect.scatter.add.f32 [tilespmem:s22], [sflag:$0x2], $0x80, s30, s25, $0xb8;
	[tilespmem:$0x1C400] =	vst v63  }
0x81: {  	_ =	swait.ge [sflag:s5], $0x4000  }
0x82: {  	s17 =	simm.s32 @!p0 $0x80;
	s14 =	rddreg [dreg:$0x4];
	[sflag:s5] =	ssyncset.done $0x0  }
0x83: {  	s15 =	rddreg [dreg:$0x3];
	[sflag:s5] =	ssyncadd.s32 $0xFFFFC000;
	s14 =	sadd.s32 @!p0 $0x0, s14  }
0x84: {  	[tilespmem:s17], [sflag:$0x4] =	stream.linear.gather @!p0 [hbm4b:s14+s16], $0x80, $0x38;
	[tilespmem:$0x1C400] =	vst v63  }
0x85: {  	s14 =	sadd.s32 @!p0 $0x0, s15;
	s15 =	simm.s32 @!p0 $0x280  }
0x86: {  	[tilespmem:s15], [sflag:$0x4] =	stream.linear.gather @!p0 [hbm4b:s14+s16], $0x80, $0x38;
	[tilespmem:$0x1C400] =	vst v63  }
0x87: {  	s14 =	simm.s32 @!p0 $0x3  }
0x88: {  	_ =	swait.ge @!p0 [sflag:s14], $0x80  }
0x89: {  	[sflag:s14] =	ssyncset.done @!p0 $0x0  }
0x8a: {  	[sflag:s14] =	ssyncadd.s32 @!p0 $0xFFFFFF80  }
0x8b: {  	_ =	swait.ge @!p0 [sflag:s14], $0x80  }
0x8c: {  	[sflag:s14] =	ssyncset.done @!p0 $0x0  }
0x8d: {  	[sflag:s14] =	ssyncadd.s32 @!p0 $0xFFFFFF80;
	s14 =	simm.s32 @!p0 $0x400  }
0x8e: {  	[tilespmem:s14], [sflag:$0x1] =	stream.indirect.gather @!p0 [hbm4b:s4+s17], $0x80, s16, s17, $0xb8;
	[tilespmem:$0x1C400] =	vst v63  }
0x8f: {  	p1 =	por $0x0, $0x0;
	_ =	swait.ge [sflag:s2], $0x4000  }
0x90: {  	s15 =	simm.s32 $0x80;
	s14 =	simm.s32 $0x40;
	[sflag:s2] =	ssyncset.done $0x0  }
.LBB2_2:
0x91: {  	s17 =	simm.s32 @!p1 $0x2;
	[sflag:s2] =	ssyncadd.s32 $0xFFFFC000  }
0x92: {  	[spmem:s1] =	stream.indirect.scatter.add.f32 [tilespmem:s0], [sflag:$0x2], $0x80, s12, s25, $0xb8;
	[tilespmem:$0x1C400] =	vst v63  }
0x93: {  	_ =	swait.ge @!p1 [sflag:s17], $0x4000  }
0x94: {  	[sflag:s17] =	ssyncset.done @!p1 $0x0  }
0x95: {  	s19 =	sadd.s32 s14, s21;
	s18 =	rddreg [dreg:$0x9];
	[sflag:s17] =	ssyncadd.s32 @!p1 $0xFFFFC000  }
0x96: {  	[tilespmem:s29], [sflag:$0x3] =	stream.linear.gather [hbm4b:s19+s3], $0x80, $0x38;
	[tilespmem:$0x1C400] =	vst v63  }
0x97: {  	s20 =	sadd.s32 s14, s18  }
0x98: {  	[tilespmem:s30], [sflag:$0x3] =	stream.linear.gather [hbm4b:s20+s3], $0x80, $0x38;
	[tilespmem:$0x1C400] =	vst v63  }
0x99: {  	_ =	swait.ge [sflag:s31], $0x80  }
0x9a: {  	[sflag:s31] =	ssyncset.done $0x0  }
0x9b: {  	[sflag:s31] =	ssyncadd.s32 $0xFFFFFF80  }
0x9c: {  	_ =	swait.ge [sflag:s31], $0x80  }
0x9d: {  	[sflag:s31] =	ssyncset.done $0x0  }
0x9e: {  	[sflag:s31] =	ssyncadd.s32 $0xFFFFFF80  }
0x9f: {  	[tilespmem:s0], [sflag:$0x1] =	stream.indirect.gather [hbm4b:s4+s25], $0x80, s25, s25, $0xb8;
	[tilespmem:$0x1C400] =	vst v63  }
0xa0: {  	_ =	swait.ge [sflag:s2], $0x4000  }
0xa1: {  	[sflag:s2] =	ssyncset.done $0x0  }
0xa2: {  	[sflag:s2] =	ssyncadd.s32 $0xFFFFC000  }
0xa3: {  	[spmem:s1] =	stream.indirect.scatter.add.f32 [tilespmem:s22], [sflag:$0x2], $0x80, s24, s25, $0xb8;
	[tilespmem:$0x1C400] =	vst v63  }
0xa4: {  	_ =	swait.ge [sflag:s5], $0x4000  }
0xa5: {  	s18 =	rddreg [dreg:$0x8];
	[sflag:s5] =	ssyncset.done $0x0  }
0xa6: {  	s19 =	rddreg [dreg:$0x7];
	[sflag:s5] =	ssyncadd.s32 $0xFFFFC000;
	s17 =	sadd.s32 s14, s18  }
0xa7: {  	[tilespmem:s11], [sflag:$0x4] =	stream.linear.gather [hbm4b:s17+s3], $0x80, $0x38;
	[tilespmem:$0x1C400] =	vst v63  }
0xa8: {  	s20 =	sadd.s32 s14, s19  }
0xa9: {  	[tilespmem:s12], [sflag:$0x4] =	stream.linear.gather [hbm4b:s20+s3], $0x80, $0x38;
	[tilespmem:$0x1C400] =	vst v63  }
0xaa: {  	_ =	swait.ge [sflag:s28], $0x80  }
0xab: {  	[sflag:s28] =	ssyncset.done $0x0  }
0xac: {  	[sflag:s28] =	ssyncadd.s32 $0xFFFFFF80  }
0xad: {  	_ =	swait.ge [sflag:s28], $0x80  }
0xae: {  	[sflag:s28] =	ssyncset.done $0x0  }
0xaf: {  	[sflag:s28] =	ssyncadd.s32 $0xFFFFFF80  }
0xb0: {  	[tilespmem:s22], [sflag:$0x1] =	stream.indirect.gather [hbm4b:s4+s25], $0x80, s29, s25, $0xb8;
	[tilespmem:$0x1C400] =	vst v63  }
0xb1: {  	_ =	swait.ge [sflag:s2], $0x4000  }
0xb2: {  	[sflag:s2] =	ssyncset.done $0x0  }
0xb3: {  	[sflag:s2] =	ssyncadd.s32 $0xFFFFC000  }
0xb4: {  	[spmem:s1] =	stream.indirect.scatter.add.f32 [tilespmem:s0], [sflag:$0x2], $0x80, s26, s25, $0xb8;
	[tilespmem:$0x1C400] =	vst v63  }
0xb5: {  	_ =	swait.ge [sflag:s5], $0x4000  }
0xb6: {  	s17 =	rddreg [dreg:$0x6]  }
0xb7: {  	p1 =	seq.s32 s14, $0x4C0;
	[sflag:s5] =	ssyncset.done $0x0;
	s18 =	rddreg [dreg:$0x5]  }
0xb8: {  	[sflag:s5] =	ssyncadd.s32 $0xFFFFC000;
	s19 =	sadd.s32 @!p1 s14, s17;
	s17 =	simm.s32 @!p1 $0x0  }
0xb9: {  	[tilespmem:s17], [sflag:$0x3] =	stream.linear.gather @!p1 [hbm4b:s19+s17], $0x80, $0x38;
	[tilespmem:$0x1C400] =	vst v63  }
0xba: {  	s18 =	sadd.s32 @!p1 s14, s18;
	s19 =	simm.s32 @!p1 $0x200  }
0xbb: {  	[tilespmem:s19], [sflag:$0x3] =	stream.linear.gather @!p1 [hbm4b:s18+s17], $0x80, $0x38;
	[tilespmem:$0x1C400] =	vst v63  }
0xbc: {  	_ =	swait.ge [sflag:s31], $0x80  }
0xbd: {  	[sflag:s31] =	ssyncset.done $0x0  }
0xbe: {  	[sflag:s31] =	ssyncadd.s32 $0xFFFFFF80  }
0xbf: {  	_ =	swait.ge [sflag:s31], $0x80  }
0xc0: {  	[sflag:s31] =	ssyncset.done $0x0  }
0xc1: {  	[sflag:s31] =	ssyncadd.s32 $0xFFFFFF80  }
0xc2: {  	[tilespmem:s0], [sflag:$0x1] =	stream.indirect.gather [hbm4b:s4+s25], $0x80, s11, s25, $0xb8;
	[tilespmem:$0x1C400] =	vst v63  }
0xc3: {  	_ =	swait.ge [sflag:s2], $0x4000  }
0xc4: {  	[sflag:s2] =	ssyncset.done $0x0  }
0xc5: {  	[sflag:s2] =	ssyncadd.s32 $0xFFFFC000  }
0xc6: {  	[spmem:s1] =	stream.indirect.scatter.add.f32 [tilespmem:s22], [sflag:$0x2], $0x80, s30, s25, $0xb8;
	[tilespmem:$0x1C400] =	vst v63  }
0xc7: {  	_ =	swait.ge [sflag:s5], $0x4000  }
0xc8: {  	s20 =	simm.s32 @!p1 $0x80;
	s18 =	rddreg [dreg:$0x4];
	[sflag:s5] =	ssyncset.done $0x0  }
0xc9: {  	s19 =	rddreg [dreg:$0x3];
	[sflag:s5] =	ssyncadd.s32 $0xFFFFC000;
	s18 =	sadd.s32 @!p1 s14, s18  }
0xca: {  	[tilespmem:s20], [sflag:$0x4] =	stream.linear.gather @!p1 [hbm4b:s18+s17], $0x80, $0x38;
	[tilespmem:$0x1C400] =	vst v63  }
0xcb: {  	s14 =	sadd.s32 @!p1 s14, s19;
	s19 =	simm.s32 @!p1 $0x3;
	s18 =	simm.s32 @!p1 $0x280  }
0xcc: {  	[tilespmem:s18], [sflag:$0x4] =	stream.linear.gather @!p1 [hbm4b:s14+s17], $0x80, $0x38;
	[tilespmem:$0x1C400] =	vst v63  }
0xcd: {  	_ =	swait.ge @!p1 [sflag:s19], $0x80  }
0xce: {  	[sflag:s19] =	ssyncset.done @!p1 $0x0  }
0xcf: {  	s16 =	smov.u32 s15;
	s15 =	sadd.s32 $0x40, s15;
	[sflag:s19] =	ssyncadd.s32 @!p1 $0xFFFFFF80  }
0xd0: {  	p0 =	sne.s32 s15, $0x500;
	_ =	swait.ge @!p1 [sflag:s19], $0x80  }
.Ltmp0:
0xd1: {  	[sflag:s19] =	ssyncset.done @!p1 $0x0;
	(pc) =	sbr.rel @p0 .LBB2_2-.Ltmp0, $4  }
0xd2: {  	s14 =	smov.u32 s16;
	s16 =	simm.s32 @!p1 $0x400;
	[sflag:s19] =	ssyncadd.s32 @!p1 $0xFFFFFF80  }
0xd3: {  	[tilespmem:s16], [sflag:$0x1] =	stream.indirect.gather @!p1 [hbm4b:s4+s20], $0x80, s17, s20, $0xb8;
	[tilespmem:$0x1C400] =	vst v63  }
0xd4: {  	_ =	swait.ge [sflag:s2], $0x4000  }
0xd5: {  	p1 =	seq.s32 s14, $0x0;
	[sflag:s2] =	ssyncset.done $0x0  }
0xd6: {  	s15 =	simm.s32 @!p1 $0x2;
	[sflag:s2] =	ssyncadd.s32 $0xFFFFC000  }
0xd7: {  	[spmem:s1] =	stream.indirect.scatter.add.f32 [tilespmem:s0], [sflag:$0x2], $0x80, s12, s25, $0xb8;
	[tilespmem:$0x1C400] =	vst v63  }
0xd8: {  	_ =	swait.ge @!p1 [sflag:s15], $0x4000  }
0xd9: {  	[sflag:s15] =	ssyncset.done @!p1 $0x0  }
0xda: {  	s17 =	sadd.s32 s14, s21;
	s16 =	rddreg [dreg:$0x9];
	[sflag:s15] =	ssyncadd.s32 @!p1 $0xFFFFC000  }
0xdb: {  	[tilespmem:s29], [sflag:$0x3] =	stream.linear.gather [hbm4b:s17+s3], $0x80, $0x38;
	[tilespmem:$0x1C400] =	vst v63  }
0xdc: {  	s18 =	sadd.s32 s14, s16  }
0xdd: {  	[tilespmem:s30], [sflag:$0x3] =	stream.linear.gather [hbm4b:s18+s3], $0x80, $0x38;
	[tilespmem:$0x1C400] =	vst v63  }
0xde: {  	_ =	swait.ge [sflag:s31], $0x80  }
0xdf: {  	[sflag:s31] =	ssyncset.done $0x0  }
0xe0: {  	[sflag:s31] =	ssyncadd.s32 $0xFFFFFF80  }
0xe1: {  	_ =	swait.ge [sflag:s31], $0x80  }
0xe2: {  	[sflag:s31] =	ssyncset.done $0x0  }
0xe3: {  	[sflag:s31] =	ssyncadd.s32 $0xFFFFFF80  }
0xe4: {  	[tilespmem:s0], [sflag:$0x1] =	stream.indirect.gather [hbm4b:s4+s25], $0x80, s25, s25, $0xb8;
	[tilespmem:$0x1C400] =	vst v63  }
0xe5: {  	_ =	swait.ge [sflag:s2], $0x4000  }
0xe6: {  	[sflag:s2] =	ssyncset.done $0x0  }
0xe7: {  	[sflag:s2] =	ssyncadd.s32 $0xFFFFC000  }
0xe8: {  	[spmem:s1] =	stream.indirect.scatter.add.f32 [tilespmem:s22], [sflag:$0x2], $0x80, s24, s25, $0xb8;
	[tilespmem:$0x1C400] =	vst v63  }
0xe9: {  	_ =	swait.ge [sflag:s5], $0x4000  }
0xea: {  	s19 =	rddreg [dreg:$0x8];
	[sflag:s5] =	ssyncset.done $0x0  }
0xeb: {  	s20 =	rddreg [dreg:$0x7];
	[sflag:s5] =	ssyncadd.s32 $0xFFFFC000;
	s15 =	sadd.s32 s14, s19  }
0xec: {  	[tilespmem:s11], [sflag:$0x4] =	stream.linear.gather [hbm4b:s15+s3], $0x80, $0x38;
	[tilespmem:$0x1C400] =	vst v63  }
0xed: {  	s17 =	sadd.s32 s14, s20  }
0xee: {  	[tilespmem:s12], [sflag:$0x4] =	stream.linear.gather [hbm4b:s17+s3], $0x80, $0x38;
	[tilespmem:$0x1C400] =	vst v63  }
0xef: {  	_ =	swait.ge [sflag:s28], $0x80  }
0xf0: {  	[sflag:s28] =	ssyncset.done $0x0  }
0xf1: {  	[sflag:s28] =	ssyncadd.s32 $0xFFFFFF80  }
0xf2: {  	_ =	swait.ge [sflag:s28], $0x80  }
0xf3: {  	[sflag:s28] =	ssyncset.done $0x0  }
0xf4: {  	[sflag:s28] =	ssyncadd.s32 $0xFFFFFF80  }
0xf5: {  	[tilespmem:s22], [sflag:$0x1] =	stream.indirect.gather [hbm4b:s4+s25], $0x80, s29, s25, $0xb8;
	[tilespmem:$0x1C400] =	vst v63  }
0xf6: {  	_ =	swait.ge [sflag:s2], $0x4000  }
0xf7: {  	[sflag:s2] =	ssyncset.done $0x0  }
0xf8: {  	[sflag:s2] =	ssyncadd.s32 $0xFFFFC000  }
0xf9: {  	[spmem:s1] =	stream.indirect.scatter.add.f32 [tilespmem:s0], [sflag:$0x2], $0x80, s26, s25, $0xb8;
	[tilespmem:$0x1C400] =	vst v63  }
0xfa: {  	p0 =	seq.s32 s14, $0x4C0;
	_ =	swait.ge [sflag:s5], $0x4000  }
0xfb: {  	s17 =	simm.s32 @!p0 $0x0;
	s15 =	rddreg [dreg:$0x6];
	[sflag:s5] =	ssyncset.done $0x0  }
0xfc: {  	s16 =	rddreg [dreg:$0x5];
	[sflag:s5] =	ssyncadd.s32 $0xFFFFC000;
	s15 =	sadd.s32 @!p0 s14, s15  }
0xfd: {  	[tilespmem:s17], [sflag:$0x3] =	stream.linear.gather @!p0 [hbm4b:s15+s17], $0x80, $0x38;
	[tilespmem:$0x1C400] =	vst v63  }
0xfe: {  	s15 =	sadd.s32 @!p0 s14, s16;
	s16 =	simm.s32 @!p0 $0x200  }
0xff: {  	[tilespmem:s16], [sflag:$0x3] =	stream.linear.gather @!p0 [hbm4b:s15+s17], $0x80, $0x38;
	[tilespmem:$0x1C400] =	vst v63  }
0x100: {  	_ =	swait.ge [sflag:s31], $0x80  }
0x101: {  	[sflag:s31] =	ssyncset.done $0x0  }
0x102: {  	[sflag:s31] =	ssyncadd.s32 $0xFFFFFF80  }
0x103: {  	_ =	swait.ge [sflag:s31], $0x80  }
0x104: {  	[sflag:s31] =	ssyncset.done $0x0  }
0x105: {  	[sflag:s31] =	ssyncadd.s32 $0xFFFFFF80  }
0x106: {  	[tilespmem:s0], [sflag:$0x1] =	stream.indirect.gather [hbm4b:s4+s25], $0x80, s11, s25, $0xb8;
	[tilespmem:$0x1C400] =	vst v63  }
0x107: {  	_ =	swait.ge [sflag:s2], $0x4000  }
0x108: {  	[sflag:s2] =	ssyncset.done $0x0  }
0x109: {  	[sflag:s2] =	ssyncadd.s32 $0xFFFFC000  }
0x10a: {  	[spmem:s1] =	stream.indirect.scatter.add.f32 [tilespmem:s22], [sflag:$0x2], $0x80, s30, s25, $0xb8;
	[tilespmem:$0x1C400] =	vst v63  }
0x10b: {  	_ =	swait.ge [sflag:s5], $0x4000  }
0x10c: {  	s18 =	simm.s32 @!p0 $0x80;
	s15 =	rddreg [dreg:$0x4];
	[sflag:s5] =	ssyncset.done $0x0  }
0x10d: {  	s16 =	rddreg [dreg:$0x3];
	[sflag:s5] =	ssyncadd.s32 $0xFFFFC000;
	s15 =	sadd.s32 @!p0 s14, s15  }
0x10e: {  	[tilespmem:s18], [sflag:$0x4] =	stream.linear.gather @!p0 [hbm4b:s15+s17], $0x80, $0x38;
	[tilespmem:$0x1C400] =	vst v63  }
0x10f: {  	s14 =	sadd.s32 @!p0 s14, s16;
	s15 =	simm.s32 @!p0 $0x280  }
0x110: {  	[tilespmem:s15], [sflag:$0x4] =	stream.linear.gather @!p0 [hbm4b:s14+s17], $0x80, $0x38;
	[tilespmem:$0x1C400] =	vst v63  }
0x111: {  	s14 =	simm.s32 @!p0 $0x3  }
0x112: {  	_ =	swait.ge @!p0 [sflag:s14], $0x80  }
0x113: {  	[sflag:s14] =	ssyncset.done @!p0 $0x0  }
0x114: {  	[sflag:s14] =	ssyncadd.s32 @!p0 $0xFFFFFF80  }
0x115: {  	_ =	swait.ge @!p0 [sflag:s14], $0x80  }
0x116: {  	[sflag:s14] =	ssyncset.done @!p0 $0x0  }
0x117: {  	[sflag:s14] =	ssyncadd.s32 @!p0 $0xFFFFFF80;
	s14 =	simm.s32 @!p0 $0x400  }
0x118: {  	[tilespmem:s14], [sflag:$0x1] =	stream.indirect.gather @!p0 [hbm4b:s4+s18], $0x80, s17, s18, $0xb8;
	[tilespmem:$0x1C400] =	vst v63  }
0x119: {  	_ =	swait.ge [sflag:s2], $0x4000  }
0x11a: {  	[sflag:s2] =	ssyncset.done $0x0  }
0x11b: {  	[sflag:s2] =	ssyncadd.s32 $0xFFFFC000  }
0x11c: {  	[spmem:s1] =	stream.indirect.scatter.add.f32 [tilespmem:s0], [sflag:$0x2], $0x80, s12, s25, $0xb8;
	[tilespmem:$0x1C400] =	vst v63  }
0x11d: {  	_ =	swait.ge [sflag:s5], $0x4000  }
0x11e: {  	[sflag:s5] =	ssyncset.done $0x0  }
0x11f: {  	s18 =	stileid.u32;
	[sflag:s5] =	ssyncadd.s32 $0xFFFFC000  }
0x120: {  	s14 =	sshll.u32 s18, $0x6;
	[bflag:$0x0] =	sbarrier.arrive $0xFFFF  }
0x121: {  	s19 =	sshrl.u32 s6, $0x3;
	s14 =	sor.u32 $0x1C05, s14;
	s20 =	rddreg [dreg:$0xf]  }
0x122: {  	[hbm:s20], [sflag:s14] =	dma.local [spmem:s19], $0x800  }
0x123: {  	_ =	swait.ge [sflag:s23], $0x800  }
0x124: {  	[sflag:s23] =	ssyncset.done $0x0  }
0x125: {  	s17 =	sshrl.u32 s7, $0x3;
	s18 =	rddreg [dreg:$0x10];
	[sflag:s23] =	ssyncadd.s32 $0xFFFFF800  }
0x126: {  	[hbm:s18], [sflag:s14] =	dma.local [spmem:s17], $0x800  }
0x127: {  	_ =	swait.ge [sflag:s23], $0x800  }
0x128: {  	[sflag:s23] =	ssyncset.done $0x0  }
0x129: {  	s19 =	sshrl.u32 s8, $0x3;
	s20 =	rddreg [dreg:$0x11];
	[sflag:s23] =	ssyncadd.s32 $0xFFFFF800  }
0x12a: {  	[hbm:s20], [sflag:s14] =	dma.local [spmem:s19], $0x800  }
0x12b: {  	_ =	swait.ge [sflag:s23], $0x800  }
0x12c: {  	[sflag:s23] =	ssyncset.done $0x0  }
0x12d: {  	s16 =	sshrl.u32 s9, $0x3;
	s17 =	rddreg [dreg:$0x12];
	[sflag:s23] =	ssyncadd.s32 $0xFFFFF800  }
0x12e: {  	[hbm:s17], [sflag:s14] =	dma.local [spmem:s16], $0x800  }
0x12f: {  	_ =	swait.ge [sflag:s23], $0x800  }
0x130: {  	[sflag:s23] =	ssyncset.done $0x0  }
0x131: {  	s18 =	sshrl.u32 s10, $0x3;
	s19 =	rddreg [dreg:$0x13];
	[sflag:s23] =	ssyncadd.s32 $0xFFFFF800  }
0x132: {  	[hbm:s19], [sflag:s14] =	dma.local [spmem:s18], $0x800  }
0x133: {  	_ =	swait.ge [sflag:s23], $0x800  }
0x134: {  	s13 =	sadd.s32 $0x1, s13;
	s20 =	rddreg [dreg:$0x14]  }
0x135: {  	p0 =	sne.s32 s13, s20  }
.Ltmp1:
0x136: {  	_ = 	snop;
	(pc) =	sbr.rel @p0 .LBB2_1-.Ltmp1, $3  }
0x137: {  	_ =	sdelay $0x1  }
0x138: {  	[sflag:s23] =	ssyncset.done $0x0  }
0x139: {  	[sflag:s23] =	ssyncadd.s32 $0xFFFFF800  }
0x13a: {  	_ =	sfence.sel $0x180000  }
0x13b: {  	[bflag:$0x0] =	sbarrier.arrive $0xFFFF  }
0x13c: {  	_ =	strace $0x9000004D  }
0x13d: {  	s0 =	stileid.u32;
	[bflag:$0x2] =	sbarrier.arrive $0xFFFF  }
0x13e: {  	p0 =	sne.s32 s0, $0x0;
	s0 =	rddreg [dreg:$0x2]  }
0x13f: {  	s0 =	sadd.s32 @!p0 $0x100000, s0  }
0x140: {  	[sflag:s0] =	ssyncadd.tile.s32 @!p0 $0x1;
	_ =	shalt  }
.Lfunc_end2:
_tile_overlayer_lowered:
.L_overlay_start_2:
0x141: {  	(tag) =	ssettag $0x2  }
0x142: {  	s0 =	rddreg [dreg:$0x0];
	s2 =	stileid.u32  }
0x143: {  	s1 =	rddreg [dreg:$0x1];
	p0 =	sne.s32 s2, $0x0  }
0x144: {  	s3 =	rddreg [dreg:$0x2];
	[bflag:$0x3] =	sbarrier.arrive $0xFFFF;
	s2 =	simm.s32 @!p0 $0x1C05  }
0x145: {  	[timem:s3], [sflag:s2] =	dma.local @!p0 [hbm:s0], s1  }
0x146: {  	s0 =	simm.s32 @!p0 $0x5  }
0x147: {  	_ =	swait.ge @!p0 [sflag:s0], s1  }
0x148: {  	s1 =	ssub.s32 @!p0 $0x0, s1;
	[sflag:s0] =	ssyncset.done @!p0 $0x0  }
0x149: {  	[sflag:s0] =	ssyncadd.s32 @!p0 s1  }
0x14a: {  	[bflag:$0x3] =	sbarrier.arrive $0xFFFF  }
0x14b: {  	_ =	shalt  }

// kernel: kernel.20.cloned.1.call-start
scs
__scs_entry_jumppad:
0x0: {  	(pc) =	sbr.rel $0x88, $3  }
0x1: {  	(tag) =	ssettag $0x0;
	lr =	simm.s32 $0x1  }
0x2: {  	[smem:$0x3F87] =	sst lr;
	_ =	strace $0xD0000000  }
0x3: {  	_ = 	snop  }
0x4: {  	_ = 	snop  }
0x5: {  	_ = 	snop  }
0x6: {  	_ = 	snop  }
0x7: {  	_ = 	snop  }
__scs_overlays_trampoline_lowered:
0x8: {  	[smem:$0x3F96] =	sst s0  }
0x9: {  	[smem:$0x3F97] =	sst s1  }
0xa: {  	[smem:$0x3F98] =	sst s2  }
0xb: {  	[smem:$0x3F99] =	sst s3  }
0xc: {  	[smem:$0x3F9A] =	sst s4  }
0xd: {  	[smem:$0x3F9B] =	sst s5  }
0xe: {  	[smem:$0x3F9C] =	sst s6  }
0xf: {  	[smem:$0x3F9D] =	sst s7  }
0x10: {  	[smem:$0x3F9E] =	sst s8  }
0x11: {  	[smem:$0x3F9F] =	sst s9;
	s0 =	simm.s32 @!p0 $0x0  }
0x12: {  	s1 =	sld [smem:$0x3F85];
	s0 =	simm.s32 @p0 $0x1  }
0x13: {  	[smem:$0x3FA0] =	sst s0;
	s0 =	simm.s32 @!p1 $0x0  }
0x14: {  	s2 =	sld [smem:$0x3F84];
	s0 =	simm.s32 @p1 $0x1  }
0x15: {  	[smem:$0x3FA1] =	sst s0;
	s0 =	simm.s32 @!p2 $0x0  }
0x16: {  	s3 =	sld [smem:$0x3FDB];
	s0 =	simm.s32 @p2 $0x1  }
0x17: {  	s4 =	simm.s32 $0x1BF5;
	[smem:$0x3FA3] =	sst s0  }
0x18: {  	s0 =	sld [smem:$0x3F86];
	_ =	swait.ge [sflag:s4], $0x0  }
0x19: {  	s7 =	sld [smem:$0x3F87]  }
0x1a: {  	s8 =	sadd.s32 $0xFFFFE003, lr  }
0x1b: {  	s9 =	sadd.s32 $0xFFFFFEF7, lr;
	s5 =	simm.s32 $0xFFFFFFFF;
	p2 =	slt.u32 s8, $0xFFFFF086  }
0x1c: {  	p1 =	slt.u32 s9, $0xF7A;
	s5 =	simm.s32 @!p2 $0x0  }
0x1d: {  	s5 =	simm.s32 @p1 $0x1;
	p0 =	seq.s32 s7, s2  }
0x1e: {  	s7 =	smul.u32 @!p0 $0xF7A, s2;
	p2 =	seq.s32 @!p0 s5, $0x0  }
0x1f: {  	s9 =	smul.u32 $0xF7A, s1;
	s8 =	simm.s32 @!p0 $0x1BF5;
	p2 =	por !p2, p0  }
0x20: {  	[sflag:s8] =	ssyncset.s32 @!p0 $0xFFFFF086;
	s6 =	sadd.s32 @!p0 s3, s7;
	s7 =	simm.s32 @!p0 $0x108  }
0x21: {  	s3 =	sadd.s32 s3, s9;
	s6 =	sadd.s32 @!p0 $0x88, s6;
	s7 =	simm.s32 @p2 $0x1082  }
0x22: {  	[simem:s7], [sflag:s8] =	dma.local @!p0 [hbm:s6], $0xF7A  }
0x23: {  	s9 =	sor.u32 $0xD0000000, s2;
	s6 =	simm.s32 $0x108;
	_ =	swait.ge @!p0 [sflag:s8], $0x0  }
0x24: {  	s3 =	sadd.s32 $0x88, s3;
	s6 =	simm.s32 @!p1 $0x1082;
	[sflag:s4] =	ssyncset.s32 $0xFFFFF086  }
0x25: {  	[simem:s6], [sflag:s4] =	dma.local [hbm:s3], $0xF7A  }
0x26: {  	[smem:$0x3F87] =	sst s1;
	(tag) =	ssettag s2;
	_ =	strace s9  }
0x27: {  	s1 =	sld [smem:$0x3F97]  }
0x28: {  	s2 =	sld [smem:$0x3F98]  }
0x29: {  	s4 =	sld [smem:$0x3F9A]  }
0x2a: {  	p0 =	seq.s32 s5, $0x0;
	s5 =	sld [smem:$0x3F9B]  }
0x2b: {  	s6 =	sld [smem:$0x3F9C]  }
0x2c: {  	s7 =	sld [smem:$0x3F9D]  }
0x2d: {  	s3 =	simm.s32 $0x108;
	s8 =	sld [smem:$0x3F9E]  }
0x2e: {  	s3 =	simm.s32 @!p0 $0x1082;
	s9 =	sld [smem:$0x3F9F]  }
0x2f: {  	lr =	sadd.s32 s0, s3;
	s0 =	sld [smem:$0x3F96]  }
0x30: {  	s3 =	sld [smem:$0x3F99]  }
0x31: {  	[smem:$0x3FA2] =	sst s10  }
0x32: {  	s10 =	sld [smem:$0x3FA0];
	_ =	sdelay $0x3  }
0x33: {  	p0 =	seq.s32 s10, $0x1;
	s10 =	sld [smem:$0x3FA2];
	_ =	sdelay $0x3  }
0x34: {  	[smem:$0x3FA2] =	sst s10  }
0x35: {  	s10 =	sld [smem:$0x3FA1];
	_ =	sdelay $0x3  }
0x36: {  	p1 =	seq.s32 s10, $0x1;
	s10 =	sld [smem:$0x3FA2];
	_ =	sdelay $0x3  }
0x37: {  	[smem:$0x3FA2] =	sst s10  }
0x38: {  	s10 =	sld [smem:$0x3FA3]  }
0x39: {  	_ = 	snop;
	(pc) =	sbr.ind lr, $3  }
0x3a: {  	_ = 	snop  }
0x3b: {  	_ = 	snop  }
0x3c: {  	p2 =	seq.s32 s10, $0x1;
	s10 =	sld [smem:$0x3FA2]  }
0x3d: {  	_ =	shalt  }
0x3e: {  	_ =	shalt  }
0x3f: {  	_ =	shalt  }
0x40: {  	_ =	shalt  }
0x41: {  	_ =	shalt  }
0x42: {  	_ =	shalt  }
0x43: {  	_ =	shalt  }
0x44: {  	_ =	shalt  }
0x45: {  	_ =	shalt  }
0x46: {  	_ =	shalt  }
0x47: {  	_ =	shalt  }
0x48: {  	_ =	shalt  }
0x49: {  	_ =	shalt  }
0x4a: {  	_ =	shalt  }
0x4b: {  	_ =	shalt  }
0x4c: {  	_ =	shalt  }
0x4d: {  	_ =	shalt  }
0x4e: {  	_ =	shalt  }
0x4f: {  	_ =	shalt  }
0x50: {  	_ =	shalt  }
0x51: {  	_ =	shalt  }
0x52: {  	_ =	shalt  }
0x53: {  	_ =	shalt  }
0x54: {  	_ =	shalt  }
0x55: {  	_ =	shalt  }
0x56: {  	_ =	shalt  }
0x57: {  	_ =	shalt  }
0x58: {  	_ =	shalt  }
0x59: {  	_ =	shalt  }
0x5a: {  	_ =	shalt  }
0x5b: {  	_ =	shalt  }
0x5c: {  	_ =	shalt  }
0x5d: {  	_ =	shalt  }
0x5e: {  	_ =	shalt  }
0x5f: {  	_ =	shalt  }
0x60: {  	_ =	shalt  }
0x61: {  	_ =	shalt  }
0x62: {  	_ =	shalt  }
0x63: {  	_ =	shalt  }
0x64: {  	_ =	shalt  }
0x65: {  	_ =	shalt  }
0x66: {  	_ =	shalt  }
0x67: {  	_ =	shalt  }
0x68: {  	_ =	shalt  }
0x69: {  	_ =	shalt  }
0x6a: {  	_ =	shalt  }
0x6b: {  	_ =	shalt  }
0x6c: {  	_ =	shalt  }
0x6d: {  	_ =	shalt  }
0x6e: {  	_ =	shalt  }
0x6f: {  	_ =	shalt  }
0x70: {  	_ =	shalt  }
0x71: {  	_ =	shalt  }
0x72: {  	_ =	shalt  }
0x73: {  	_ =	shalt  }
0x74: {  	_ =	shalt  }
0x75: {  	_ =	shalt  }
0x76: {  	_ =	shalt  }
0x77: {  	_ =	shalt  }
0x78: {  	_ =	shalt  }
0x79: {  	_ =	shalt  }
0x7a: {  	_ =	shalt  }
0x7b: {  	_ =	shalt  }
0x7c: {  	_ =	shalt  }
0x7d: {  	_ =	shalt  }
0x7e: {  	_ =	shalt  }
0x7f: {  	_ =	shalt  }
0x80: {  	_ =	shalt  }
0x81: {  	_ =	shalt  }
0x82: {  	_ =	shalt  }
0x83: {  	_ =	shalt  }
0x84: {  	_ =	shalt  }
0x85: {  	_ =	shalt  }
0x86: {  	_ =	shalt  }
0x87: {  	_ =	shalt  }
.Lfunc_end0:
.L_simem_size_0:
called_computation.3_lowered:
.L_overlay_start_0:
0x88: {  	s2 =	sld [smem:$0x3FD9]  }
0x89: {  	s3 =	sld [smem:$0x3FFE];
	_ =	sdelay $0x1  }
0x8a: {  	s1 =	srdreg.scid  }
0x8b: {  	s0 =	sand.u32 $0x1, s1  }
0x8c: {  	s16 =	sshll.u32 s0, $0xA;
	s2 =	sadd.s32 s3, s2  }
0x8d: {  	s2 =	sadd.s32 s2, s16  }
0x8e: {  	[smem:$0x3FAE] =	sst s2  }
0x8f: {  	_ = 	snop  }
0x90: {  	(tm) =	ssettm $0x1  }
0x91: {  	s17 =	sld [smem:$0x3FFB];
	_ =	sdelay $0x3  }
0x92: {  	_ =	strace s17  }
0x93: {  	s2 =	sld [smem:$0x3FFC];
	_ =	sdelay $0x3  }
0x94: {  	_ =	strace s2  }
0x95: {  	s2 =	sld [smem:$0x3FFD];
	_ =	sdelay $0x3  }
0x96: {  	_ =	strace s2  }
0x97: {  	_ =	strace $0x8FFFFFFF  }
0x98: {  	s18 =	sld [smem:$0x3FDB];
	_ =	sdelay $0x1  }
0x99: {  	s19 =	simm.s32 $_scs_section_size  }
0x9a: {  	s4 =	simm.s32 $_size__tile_overlayer_lowered;
	s5 =	simm.s32 $_tile_overlayer_lowered  }
0x9b: {  	s22 =	simm.s32 $0x1BFF;
	s21 =	sshll.u32 s5, $0x1;
	s2 =	sadd.s32 s19, s18  }
0x9c: {  	s6 =	simm.s32 $0x0;
	s20 =	sshll.u32 s4, $0x1;
	s4 =	sadd.s32 s21, s2  }
0x9d: {  	[timem:s6], [sflag:s22] =	dma.local [hbm:s4], s20  }
0x9e: {  	_ =	swait.ge [sflag:s22], s20  }
0x9f: {  	s3 =	ssub.s32 $0x0, s20;
	[sflag:s22] =	ssyncset.done $0x0  }
0xa0: {  	[sflag:s22] =	ssyncadd.s32 s3;
	_ =	sdelay $0x1  }
0xa1: {  	s23 =	simm.s32 $0x1B8B  }
0xa2: {  	_ =	swait.ge [sflag:s23], $0x1  }
0xa3: {  	[sflag:s23] =	ssyncset.done $0x0  }
0xa4: {  	s25 =	simm.s32 $0x1B8E;
	s24 =	sld [smem:$0x3FFE];
	[sflag:s23] =	ssyncadd.s32 $0xFFFFFFFF  }
0xa5: {  	s26 =	simm.s32 $execute0_lowered;
	[smem:$0x3FD2] =	sst s25  }
0xa6: {  	s4 =	sshll.u32 s26, $0x1;
	_ =	strace $0x8000004F;
	[dreg:$0x1] =	wrdreg $0xFFFFFFFF  }
0xa7: {  	s28 =	simm.s32 $_size_execute0_lowered;
	s2 =	sadd.s32 s2, s4;
	[dreg:$0x0] =	wrdreg $0x0  }
0xa8: {  	s4 =	sshll.u32 s28, $0x1;
	[dreg:$0x2] =	wrdreg s2  }
0xa9: {  	[dreg:$0x3] =	wrdreg s4  }
0xaa: {  	[dreg:$0x4] =	wrdreg $0xC0  }
0xab: {  	_ =	task [dreg:s6], $0x5FFFF  }
0xac: {  	[dreg:$0x1] =	wrdreg $0xFFFFFFFF  }
0xad: {  	[dreg:$0x0] =	wrdreg $0x60  }
0xae: {  	[dreg:$0x2] =	wrdreg s24  }
0xaf: {  	[dreg:$0x3] =	wrdreg $0x84000  }
0xb0: {  	[dreg:$0x4] =	wrdreg $0x9  }
0xb1: {  	_ =	task.clear_ibuf [dreg:s6], $0x5FFFF;
	_ =	strace $0x9000004F  }
0xb2: {  	s29 =	simm.s32 $0x9;
	_ =	strace $0x80000051  }
0xb3: {  	_ =	swait.ge [sflag:s29], $0x1  }
0xb4: {  	[sflag:s29] =	ssyncadd.s32 $0xFFFFFFFF  }
0xb5: {  	_ =	strace $0x90000051  }
0xb6: {  	_ =	sfence  }
0xb7: {  	s30 =	sld [smem:$0x0];
	_ =	sdelay $0x2  }
0xb8: {  	s31 =	sshll.u32 s1, $0xD;
	s1 =	sshrl.u32 s1, $0x2  }
0xb9: {  	s3 =	sand.u32 $0x4000, s31;
	s1 =	sadd.s32 s1, s30  }
0xba: {  	s0 =	sor.u32 s3, s0;
	s1 =	sshll.u32 s1, $0x11  }
0xbb: {  	s0 =	sor.u32 s1, s0  }
0xbc: {  	s0 =	sadd.s32 $0x8F2B, s0  }
0xbd: {  	[sflag:s0] =	ssyncadd.remote.s32 $0x1  }
0xbe: {  	_ =	sfence.sel $0xFFFF  }
0xbf: {  	[dreg:$0x0] =	wrdreg $0xFFFFFFFF;
	(pc) =	sbr.abs _section_cstart, $3  }
0xc0: {  	[dreg:$0x1] =	wrdreg $0xFFFFFFFF  }
0xc1: {  	_ =	task.clear_ibuf [dreg:s6], $0x2FFFF;
	_ =	strace $0x9FFFFFFF  }
0xc2: {  	(tm) =	ssettm $0x7FFFFFFF  }
0xc3: {  	_ =	shalt  }
tec
execute0_lowered:
.L_overlay_start_1:
0x0: {  	(tag) =	ssettag $0x1  }
0x1: {  	s5 =	rddreg [dreg:$0x0]  }
0x2: {  	s1 =	rddreg [dreg:$0x1];
	s0 =	srdreg.scid;
	s3 =	simm.s32 $0x0  }
0x3: {  	s9 =	stileid.u32;
	s28 =	simm.s32 $0x3;
	s29 =	simm.s32 $0x100  }
0x4: {  	s30 =	simm.s32 $0x300;
	s31 =	simm.s32 $0x4;
	s10 =	sand.u32 $0x1, s0  }
0x5: {  	[smem:$0x7FF] =	sst s3;
	s4 =	sadd.s32 $0x6AC00, s5;
	s7 =	smul.u32 $0x50000, s9  }
0x6: {  	s2 =	sadd.s32 $0x5400, s5;
	s20 =	sadd.s32 $0x1A400, s5;
	s12 =	smul.u32 $0x14000, s9  }
0x7: {  	s16 =	smul.u32 $0x2800, s9;
	s0 =	sshll.u32 s10, $0x4;
	_ =	strace $0x80000050  }
0x8: {  	[dreg:$0xa] =	wrdreg s20;
	s21 =	ssub.s32 $0x2, s10;
	s14 =	smul.u32 $0x28000, s10  }
0x9: {  	s19 =	smul.u32 $0x140000, s10;
	s6 =	sor.u32 s9, s0;
	s0 =	sadd.s32 $0xF400, s5  }
0xa: {  	s5 =	sadd.s32 $0x92C00, s5;
	s8 =	sshrl.u32 s21, $0x1;
	s22 =	sshrl.u32 s7, $0x2  }
0xb: {  	s15 =	sadd.s32 $0x4000, s12;
	s17 =	sadd.s32 $0x8000, s12;
	s18 =	sadd.s32 $0xC000, s12  }
0xc: {  	s23 =	sadd.s32 $0x10000, s12;
	s11 =	smul.u32 $0x2800, s6;
	s13 =	ssub.s32 s21, s8  }
0xd: {  	s6 =	sadd.s32 s22, s1;
	s7 =	sadd.s32 s15, s1;
	s8 =	sadd.s32 s17, s1  }
0xe: {  	s9 =	sadd.s32 s18, s1;
	s14 =	sadd.s32 s16, s14;
	s10 =	sadd.s32 s23, s1  }
0xf: {  	s12 =	sadd.s32 s12, s19;
	s15 =	sadd.s32 s19, s15;
	s17 =	sadd.s32 s19, s17  }
0x10: {  	s18 =	sadd.s32 s19, s18;
	s16 =	sadd.s32 s19, s23;
	s20 =	sor.u32 $0x280, s14  }
0x11: {  	s25 =	sor.u32 $0x200, s14;
	s22 =	sor.u32 $0x180, s14;
	s12 =	sshrl.u32 s12, $0x3  }
0x12: {  	s15 =	sshrl.u32 s15, $0x3;
	s11 =	sshrl.u32 s11, $0x3;
	s12 =	sadd.s32 s5, s12  }
0x13: {  	s20 =	sshrl.u32 s20, $0x3;
	s21 =	sadd.s32 s0, s11;
	[dreg:$0xf] =	wrdreg s12  }
0x14: {  	s19 =	sshrl.u32 s22, $0x3;
	s24 =	sadd.s32 s20, s2;
	[dreg:$0xb] =	wrdreg s21  }
0x15: {  	s20 =	sadd.s32 s20, s0;
	s23 =	sadd.s32 s2, s11;
	[dreg:$0x3] =	wrdreg s24  }
0x16: {  	s11 =	sor.u32 $0x10, s11;
	s12 =	simm.s32 $0x380;
	[dreg:$0x4] =	wrdreg s20  }
0x17: {  	s21 =	sshrl.u32 s25, $0x3;
	[dreg:$0xc] =	wrdreg s23;
	s25 =	sadd.s32 s19, s2  }
0x18: {  	s20 =	sshrl.u32 s17, $0x3;
	s26 =	sadd.s32 s21, s2;
	[dreg:$0x7] =	wrdreg s25  }
0x19: {  	s23 =	sor.u32 $0x100, s14;
	s24 =	sadd.s32 s21, s0;
	[dreg:$0x5] =	wrdreg s26  }
0x1a: {  	s21 =	sshrl.u32 s18, $0x3;
	s25 =	sadd.s32 s19, s0;
	[dreg:$0x6] =	wrdreg s24  }
0x1b: {  	s26 =	sadd.s32 s0, s11;
	s11 =	sadd.s32 s2, s11;
	[dreg:$0x8] =	wrdreg s25  }
0x1c: {  	s22 =	sadd.s32 s5, s21;
	s24 =	sshrl.u32 s16, $0x3;
	[dreg:$0xd] =	wrdreg s26  }
0x1d: {  	s25 =	simm.s32 $0x80;
	[dreg:$0xe] =	wrdreg s11;
	s11 =	sadd.s32 s5, s15  }
0x1e: {  	[dreg:$0x12] =	wrdreg s22;
	s26 =	smax.u32 s13, $0x1;
	s22 =	simm.s32 $0x400  }
0x1f: {  	s13 =	simm.s32 $0x0;
	[dreg:$0x10] =	wrdreg s11;
	s11 =	sadd.s32 s5, s20  }
0x20: {  	s5 =	sadd.s32 s5, s24;
	[dreg:$0x14] =	wrdreg s26;
	s24 =	simm.s32 $0x200  }
0x21: {  	s26 =	simm.s32 $0x280;
	[dreg:$0x11] =	wrdreg s11;
	s11 =	sshrl.u32 s23, $0x3  }
0x22: {  	[dreg:$0x13] =	wrdreg s5;
	s23 =	simm.s32 $0x5;
	s5 =	simm.s32 $0x2  }
0x23: {  	s2 =	sadd.s32 s11, s2;
	s21 =	sadd.s32 s11, s0;
	s0 =	simm.s32 $0x4400  }
0x24: {  	s11 =	simm.s32 $0x180;
	[dreg:$0x9] =	wrdreg s2;
	s2 =	simm.s32 $0x1  }
.LBB2_1:
0x25: {  	s14 =	rddreg [dreg:$0xa]  }
0x26: {  	[tilespmem:s22], [sflag:$0x5] =	stream.linear.gather [hbm4b:s14+s3], $0x4000, $0x38;
	[tilespmem:$0x1C400] =	vst v63  }
0x27: {  	_ =	swait.ge [sflag:s23], $0x4000  }
0x28: {  	[sflag:s23] =	ssyncset.done $0x0  }
0x29: {  	[sflag:s23] =	ssyncadd.s32 $0xFFFFC000  }
0x2a: {  	[spmem:s6] =	stream.linear.scatter [tilespmem:s22], [sflag:$0x5], $0x4000, $0x38;
	[tilespmem:$0x1C400] =	vst v63  }
0x2b: {  	_ =	swait.ge [sflag:s23], $0x4000  }
0x2c: {  	[sflag:s23] =	ssyncset.done $0x0  }
0x2d: {  	[sflag:s23] =	ssyncadd.s32 $0xFFFFC000  }
0x2e: {  	[spmem:s7] =	stream.linear.scatter [tilespmem:s22], [sflag:$0x5], $0x4000, $0x38;
	[tilespmem:$0x1C400] =	vst v63  }
0x2f: {  	_ =	swait.ge [sflag:s23], $0x4000  }
0x30: {  	[sflag:s23] =	ssyncset.done $0x0  }
0x31: {  	[sflag:s23] =	ssyncadd.s32 $0xFFFFC000  }
0x32: {  	[spmem:s8] =	stream.linear.scatter [tilespmem:s22], [sflag:$0x5], $0x4000, $0x38;
	[tilespmem:$0x1C400] =	vst v63  }
0x33: {  	_ =	swait.ge [sflag:s23], $0x4000  }
0x34: {  	[sflag:s23] =	ssyncset.done $0x0  }
0x35: {  	[sflag:s23] =	ssyncadd.s32 $0xFFFFC000  }
0x36: {  	[spmem:s9] =	stream.linear.scatter [tilespmem:s22], [sflag:$0x5], $0x4000, $0x38;
	[tilespmem:$0x1C400] =	vst v63  }
0x37: {  	_ =	swait.ge [sflag:s23], $0x4000  }
0x38: {  	[sflag:s23] =	ssyncset.done $0x0  }
0x39: {  	[sflag:s23] =	ssyncadd.s32 $0xFFFFC000  }
0x3a: {  	[spmem:s10] =	stream.linear.scatter [tilespmem:s22], [sflag:$0x5], $0x4000, $0x38;
	[tilespmem:$0x1C400] =	vst v63  }
0x3b: {  	_ =	swait.ge [sflag:s23], $0x4000  }
0x3c: {  	[sflag:s23] =	ssyncset.done $0x0  }
0x3d: {  	[sflag:s23] =	ssyncadd.s32 $0xFFFFC000  }
0x3e: {  	[bflag:$0x0] =	sbarrier.arrive $0xFFFF  }
0x3f: {  	s18 =	rddreg [dreg:$0xb]  }
0x40: {  	[tilespmem:s3], [sflag:$0x3] =	stream.linear.gather [hbm4b:s18+s3], $0x80, $0x38;
	[tilespmem:$0x1C400] =	vst v63  }
0x41: {  	s19 =	rddreg [dreg:$0xc]  }
0x42: {  	[tilespmem:s24], [sflag:$0x3] =	stream.linear.gather [hbm4b:s19+s3], $0x80, $0x38;
	[tilespmem:$0x1C400] =	vst v63  }
0x43: {  	s20 =	rddreg [dreg:$0xd]  }
0x44: {  	[tilespmem:s25], [sflag:$0x4] =	stream.linear.gather [hbm4b:s20+s3], $0x80, $0x38;
	[tilespmem:$0x1C400] =	vst v63  }
0x45: {  	s15 =	rddreg [dreg:$0xe]  }
0x46: {  	[tilespmem:s26], [sflag:$0x4] =	stream.linear.gather [hbm4b:s15+s3], $0x80, $0x38;
	[tilespmem:$0x1C400] =	vst v63  }
0x47: {  	_ =	swait.ge [sflag:s28], $0x80  }
0x48: {  	[sflag:s28] =	ssyncset.done $0x0  }
0x49: {  	[sflag:s28] =	ssyncadd.s32 $0xFFFFFF80  }
0x4a: {  	_ =	swait.ge [sflag:s28], $0x80  }
0x4b: {  	p0 =	por $0x1, $0x1;
	[sflag:s28] =	ssyncset.done $0x0  }
0x4c: {  	s14 =	simm.s32 @!p0 $0x2;
	[sflag:s28] =	ssyncadd.s32 $0xFFFFFF80  }
0x4d: {  	[tilespmem:s22], [sflag:$0x1] =	stream.indirect.gather [hbm4b:s4+s25], $0x80, s3, s25, $0xb8;
	[tilespmem:$0x1C400] =	vst v63  }
0x4e: {  	_ =	swait.ge @!p0 [sflag:s14], $0x4000  }
0x4f: {  	[sflag:s14] =	ssyncset.done @!p0 $0x0  }
0x50: {  	s16 =	sadd.s32 $0x0, s21;
	s15 =	rddreg [dreg:$0x9];
	[sflag:s14] =	ssyncadd.s32 @!p0 $0xFFFFC000  }
0x51: {  	[tilespmem:s29], [sflag:$0x3] =	stream.linear.gather [hbm4b:s16+s3], $0x80, $0x38;
	[tilespmem:$0x1C400] =	vst v63  }
0x52: {  	s17 =	sadd.s32 $0x0, s15  }
0x53: {  	[tilespmem:s30], [sflag:$0x3] =	stream.linear.gather [hbm4b:s17+s3], $0x80, $0x38;
	[tilespmem:$0x1C400] =	vst v63  }
0x54: {  	_ =	swait.ge [sflag:s31], $0x80  }
0x55: {  	[sflag:s31] =	ssyncset.done $0x0  }
0x56: {  	[sflag:s31] =	ssyncadd.s32 $0xFFFFFF80  }
0x57: {  	_ =	swait.ge [sflag:s31], $0x80  }
0x58: {  	[sflag:s31] =	ssyncset.done $0x0  }
0x59: {  	[sflag:s31] =	ssyncadd.s32 $0xFFFFFF80  }
0x5a: {  	[tilespmem:s0], [sflag:$0x1] =	stream.indirect.gather [hbm4b:s4+s25], $0x80, s25, s25, $0xb8;
	[tilespmem:$0x1C400] =	vst v63  }
0x5b: {  	_ =	swait.ge [sflag:s2], $0x4000  }
0x5c: {  	[sflag:s2] =	ssyncset.done $0x0  }
0x5d: {  	[sflag:s2] =	ssyncadd.s32 $0xFFFFC000  }
0x5e: {  	[spmem:s1] =	stream.indirect.scatter.add.f32 [tilespmem:s22], [sflag:$0x2], $0x80, s24, s25, $0xb8;
	[tilespmem:$0x1C400] =	vst v63  }
0x5f: {  	_ =	swait.ge [sflag:s5], $0x4000  }
0x60: {  	s18 =	rddreg [dreg:$0x8];
	[sflag:s5] =	ssyncset.done $0x0  }
0x61: {  	s19 =	rddreg [dreg:$0x7];
	[sflag:s5] =	ssyncadd.s32 $0xFFFFC000;
	s14 =	sadd.s32 $0x0, s18  }
0x62: {  	[tilespmem:s11], [sflag:$0x4] =	stream.linear.gather [hbm4b:s14+s3], $0x80, $0x38;
	[tilespmem:$0x1C400] =	vst v63  }
0x63: {  	s20 =	sadd.s32 $0x0, s19  }
0x64: {  	[tilespmem:s12], [sflag:$0x4] =	stream.linear.gather [hbm4b:s20+s3], $0x80, $0x38;
	[tilespmem:$0x1C400] =	vst v63  }
0x65: {  	_ =	swait.ge [sflag:s28], $0x80  }
0x66: {  	[sflag:s28] =	ssyncset.done $0x0  }
0x67: {  	[sflag:s28] =	ssyncadd.s32 $0xFFFFFF80  }
0x68: {  	_ =	swait.ge [sflag:s28], $0x80  }
0x69: {  	[sflag:s28] =	ssyncset.done $0x0  }
0x6a: {  	[sflag:s28] =	ssyncadd.s32 $0xFFFFFF80  }
0x6b: {  	[tilespmem:s22], [sflag:$0x1] =	stream.indirect.gather [hbm4b:s4+s25], $0x80, s29, s25, $0xb8;
	[tilespmem:$0x1C400] =	vst v63  }
0x6c: {  	_ =	swait.ge [sflag:s2], $0x4000  }
0x6d: {  	[sflag:s2] =	ssyncset.done $0x0  }
0x6e: {  	[sflag:s2] =	ssyncadd.s32 $0xFFFFC000  }
0x6f: {  	[spmem:s1] =	stream.indirect.scatter.add.f32 [tilespmem:s0], [sflag:$0x2], $0x80, s26, s25, $0xb8;
	[tilespmem:$0x1C400] =	vst v63  }
0x70: {  	p0 =	por $0x0, $0x0;
	_ =	swait.ge [sflag:s5], $0x4000  }
0x71: {  	s16 =	simm.s32 @!p0 $0x0;
	s14 =	rddreg [dreg:$0x6];
	[sflag:s5] =	ssyncset.done $0x0  }
0x72: {  	s15 =	rddreg [dreg:$0x5];
	[sflag:s5] =	ssyncadd.s32 $0xFFFFC000;
	s14 =	sadd.s32 @!p0 $0x0, s14  }
0x73: {  	[tilespmem:s16], [sflag:$0x3] =	stream.linear.gather @!p0 [hbm4b:s14+s16], $0x80, $0x38;
	[tilespmem:$0x1C400] =	vst v63  }
0x74: {  	s14 =	sadd.s32 @!p0 $0x0, s15;
	s15 =	simm.s32 @!p0 $0x200  }
0x75: {  	[tilespmem:s15], [sflag:$0x3] =	stream.linear.gather @!p0 [hbm4b:s14+s16], $0x80, $0x38;
	[tilespmem:$0x1C400] =	vst v63  }
0x76: {  	_ =	swait.ge [sflag:s31], $0x80  }
0x77: {  	[sflag:s31] =	ssyncset.done $0x0  }
0x78: {  	[sflag:s31] =	ssyncadd.s32 $0xFFFFFF80  }
0x79: {  	_ =	swait.ge [sflag:s31], $0x80  }
0x7a: {  	[sflag:s31] =	ssyncset.done $0x0  }
0x7b: {  	[sflag:s31] =	ssyncadd.s32 $0xFFFFFF80  }
0x7c: {  	[tilespmem:s0], [sflag:$0x1] =	stream.indirect.gather [hbm4b:s4+s25], $0x80, s11, s25, $0xb8;
	[tilespmem:$0x1C400] =	vst v63  }
0x7d: {  	_ =	swait.ge [sflag:s2], $0x4000  }
0x7e: {  	[sflag:s2] =	ssyncset.done $0x0  }
0x7f: {  	[sflag:s2] =	ssyncadd.s32 $0xFFFFC000  }
0x80: {  	[spmem:s1] =	stream.indirect.scatter.add.f32 [tilespmem:s22], [sflag:$0x2], $0x80, s30, s25, $0xb8;
	[tilespmem:$0x1C400] =	vst v63  }
0x81: {  	_ =	swait.ge [sflag:s5], $0x4000  }
0x82: {  	s17 =	simm.s32 @!p0 $0x80;
	s14 =	rddreg [dreg:$0x4];
	[sflag:s5] =	ssyncset.done $0x0  }
0x83: {  	s15 =	rddreg [dreg:$0x3];
	[sflag:s5] =	ssyncadd.s32 $0xFFFFC000;
	s14 =	sadd.s32 @!p0 $0x0, s14  }
0x84: {  	[tilespmem:s17], [sflag:$0x4] =	stream.linear.gather @!p0 [hbm4b:s14+s16], $0x80, $0x38;
	[tilespmem:$0x1C400] =	vst v63  }
0x85: {  	s14 =	sadd.s32 @!p0 $0x0, s15;
	s15 =	simm.s32 @!p0 $0x280  }
0x86: {  	[tilespmem:s15], [sflag:$0x4] =	stream.linear.gather @!p0 [hbm4b:s14+s16], $0x80, $0x38;
	[tilespmem:$0x1C400] =	vst v63  }
0x87: {  	s14 =	simm.s32 @!p0 $0x3  }
0x88: {  	_ =	swait.ge @!p0 [sflag:s14], $0x80  }
0x89: {  	[sflag:s14] =	ssyncset.done @!p0 $0x0  }
0x8a: {  	[sflag:s14] =	ssyncadd.s32 @!p0 $0xFFFFFF80  }
0x8b: {  	_ =	swait.ge @!p0 [sflag:s14], $0x80  }
0x8c: {  	[sflag:s14] =	ssyncset.done @!p0 $0x0  }
0x8d: {  	[sflag:s14] =	ssyncadd.s32 @!p0 $0xFFFFFF80;
	s14 =	simm.s32 @!p0 $0x400  }
0x8e: {  	[tilespmem:s14], [sflag:$0x1] =	stream.indirect.gather @!p0 [hbm4b:s4+s17], $0x80, s16, s17, $0xb8;
	[tilespmem:$0x1C400] =	vst v63  }
0x8f: {  	p1 =	por $0x0, $0x0;
	_ =	swait.ge [sflag:s2], $0x4000  }
0x90: {  	s15 =	simm.s32 $0x80;
	s14 =	simm.s32 $0x40;
	[sflag:s2] =	ssyncset.done $0x0  }
.LBB2_2:
0x91: {  	s17 =	simm.s32 @!p1 $0x2;
	[sflag:s2] =	ssyncadd.s32 $0xFFFFC000  }
0x92: {  	[spmem:s1] =	stream.indirect.scatter.add.f32 [tilespmem:s0], [sflag:$0x2], $0x80, s12, s25, $0xb8;
	[tilespmem:$0x1C400] =	vst v63  }
0x93: {  	_ =	swait.ge @!p1 [sflag:s17], $0x4000  }
0x94: {  	[sflag:s17] =	ssyncset.done @!p1 $0x0  }
0x95: {  	s19 =	sadd.s32 s14, s21;
	s18 =	rddreg [dreg:$0x9];
	[sflag:s17] =	ssyncadd.s32 @!p1 $0xFFFFC000  }
0x96: {  	[tilespmem:s29], [sflag:$0x3] =	stream.linear.gather [hbm4b:s19+s3], $0x80, $0x38;
	[tilespmem:$0x1C400] =	vst v63  }
0x97: {  	s20 =	sadd.s32 s14, s18  }
0x98: {  	[tilespmem:s30], [sflag:$0x3] =	stream.linear.gather [hbm4b:s20+s3], $0x80, $0x38;
	[tilespmem:$0x1C400] =	vst v63  }
0x99: {  	_ =	swait.ge [sflag:s31], $0x80  }
0x9a: {  	[sflag:s31] =	ssyncset.done $0x0  }
0x9b: {  	[sflag:s31] =	ssyncadd.s32 $0xFFFFFF80  }
0x9c: {  	_ =	swait.ge [sflag:s31], $0x80  }
0x9d: {  	[sflag:s31] =	ssyncset.done $0x0  }
0x9e: {  	[sflag:s31] =	ssyncadd.s32 $0xFFFFFF80  }
0x9f: {  	[tilespmem:s0], [sflag:$0x1] =	stream.indirect.gather [hbm4b:s4+s25], $0x80, s25, s25, $0xb8;
	[tilespmem:$0x1C400] =	vst v63  }
0xa0: {  	_ =	swait.ge [sflag:s2], $0x4000  }
0xa1: {  	[sflag:s2] =	ssyncset.done $0x0  }
0xa2: {  	[sflag:s2] =	ssyncadd.s32 $0xFFFFC000  }
0xa3: {  	[spmem:s1] =	stream.indirect.scatter.add.f32 [tilespmem:s22], [sflag:$0x2], $0x80, s24, s25, $0xb8;
	[tilespmem:$0x1C400] =	vst v63  }
0xa4: {  	_ =	swait.ge [sflag:s5], $0x4000  }
0xa5: {  	s18 =	rddreg [dreg:$0x8];
	[sflag:s5] =	ssyncset.done $0x0  }
0xa6: {  	s19 =	rddreg [dreg:$0x7];
	[sflag:s5] =	ssyncadd.s32 $0xFFFFC000;
	s17 =	sadd.s32 s14, s18  }
0xa7: {  	[tilespmem:s11], [sflag:$0x4] =	stream.linear.gather [hbm4b:s17+s3], $0x80, $0x38;
	[tilespmem:$0x1C400] =	vst v63  }
0xa8: {  	s20 =	sadd.s32 s14, s19  }
0xa9: {  	[tilespmem:s12], [sflag:$0x4] =	stream.linear.gather [hbm4b:s20+s3], $0x80, $0x38;
	[tilespmem:$0x1C400] =	vst v63  }
0xaa: {  	_ =	swait.ge [sflag:s28], $0x80  }
0xab: {  	[sflag:s28] =	ssyncset.done $0x0  }
0xac: {  	[sflag:s28] =	ssyncadd.s32 $0xFFFFFF80  }
0xad: {  	_ =	swait.ge [sflag:s28], $0x80  }
0xae: {  	[sflag:s28] =	ssyncset.done $0x0  }
0xaf: {  	[sflag:s28] =	ssyncadd.s32 $0xFFFFFF80  }
0xb0: {  	[tilespmem:s22], [sflag:$0x1] =	stream.indirect.gather [hbm4b:s4+s25], $0x80, s29, s25, $0xb8;
	[tilespmem:$0x1C400] =	vst v63  }
0xb1: {  	_ =	swait.ge [sflag:s2], $0x4000  }
0xb2: {  	[sflag:s2] =	ssyncset.done $0x0  }
0xb3: {  	[sflag:s2] =	ssyncadd.s32 $0xFFFFC000  }
0xb4: {  	[spmem:s1] =	stream.indirect.scatter.add.f32 [tilespmem:s0], [sflag:$0x2], $0x80, s26, s25, $0xb8;
	[tilespmem:$0x1C400] =	vst v63  }
0xb5: {  	_ =	swait.ge [sflag:s5], $0x4000  }
0xb6: {  	s17 =	rddreg [dreg:$0x6]  }
0xb7: {  	p1 =	seq.s32 s14, $0x4C0;
	[sflag:s5] =	ssyncset.done $0x0;
	s18 =	rddreg [dreg:$0x5]  }
0xb8: {  	[sflag:s5] =	ssyncadd.s32 $0xFFFFC000;
	s19 =	sadd.s32 @!p1 s14, s17;
	s17 =	simm.s32 @!p1 $0x0  }
0xb9: {  	[tilespmem:s17], [sflag:$0x3] =	stream.linear.gather @!p1 [hbm4b:s19+s17], $0x80, $0x38;
	[tilespmem:$0x1C400] =	vst v63  }
0xba: {  	s18 =	sadd.s32 @!p1 s14, s18;
	s19 =	simm.s32 @!p1 $0x200  }
0xbb: {  	[tilespmem:s19], [sflag:$0x3] =	stream.linear.gather @!p1 [hbm4b:s18+s17], $0x80, $0x38;
	[tilespmem:$0x1C400] =	vst v63  }
0xbc: {  	_ =	swait.ge [sflag:s31], $0x80  }
0xbd: {  	[sflag:s31] =	ssyncset.done $0x0  }
0xbe: {  	[sflag:s31] =	ssyncadd.s32 $0xFFFFFF80  }
0xbf: {  	_ =	swait.ge [sflag:s31], $0x80  }
0xc0: {  	[sflag:s31] =	ssyncset.done $0x0  }
0xc1: {  	[sflag:s31] =	ssyncadd.s32 $0xFFFFFF80  }
0xc2: {  	[tilespmem:s0], [sflag:$0x1] =	stream.indirect.gather [hbm4b:s4+s25], $0x80, s11, s25, $0xb8;
	[tilespmem:$0x1C400] =	vst v63  }
0xc3: {  	_ =	swait.ge [sflag:s2], $0x4000  }
0xc4: {  	[sflag:s2] =	ssyncset.done $0x0  }
0xc5: {  	[sflag:s2] =	ssyncadd.s32 $0xFFFFC000  }
0xc6: {  	[spmem:s1] =	stream.indirect.scatter.add.f32 [tilespmem:s22], [sflag:$0x2], $0x80, s30, s25, $0xb8;
	[tilespmem:$0x1C400] =	vst v63  }
0xc7: {  	_ =	swait.ge [sflag:s5], $0x4000  }
0xc8: {  	s20 =	simm.s32 @!p1 $0x80;
	s18 =	rddreg [dreg:$0x4];
	[sflag:s5] =	ssyncset.done $0x0  }
0xc9: {  	s19 =	rddreg [dreg:$0x3];
	[sflag:s5] =	ssyncadd.s32 $0xFFFFC000;
	s18 =	sadd.s32 @!p1 s14, s18  }
0xca: {  	[tilespmem:s20], [sflag:$0x4] =	stream.linear.gather @!p1 [hbm4b:s18+s17], $0x80, $0x38;
	[tilespmem:$0x1C400] =	vst v63  }
0xcb: {  	s14 =	sadd.s32 @!p1 s14, s19;
	s19 =	simm.s32 @!p1 $0x3;
	s18 =	simm.s32 @!p1 $0x280  }
0xcc: {  	[tilespmem:s18], [sflag:$0x4] =	stream.linear.gather @!p1 [hbm4b:s14+s17], $0x80, $0x38;
	[tilespmem:$0x1C400] =	vst v63  }
0xcd: {  	_ =	swait.ge @!p1 [sflag:s19], $0x80  }
0xce: {  	[sflag:s19] =	ssyncset.done @!p1 $0x0  }
0xcf: {  	s16 =	smov.u32 s15;
	s15 =	sadd.s32 $0x40, s15;
	[sflag:s19] =	ssyncadd.s32 @!p1 $0xFFFFFF80  }
0xd0: {  	p0 =	sne.s32 s15, $0x500;
	_ =	swait.ge @!p1 [sflag:s19], $0x80  }
.Ltmp0:
0xd1: {  	[sflag:s19] =	ssyncset.done @!p1 $0x0;
	(pc) =	sbr.rel @p0 .LBB2_2-.Ltmp0, $4  }
0xd2: {  	s14 =	smov.u32 s16;
	s16 =	simm.s32 @!p1 $0x400;
	[sflag:s19] =	ssyncadd.s32 @!p1 $0xFFFFFF80  }
0xd3: {  	[tilespmem:s16], [sflag:$0x1] =	stream.indirect.gather @!p1 [hbm4b:s4+s20], $0x80, s17, s20, $0xb8;
	[tilespmem:$0x1C400] =	vst v63  }
0xd4: {  	_ =	swait.ge [sflag:s2], $0x4000  }
0xd5: {  	p1 =	seq.s32 s14, $0x0;
	[sflag:s2] =	ssyncset.done $0x0  }
0xd6: {  	s15 =	simm.s32 @!p1 $0x2;
	[sflag:s2] =	ssyncadd.s32 $0xFFFFC000  }
0xd7: {  	[spmem:s1] =	stream.indirect.scatter.add.f32 [tilespmem:s0], [sflag:$0x2], $0x80, s12, s25, $0xb8;
	[tilespmem:$0x1C400] =	vst v63  }
0xd8: {  	_ =	swait.ge @!p1 [sflag:s15], $0x4000  }
0xd9: {  	[sflag:s15] =	ssyncset.done @!p1 $0x0  }
0xda: {  	s17 =	sadd.s32 s14, s21;
	s16 =	rddreg [dreg:$0x9];
	[sflag:s15] =	ssyncadd.s32 @!p1 $0xFFFFC000  }
0xdb: {  	[tilespmem:s29], [sflag:$0x3] =	stream.linear.gather [hbm4b:s17+s3], $0x80, $0x38;
	[tilespmem:$0x1C400] =	vst v63  }
0xdc: {  	s18 =	sadd.s32 s14, s16  }
0xdd: {  	[tilespmem:s30], [sflag:$0x3] =	stream.linear.gather [hbm4b:s18+s3], $0x80, $0x38;
	[tilespmem:$0x1C400] =	vst v63  }
0xde: {  	_ =	swait.ge [sflag:s31], $0x80  }
0xdf: {  	[sflag:s31] =	ssyncset.done $0x0  }
0xe0: {  	[sflag:s31] =	ssyncadd.s32 $0xFFFFFF80  }
0xe1: {  	_ =	swait.ge [sflag:s31], $0x80  }
0xe2: {  	[sflag:s31] =	ssyncset.done $0x0  }
0xe3: {  	[sflag:s31] =	ssyncadd.s32 $0xFFFFFF80  }
0xe4: {  	[tilespmem:s0], [sflag:$0x1] =	stream.indirect.gather [hbm4b:s4+s25], $0x80, s25, s25, $0xb8;
	[tilespmem:$0x1C400] =	vst v63  }
0xe5: {  	_ =	swait.ge [sflag:s2], $0x4000  }
0xe6: {  	[sflag:s2] =	ssyncset.done $0x0  }
0xe7: {  	[sflag:s2] =	ssyncadd.s32 $0xFFFFC000  }
0xe8: {  	[spmem:s1] =	stream.indirect.scatter.add.f32 [tilespmem:s22], [sflag:$0x2], $0x80, s24, s25, $0xb8;
	[tilespmem:$0x1C400] =	vst v63  }
0xe9: {  	_ =	swait.ge [sflag:s5], $0x4000  }
0xea: {  	s19 =	rddreg [dreg:$0x8];
	[sflag:s5] =	ssyncset.done $0x0  }
0xeb: {  	s20 =	rddreg [dreg:$0x7];
	[sflag:s5] =	ssyncadd.s32 $0xFFFFC000;
	s15 =	sadd.s32 s14, s19  }
0xec: {  	[tilespmem:s11], [sflag:$0x4] =	stream.linear.gather [hbm4b:s15+s3], $0x80, $0x38;
	[tilespmem:$0x1C400] =	vst v63  }
0xed: {  	s17 =	sadd.s32 s14, s20  }
0xee: {  	[tilespmem:s12], [sflag:$0x4] =	stream.linear.gather [hbm4b:s17+s3], $0x80, $0x38;
	[tilespmem:$0x1C400] =	vst v63  }
0xef: {  	_ =	swait.ge [sflag:s28], $0x80  }
0xf0: {  	[sflag:s28] =	ssyncset.done $0x0  }
0xf1: {  	[sflag:s28] =	ssyncadd.s32 $0xFFFFFF80  }
0xf2: {  	_ =	swait.ge [sflag:s28], $0x80  }
0xf3: {  	[sflag:s28] =	ssyncset.done $0x0  }
0xf4: {  	[sflag:s28] =	ssyncadd.s32 $0xFFFFFF80  }
0xf5: {  	[tilespmem:s22], [sflag:$0x1] =	stream.indirect.gather [hbm4b:s4+s25], $0x80, s29, s25, $0xb8;
	[tilespmem:$0x1C400] =	vst v63  }
0xf6: {  	_ =	swait.ge [sflag:s2], $0x4000  }
0xf7: {  	[sflag:s2] =	ssyncset.done $0x0  }
0xf8: {  	[sflag:s2] =	ssyncadd.s32 $0xFFFFC000  }
0xf9: {  	[spmem:s1] =	stream.indirect.scatter.add.f32 [tilespmem:s0], [sflag:$0x2], $0x80, s26, s25, $0xb8;
	[tilespmem:$0x1C400] =	vst v63  }
0xfa: {  	p0 =	seq.s32 s14, $0x4C0;
	_ =	swait.ge [sflag:s5], $0x4000  }
0xfb: {  	s17 =	simm.s32 @!p0 $0x0;
	s15 =	rddreg [dreg:$0x6];
	[sflag:s5] =	ssyncset.done $0x0  }
0xfc: {  	s16 =	rddreg [dreg:$0x5];
	[sflag:s5] =	ssyncadd.s32 $0xFFFFC000;
	s15 =	sadd.s32 @!p0 s14, s15  }
0xfd: {  	[tilespmem:s17], [sflag:$0x3] =	stream.linear.gather @!p0 [hbm4b:s15+s17], $0x80, $0x38;
	[tilespmem:$0x1C400] =	vst v63  }
0xfe: {  	s15 =	sadd.s32 @!p0 s14, s16;
	s16 =	simm.s32 @!p0 $0x200  }
0xff: {  	[tilespmem:s16], [sflag:$0x3] =	stream.linear.gather @!p0 [hbm4b:s15+s17], $0x80, $0x38;
	[tilespmem:$0x1C400] =	vst v63  }
0x100: {  	_ =	swait.ge [sflag:s31], $0x80  }
0x101: {  	[sflag:s31] =	ssyncset.done $0x0  }
0x102: {  	[sflag:s31] =	ssyncadd.s32 $0xFFFFFF80  }
0x103: {  	_ =	swait.ge [sflag:s31], $0x80  }
0x104: {  	[sflag:s31] =	ssyncset.done $0x0  }
0x105: {  	[sflag:s31] =	ssyncadd.s32 $0xFFFFFF80  }
0x106: {  	[tilespmem:s0], [sflag:$0x1] =	stream.indirect.gather [hbm4b:s4+s25], $0x80, s11, s25, $0xb8;
	[tilespmem:$0x1C400] =	vst v63  }
0x107: {  	_ =	swait.ge [sflag:s2], $0x4000  }
0x108: {  	[sflag:s2] =	ssyncset.done $0x0  }
0x109: {  	[sflag:s2] =	ssyncadd.s32 $0xFFFFC000  }
0x10a: {  	[spmem:s1] =	stream.indirect.scatter.add.f32 [tilespmem:s22], [sflag:$0x2], $0x80, s30, s25, $0xb8;
	[tilespmem:$0x1C400] =	vst v63  }
0x10b: {  	_ =	swait.ge [sflag:s5], $0x4000  }
0x10c: {  	s18 =	simm.s32 @!p0 $0x80;
	s15 =	rddreg [dreg:$0x4];
	[sflag:s5] =	ssyncset.done $0x0  }
0x10d: {  	s16 =	rddreg [dreg:$0x3];
	[sflag:s5] =	ssyncadd.s32 $0xFFFFC000;
	s15 =	sadd.s32 @!p0 s14, s15  }
0x10e: {  	[tilespmem:s18], [sflag:$0x4] =	stream.linear.gather @!p0 [hbm4b:s15+s17], $0x80, $0x38;
	[tilespmem:$0x1C400] =	vst v63  }
0x10f: {  	s14 =	sadd.s32 @!p0 s14, s16;
	s15 =	simm.s32 @!p0 $0x280  }
0x110: {  	[tilespmem:s15], [sflag:$0x4] =	stream.linear.gather @!p0 [hbm4b:s14+s17], $0x80, $0x38;
	[tilespmem:$0x1C400] =	vst v63  }
0x111: {  	s14 =	simm.s32 @!p0 $0x3  }
0x112: {  	_ =	swait.ge @!p0 [sflag:s14], $0x80  }
0x113: {  	[sflag:s14] =	ssyncset.done @!p0 $0x0  }
0x114: {  	[sflag:s14] =	ssyncadd.s32 @!p0 $0xFFFFFF80  }
0x115: {  	_ =	swait.ge @!p0 [sflag:s14], $0x80  }
0x116: {  	[sflag:s14] =	ssyncset.done @!p0 $0x0  }
0x117: {  	[sflag:s14] =	ssyncadd.s32 @!p0 $0xFFFFFF80;
	s14 =	simm.s32 @!p0 $0x400  }
0x118: {  	[tilespmem:s14], [sflag:$0x1] =	stream.indirect.gather @!p0 [hbm4b:s4+s18], $0x80, s17, s18, $0xb8;
	[tilespmem:$0x1C400] =	vst v63  }
0x119: {  	_ =	swait.ge [sflag:s2], $0x4000  }
0x11a: {  	[sflag:s2] =	ssyncset.done $0x0  }
0x11b: {  	[sflag:s2] =	ssyncadd.s32 $0xFFFFC000  }
0x11c: {  	[spmem:s1] =	stream.indirect.scatter.add.f32 [tilespmem:s0], [sflag:$0x2], $0x80, s12, s25, $0xb8;
	[tilespmem:$0x1C400] =	vst v63  }
0x11d: {  	_ =	swait.ge [sflag:s5], $0x4000  }
0x11e: {  	[sflag:s5] =	ssyncset.done $0x0  }
0x11f: {  	s18 =	stileid.u32;
	[sflag:s5] =	ssyncadd.s32 $0xFFFFC000  }
0x120: {  	s14 =	sshll.u32 s18, $0x6;
	[bflag:$0x0] =	sbarrier.arrive $0xFFFF  }
0x121: {  	s19 =	sshrl.u32 s6, $0x3;
	s14 =	sor.u32 $0x1C05, s14;
	s20 =	rddreg [dreg:$0xf]  }
0x122: {  	[hbm:s20], [sflag:s14] =	dma.local [spmem:s19], $0x800  }
0x123: {  	_ =	swait.ge [sflag:s23], $0x800  }
0x124: {  	[sflag:s23] =	ssyncset.done $0x0  }
0x125: {  	s17 =	sshrl.u32 s7, $0x3;
	s18 =	rddreg [dreg:$0x10];
	[sflag:s23] =	ssyncadd.s32 $0xFFFFF800  }
0x126: {  	[hbm:s18], [sflag:s14] =	dma.local [spmem:s17], $0x800  }
0x127: {  	_ =	swait.ge [sflag:s23], $0x800  }
0x128: {  	[sflag:s23] =	ssyncset.done $0x0  }
0x129: {  	s19 =	sshrl.u32 s8, $0x3;
	s20 =	rddreg [dreg:$0x11];
	[sflag:s23] =	ssyncadd.s32 $0xFFFFF800  }
0x12a: {  	[hbm:s20], [sflag:s14] =	dma.local [spmem:s19], $0x800  }
0x12b: {  	_ =	swait.ge [sflag:s23], $0x800  }
0x12c: {  	[sflag:s23] =	ssyncset.done $0x0  }
0x12d: {  	s16 =	sshrl.u32 s9, $0x3;
	s17 =	rddreg [dreg:$0x12];
	[sflag:s23] =	ssyncadd.s32 $0xFFFFF800  }
0x12e: {  	[hbm:s17], [sflag:s14] =	dma.local [spmem:s16], $0x800  }
0x12f: {  	_ =	swait.ge [sflag:s23], $0x800  }
0x130: {  	[sflag:s23] =	ssyncset.done $0x0  }
0x131: {  	s18 =	sshrl.u32 s10, $0x3;
	s19 =	rddreg [dreg:$0x13];
	[sflag:s23] =	ssyncadd.s32 $0xFFFFF800  }
0x132: {  	[hbm:s19], [sflag:s14] =	dma.local [spmem:s18], $0x800  }
0x133: {  	_ =	swait.ge [sflag:s23], $0x800  }
0x134: {  	s13 =	sadd.s32 $0x1, s13;
	s20 =	rddreg [dreg:$0x14]  }
0x135: {  	p0 =	sne.s32 s13, s20  }
.Ltmp1:
0x136: {  	_ = 	snop;
	(pc) =	sbr.rel @p0 .LBB2_1-.Ltmp1, $3  }
0x137: {  	_ =	sdelay $0x1  }
0x138: {  	[sflag:s23] =	ssyncset.done $0x0  }
0x139: {  	[sflag:s23] =	ssyncadd.s32 $0xFFFFF800  }
0x13a: {  	_ =	sfence.sel $0x180000  }
0x13b: {  	[bflag:$0x0] =	sbarrier.arrive $0xFFFF  }
0x13c: {  	_ =	strace $0x90000050  }
0x13d: {  	s0 =	stileid.u32;
	[bflag:$0x2] =	sbarrier.arrive $0xFFFF  }
0x13e: {  	p0 =	sne.s32 s0, $0x0;
	s0 =	rddreg [dreg:$0x2]  }
0x13f: {  	s0 =	sadd.s32 @!p0 $0x100000, s0  }
0x140: {  	[sflag:s0] =	ssyncadd.tile.s32 @!p0 $0x1;
	_ =	shalt  }
.Lfunc_end2:
_tile_overlayer_lowered:
.L_overlay_start_2:
0x141: {  	(tag) =	ssettag $0x2  }
0x142: {  	s0 =	rddreg [dreg:$0x0];
	s2 =	stileid.u32  }
0x143: {  	s1 =	rddreg [dreg:$0x1];
	p0 =	sne.s32 s2, $0x0  }
0x144: {  	s3 =	rddreg [dreg:$0x2];
	[bflag:$0x3] =	sbarrier.arrive $0xFFFF;
	s2 =	simm.s32 @!p0 $0x1C05  }
0x145: {  	[timem:s3], [sflag:s2] =	dma.local @!p0 [hbm:s0], s1  }
0x146: {  	s0 =	simm.s32 @!p0 $0x5  }
0x147: {  	_ =	swait.ge @!p0 [sflag:s0], s1  }
0x148: {  	s1 =	ssub.s32 @!p0 $0x0, s1;
	[sflag:s0] =	ssyncset.done @!p0 $0x0  }
0x149: {  	[sflag:s0] =	ssyncadd.s32 @!p0 s1  }
0x14a: {  	[bflag:$0x3] =	sbarrier.arrive $0xFFFF  }
0x14b: {  	_ =	shalt  }

</sc_bundles>
